<compile_context>
chip_gen: v7x
topology: tpu7x:2x2x1
jax: 0.10.2.dev20260603
libtpu: 0.0.44.dev20260713+nightly
codegen_flags: <defaults>
</compile_context>

<pallas_src>
import functools

import jax
import jax.numpy as jnp
from jax import lax
from jax.experimental import pallas as pl
from jax.experimental.pallas import tpu as pltpu
from jax.experimental.pallas import tpu_sc as plsc

_NC = 2
_NS = 16
_NW = _NC * _NS
_MROWS = 40320
_ROWS_TOTAL = 4 * _MROWS
_RPW = _ROWS_TOTAL // _NW
_CH = 280
_NCH = _RPW // _CH
_NB = 3
_FEAT = 100
_LANES = 16
_COLS = (0, 16, 32, 48, 64, 80, 84)


def _sc_body(x_hbm, m_hbm, o_hbm,
             buf0, buf1, buf2, mbuf0, mbuf1, mbuf2,
             is0, is1, is2, ims0, ims1, ims2, os0, os1, os2):
    wid = lax.axis_index("s") * _NC + lax.axis_index("c")
    base = wid * _RPW
    mbase = lax.rem(base, _MROWS) * _LANES
    bufs = (buf0, buf1, buf2)
    mbufs = (mbuf0, mbuf1, mbuf2)
    isems = (is0, is1, is2)
    imsems = (ims0, ims1, ims2)
    osems = (os0, os1, os2)

    def in_cp(t, b):
        return pltpu.make_async_copy(
            x_hbm.at[pl.ds(base + t * _CH, _CH), :], bufs[b], isems[b]
        )

    def min_cp(t, b):
        return pltpu.make_async_copy(
            m_hbm.at[pl.ds(mbase + t * _CH * _LANES, _CH * _LANES)],
            mbufs[b],
            imsems[b],
        )

    def out_cp(t, b):
        return pltpu.make_async_copy(
            bufs[b], o_hbm.at[pl.ds(base + t * _CH, _CH), :], osems[b]
        )

    for t in range(2):
        in_cp(t, t).start()
        min_cp(t, t).start()

    for t in range(_NCH):
        b = t % _NB
        buf = bufs[b]
        mbuf = mbufs[b]
        in_cp(t, b).wait()
        min_cp(t, b).wait()

        def row_fn(r, carry, buf=buf, mbuf=mbuf):
            mval = mbuf[pl.ds(r * _LANES, _LANES)]
            vals = [buf[r, pl.ds(c, _LANES)] for c in _COLS]
            for c, v in zip(_COLS, vals):
                buf[r, pl.ds(c, _LANES)] = v * mval
            return carry

        lax.fori_loop(0, _CH, row_fn, 0)

        out_cp(t, b).start()
        if t + 2 < _NCH:
            nb = (t + 2) % _NB
            if t >= 1:
                out_cp(t - 1, nb).wait()
            in_cp(t + 2, nb).start()
            min_cp(t + 2, nb).start()
    for t in range(_NCH - 3, _NCH):
        out_cp(t, t % _NB).wait()


def kernel(x, mask, dim):
    del dim
    x2 = x.reshape(_ROWS_TOTAL, _FEAT)
    mask16 = jnp.repeat(mask.astype(jnp.float32), _LANES)
    mesh = plsc.VectorSubcoreMesh(core_axis_name="c", subcore_axis_name="s")
    k = functools.partial(
        pl.kernel,
        mesh=mesh,
        out_type=jax.ShapeDtypeStruct((_ROWS_TOTAL, _FEAT), jnp.float32),
        scratch_types=[
            pltpu.VMEM((_CH, _FEAT), jnp.float32),
            pltpu.VMEM((_CH, _FEAT), jnp.float32),
            pltpu.VMEM((_CH, _FEAT), jnp.float32),
            pltpu.VMEM((_CH * _LANES,), jnp.float32),
            pltpu.VMEM((_CH * _LANES,), jnp.float32),
            pltpu.VMEM((_CH * _LANES,), jnp.float32),
            pltpu.SemaphoreType.DMA,
            pltpu.SemaphoreType.DMA,
            pltpu.SemaphoreType.DMA,
            pltpu.SemaphoreType.DMA,
            pltpu.SemaphoreType.DMA,
            pltpu.SemaphoreType.DMA,
            pltpu.SemaphoreType.DMA,
            pltpu.SemaphoreType.DMA,
            pltpu.SemaphoreType.DMA,
        ],
    )(_sc_body)
    out = k(x2, mask16)
    return out.reshape(x.shape)

# --- scband reference (transcript-rebuilt; emitter-appended) ---
"""Pipeline reference for scband-boolean1-dmask-80728205295974 (READ-ONLY COPY).

The authoritative reference and input builder live on the scoring server;
editing this copy changes nothing except your own understanding.
"""

import jax, jax.numpy as jnp
import numpy as np

FILL_VALUE = 0.0  # module default is np.nan; using 0.0 to keep outputs comparable

def setup_inputs(seed: int = 0) -> dict:
    key = jax.random.key(seed)
    k1, k2 = jax.random.split(key)
    x = jax.random.normal(k1, (2, 2, 40320, 100), dtype=jnp.float32)
    # boolean mask buffer registered in __init__ from graph_data[nodes_name][attribute_name]
    mask = jax.random.randint(k2, (40320,), 0, 2).astype(jnp.bool_)
    dim = 2
    return {"x": x, "mask": mask, "dim": dim}

def reference(x, mask, dim):
    # Boolean1DMask.apply with a float fill_value:
    #   mask broadcast_like(x, dim) then x.masked_fill(~mask, fill_value)
    dim_static = x.shape.index(mask.shape[0])
    assert x.shape[dim_static] == mask.shape[0]
    target_shape = [1] * x.ndim
    target_shape[dim_static] = mask.shape[0]
    mask_b = mask.reshape(target_shape)
    # masked_fill(~mask, fill) == where(mask, x, fill)
    out = jnp.where(mask_b, x, jnp.float32(FILL_VALUE))
    return jnp.where(dim == dim_static, out, out)

if __name__ == "__main__":
    import jax
    _d = setup_inputs()
    print(jax.jit(kernel)(*tuple(_d.values())))

</pallas_src>

<mosaic_0001>
#map = affine_map<(d0, d1) -> (0, 0)>
#map1 = affine_map<(d0, d1) -> (0)>
module attributes {stable_mosaic.version = 14 : i64} {
  func.func @_sc_body(%arg0: i32, %arg1: i32, %arg2: memref<161280x100xf32, #tpu.memory_space<hbm>>, %arg3: memref<645120xf32, #tpu.memory_space<hbm>>, %arg4: memref<161280x100xf32, #tpu.memory_space<hbm>>, %arg5: memref<280x100xf32, #tpu.memory_space<vmem>>, %arg6: memref<280x100xf32, #tpu.memory_space<vmem>>, %arg7: memref<280x100xf32, #tpu.memory_space<vmem>>, %arg8: memref<4480xf32, #tpu.memory_space<vmem>>, %arg9: memref<4480xf32, #tpu.memory_space<vmem>>, %arg10: memref<4480xf32, #tpu.memory_space<vmem>>, %arg11: memref<!tpu.dma_semaphore, #tpu.memory_space<semaphore_mem>>, %arg12: memref<!tpu.dma_semaphore, #tpu.memory_space<semaphore_mem>>, %arg13: memref<!tpu.dma_semaphore, #tpu.memory_space<semaphore_mem>>, %arg14: memref<!tpu.dma_semaphore, #tpu.memory_space<semaphore_mem>>, %arg15: memref<!tpu.dma_semaphore, #tpu.memory_space<semaphore_mem>>, %arg16: memref<!tpu.dma_semaphore, #tpu.memory_space<semaphore_mem>>, %arg17: memref<!tpu.dma_semaphore, #tpu.memory_space<semaphore_mem>>, %arg18: memref<!tpu.dma_semaphore, #tpu.memory_space<semaphore_mem>>, %arg19: memref<!tpu.dma_semaphore, #tpu.memory_space<semaphore_mem>>) attributes {dimension_semantics = [#tpu.dimension_semantics<core_parallel>, #tpu.dimension_semantics<subcore_parallel>], iteration_bounds = array<i64: 2, 16>, scalar_prefetch = 0 : i64, scratch_operands = 15 : i64, tpu.core_type = #tpu.core_type<sc_vector_subcore>, window_params = [{transform_indices = #map}, {transform_indices = #map1}, {transform_indices = #map}]} {
    %mul3A = arith.constant 2 : i32
    %mul3A_0 = arith.muli %arg1, %mul3A : i32
    %add3A = arith.addi %mul3A_0, %arg0 : i32
    %mul3A_1 = arith.constant 5040 : i32
    %mul3A_2 = arith.muli %add3A, %mul3A_1 : i32
    %rem3A = arith.constant 40320 : i32
    %rem3A_3 = arith.remsi %mul3A_2, %rem3A : i32
    %mul3A_4 = arith.constant 16 : i32
    %mul3A_5 = arith.muli %rem3A_3, %mul3A_4 : i32
    %add3A_6 = arith.constant 0 : i32
    %add3A_7 = arith.addi %mul3A_2, %add3A_6 : i32
    %dma_start3A = arith.constant 0 : i32
    %dma_start3A_8 = tpu.memref_slice %arg2[%add3A_7, %dma_start3A] : memref<161280x100xf32, #tpu.memory_space<hbm>> -> memref<280x100xf32, #tpu.memory_space<hbm>>
    %dma_start3A_9 = arith.constant 0 : i32
    %dma_start3A_10 = tpu.memref_slice %arg2[%add3A_7, %dma_start3A_9] : memref<161280x100xf32, #tpu.memory_space<hbm>> -> memref<280x100xf32, #tpu.memory_space<hbm>>
    tpu.enqueue_dma source(%dma_start3A_10 : memref<280x100xf32, #tpu.memory_space<hbm>>) target(%arg5 : memref<280x100xf32, #tpu.memory_space<vmem>>) target_semaphore(%arg11 : memref<!tpu.dma_semaphore, #tpu.memory_space<semaphore_mem>>)
    %add3A_11 = arith.constant 0 : i32
    %add3A_12 = arith.addi %mul3A_5, %add3A_11 : i32
    %dma_start3A_13 = tpu.memref_slice %arg3[%add3A_12] : memref<645120xf32, #tpu.memory_space<hbm>> -> memref<4480xf32, #tpu.memory_space<hbm>>
    %dma_start3A_14 = tpu.memref_slice %arg3[%add3A_12] : memref<645120xf32, #tpu.memory_space<hbm>> -> memref<4480xf32, #tpu.memory_space<hbm>>
    tpu.enqueue_dma source(%dma_start3A_14 : memref<4480xf32, #tpu.memory_space<hbm>>) target(%arg8 : memref<4480xf32, #tpu.memory_space<vmem>>) target_semaphore(%arg14 : memref<!tpu.dma_semaphore, #tpu.memory_space<semaphore_mem>>)
    %add3A_15 = arith.constant 280 : i32
    %add3A_16 = arith.addi %mul3A_2, %add3A_15 : i32
    %dma_start3A_17 = arith.constant 0 : i32
    %dma_start3A_18 = tpu.memref_slice %arg2[%add3A_16, %dma_start3A_17] : memref<161280x100xf32, #tpu.memory_space<hbm>> -> memref<280x100xf32, #tpu.memory_space<hbm>>
    %dma_start3A_19 = arith.constant 0 : i32
    %dma_start3A_20 = tpu.memref_slice %arg2[%add3A_16, %dma_start3A_19] : memref<161280x100xf32, #tpu.memory_space<hbm>> -> memref<280x100xf32, #tpu.memory_space<hbm>>
    tpu.enqueue_dma source(%dma_start3A_20 : memref<280x100xf32, #tpu.memory_space<hbm>>) target(%arg6 : memref<280x100xf32, #tpu.memory_space<vmem>>) target_semaphore(%arg12 : memref<!tpu.dma_semaphore, #tpu.memory_space<semaphore_mem>>)
    %add3A_21 = arith.constant 4480 : i32
    %add3A_22 = arith.addi %mul3A_5, %add3A_21 : i32
    %dma_start3A_23 = tpu.memref_slice %arg3[%add3A_22] : memref<645120xf32, #tpu.memory_space<hbm>> -> memref<4480xf32, #tpu.memory_space<hbm>>
    %dma_start3A_24 = tpu.memref_slice %arg3[%add3A_22] : memref<645120xf32, #tpu.memory_space<hbm>> -> memref<4480xf32, #tpu.memory_space<hbm>>
    tpu.enqueue_dma source(%dma_start3A_24 : memref<4480xf32, #tpu.memory_space<hbm>>) target(%arg9 : memref<4480xf32, #tpu.memory_space<vmem>>) target_semaphore(%arg15 : memref<!tpu.dma_semaphore, #tpu.memory_space<semaphore_mem>>)
    %add3A_25 = arith.constant 0 : i32
    %add3A_26 = arith.addi %mul3A_2, %add3A_25 : i32
    %dma_wait3A = arith.constant 0 : i32
    %dma_wait3A_27 = tpu.memref_slice %arg2[%add3A_26, %dma_wait3A] : memref<161280x100xf32, #tpu.memory_space<hbm>> -> memref<280x100xf32, #tpu.memory_space<hbm>>
    %dma_wait3A_28 = arith.constant 0 : i32
    %dma_wait3A_29 = tpu.memref_slice %arg2[%add3A_26, %dma_wait3A_28] : memref<161280x100xf32, #tpu.memory_space<hbm>> -> memref<280x100xf32, #tpu.memory_space<hbm>>
    tpu.wait_dma2 semaphore(%arg11 : memref<!tpu.dma_semaphore, #tpu.memory_space<semaphore_mem>>) src(%dma_wait3A_29 : memref<280x100xf32, #tpu.memory_space<hbm>>) dst(%arg5 : memref<280x100xf32, #tpu.memory_space<vmem>>)
    %add3A_30 = arith.constant 0 : i32
    %add3A_31 = arith.addi %mul3A_5, %add3A_30 : i32
    %dma_wait3A_32 = tpu.memref_slice %arg3[%add3A_31] : memref<645120xf32, #tpu.memory_space<hbm>> -> memref<4480xf32, #tpu.memory_space<hbm>>
    %dma_wait3A_33 = tpu.memref_slice %arg3[%add3A_31] : memref<645120xf32, #tpu.memory_space<hbm>> -> memref<4480xf32, #tpu.memory_space<hbm>>
    tpu.wait_dma2 semaphore(%arg14 : memref<!tpu.dma_semaphore, #tpu.memory_space<semaphore_mem>>) src(%dma_wait3A_33 : memref<4480xf32, #tpu.memory_space<hbm>>) dst(%arg8 : memref<4480xf32, #tpu.memory_space<vmem>>)
    %scan3A = arith.constant 0 : i32
    %scan3A_34 = arith.constant 0 : i32
    %scan3A_35 = arith.constant 280 : i32
    %scan3A_36 = arith.addi %scan3A_34, %scan3A_35 : i32
    %scan3A_37 = arith.constant 1 : i32
    scf.for %scan3A_687 = %scan3A_34 to %scan3A_36 step %scan3A_37  : i32 {
      %mul3A_688 = arith.constant 16 : i32
      %mul3A_689 = arith.muli %scan3A_687, %mul3A_688 : i32
      %get3A = arith.index_cast %mul3A_689 : i32 to index
      %get3A_690 = tpu.vector_load %arg8[%get3A] {strides = array<i32>} : memref<4480xf32, #tpu.memory_space<vmem>>, vector<16xf32>,
      %get3A_691 = vector.shape_cast %get3A_690 : vector<16xf32> to vector<16xf32>
      %get3A_692 = arith.index_cast %scan3A_687 : i32 to index
      %get3A_693 = arith.constant 0 : index
      %get3A_694 = tpu.vector_load %arg5[%get3A_692, %get3A_693] {strides = array<i32>} : memref<280x100xf32, #tpu.memory_space<vmem>>, vector<1x16xf32>,
      %get3A_695 = vector.shape_cast %get3A_694 : vector<1x16xf32> to vector<16xf32>
      %get3A_696 = arith.index_cast %scan3A_687 : i32 to index
      %get3A_697 = arith.constant 16 : index
      %get3A_698 = tpu.vector_load %arg5[%get3A_696, %get3A_697] {strides = array<i32>} : memref<280x100xf32, #tpu.memory_space<vmem>>, vector<1x16xf32>,
      %get3A_699 = vector.shape_cast %get3A_698 : vector<1x16xf32> to vector<16xf32>
      %get3A_700 = arith.index_cast %scan3A_687 : i32 to index
      %get3A_701 = arith.constant 32 : index
      %get3A_702 = tpu.vector_load %arg5[%get3A_700, %get3A_701] {strides = array<i32>} : memref<280x100xf32, #tpu.memory_space<vmem>>, vector<1x16xf32>,
      %get3A_703 = vector.shape_cast %get3A_702 : vector<1x16xf32> to vector<16xf32>
      %get3A_704 = arith.index_cast %scan3A_687 : i32 to index
      %get3A_705 = arith.constant 48 : index
      %get3A_706 = tpu.vector_load %arg5[%get3A_704, %get3A_705] {strides = array<i32>} : memref<280x100xf32, #tpu.memory_space<vmem>>, vector<1x16xf32>,
      %get3A_707 = vector.shape_cast %get3A_706 : vector<1x16xf32> to vector<16xf32>
      %get3A_708 = arith.index_cast %scan3A_687 : i32 to index
      %get3A_709 = arith.constant 64 : index
      %get3A_710 = tpu.vector_load %arg5[%get3A_708, %get3A_709] {strides = array<i32>} : memref<280x100xf32, #tpu.memory_space<vmem>>, vector<1x16xf32>,
      %get3A_711 = vector.shape_cast %get3A_710 : vector<1x16xf32> to vector<16xf32>
      %get3A_712 = arith.index_cast %scan3A_687 : i32 to index
      %get3A_713 = arith.constant 80 : index
      %get3A_714 = tpu.vector_load %arg5[%get3A_712, %get3A_713] {strides = array<i32>} : memref<280x100xf32, #tpu.memory_space<vmem>>, vector<1x16xf32>,
      %get3A_715 = vector.shape_cast %get3A_714 : vector<1x16xf32> to vector<16xf32>
      %get3A_716 = arith.index_cast %scan3A_687 : i32 to index
      %get3A_717 = arith.constant 84 : index
      %get3A_718 = tpu.vector_load %arg5[%get3A_716, %get3A_717] {strides = array<i32>} : memref<280x100xf32, #tpu.memory_space<vmem>>, vector<1x16xf32>,
      %get3A_719 = vector.shape_cast %get3A_718 : vector<1x16xf32> to vector<16xf32>
      %mul3A_720 = arith.mulf %get3A_695, %get3A_691 : vector<16xf32>
      %swap3A = arith.index_cast %scan3A_687 : i32 to index
      %swap3A_721 = arith.constant 0 : index
      %swap3A_722 = tpu.vector_load %arg5[%swap3A, %swap3A_721] {strides = array<i32>} : memref<280x100xf32, #tpu.memory_space<vmem>>, vector<1x16xf32>,
      %swap3A_723 = vector.shape_cast %swap3A_722 : vector<1x16xf32> to vector<16xf32>
      %swap3A_724 = vector.shape_cast %mul3A_720 : vector<16xf32> to vector<1x16xf32>
      tpu.vector_store %arg5[%swap3A, %swap3A_721], %swap3A_724 {strides = array<i32>} : memref<280x100xf32, #tpu.memory_space<vmem>>, vector<1x16xf32>,
      %mul3A_725 = arith.mulf %get3A_699, %get3A_691 : vector<16xf32>
      %swap3A_726 = arith.index_cast %scan3A_687 : i32 to index
      %swap3A_727 = arith.constant 16 : index
      %swap3A_728 = tpu.vector_load %arg5[%swap3A_726, %swap3A_727] {strides = array<i32>} : memref<280x100xf32, #tpu.memory_space<vmem>>, vector<1x16xf32>,
      %swap3A_729 = vector.shape_cast %swap3A_728 : vector<1x16xf32> to vector<16xf32>
      %swap3A_730 = vector.shape_cast %mul3A_725 : vector<16xf32> to vector<1x16xf32>
      tpu.vector_store %arg5[%swap3A_726, %swap3A_727], %swap3A_730 {strides = array<i32>} : memref<280x100xf32, #tpu.memory_space<vmem>>, vector<1x16xf32>,
      %mul3A_731 = arith.mulf %get3A_703, %get3A_691 : vector<16xf32>
      %swap3A_732 = arith.index_cast %scan3A_687 : i32 to index
      %swap3A_733 = arith.constant 32 : index
      %swap3A_734 = tpu.vector_load %arg5[%swap3A_732, %swap3A_733] {strides = array<i32>} : memref<280x100xf32, #tpu.memory_space<vmem>>, vector<1x16xf32>,
      %swap3A_735 = vector.shape_cast %swap3A_734 : vector<1x16xf32> to vector<16xf32>
      %swap3A_736 = vector.shape_cast %mul3A_731 : vector<16xf32> to vector<1x16xf32>
      tpu.vector_store %arg5[%swap3A_732, %swap3A_733], %swap3A_736 {strides = array<i32>} : memref<280x100xf32, #tpu.memory_space<vmem>>, vector<1x16xf32>,
      %mul3A_737 = arith.mulf %get3A_707, %get3A_691 : vector<16xf32>
      %swap3A_738 = arith.index_cast %scan3A_687 : i32 to index
      %swap3A_739 = arith.constant 48 : index
      %swap3A_740 = tpu.vector_load %arg5[%swap3A_738, %swap3A_739] {strides = array<i32>} : memref<280x100xf32, #tpu.memory_space<vmem>>, vector<1x16xf32>,
      %swap3A_741 = vector.shape_cast %swap3A_740 : vector<1x16xf32> to vector<16xf32>
      %swap3A_742 = vector.shape_cast %mul3A_737 : vector<16xf32> to vector<1x16xf32>
      tpu.vector_store %arg5[%swap3A_738, %swap3A_739], %swap3A_742 {strides = array<i32>} : memref<280x100xf32, #tpu.memory_space<vmem>>, vector<1x16xf32>,
      %mul3A_743 = arith.mulf %get3A_711, %get3A_691 : vector<16xf32>
      %swap3A_744 = arith.index_cast %scan3A_687 : i32 to index
      %swap3A_745 = arith.constant 64 : index
      %swap3A_746 = tpu.vector_load %arg5[%swap3A_744, %swap3A_745] {strides = array<i32>} : memref<280x100xf32, #tpu.memory_space<vmem>>, vector<1x16xf32>,
      %swap3A_747 = vector.shape_cast %swap3A_746 : vector<1x16xf32> to vector<16xf32>
      %swap3A_748 = vector.shape_cast %mul3A_743 : vector<16xf32> to vector<1x16xf32>
      tpu.vector_store %arg5[%swap3A_744, %swap3A_745], %swap3A_748 {strides = array<i32>} : memref<280x100xf32, #tpu.memory_space<vmem>>, vector<1x16xf32>,
      %mul3A_749 = arith.mulf %get3A_715, %get3A_691 : vector<16xf32>
      %swap3A_750 = arith.index_cast %scan3A_687 : i32 to index
      %swap3A_751 = arith.constant 80 : index
      %swap3A_752 = tpu.vector_load %arg5[%swap3A_750, %swap3A_751] {strides = array<i32>} : memref<280x100xf32, #tpu.memory_space<vmem>>, vector<1x16xf32>,
      %swap3A_753 = vector.shape_cast %swap3A_752 : vector<1x16xf32> to vector<16xf32>
      %swap3A_754 = vector.shape_cast %mul3A_749 : vector<16xf32> to vector<1x16xf32>
      tpu.vector_store %arg5[%swap3A_750, %swap3A_751], %swap3A_754 {strides = array<i32>} : memref<280x100xf32, #tpu.memory_space<vmem>>, vector<1x16xf32>,
      %mul3A_755 = arith.mulf %get3A_719, %get3A_691 : vector<16xf32>
      %swap3A_756 = arith.index_cast %scan3A_687 : i32 to index
      %swap3A_757 = arith.constant 84 : index
      %swap3A_758 = tpu.vector_load %arg5[%swap3A_756, %swap3A_757] {strides = array<i32>} : memref<280x100xf32, #tpu.memory_space<vmem>>, vector<1x16xf32>,
      %swap3A_759 = vector.shape_cast %swap3A_758 : vector<1x16xf32> to vector<16xf32>
      %swap3A_760 = vector.shape_cast %mul3A_755 : vector<16xf32> to vector<1x16xf32>
      tpu.vector_store %arg5[%swap3A_756, %swap3A_757], %swap3A_760 {strides = array<i32>} : memref<280x100xf32, #tpu.memory_space<vmem>>, vector<1x16xf32>,
    }
    %scan3A_38 = arith.constant 280 : i32
    %add3A_39 = arith.constant 0 : i32
    %add3A_40 = arith.addi %mul3A_2, %add3A_39 : i32
    %dma_start3A_41 = arith.constant 0 : i32
    %dma_start3A_42 = tpu.memref_slice %arg4[%add3A_40, %dma_start3A_41] : memref<161280x100xf32, #tpu.memory_space<hbm>> -> memref<280x100xf32, #tpu.memory_space<hbm>>
    %dma_start3A_43 = arith.constant 0 : i32
    %dma_start3A_44 = tpu.memref_slice %arg4[%add3A_40, %dma_start3A_43] : memref<161280x100xf32, #tpu.memory_space<hbm>> -> memref<280x100xf32, #tpu.memory_space<hbm>>
    tpu.enqueue_dma source(%arg5 : memref<280x100xf32, #tpu.memory_space<vmem>>) target(%dma_start3A_44 : memref<280x100xf32, #tpu.memory_space<hbm>>) target_semaphore(%arg17 : memref<!tpu.dma_semaphore, #tpu.memory_space<semaphore_mem>>)
    %add3A_45 = arith.constant 560 : i32
    %add3A_46 = arith.addi %mul3A_2, %add3A_45 : i32
    %dma_start3A_47 = arith.constant 0 : i32
    %dma_start3A_48 = tpu.memref_slice %arg2[%add3A_46, %dma_start3A_47] : memref<161280x100xf32, #tpu.memory_space<hbm>> -> memref<280x100xf32, #tpu.memory_space<hbm>>
    %dma_start3A_49 = arith.constant 0 : i32
    %dma_start3A_50 = tpu.memref_slice %arg2[%add3A_46, %dma_start3A_49] : memref<161280x100xf32, #tpu.memory_space<hbm>> -> memref<280x100xf32, #tpu.memory_space<hbm>>
    tpu.enqueue_dma source(%dma_start3A_50 : memref<280x100xf32, #tpu.memory_space<hbm>>) target(%arg7 : memref<280x100xf32, #tpu.memory_space<vmem>>) target_semaphore(%arg13 : memref<!tpu.dma_semaphore, #tpu.memory_space<semaphore_mem>>)
    %add3A_51 = arith.constant 8960 : i32
    %add3A_52 = arith.addi %mul3A_5, %add3A_51 : i32
    %dma_start3A_53 = tpu.memref_slice %arg3[%add3A_52] : memref<645120xf32, #tpu.memory_space<hbm>> -> memref<4480xf32, #tpu.memory_space<hbm>>
    %dma_start3A_54 = tpu.memref_slice %arg3[%add3A_52] : memref<645120xf32, #tpu.memory_space<hbm>> -> memref<4480xf32, #tpu.memory_space<hbm>>
    tpu.enqueue_dma source(%dma_start3A_54 : memref<4480xf32, #tpu.memory_space<hbm>>) target(%arg10 : memref<4480xf32, #tpu.memory_space<vmem>>) target_semaphore(%arg16 : memref<!tpu.dma_semaphore, #tpu.memory_space<semaphore_mem>>)
    %add3A_55 = arith.constant 280 : i32
    %add3A_56 = arith.addi %mul3A_2, %add3A_55 : i32
    %dma_wait3A_57 = arith.constant 0 : i32
    %dma_wait3A_58 = tpu.memref_slice %arg2[%add3A_56, %dma_wait3A_57] : memref<161280x100xf32, #tpu.memory_space<hbm>> -> memref<280x100xf32, #tpu.memory_space<hbm>>
    %dma_wait3A_59 = arith.constant 0 : i32
    %dma_wait3A_60 = tpu.memref_slice %arg2[%add3A_56, %dma_wait3A_59] : memref<161280x100xf32, #tpu.memory_space<hbm>> -> memref<280x100xf32, #tpu.memory_space<hbm>>
    tpu.wait_dma2 semaphore(%arg12 : memref<!tpu.dma_semaphore, #tpu.memory_space<semaphore_mem>>) src(%dma_wait3A_60 : memref<280x100xf32, #tpu.memory_space<hbm>>) dst(%arg6 : memref<280x100xf32, #tpu.memory_space<vmem>>)
    %add3A_61 = arith.constant 4480 : i32
    %add3A_62 = arith.addi %mul3A_5, %add3A_61 : i32
    %dma_wait3A_63 = tpu.memref_slice %arg3[%add3A_62] : memref<645120xf32, #tpu.memory_space<hbm>> -> memref<4480xf32, #tpu.memory_space<hbm>>
    %dma_wait3A_64 = tpu.memref_slice %arg3[%add3A_62] : memref<645120xf32, #tpu.memory_space<hbm>> -> memref<4480xf32, #tpu.memory_space<hbm>>
    tpu.wait_dma2 semaphore(%arg15 : memref<!tpu.dma_semaphore, #tpu.memory_space<semaphore_mem>>) src(%dma_wait3A_64 : memref<4480xf32, #tpu.memory_space<hbm>>) dst(%arg9 : memref<4480xf32, #tpu.memory_space<vmem>>)
    %scan3A_65 = arith.constant 0 : i32
    %scan3A_66 = arith.constant 0 : i32
    %scan3A_67 = arith.constant 280 : i32
    %scan3A_68 = arith.addi %scan3A_66, %scan3A_67 : i32
    %scan3A_69 = arith.constant 1 : i32
    scf.for %scan3A_687 = %scan3A_66 to %scan3A_68 step %scan3A_69  : i32 {
      %mul3A_688 = arith.constant 16 : i32
      %mul3A_689 = arith.muli %scan3A_687, %mul3A_688 : i32
      %get3A = arith.index_cast %mul3A_689 : i32 to index
      %get3A_690 = tpu.vector_load %arg9[%get3A] {strides = array<i32>} : memref<4480xf32, #tpu.memory_space<vmem>>, vector<16xf32>,
      %get3A_691 = vector.shape_cast %get3A_690 : vector<16xf32> to vector<16xf32>
      %get3A_692 = arith.index_cast %scan3A_687 : i32 to index
      %get3A_693 = arith.constant 0 : index
      %get3A_694 = tpu.vector_load %arg6[%get3A_692, %get3A_693] {strides = array<i32>} : memref<280x100xf32, #tpu.memory_space<vmem>>, vector<1x16xf32>,
      %get3A_695 = vector.shape_cast %get3A_694 : vector<1x16xf32> to vector<16xf32>
      %get3A_696 = arith.index_cast %scan3A_687 : i32 to index
      %get3A_697 = arith.constant 16 : index
      %get3A_698 = tpu.vector_load %arg6[%get3A_696, %get3A_697] {strides = array<i32>} : memref<280x100xf32, #tpu.memory_space<vmem>>, vector<1x16xf32>,
      %get3A_699 = vector.shape_cast %get3A_698 : vector<1x16xf32> to vector<16xf32>
      %get3A_700 = arith.index_cast %scan3A_687 : i32 to index
      %get3A_701 = arith.constant 32 : index
      %get3A_702 = tpu.vector_load %arg6[%get3A_700, %get3A_701] {strides = array<i32>} : memref<280x100xf32, #tpu.memory_space<vmem>>, vector<1x16xf32>,
      %get3A_703 = vector.shape_cast %get3A_702 : vector<1x16xf32> to vector<16xf32>
      %get3A_704 = arith.index_cast %scan3A_687 : i32 to index
      %get3A_705 = arith.constant 48 : index
      %get3A_706 = tpu.vector_load %arg6[%get3A_704, %get3A_705] {strides = array<i32>} : memref<280x100xf32, #tpu.memory_space<vmem>>, vector<1x16xf32>,
      %get3A_707 = vector.shape_cast %get3A_706 : vector<1x16xf32> to vector<16xf32>
      %get3A_708 = arith.index_cast %scan3A_687 : i32 to index
      %get3A_709 = arith.constant 64 : index
      %get3A_710 = tpu.vector_load %arg6[%get3A_708, %get3A_709] {strides = array<i32>} : memref<280x100xf32, #tpu.memory_space<vmem>>, vector<1x16xf32>,
      %get3A_711 = vector.shape_cast %get3A_710 : vector<1x16xf32> to vector<16xf32>
      %get3A_712 = arith.index_cast %scan3A_687 : i32 to index
      %get3A_713 = arith.constant 80 : index
      %get3A_714 = tpu.vector_load %arg6[%get3A_712, %get3A_713] {strides = array<i32>} : memref<280x100xf32, #tpu.memory_space<vmem>>, vector<1x16xf32>,
      %get3A_715 = vector.shape_cast %get3A_714 : vector<1x16xf32> to vector<16xf32>
      %get3A_716 = arith.index_cast %scan3A_687 : i32 to index
      %get3A_717 = arith.constant 84 : index
      %get3A_718 = tpu.vector_load %arg6[%get3A_716, %get3A_717] {strides = array<i32>} : memref<280x100xf32, #tpu.memory_space<vmem>>, vector<1x16xf32>,
      %get3A_719 = vector.shape_cast %get3A_718 : vector<1x16xf32> to vector<16xf32>
      %mul3A_720 = arith.mulf %get3A_695, %get3A_691 : vector<16xf32>
      %swap3A = arith.index_cast %scan3A_687 : i32 to index
      %swap3A_721 = arith.constant 0 : index
      %swap3A_722 = tpu.vector_load %arg6[%swap3A, %swap3A_721] {strides = array<i32>} : memref<280x100xf32, #tpu.memory_space<vmem>>, vector<1x16xf32>,
      %swap3A_723 = vector.shape_cast %swap3A_722 : vector<1x16xf32> to vector<16xf32>
      %swap3A_724 = vector.shape_cast %mul3A_720 : vector<16xf32> to vector<1x16xf32>
      tpu.vector_store %arg6[%swap3A, %swap3A_721], %swap3A_724 {strides = array<i32>} : memref<280x100xf32, #tpu.memory_space<vmem>>, vector<1x16xf32>,
      %mul3A_725 = arith.mulf %get3A_699, %get3A_691 : vector<16xf32>
      %swap3A_726 = arith.index_cast %scan3A_687 : i32 to index
      %swap3A_727 = arith.constant 16 : index
      %swap3A_728 = tpu.vector_load %arg6[%swap3A_726, %swap3A_727] {strides = array<i32>} : memref<280x100xf32, #tpu.memory_space<vmem>>, vector<1x16xf32>,
      %swap3A_729 = vector.shape_cast %swap3A_728 : vector<1x16xf32> to vector<16xf32>
      %swap3A_730 = vector.shape_cast %mul3A_725 : vector<16xf32> to vector<1x16xf32>
      tpu.vector_store %arg6[%swap3A_726, %swap3A_727], %swap3A_730 {strides = array<i32>} : memref<280x100xf32, #tpu.memory_space<vmem>>, vector<1x16xf32>,
      %mul3A_731 = arith.mulf %get3A_703, %get3A_691 : vector<16xf32>
      %swap3A_732 = arith.index_cast %scan3A_687 : i32 to index
      %swap3A_733 = arith.constant 32 : index
      %swap3A_734 = tpu.vector_load %arg6[%swap3A_732, %swap3A_733] {strides = array<i32>} : memref<280x100xf32, #tpu.memory_space<vmem>>, vector<1x16xf32>,
      %swap3A_735 = vector.shape_cast %swap3A_734 : vector<1x16xf32> to vector<16xf32>
      %swap3A_736 = vector.shape_cast %mul3A_731 : vector<16xf32> to vector<1x16xf32>
      tpu.vector_store %arg6[%swap3A_732, %swap3A_733], %swap3A_736 {strides = array<i32>} : memref<280x100xf32, #tpu.memory_space<vmem>>, vector<1x16xf32>,
      %mul3A_737 = arith.mulf %get3A_707, %get3A_691 : vector<16xf32>
      %swap3A_738 = arith.index_cast %scan3A_687 : i32 to index
      %swap3A_739 = arith.constant 48 : index
      %swap3A_740 = tpu.vector_load %arg6[%swap3A_738, %swap3A_739] {strides = array<i32>} : memref<280x100xf32, #tpu.memory_space<vmem>>, vector<1x16xf32>,
      %swap3A_741 = vector.shape_cast %swap3A_740 : vector<1x16xf32> to vector<16xf32>
      %swap3A_742 = vector.shape_cast %mul3A_737 : vector<16xf32> to vector<1x16xf32>
      tpu.vector_store %arg6[%swap3A_738, %swap3A_739], %swap3A_742 {strides = array<i32>} : memref<280x100xf32, #tpu.memory_space<vmem>>, vector<1x16xf32>,
      %mul3A_743 = arith.mulf %get3A_711, %get3A_691 : vector<16xf32>
      %swap3A_744 = arith.index_cast %scan3A_687 : i32 to index
      %swap3A_745 = arith.constant 64 : index
      %swap3A_746 = tpu.vector_load %arg6[%swap3A_744, %swap3A_745] {strides = array<i32>} : memref<280x100xf32, #tpu.memory_space<vmem>>, vector<1x16xf32>,
      %swap3A_747 = vector.shape_cast %swap3A_746 : vector<1x16xf32> to vector<16xf32>
      %swap3A_748 = vector.shape_cast %mul3A_743 : vector<16xf32> to vector<1x16xf32>
      tpu.vector_store %arg6[%swap3A_744, %swap3A_745], %swap3A_748 {strides = array<i32>} : memref<280x100xf32, #tpu.memory_space<vmem>>, vector<1x16xf32>,
      %mul3A_749 = arith.mulf %get3A_715, %get3A_691 : vector<16xf32>
      %swap3A_750 = arith.index_cast %scan3A_687 : i32 to index
      %swap3A_751 = arith.constant 80 : index
      %swap3A_752 = tpu.vector_load %arg6[%swap3A_750, %swap3A_751] {strides = array<i32>} : memref<280x100xf32, #tpu.memory_space<vmem>>, vector<1x16xf32>,
      %swap3A_753 = vector.shape_cast %swap3A_752 : vector<1x16xf32> to vector<16xf32>
      %swap3A_754 = vector.shape_cast %mul3A_749 : vector<16xf32> to vector<1x16xf32>
      tpu.vector_store %arg6[%swap3A_750, %swap3A_751], %swap3A_754 {strides = array<i32>} : memref<280x100xf32, #tpu.memory_space<vmem>>, vector<1x16xf32>,
      %mul3A_755 = arith.mulf %get3A_719, %get3A_691 : vector<16xf32>
      %swap3A_756 = arith.index_cast %scan3A_687 : i32 to index
      %swap3A_757 = arith.constant 84 : index
      %swap3A_758 = tpu.vector_load %arg6[%swap3A_756, %swap3A_757] {strides = array<i32>} : memref<280x100xf32, #tpu.memory_space<vmem>>, vector<1x16xf32>,
      %swap3A_759 = vector.shape_cast %swap3A_758 : vector<1x16xf32> to vector<16xf32>
      %swap3A_760 = vector.shape_cast %mul3A_755 : vector<16xf32> to vector<1x16xf32>
      tpu.vector_store %arg6[%swap3A_756, %swap3A_757], %swap3A_760 {strides = array<i32>} : memref<280x100xf32, #tpu.memory_space<vmem>>, vector<1x16xf32>,
    }
    %scan3A_70 = arith.constant 280 : i32
    %add3A_71 = arith.constant 280 : i32
    %add3A_72 = arith.addi %mul3A_2, %add3A_71 : i32
    %dma_start3A_73 = arith.constant 0 : i32
    %dma_start3A_74 = tpu.memref_slice %arg4[%add3A_72, %dma_start3A_73] : memref<161280x100xf32, #tpu.memory_space<hbm>> -> memref<280x100xf32, #tpu.memory_space<hbm>>
    %dma_start3A_75 = arith.constant 0 : i32
    %dma_start3A_76 = tpu.memref_slice %arg4[%add3A_72, %dma_start3A_75] : memref<161280x100xf32, #tpu.memory_space<hbm>> -> memref<280x100xf32, #tpu.memory_space<hbm>>
    tpu.enqueue_dma source(%arg6 : memref<280x100xf32, #tpu.memory_space<vmem>>) target(%dma_start3A_76 : memref<280x100xf32, #tpu.memory_space<hbm>>) target_semaphore(%arg18 : memref<!tpu.dma_semaphore, #tpu.memory_space<semaphore_mem>>)
    %add3A_77 = arith.constant 0 : i32
    %add3A_78 = arith.addi %mul3A_2, %add3A_77 : i32
    %dma_wait3A_79 = arith.constant 0 : i32
    %dma_wait3A_80 = tpu.memref_slice %arg4[%add3A_78, %dma_wait3A_79] : memref<161280x100xf32, #tpu.memory_space<hbm>> -> memref<280x100xf32, #tpu.memory_space<hbm>>
    %dma_wait3A_81 = arith.constant 0 : i32
    %dma_wait3A_82 = tpu.memref_slice %arg4[%add3A_78, %dma_wait3A_81] : memref<161280x100xf32, #tpu.memory_space<hbm>> -> memref<280x100xf32, #tpu.memory_space<hbm>>
    tpu.wait_dma2 semaphore(%arg17 : memref<!tpu.dma_semaphore, #tpu.memory_space<semaphore_mem>>) src(%arg5 : memref<280x100xf32, #tpu.memory_space<vmem>>) dst(%dma_wait3A_82 : memref<280x100xf32, #tpu.memory_space<hbm>>)
    %add3A_83 = arith.constant 840 : i32
    %add3A_84 = arith.addi %mul3A_2, %add3A_83 : i32
    %dma_start3A_85 = arith.constant 0 : i32
    %dma_start3A_86 = tpu.memref_slice %arg2[%add3A_84, %dma_start3A_85] : memref<161280x100xf32, #tpu.memory_space<hbm>> -> memref<280x100xf32, #tpu.memory_space<hbm>>
    %dma_start3A_87 = arith.constant 0 : i32
    %dma_start3A_88 = tpu.memref_slice %arg2[%add3A_84, %dma_start3A_87] : memref<161280x100xf32, #tpu.memory_space<hbm>> -> memref<280x100xf32, #tpu.memory_space<hbm>>
    tpu.enqueue_dma source(%dma_start3A_88 : memref<280x100xf32, #tpu.memory_space<hbm>>) target(%arg5 : memref<280x100xf32, #tpu.memory_space<vmem>>) target_semaphore(%arg11 : memref<!tpu.dma_semaphore, #tpu.memory_space<semaphore_mem>>)
    %add3A_89 = arith.constant 13440 : i32
    %add3A_90 = arith.addi %mul3A_5, %add3A_89 : i32
    %dma_start3A_91 = tpu.memref_slice %arg3[%add3A_90] : memref<645120xf32, #tpu.memory_space<hbm>> -> memref<4480xf32, #tpu.memory_space<hbm>>
    %dma_start3A_92 = tpu.memref_slice %arg3[%add3A_90] : memref<645120xf32, #tpu.memory_space<hbm>> -> memref<4480xf32, #tpu.memory_space<hbm>>
    tpu.enqueue_dma source(%dma_start3A_92 : memref<4480xf32, #tpu.memory_space<hbm>>) target(%arg8 : memref<4480xf32, #tpu.memory_space<vmem>>) target_semaphore(%arg14 : memref<!tpu.dma_semaphore, #tpu.memory_space<semaphore_mem>>)
    %add3A_93 = arith.constant 560 : i32
    %add3A_94 = arith.addi %mul3A_2, %add3A_93 : i32
    %dma_wait3A_95 = arith.constant 0 : i32
    %dma_wait3A_96 = tpu.memref_slice %arg2[%add3A_94, %dma_wait3A_95] : memref<161280x100xf32, #tpu.memory_space<hbm>> -> memref<280x100xf32, #tpu.memory_space<hbm>>
    %dma_wait3A_97 = arith.constant 0 : i32
    %dma_wait3A_98 = tpu.memref_slice %arg2[%add3A_94, %dma_wait3A_97] : memref<161280x100xf32, #tpu.memory_space<hbm>> -> memref<280x100xf32, #tpu.memory_space<hbm>>
    tpu.wait_dma2 semaphore(%arg13 : memref<!tpu.dma_semaphore, #tpu.memory_space<semaphore_mem>>) src(%dma_wait3A_98 : memref<280x100xf32, #tpu.memory_space<hbm>>) dst(%arg7 : memref<280x100xf32, #tpu.memory_space<vmem>>)
    %add3A_99 = arith.constant 8960 : i32
    %add3A_100 = arith.addi %mul3A_5, %add3A_99 : i32
    %dma_wait3A_101 = tpu.memref_slice %arg3[%add3A_100] : memref<645120xf32, #tpu.memory_space<hbm>> -> memref<4480xf32, #tpu.memory_space<hbm>>
    %dma_wait3A_102 = tpu.memref_slice %arg3[%add3A_100] : memref<645120xf32, #tpu.memory_space<hbm>> -> memref<4480xf32, #tpu.memory_space<hbm>>
    tpu.wait_dma2 semaphore(%arg16 : memref<!tpu.dma_semaphore, #tpu.memory_space<semaphore_mem>>) src(%dma_wait3A_102 : memref<4480xf32, #tpu.memory_space<hbm>>) dst(%arg10 : memref<4480xf32, #tpu.memory_space<vmem>>)
    %scan3A_103 = arith.constant 0 : i32
    %scan3A_104 = arith.constant 0 : i32
    %scan3A_105 = arith.constant 280 : i32
    %scan3A_106 = arith.addi %scan3A_104, %scan3A_105 : i32
    %scan3A_107 = arith.constant 1 : i32
    scf.for %scan3A_687 = %scan3A_104 to %scan3A_106 step %scan3A_107  : i32 {
      %mul3A_688 = arith.constant 16 : i32
      %mul3A_689 = arith.muli %scan3A_687, %mul3A_688 : i32
      %get3A = arith.index_cast %mul3A_689 : i32 to index
      %get3A_690 = tpu.vector_load %arg10[%get3A] {strides = array<i32>} : memref<4480xf32, #tpu.memory_space<vmem>>, vector<16xf32>,
      %get3A_691 = vector.shape_cast %get3A_690 : vector<16xf32> to vector<16xf32>
      %get3A_692 = arith.index_cast %scan3A_687 : i32 to index
      %get3A_693 = arith.constant 0 : index
      %get3A_694 = tpu.vector_load %arg7[%get3A_692, %get3A_693] {strides = array<i32>} : memref<280x100xf32, #tpu.memory_space<vmem>>, vector<1x16xf32>,
      %get3A_695 = vector.shape_cast %get3A_694 : vector<1x16xf32> to vector<16xf32>
      %get3A_696 = arith.index_cast %scan3A_687 : i32 to index
      %get3A_697 = arith.constant 16 : index
      %get3A_698 = tpu.vector_load %arg7[%get3A_696, %get3A_697] {strides = array<i32>} : memref<280x100xf32, #tpu.memory_space<vmem>>, vector<1x16xf32>,
      %get3A_699 = vector.shape_cast %get3A_698 : vector<1x16xf32> to vector<16xf32>
      %get3A_700 = arith.index_cast %scan3A_687 : i32 to index
      %get3A_701 = arith.constant 32 : index
      %get3A_702 = tpu.vector_load %arg7[%get3A_700, %get3A_701] {strides = array<i32>} : memref<280x100xf32, #tpu.memory_space<vmem>>, vector<1x16xf32>,
      %get3A_703 = vector.shape_cast %get3A_702 : vector<1x16xf32> to vector<16xf32>
      %get3A_704 = arith.index_cast %scan3A_687 : i32 to index
      %get3A_705 = arith.constant 48 : index
      %get3A_706 = tpu.vector_load %arg7[%get3A_704, %get3A_705] {strides = array<i32>} : memref<280x100xf32, #tpu.memory_space<vmem>>, vector<1x16xf32>,
      %get3A_707 = vector.shape_cast %get3A_706 : vector<1x16xf32> to vector<16xf32>
      %get3A_708 = arith.index_cast %scan3A_687 : i32 to index
      %get3A_709 = arith.constant 64 : index
      %get3A_710 = tpu.vector_load %arg7[%get3A_708, %get3A_709] {strides = array<i32>} : memref<280x100xf32, #tpu.memory_space<vmem>>, vector<1x16xf32>,
      %get3A_711 = vector.shape_cast %get3A_710 : vector<1x16xf32> to vector<16xf32>
      %get3A_712 = arith.index_cast %scan3A_687 : i32 to index
      %get3A_713 = arith.constant 80 : index
      %get3A_714 = tpu.vector_load %arg7[%get3A_712, %get3A_713] {strides = array<i32>} : memref<280x100xf32, #tpu.memory_space<vmem>>, vector<1x16xf32>,
      %get3A_715 = vector.shape_cast %get3A_714 : vector<1x16xf32> to vector<16xf32>
      %get3A_716 = arith.index_cast %scan3A_687 : i32 to index
      %get3A_717 = arith.constant 84 : index
      %get3A_718 = tpu.vector_load %arg7[%get3A_716, %get3A_717] {strides = array<i32>} : memref<280x100xf32, #tpu.memory_space<vmem>>, vector<1x16xf32>,
      %get3A_719 = vector.shape_cast %get3A_718 : vector<1x16xf32> to vector<16xf32>
      %mul3A_720 = arith.mulf %get3A_695, %get3A_691 : vector<16xf32>
      %swap3A = arith.index_cast %scan3A_687 : i32 to index
      %swap3A_721 = arith.constant 0 : index
      %swap3A_722 = tpu.vector_load %arg7[%swap3A, %swap3A_721] {strides = array<i32>} : memref<280x100xf32, #tpu.memory_space<vmem>>, vector<1x16xf32>,
      %swap3A_723 = vector.shape_cast %swap3A_722 : vector<1x16xf32> to vector<16xf32>
      %swap3A_724 = vector.shape_cast %mul3A_720 : vector<16xf32> to vector<1x16xf32>
      tpu.vector_store %arg7[%swap3A, %swap3A_721], %swap3A_724 {strides = array<i32>} : memref<280x100xf32, #tpu.memory_space<vmem>>, vector<1x16xf32>,
      %mul3A_725 = arith.mulf %get3A_699, %get3A_691 : vector<16xf32>
      %swap3A_726 = arith.index_cast %scan3A_687 : i32 to index
      %swap3A_727 = arith.constant 16 : index
      %swap3A_728 = tpu.vector_load %arg7[%swap3A_726, %swap3A_727] {strides = array<i32>} : memref<280x100xf32, #tpu.memory_space<vmem>>, vector<1x16xf32>,
      %swap3A_729 = vector.shape_cast %swap3A_728 : vector<1x16xf32> to vector<16xf32>
      %swap3A_730 = vector.shape_cast %mul3A_725 : vector<16xf32> to vector<1x16xf32>
      tpu.vector_store %arg7[%swap3A_726, %swap3A_727], %swap3A_730 {strides = array<i32>} : memref<280x100xf32, #tpu.memory_space<vmem>>, vector<1x16xf32>,
      %mul3A_731 = arith.mulf %get3A_703, %get3A_691 : vector<16xf32>
      %swap3A_732 = arith.index_cast %scan3A_687 : i32 to index
      %swap3A_733 = arith.constant 32 : index
      %swap3A_734 = tpu.vector_load %arg7[%swap3A_732, %swap3A_733] {strides = array<i32>} : memref<280x100xf32, #tpu.memory_space<vmem>>, vector<1x16xf32>,
      %swap3A_735 = vector.shape_cast %swap3A_734 : vector<1x16xf32> to vector<16xf32>
      %swap3A_736 = vector.shape_cast %mul3A_731 : vector<16xf32> to vector<1x16xf32>
      tpu.vector_store %arg7[%swap3A_732, %swap3A_733], %swap3A_736 {strides = array<i32>} : memref<280x100xf32, #tpu.memory_space<vmem>>, vector<1x16xf32>,
      %mul3A_737 = arith.mulf %get3A_707, %get3A_691 : vector<16xf32>
      %swap3A_738 = arith.index_cast %scan3A_687 : i32 to index
      %swap3A_739 = arith.constant 48 : index
      %swap3A_740 = tpu.vector_load %arg7[%swap3A_738, %swap3A_739] {strides = array<i32>} : memref<280x100xf32, #tpu.memory_space<vmem>>, vector<1x16xf32>,
      %swap3A_741 = vector.shape_cast %swap3A_740 : vector<1x16xf32> to vector<16xf32>
      %swap3A_742 = vector.shape_cast %mul3A_737 : vector<16xf32> to vector<1x16xf32>
      tpu.vector_store %arg7[%swap3A_738, %swap3A_739], %swap3A_742 {strides = array<i32>} : memref<280x100xf32, #tpu.memory_space<vmem>>, vector<1x16xf32>,
      %mul3A_743 = arith.mulf %get3A_711, %get3A_691 : vector<16xf32>
      %swap3A_744 = arith.index_cast %scan3A_687 : i32 to index
      %swap3A_745 = arith.constant 64 : index
      %swap3A_746 = tpu.vector_load %arg7[%swap3A_744, %swap3A_745] {strides = array<i32>} : memref<280x100xf32, #tpu.memory_space<vmem>>, vector<1x16xf32>,
      %swap3A_747 = vector.shape_cast %swap3A_746 : vector<1x16xf32> to vector<16xf32>
      %swap3A_748 = vector.shape_cast %mul3A_743 : vector<16xf32> to vector<1x16xf32>
      tpu.vector_store %arg7[%swap3A_744, %swap3A_745], %swap3A_748 {strides = array<i32>} : memref<280x100xf32, #tpu.memory_space<vmem>>, vector<1x16xf32>,
      %mul3A_749 = arith.mulf %get3A_715, %get3A_691 : vector<16xf32>
      %swap3A_750 = arith.index_cast %scan3A_687 : i32 to index
      %swap3A_751 = arith.constant 80 : index
      %swap3A_752 = tpu.vector_load %arg7[%swap3A_750, %swap3A_751] {strides = array<i32>} : memref<280x100xf32, #tpu.memory_space<vmem>>, vector<1x16xf32>,
      %swap3A_753 = vector.shape_cast %swap3A_752 : vector<1x16xf32> to vector<16xf32>
      %swap3A_754 = vector.shape_cast %mul3A_749 : vector<16xf32> to vector<1x16xf32>
      tpu.vector_store %arg7[%swap3A_750, %swap3A_751], %swap3A_754 {strides = array<i32>} : memref<280x100xf32, #tpu.memory_space<vmem>>, vector<1x16xf32>,
      %mul3A_755 = arith.mulf %get3A_719, %get3A_691 : vector<16xf32>
      %swap3A_756 = arith.index_cast %scan3A_687 : i32 to index
      %swap3A_757 = arith.constant 84 : index
      %swap3A_758 = tpu.vector_load %arg7[%swap3A_756, %swap3A_757] {strides = array<i32>} : memref<280x100xf32, #tpu.memory_space<vmem>>, vector<1x16xf32>,
      %swap3A_759 = vector.shape_cast %swap3A_758 : vector<1x16xf32> to vector<16xf32>
      %swap3A_760 = vector.shape_cast %mul3A_755 : vector<16xf32> to vector<1x16xf32>
      tpu.vector_store %arg7[%swap3A_756, %swap3A_757], %swap3A_760 {strides = array<i32>} : memref<280x100xf32, #tpu.memory_space<vmem>>, vector<1x16xf32>,
    }
    %scan3A_108 = arith.constant 280 : i32
    %add3A_109 = arith.constant 560 : i32
    %add3A_110 = arith.addi %mul3A_2, %add3A_109 : i32
    %dma_start3A_111 = arith.constant 0 : i32
    %dma_start3A_112 = tpu.memref_slice %arg4[%add3A_110, %dma_start3A_111] : memref<161280x100xf32, #tpu.memory_space<hbm>> -> memref<280x100xf32, #tpu.memory_space<hbm>>
    %dma_start3A_113 = arith.constant 0 : i32
    %dma_start3A_114 = tpu.memref_slice %arg4[%add3A_110, %dma_start3A_113] : memref<161280x100xf32, #tpu.memory_space<hbm>> -> memref<280x100xf32, #tpu.memory_space<hbm>>
    tpu.enqueue_dma source(%arg7 : memref<280x100xf32, #tpu.memory_space<vmem>>) target(%dma_start3A_114 : memref<280x100xf32, #tpu.memory_space<hbm>>) target_semaphore(%arg19 : memref<!tpu.dma_semaphore, #tpu.memory_space<semaphore_mem>>)
    %add3A_115 = arith.constant 280 : i32
    %add3A_116 = arith.addi %mul3A_2, %add3A_115 : i32
    %dma_wait3A_117 = arith.constant 0 : i32
    %dma_wait3A_118 = tpu.memref_slice %arg4[%add3A_116, %dma_wait3A_117] : memref<161280x100xf32, #tpu.memory_space<hbm>> -> memref<280x100xf32, #tpu.memory_space<hbm>>
    %dma_wait3A_119 = arith.constant 0 : i32
    %dma_wait3A_120 = tpu.memref_slice %arg4[%add3A_116, %dma_wait3A_119] : memref<161280x100xf32, #tpu.memory_space<hbm>> -> memref<280x100xf32, #tpu.memory_space<hbm>>
    tpu.wait_dma2 semaphore(%arg18 : memref<!tpu.dma_semaphore, #tpu.memory_space<semaphore_mem>>) src(%arg6 : memref<280x100xf32, #tpu.memory_space<vmem>>) dst(%dma_wait3A_120 : memref<280x100xf32, #tpu.memory_space<hbm>>)
    %add3A_121 = arith.constant 1120 : i32
    %add3A_122 = arith.addi %mul3A_2, %add3A_121 : i32
    %dma_start3A_123 = arith.constant 0 : i32
    %dma_start3A_124 = tpu.memref_slice %arg2[%add3A_122, %dma_start3A_123] : memref<161280x100xf32, #tpu.memory_space<hbm>> -> memref<280x100xf32, #tpu.memory_space<hbm>>
    %dma_start3A_125 = arith.constant 0 : i32
    %dma_start3A_126 = tpu.memref_slice %arg2[%add3A_122, %dma_start3A_125] : memref<161280x100xf32, #tpu.memory_space<hbm>> -> memref<280x100xf32, #tpu.memory_space<hbm>>
    tpu.enqueue_dma source(%dma_start3A_126 : memref<280x100xf32, #tpu.memory_space<hbm>>) target(%arg6 : memref<280x100xf32, #tpu.memory_space<vmem>>) target_semaphore(%arg12 : memref<!tpu.dma_semaphore, #tpu.memory_space<semaphore_mem>>)
    %add3A_127 = arith.constant 17920 : i32
    %add3A_128 = arith.addi %mul3A_5, %add3A_127 : i32
    %dma_start3A_129 = tpu.memref_slice %arg3[%add3A_128] : memref<645120xf32, #tpu.memory_space<hbm>> -> memref<4480xf32, #tpu.memory_space<hbm>>
    %dma_start3A_130 = tpu.memref_slice %arg3[%add3A_128] : memref<645120xf32, #tpu.memory_space<hbm>> -> memref<4480xf32, #tpu.memory_space<hbm>>
    tpu.enqueue_dma source(%dma_start3A_130 : memref<4480xf32, #tpu.memory_space<hbm>>) target(%arg9 : memref<4480xf32, #tpu.memory_space<vmem>>) target_semaphore(%arg15 : memref<!tpu.dma_semaphore, #tpu.memory_space<semaphore_mem>>)
    %add3A_131 = arith.constant 840 : i32
    %add3A_132 = arith.addi %mul3A_2, %add3A_131 : i32
    %dma_wait3A_133 = arith.constant 0 : i32
    %dma_wait3A_134 = tpu.memref_slice %arg2[%add3A_132, %dma_wait3A_133] : memref<161280x100xf32, #tpu.memory_space<hbm>> -> memref<280x100xf32, #tpu.memory_space<hbm>>
    %dma_wait3A_135 = arith.constant 0 : i32
    %dma_wait3A_136 = tpu.memref_slice %arg2[%add3A_132, %dma_wait3A_135] : memref<161280x100xf32, #tpu.memory_space<hbm>> -> memref<280x100xf32, #tpu.memory_space<hbm>>
    tpu.wait_dma2 semaphore(%arg11 : memref<!tpu.dma_semaphore, #tpu.memory_space<semaphore_mem>>) src(%dma_wait3A_136 : memref<280x100xf32, #tpu.memory_space<hbm>>) dst(%arg5 : memref<280x100xf32, #tpu.memory_space<vmem>>)
    %add3A_137 = arith.constant 13440 : i32
    %add3A_138 = arith.addi %mul3A_5, %add3A_137 : i32
    %dma_wait3A_139 = tpu.memref_slice %arg3[%add3A_138] : memref<645120xf32, #tpu.memory_space<hbm>> -> memref<4480xf32, #tpu.memory_space<hbm>>
    %dma_wait3A_140 = tpu.memref_slice %arg3[%add3A_138] : memref<645120xf32, #tpu.memory_space<hbm>> -> memref<4480xf32, #tpu.memory_space<hbm>>
    tpu.wait_dma2 semaphore(%arg14 : memref<!tpu.dma_semaphore, #tpu.memory_space<semaphore_mem>>) src(%dma_wait3A_140 : memref<4480xf32, #tpu.memory_space<hbm>>) dst(%arg8 : memref<4480xf32, #tpu.memory_space<vmem>>)
    %scan3A_141 = arith.constant 0 : i32
    %scan3A_142 = arith.constant 0 : i32
    %scan3A_143 = arith.constant 280 : i32
    %scan3A_144 = arith.addi %scan3A_142, %scan3A_143 : i32
    %scan3A_145 = arith.constant 1 : i32
    scf.for %scan3A_687 = %scan3A_142 to %scan3A_144 step %scan3A_145  : i32 {
      %mul3A_688 = arith.constant 16 : i32
      %mul3A_689 = arith.muli %scan3A_687, %mul3A_688 : i32
      %get3A = arith.index_cast %mul3A_689 : i32 to index
      %get3A_690 = tpu.vector_load %arg8[%get3A] {strides = array<i32>} : memref<4480xf32, #tpu.memory_space<vmem>>, vector<16xf32>,
      %get3A_691 = vector.shape_cast %get3A_690 : vector<16xf32> to vector<16xf32>
      %get3A_692 = arith.index_cast %scan3A_687 : i32 to index
      %get3A_693 = arith.constant 0 : index
      %get3A_694 = tpu.vector_load %arg5[%get3A_692, %get3A_693] {strides = array<i32>} : memref<280x100xf32, #tpu.memory_space<vmem>>, vector<1x16xf32>,
      %get3A_695 = vector.shape_cast %get3A_694 : vector<1x16xf32> to vector<16xf32>
      %get3A_696 = arith.index_cast %scan3A_687 : i32 to index
      %get3A_697 = arith.constant 16 : index
      %get3A_698 = tpu.vector_load %arg5[%get3A_696, %get3A_697] {strides = array<i32>} : memref<280x100xf32, #tpu.memory_space<vmem>>, vector<1x16xf32>,
      %get3A_699 = vector.shape_cast %get3A_698 : vector<1x16xf32> to vector<16xf32>
      %get3A_700 = arith.index_cast %scan3A_687 : i32 to index
      %get3A_701 = arith.constant 32 : index
      %get3A_702 = tpu.vector_load %arg5[%get3A_700, %get3A_701] {strides = array<i32>} : memref<280x100xf32, #tpu.memory_space<vmem>>, vector<1x16xf32>,
      %get3A_703 = vector.shape_cast %get3A_702 : vector<1x16xf32> to vector<16xf32>
      %get3A_704 = arith.index_cast %scan3A_687 : i32 to index
      %get3A_705 = arith.constant 48 : index
      %get3A_706 = tpu.vector_load %arg5[%get3A_704, %get3A_705] {strides = array<i32>} : memref<280x100xf32, #tpu.memory_space<vmem>>, vector<1x16xf32>,
      %get3A_707 = vector.shape_cast %get3A_706 : vector<1x16xf32> to vector<16xf32>
      %get3A_708 = arith.index_cast %scan3A_687 : i32 to index
      %get3A_709 = arith.constant 64 : index
      %get3A_710 = tpu.vector_load %arg5[%get3A_708, %get3A_709] {strides = array<i32>} : memref<280x100xf32, #tpu.memory_space<vmem>>, vector<1x16xf32>,
      %get3A_711 = vector.shape_cast %get3A_710 : vector<1x16xf32> to vector<16xf32>
      %get3A_712 = arith.index_cast %scan3A_687 : i32 to index
      %get3A_713 = arith.constant 80 : index
      %get3A_714 = tpu.vector_load %arg5[%get3A_712, %get3A_713] {strides = array<i32>} : memref<280x100xf32, #tpu.memory_space<vmem>>, vector<1x16xf32>,
      %get3A_715 = vector.shape_cast %get3A_714 : vector<1x16xf32> to vector<16xf32>
      %get3A_716 = arith.index_cast %scan3A_687 : i32 to index
      %get3A_717 = arith.constant 84 : index
      %get3A_718 = tpu.vector_load %arg5[%get3A_716, %get3A_717] {strides = array<i32>} : memref<280x100xf32, #tpu.memory_space<vmem>>, vector<1x16xf32>,
      %get3A_719 = vector.shape_cast %get3A_718 : vector<1x16xf32> to vector<16xf32>
      %mul3A_720 = arith.mulf %get3A_695, %get3A_691 : vector<16xf32>
      %swap3A = arith.index_cast %scan3A_687 : i32 to index
      %swap3A_721 = arith.constant 0 : index
      %swap3A_722 = tpu.vector_load %arg5[%swap3A, %swap3A_721] {strides = array<i32>} : memref<280x100xf32, #tpu.memory_space<vmem>>, vector<1x16xf32>,
      %swap3A_723 = vector.shape_cast %swap3A_722 : vector<1x16xf32> to vector<16xf32>
      %swap3A_724 = vector.shape_cast %mul3A_720 : vector<16xf32> to vector<1x16xf32>
      tpu.vector_store %arg5[%swap3A, %swap3A_721], %swap3A_724 {strides = array<i32>} : memref<280x100xf32, #tpu.memory_space<vmem>>, vector<1x16xf32>,
      %mul3A_725 = arith.mulf %get3A_699, %get3A_691 : vector<16xf32>
      %swap3A_726 = arith.index_cast %scan3A_687 : i32 to index
      %swap3A_727 = arith.constant 16 : index
      %swap3A_728 = tpu.vector_load %arg5[%swap3A_726, %swap3A_727] {strides = array<i32>} : memref<280x100xf32, #tpu.memory_space<vmem>>, vector<1x16xf32>,
      %swap3A_729 = vector.shape_cast %swap3A_728 : vector<1x16xf32> to vector<16xf32>
      %swap3A_730 = vector.shape_cast %mul3A_725 : vector<16xf32> to vector<1x16xf32>
      tpu.vector_store %arg5[%swap3A_726, %swap3A_727], %swap3A_730 {strides = array<i32>} : memref<280x100xf32, #tpu.memory_space<vmem>>, vector<1x16xf32>,
      %mul3A_731 = arith.mulf %get3A_703, %get3A_691 : vector<16xf32>
      %swap3A_732 = arith.index_cast %scan3A_687 : i32 to index
      %swap3A_733 = arith.constant 32 : index
      %swap3A_734 = tpu.vector_load %arg5[%swap3A_732, %swap3A_733] {strides = array<i32>} : memref<280x100xf32, #tpu.memory_space<vmem>>, vector<1x16xf32>,
      %swap3A_735 = vector.shape_cast %swap3A_734 : vector<1x16xf32> to vector<16xf32>
      %swap3A_736 = vector.shape_cast %mul3A_731 : vector<16xf32> to vector<1x16xf32>
      tpu.vector_store %arg5[%swap3A_732, %swap3A_733], %swap3A_736 {strides = array<i32>} : memref<280x100xf32, #tpu.memory_space<vmem>>, vector<1x16xf32>,
      %mul3A_737 = arith.mulf %get3A_707, %get3A_691 : vector<16xf32>
      %swap3A_738 = arith.index_cast %scan3A_687 : i32 to index
      %swap3A_739 = arith.constant 48 : index
      %swap3A_740 = tpu.vector_load %arg5[%swap3A_738, %swap3A_739] {strides = array<i32>} : memref<280x100xf32, #tpu.memory_space<vmem>>, vector<1x16xf32>,
      %swap3A_741 = vector.shape_cast %swap3A_740 : vector<1x16xf32> to vector<16xf32>
      %swap3A_742 = vector.shape_cast %mul3A_737 : vector<16xf32> to vector<1x16xf32>
      tpu.vector_store %arg5[%swap3A_738, %swap3A_739], %swap3A_742 {strides = array<i32>} : memref<280x100xf32, #tpu.memory_space<vmem>>, vector<1x16xf32>,
      %mul3A_743 = arith.mulf %get3A_711, %get3A_691 : vector<16xf32>
      %swap3A_744 = arith.index_cast %scan3A_687 : i32 to index
      %swap3A_745 = arith.constant 64 : index
      %swap3A_746 = tpu.vector_load %arg5[%swap3A_744, %swap3A_745] {strides = array<i32>} : memref<280x100xf32, #tpu.memory_space<vmem>>, vector<1x16xf32>,
      %swap3A_747 = vector.shape_cast %swap3A_746 : vector<1x16xf32> to vector<16xf32>
      %swap3A_748 = vector.shape_cast %mul3A_743 : vector<16xf32> to vector<1x16xf32>
      tpu.vector_store %arg5[%swap3A_744, %swap3A_745], %swap3A_748 {strides = array<i32>} : memref<280x100xf32, #tpu.memory_space<vmem>>, vector<1x16xf32>,
      %mul3A_749 = arith.mulf %get3A_715, %get3A_691 : vector<16xf32>
      %swap3A_750 = arith.index_cast %scan3A_687 : i32 to index
      %swap3A_751 = arith.constant 80 : index
      %swap3A_752 = tpu.vector_load %arg5[%swap3A_750, %swap3A_751] {strides = array<i32>} : memref<280x100xf32, #tpu.memory_space<vmem>>, vector<1x16xf32>,
      %swap3A_753 = vector.shape_cast %swap3A_752 : vector<1x16xf32> to vector<16xf32>
      %swap3A_754 = vector.shape_cast %mul3A_749 : vector<16xf32> to vector<1x16xf32>
      tpu.vector_store %arg5[%swap3A_750, %swap3A_751], %swap3A_754 {strides = array<i32>} : memref<280x100xf32, #tpu.memory_space<vmem>>, vector<1x16xf32>,
      %mul3A_755 = arith.mulf %get3A_719, %get3A_691 : vector<16xf32>
      %swap3A_756 = arith.index_cast %scan3A_687 : i32 to index
      %swap3A_757 = arith.constant 84 : index
      %swap3A_758 = tpu.vector_load %arg5[%swap3A_756, %swap3A_757] {strides = array<i32>} : memref<280x100xf32, #tpu.memory_space<vmem>>, vector<1x16xf32>,
      %swap3A_759 = vector.shape_cast %swap3A_758 : vector<1x16xf32> to vector<16xf32>
      %swap3A_760 = vector.shape_cast %mul3A_755 : vector<16xf32> to vector<1x16xf32>
      tpu.vector_store %arg5[%swap3A_756, %swap3A_757], %swap3A_760 {strides = array<i32>} : memref<280x100xf32, #tpu.memory_space<vmem>>, vector<1x16xf32>,
    }
    %scan3A_146 = arith.constant 280 : i32
    %add3A_147 = arith.constant 840 : i32
    %add3A_148 = arith.addi %mul3A_2, %add3A_147 : i32
    %dma_start3A_149 = arith.constant 0 : i32
    %dma_start3A_150 = tpu.memref_slice %arg4[%add3A_148, %dma_start3A_149] : memref<161280x100xf32, #tpu.memory_space<hbm>> -> memref<280x100xf32, #tpu.memory_space<hbm>>
    %dma_start3A_151 = arith.constant 0 : i32
    %dma_start3A_152 = tpu.memref_slice %arg4[%add3A_148, %dma_start3A_151] : memref<161280x100xf32, #tpu.memory_space<hbm>> -> memref<280x100xf32, #tpu.memory_space<hbm>>
    tpu.enqueue_dma source(%arg5 : memref<280x100xf32, #tpu.memory_space<vmem>>) target(%dma_start3A_152 : memref<280x100xf32, #tpu.memory_space<hbm>>) target_semaphore(%arg17 : memref<!tpu.dma_semaphore, #tpu.memory_space<semaphore_mem>>)
    %add3A_153 = arith.constant 560 : i32
    %add3A_154 = arith.addi %mul3A_2, %add3A_153 : i32
    %dma_wait3A_155 = arith.constant 0 : i32
    %dma_wait3A_156 = tpu.memref_slice %arg4[%add3A_154, %dma_wait3A_155] : memref<161280x100xf32, #tpu.memory_space<hbm>> -> memref<280x100xf32, #tpu.memory_space<hbm>>
    %dma_wait3A_157 = arith.constant 0 : i32
    %dma_wait3A_158 = tpu.memref_slice %arg4[%add3A_154, %dma_wait3A_157] : memref<161280x100xf32, #tpu.memory_space<hbm>> -> memref<280x100xf32, #tpu.memory_space<hbm>>
    tpu.wait_dma2 semaphore(%arg19 : memref<!tpu.dma_semaphore, #tpu.memory_space<semaphore_mem>>) src(%arg7 : memref<280x100xf32, #tpu.memory_space<vmem>>) dst(%dma_wait3A_158 : memref<280x100xf32, #tpu.memory_space<hbm>>)
    %add3A_159 = arith.constant 1400 : i32
    %add3A_160 = arith.addi %mul3A_2, %add3A_159 : i32
    %dma_start3A_161 = arith.constant 0 : i32
    %dma_start3A_162 = tpu.memref_slice %arg2[%add3A_160, %dma_start3A_161] : memref<161280x100xf32, #tpu.memory_space<hbm>> -> memref<280x100xf32, #tpu.memory_space<hbm>>
    %dma_start3A_163 = arith.constant 0 : i32
    %dma_start3A_164 = tpu.memref_slice %arg2[%add3A_160, %dma_start3A_163] : memref<161280x100xf32, #tpu.memory_space<hbm>> -> memref<280x100xf32, #tpu.memory_space<hbm>>
    tpu.enqueue_dma source(%dma_start3A_164 : memref<280x100xf32, #tpu.memory_space<hbm>>) target(%arg7 : memref<280x100xf32, #tpu.memory_space<vmem>>) target_semaphore(%arg13 : memref<!tpu.dma_semaphore, #tpu.memory_space<semaphore_mem>>)
    %add3A_165 = arith.constant 22400 : i32
    %add3A_166 = arith.addi %mul3A_5, %add3A_165 : i32
    %dma_start3A_167 = tpu.memref_slice %arg3[%add3A_166] : memref<645120xf32, #tpu.memory_space<hbm>> -> memref<4480xf32, #tpu.memory_space<hbm>>
    %dma_start3A_168 = tpu.memref_slice %arg3[%add3A_166] : memref<645120xf32, #tpu.memory_space<hbm>> -> memref<4480xf32, #tpu.memory_space<hbm>>
    tpu.enqueue_dma source(%dma_start3A_168 : memref<4480xf32, #tpu.memory_space<hbm>>) target(%arg10 : memref<4480xf32, #tpu.memory_space<vmem>>) target_semaphore(%arg16 : memref<!tpu.dma_semaphore, #tpu.memory_space<semaphore_mem>>)
    %add3A_169 = arith.constant 1120 : i32
    %add3A_170 = arith.addi %mul3A_2, %add3A_169 : i32
    %dma_wait3A_171 = arith.constant 0 : i32
    %dma_wait3A_172 = tpu.memref_slice %arg2[%add3A_170, %dma_wait3A_171] : memref<161280x100xf32, #tpu.memory_space<hbm>> -> memref<280x100xf32, #tpu.memory_space<hbm>>
    %dma_wait3A_173 = arith.constant 0 : i32
    %dma_wait3A_174 = tpu.memref_slice %arg2[%add3A_170, %dma_wait3A_173] : memref<161280x100xf32, #tpu.memory_space<hbm>> -> memref<280x100xf32, #tpu.memory_space<hbm>>
    tpu.wait_dma2 semaphore(%arg12 : memref<!tpu.dma_semaphore, #tpu.memory_space<semaphore_mem>>) src(%dma_wait3A_174 : memref<280x100xf32, #tpu.memory_space<hbm>>) dst(%arg6 : memref<280x100xf32, #tpu.memory_space<vmem>>)
    %add3A_175 = arith.constant 17920 : i32
    %add3A_176 = arith.addi %mul3A_5, %add3A_175 : i32
    %dma_wait3A_177 = tpu.memref_slice %arg3[%add3A_176] : memref<645120xf32, #tpu.memory_space<hbm>> -> memref<4480xf32, #tpu.memory_space<hbm>>
    %dma_wait3A_178 = tpu.memref_slice %arg3[%add3A_176] : memref<645120xf32, #tpu.memory_space<hbm>> -> memref<4480xf32, #tpu.memory_space<hbm>>
    tpu.wait_dma2 semaphore(%arg15 : memref<!tpu.dma_semaphore, #tpu.memory_space<semaphore_mem>>) src(%dma_wait3A_178 : memref<4480xf32, #tpu.memory_space<hbm>>) dst(%arg9 : memref<4480xf32, #tpu.memory_space<vmem>>)
    %scan3A_179 = arith.constant 0 : i32
    %scan3A_180 = arith.constant 0 : i32
    %scan3A_181 = arith.constant 280 : i32
    %scan3A_182 = arith.addi %scan3A_180, %scan3A_181 : i32
    %scan3A_183 = arith.constant 1 : i32
    scf.for %scan3A_687 = %scan3A_180 to %scan3A_182 step %scan3A_183  : i32 {
      %mul3A_688 = arith.constant 16 : i32
      %mul3A_689 = arith.muli %scan3A_687, %mul3A_688 : i32
      %get3A = arith.index_cast %mul3A_689 : i32 to index
      %get3A_690 = tpu.vector_load %arg9[%get3A] {strides = array<i32>} : memref<4480xf32, #tpu.memory_space<vmem>>, vector<16xf32>,
      %get3A_691 = vector.shape_cast %get3A_690 : vector<16xf32> to vector<16xf32>
      %get3A_692 = arith.index_cast %scan3A_687 : i32 to index
      %get3A_693 = arith.constant 0 : index
      %get3A_694 = tpu.vector_load %arg6[%get3A_692, %get3A_693] {strides = array<i32>} : memref<280x100xf32, #tpu.memory_space<vmem>>, vector<1x16xf32>,
      %get3A_695 = vector.shape_cast %get3A_694 : vector<1x16xf32> to vector<16xf32>
      %get3A_696 = arith.index_cast %scan3A_687 : i32 to index
      %get3A_697 = arith.constant 16 : index
      %get3A_698 = tpu.vector_load %arg6[%get3A_696, %get3A_697] {strides = array<i32>} : memref<280x100xf32, #tpu.memory_space<vmem>>, vector<1x16xf32>,
      %get3A_699 = vector.shape_cast %get3A_698 : vector<1x16xf32> to vector<16xf32>
      %get3A_700 = arith.index_cast %scan3A_687 : i32 to index
      %get3A_701 = arith.constant 32 : index
      %get3A_702 = tpu.vector_load %arg6[%get3A_700, %get3A_701] {strides = array<i32>} : memref<280x100xf32, #tpu.memory_space<vmem>>, vector<1x16xf32>,
      %get3A_703 = vector.shape_cast %get3A_702 : vector<1x16xf32> to vector<16xf32>
      %get3A_704 = arith.index_cast %scan3A_687 : i32 to index
      %get3A_705 = arith.constant 48 : index
      %get3A_706 = tpu.vector_load %arg6[%get3A_704, %get3A_705] {strides = array<i32>} : memref<280x100xf32, #tpu.memory_space<vmem>>, vector<1x16xf32>,
      %get3A_707 = vector.shape_cast %get3A_706 : vector<1x16xf32> to vector<16xf32>
      %get3A_708 = arith.index_cast %scan3A_687 : i32 to index
      %get3A_709 = arith.constant 64 : index
      %get3A_710 = tpu.vector_load %arg6[%get3A_708, %get3A_709] {strides = array<i32>} : memref<280x100xf32, #tpu.memory_space<vmem>>, vector<1x16xf32>,
      %get3A_711 = vector.shape_cast %get3A_710 : vector<1x16xf32> to vector<16xf32>
      %get3A_712 = arith.index_cast %scan3A_687 : i32 to index
      %get3A_713 = arith.constant 80 : index
      %get3A_714 = tpu.vector_load %arg6[%get3A_712, %get3A_713] {strides = array<i32>} : memref<280x100xf32, #tpu.memory_space<vmem>>, vector<1x16xf32>,
      %get3A_715 = vector.shape_cast %get3A_714 : vector<1x16xf32> to vector<16xf32>
      %get3A_716 = arith.index_cast %scan3A_687 : i32 to index
      %get3A_717 = arith.constant 84 : index
      %get3A_718 = tpu.vector_load %arg6[%get3A_716, %get3A_717] {strides = array<i32>} : memref<280x100xf32, #tpu.memory_space<vmem>>, vector<1x16xf32>,
      %get3A_719 = vector.shape_cast %get3A_718 : vector<1x16xf32> to vector<16xf32>
      %mul3A_720 = arith.mulf %get3A_695, %get3A_691 : vector<16xf32>
      %swap3A = arith.index_cast %scan3A_687 : i32 to index
      %swap3A_721 = arith.constant 0 : index
      %swap3A_722 = tpu.vector_load %arg6[%swap3A, %swap3A_721] {strides = array<i32>} : memref<280x100xf32, #tpu.memory_space<vmem>>, vector<1x16xf32>,
      %swap3A_723 = vector.shape_cast %swap3A_722 : vector<1x16xf32> to vector<16xf32>
      %swap3A_724 = vector.shape_cast %mul3A_720 : vector<16xf32> to vector<1x16xf32>
      tpu.vector_store %arg6[%swap3A, %swap3A_721], %swap3A_724 {strides = array<i32>} : memref<280x100xf32, #tpu.memory_space<vmem>>, vector<1x16xf32>,
      %mul3A_725 = arith.mulf %get3A_699, %get3A_691 : vector<16xf32>
      %swap3A_726 = arith.index_cast %scan3A_687 : i32 to index
      %swap3A_727 = arith.constant 16 : index
      %swap3A_728 = tpu.vector_load %arg6[%swap3A_726, %swap3A_727] {strides = array<i32>} : memref<280x100xf32, #tpu.memory_space<vmem>>, vector<1x16xf32>,
      %swap3A_729 = vector.shape_cast %swap3A_728 : vector<1x16xf32> to vector<16xf32>
      %swap3A_730 = vector.shape_cast %mul3A_725 : vector<16xf32> to vector<1x16xf32>
      tpu.vector_store %arg6[%swap3A_726, %swap3A_727], %swap3A_730 {strides = array<i32>} : memref<280x100xf32, #tpu.memory_space<vmem>>, vector<1x16xf32>,
      %mul3A_731 = arith.mulf %get3A_703, %get3A_691 : vector<16xf32>
      %swap3A_732 = arith.index_cast %scan3A_687 : i32 to index
      %swap3A_733 = arith.constant 32 : index
      %swap3A_734 = tpu.vector_load %arg6[%swap3A_732, %swap3A_733] {strides = array<i32>} : memref<280x100xf32, #tpu.memory_space<vmem>>, vector<1x16xf32>,
      %swap3A_735 = vector.shape_cast %swap3A_734 : vector<1x16xf32> to vector<16xf32>
      %swap3A_736 = vector.shape_cast %mul3A_731 : vector<16xf32> to vector<1x16xf32>
      tpu.vector_store %arg6[%swap3A_732, %swap3A_733], %swap3A_736 {strides = array<i32>} : memref<280x100xf32, #tpu.memory_space<vmem>>, vector<1x16xf32>,
      %mul3A_737 = arith.mulf %get3A_707, %get3A_691 : vector<16xf32>
      %swap3A_738 = arith.index_cast %scan3A_687 : i32 to index
      %swap3A_739 = arith.constant 48 : index
      %swap3A_740 = tpu.vector_load %arg6[%swap3A_738, %swap3A_739] {strides = array<i32>} : memref<280x100xf32, #tpu.memory_space<vmem>>, vector<1x16xf32>,
      %swap3A_741 = vector.shape_cast %swap3A_740 : vector<1x16xf32> to vector<16xf32>
      %swap3A_742 = vector.shape_cast %mul3A_737 : vector<16xf32> to vector<1x16xf32>
      tpu.vector_store %arg6[%swap3A_738, %swap3A_739], %swap3A_742 {strides = array<i32>} : memref<280x100xf32, #tpu.memory_space<vmem>>, vector<1x16xf32>,
      %mul3A_743 = arith.mulf %get3A_711, %get3A_691 : vector<16xf32>
      %swap3A_744 = arith.index_cast %scan3A_687 : i32 to index
      %swap3A_745 = arith.constant 64 : index
      %swap3A_746 = tpu.vector_load %arg6[%swap3A_744, %swap3A_745] {strides = array<i32>} : memref<280x100xf32, #tpu.memory_space<vmem>>, vector<1x16xf32>,
      %swap3A_747 = vector.shape_cast %swap3A_746 : vector<1x16xf32> to vector<16xf32>
      %swap3A_748 = vector.shape_cast %mul3A_743 : vector<16xf32> to vector<1x16xf32>
      tpu.vector_store %arg6[%swap3A_744, %swap3A_745], %swap3A_748 {strides = array<i32>} : memref<280x100xf32, #tpu.memory_space<vmem>>, vector<1x16xf32>,
      %mul3A_749 = arith.mulf %get3A_715, %get3A_691 : vector<16xf32>
      %swap3A_750 = arith.index_cast %scan3A_687 : i32 to index
      %swap3A_751 = arith.constant 80 : index
      %swap3A_752 = tpu.vector_load %arg6[%swap3A_750, %swap3A_751] {strides = array<i32>} : memref<280x100xf32, #tpu.memory_space<vmem>>, vector<1x16xf32>,
      %swap3A_753 = vector.shape_cast %swap3A_752 : vector<1x16xf32> to vector<16xf32>
      %swap3A_754 = vector.shape_cast %mul3A_749 : vector<16xf32> to vector<1x16xf32>
      tpu.vector_store %arg6[%swap3A_750, %swap3A_751], %swap3A_754 {strides = array<i32>} : memref<280x100xf32, #tpu.memory_space<vmem>>, vector<1x16xf32>,
      %mul3A_755 = arith.mulf %get3A_719, %get3A_691 : vector<16xf32>
      %swap3A_756 = arith.index_cast %scan3A_687 : i32 to index
      %swap3A_757 = arith.constant 84 : index
      %swap3A_758 = tpu.vector_load %arg6[%swap3A_756, %swap3A_757] {strides = array<i32>} : memref<280x100xf32, #tpu.memory_space<vmem>>, vector<1x16xf32>,
      %swap3A_759 = vector.shape_cast %swap3A_758 : vector<1x16xf32> to vector<16xf32>
      %swap3A_760 = vector.shape_cast %mul3A_755 : vector<16xf32> to vector<1x16xf32>
      tpu.vector_store %arg6[%swap3A_756, %swap3A_757], %swap3A_760 {strides = array<i32>} : memref<280x100xf32, #tpu.memory_space<vmem>>, vector<1x16xf32>,
    }
    %scan3A_184 = arith.constant 280 : i32
    %add3A_185 = arith.constant 1120 : i32
    %add3A_186 = arith.addi %mul3A_2, %add3A_185 : i32
    %dma_start3A_187 = arith.constant 0 : i32
    %dma_start3A_188 = tpu.memref_slice %arg4[%add3A_186, %dma_start3A_187] : memref<161280x100xf32, #tpu.memory_space<hbm>> -> memref<280x100xf32, #tpu.memory_space<hbm>>
    %dma_start3A_189 = arith.constant 0 : i32
    %dma_start3A_190 = tpu.memref_slice %arg4[%add3A_186, %dma_start3A_189] : memref<161280x100xf32, #tpu.memory_space<hbm>> -> memref<280x100xf32, #tpu.memory_space<hbm>>
    tpu.enqueue_dma source(%arg6 : memref<280x100xf32, #tpu.memory_space<vmem>>) target(%dma_start3A_190 : memref<280x100xf32, #tpu.memory_space<hbm>>) target_semaphore(%arg18 : memref<!tpu.dma_semaphore, #tpu.memory_space<semaphore_mem>>)
    %add3A_191 = arith.constant 840 : i32
    %add3A_192 = arith.addi %mul3A_2, %add3A_191 : i32
    %dma_wait3A_193 = arith.constant 0 : i32
    %dma_wait3A_194 = tpu.memref_slice %arg4[%add3A_192, %dma_wait3A_193] : memref<161280x100xf32, #tpu.memory_space<hbm>> -> memref<280x100xf32, #tpu.memory_space<hbm>>
    %dma_wait3A_195 = arith.constant 0 : i32
    %dma_wait3A_196 = tpu.memref_slice %arg4[%add3A_192, %dma_wait3A_195] : memref<161280x100xf32, #tpu.memory_space<hbm>> -> memref<280x100xf32, #tpu.memory_space<hbm>>
    tpu.wait_dma2 semaphore(%arg17 : memref<!tpu.dma_semaphore, #tpu.memory_space<semaphore_mem>>) src(%arg5 : memref<280x100xf32, #tpu.memory_space<vmem>>) dst(%dma_wait3A_196 : memref<280x100xf32, #tpu.memory_space<hbm>>)
    %add3A_197 = arith.constant 1680 : i32
    %add3A_198 = arith.addi %mul3A_2, %add3A_197 : i32
    %dma_start3A_199 = arith.constant 0 : i32
    %dma_start3A_200 = tpu.memref_slice %arg2[%add3A_198, %dma_start3A_199] : memref<161280x100xf32, #tpu.memory_space<hbm>> -> memref<280x100xf32, #tpu.memory_space<hbm>>
    %dma_start3A_201 = arith.constant 0 : i32
    %dma_start3A_202 = tpu.memref_slice %arg2[%add3A_198, %dma_start3A_201] : memref<161280x100xf32, #tpu.memory_space<hbm>> -> memref<280x100xf32, #tpu.memory_space<hbm>>
    tpu.enqueue_dma source(%dma_start3A_202 : memref<280x100xf32, #tpu.memory_space<hbm>>) target(%arg5 : memref<280x100xf32, #tpu.memory_space<vmem>>) target_semaphore(%arg11 : memref<!tpu.dma_semaphore, #tpu.memory_space<semaphore_mem>>)
    %add3A_203 = arith.constant 26880 : i32
    %add3A_204 = arith.addi %mul3A_5, %add3A_203 : i32
    %dma_start3A_205 = tpu.memref_slice %arg3[%add3A_204] : memref<645120xf32, #tpu.memory_space<hbm>> -> memref<4480xf32, #tpu.memory_space<hbm>>
    %dma_start3A_206 = tpu.memref_slice %arg3[%add3A_204] : memref<645120xf32, #tpu.memory_space<hbm>> -> memref<4480xf32, #tpu.memory_space<hbm>>
    tpu.enqueue_dma source(%dma_start3A_206 : memref<4480xf32, #tpu.memory_space<hbm>>) target(%arg8 : memref<4480xf32, #tpu.memory_space<vmem>>) target_semaphore(%arg14 : memref<!tpu.dma_semaphore, #tpu.memory_space<semaphore_mem>>)
    %add3A_207 = arith.constant 1400 : i32
    %add3A_208 = arith.addi %mul3A_2, %add3A_207 : i32
    %dma_wait3A_209 = arith.constant 0 : i32
    %dma_wait3A_210 = tpu.memref_slice %arg2[%add3A_208, %dma_wait3A_209] : memref<161280x100xf32, #tpu.memory_space<hbm>> -> memref<280x100xf32, #tpu.memory_space<hbm>>
    %dma_wait3A_211 = arith.constant 0 : i32
    %dma_wait3A_212 = tpu.memref_slice %arg2[%add3A_208, %dma_wait3A_211] : memref<161280x100xf32, #tpu.memory_space<hbm>> -> memref<280x100xf32, #tpu.memory_space<hbm>>
    tpu.wait_dma2 semaphore(%arg13 : memref<!tpu.dma_semaphore, #tpu.memory_space<semaphore_mem>>) src(%dma_wait3A_212 : memref<280x100xf32, #tpu.memory_space<hbm>>) dst(%arg7 : memref<280x100xf32, #tpu.memory_space<vmem>>)
    %add3A_213 = arith.constant 22400 : i32
    %add3A_214 = arith.addi %mul3A_5, %add3A_213 : i32
    %dma_wait3A_215 = tpu.memref_slice %arg3[%add3A_214] : memref<645120xf32, #tpu.memory_space<hbm>> -> memref<4480xf32, #tpu.memory_space<hbm>>
    %dma_wait3A_216 = tpu.memref_slice %arg3[%add3A_214] : memref<645120xf32, #tpu.memory_space<hbm>> -> memref<4480xf32, #tpu.memory_space<hbm>>
    tpu.wait_dma2 semaphore(%arg16 : memref<!tpu.dma_semaphore, #tpu.memory_space<semaphore_mem>>) src(%dma_wait3A_216 : memref<4480xf32, #tpu.memory_space<hbm>>) dst(%arg10 : memref<4480xf32, #tpu.memory_space<vmem>>)
    %scan3A_217 = arith.constant 0 : i32
    %scan3A_218 = arith.constant 0 : i32
    %scan3A_219 = arith.constant 280 : i32
    %scan3A_220 = arith.addi %scan3A_218, %scan3A_219 : i32
    %scan3A_221 = arith.constant 1 : i32
    scf.for %scan3A_687 = %scan3A_218 to %scan3A_220 step %scan3A_221  : i32 {
      %mul3A_688 = arith.constant 16 : i32
      %mul3A_689 = arith.muli %scan3A_687, %mul3A_688 : i32
      %get3A = arith.index_cast %mul3A_689 : i32 to index
      %get3A_690 = tpu.vector_load %arg10[%get3A] {strides = array<i32>} : memref<4480xf32, #tpu.memory_space<vmem>>, vector<16xf32>,
      %get3A_691 = vector.shape_cast %get3A_690 : vector<16xf32> to vector<16xf32>
      %get3A_692 = arith.index_cast %scan3A_687 : i32 to index
      %get3A_693 = arith.constant 0 : index
      %get3A_694 = tpu.vector_load %arg7[%get3A_692, %get3A_693] {strides = array<i32>} : memref<280x100xf32, #tpu.memory_space<vmem>>, vector<1x16xf32>,
      %get3A_695 = vector.shape_cast %get3A_694 : vector<1x16xf32> to vector<16xf32>
      %get3A_696 = arith.index_cast %scan3A_687 : i32 to index
      %get3A_697 = arith.constant 16 : index
      %get3A_698 = tpu.vector_load %arg7[%get3A_696, %get3A_697] {strides = array<i32>} : memref<280x100xf32, #tpu.memory_space<vmem>>, vector<1x16xf32>,
      %get3A_699 = vector.shape_cast %get3A_698 : vector<1x16xf32> to vector<16xf32>
      %get3A_700 = arith.index_cast %scan3A_687 : i32 to index
      %get3A_701 = arith.constant 32 : index
      %get3A_702 = tpu.vector_load %arg7[%get3A_700, %get3A_701] {strides = array<i32>} : memref<280x100xf32, #tpu.memory_space<vmem>>, vector<1x16xf32>,
      %get3A_703 = vector.shape_cast %get3A_702 : vector<1x16xf32> to vector<16xf32>
      %get3A_704 = arith.index_cast %scan3A_687 : i32 to index
      %get3A_705 = arith.constant 48 : index
      %get3A_706 = tpu.vector_load %arg7[%get3A_704, %get3A_705] {strides = array<i32>} : memref<280x100xf32, #tpu.memory_space<vmem>>, vector<1x16xf32>,
      %get3A_707 = vector.shape_cast %get3A_706 : vector<1x16xf32> to vector<16xf32>
      %get3A_708 = arith.index_cast %scan3A_687 : i32 to index
      %get3A_709 = arith.constant 64 : index
      %get3A_710 = tpu.vector_load %arg7[%get3A_708, %get3A_709] {strides = array<i32>} : memref<280x100xf32, #tpu.memory_space<vmem>>, vector<1x16xf32>,
      %get3A_711 = vector.shape_cast %get3A_710 : vector<1x16xf32> to vector<16xf32>
      %get3A_712 = arith.index_cast %scan3A_687 : i32 to index
      %get3A_713 = arith.constant 80 : index
      %get3A_714 = tpu.vector_load %arg7[%get3A_712, %get3A_713] {strides = array<i32>} : memref<280x100xf32, #tpu.memory_space<vmem>>, vector<1x16xf32>,
      %get3A_715 = vector.shape_cast %get3A_714 : vector<1x16xf32> to vector<16xf32>
      %get3A_716 = arith.index_cast %scan3A_687 : i32 to index
      %get3A_717 = arith.constant 84 : index
      %get3A_718 = tpu.vector_load %arg7[%get3A_716, %get3A_717] {strides = array<i32>} : memref<280x100xf32, #tpu.memory_space<vmem>>, vector<1x16xf32>,
      %get3A_719 = vector.shape_cast %get3A_718 : vector<1x16xf32> to vector<16xf32>
      %mul3A_720 = arith.mulf %get3A_695, %get3A_691 : vector<16xf32>
      %swap3A = arith.index_cast %scan3A_687 : i32 to index
      %swap3A_721 = arith.constant 0 : index
      %swap3A_722 = tpu.vector_load %arg7[%swap3A, %swap3A_721] {strides = array<i32>} : memref<280x100xf32, #tpu.memory_space<vmem>>, vector<1x16xf32>,
      %swap3A_723 = vector.shape_cast %swap3A_722 : vector<1x16xf32> to vector<16xf32>
      %swap3A_724 = vector.shape_cast %mul3A_720 : vector<16xf32> to vector<1x16xf32>
      tpu.vector_store %arg7[%swap3A, %swap3A_721], %swap3A_724 {strides = array<i32>} : memref<280x100xf32, #tpu.memory_space<vmem>>, vector<1x16xf32>,
      %mul3A_725 = arith.mulf %get3A_699, %get3A_691 : vector<16xf32>
      %swap3A_726 = arith.index_cast %scan3A_687 : i32 to index
      %swap3A_727 = arith.constant 16 : index
      %swap3A_728 = tpu.vector_load %arg7[%swap3A_726, %swap3A_727] {strides = array<i32>} : memref<280x100xf32, #tpu.memory_space<vmem>>, vector<1x16xf32>,
      %swap3A_729 = vector.shape_cast %swap3A_728 : vector<1x16xf32> to vector<16xf32>
      %swap3A_730 = vector.shape_cast %mul3A_725 : vector<16xf32> to vector<1x16xf32>
      tpu.vector_store %arg7[%swap3A_726, %swap3A_727], %swap3A_730 {strides = array<i32>} : memref<280x100xf32, #tpu.memory_space<vmem>>, vector<1x16xf32>,
      %mul3A_731 = arith.mulf %get3A_703, %get3A_691 : vector<16xf32>
      %swap3A_732 = arith.index_cast %scan3A_687 : i32 to index
      %swap3A_733 = arith.constant 32 : index
      %swap3A_734 = tpu.vector_load %arg7[%swap3A_732, %swap3A_733] {strides = array<i32>} : memref<280x100xf32, #tpu.memory_space<vmem>>, vector<1x16xf32>,
      %swap3A_735 = vector.shape_cast %swap3A_734 : vector<1x16xf32> to vector<16xf32>
      %swap3A_736 = vector.shape_cast %mul3A_731 : vector<16xf32> to vector<1x16xf32>
      tpu.vector_store %arg7[%swap3A_732, %swap3A_733], %swap3A_736 {strides = array<i32>} : memref<280x100xf32, #tpu.memory_space<vmem>>, vector<1x16xf32>,
      %mul3A_737 = arith.mulf %get3A_707, %get3A_691 : vector<16xf32>
      %swap3A_738 = arith.index_cast %scan3A_687 : i32 to index
      %swap3A_739 = arith.constant 48 : index
      %swap3A_740 = tpu.vector_load %arg7[%swap3A_738, %swap3A_739] {strides = array<i32>} : memref<280x100xf32, #tpu.memory_space<vmem>>, vector<1x16xf32>,
      %swap3A_741 = vector.shape_cast %swap3A_740 : vector<1x16xf32> to vector<16xf32>
      %swap3A_742 = vector.shape_cast %mul3A_737 : vector<16xf32> to vector<1x16xf32>
      tpu.vector_store %arg7[%swap3A_738, %swap3A_739], %swap3A_742 {strides = array<i32>} : memref<280x100xf32, #tpu.memory_space<vmem>>, vector<1x16xf32>,
      %mul3A_743 = arith.mulf %get3A_711, %get3A_691 : vector<16xf32>
      %swap3A_744 = arith.index_cast %scan3A_687 : i32 to index
      %swap3A_745 = arith.constant 64 : index
      %swap3A_746 = tpu.vector_load %arg7[%swap3A_744, %swap3A_745] {strides = array<i32>} : memref<280x100xf32, #tpu.memory_space<vmem>>, vector<1x16xf32>,
      %swap3A_747 = vector.shape_cast %swap3A_746 : vector<1x16xf32> to vector<16xf32>
      %swap3A_748 = vector.shape_cast %mul3A_743 : vector<16xf32> to vector<1x16xf32>
      tpu.vector_store %arg7[%swap3A_744, %swap3A_745], %swap3A_748 {strides = array<i32>} : memref<280x100xf32, #tpu.memory_space<vmem>>, vector<1x16xf32>,
      %mul3A_749 = arith.mulf %get3A_715, %get3A_691 : vector<16xf32>
      %swap3A_750 = arith.index_cast %scan3A_687 : i32 to index
      %swap3A_751 = arith.constant 80 : index
      %swap3A_752 = tpu.vector_load %arg7[%swap3A_750, %swap3A_751] {strides = array<i32>} : memref<280x100xf32, #tpu.memory_space<vmem>>, vector<1x16xf32>,
      %swap3A_753 = vector.shape_cast %swap3A_752 : vector<1x16xf32> to vector<16xf32>
      %swap3A_754 = vector.shape_cast %mul3A_749 : vector<16xf32> to vector<1x16xf32>
      tpu.vector_store %arg7[%swap3A_750, %swap3A_751], %swap3A_754 {strides = array<i32>} : memref<280x100xf32, #tpu.memory_space<vmem>>, vector<1x16xf32>,
      %mul3A_755 = arith.mulf %get3A_719, %get3A_691 : vector<16xf32>
      %swap3A_756 = arith.index_cast %scan3A_687 : i32 to index
      %swap3A_757 = arith.constant 84 : index
      %swap3A_758 = tpu.vector_load %arg7[%swap3A_756, %swap3A_757] {strides = array<i32>} : memref<280x100xf32, #tpu.memory_space<vmem>>, vector<1x16xf32>,
      %swap3A_759 = vector.shape_cast %swap3A_758 : vector<1x16xf32> to vector<16xf32>
      %swap3A_760 = vector.shape_cast %mul3A_755 : vector<16xf32> to vector<1x16xf32>
      tpu.vector_store %arg7[%swap3A_756, %swap3A_757], %swap3A_760 {strides = array<i32>} : memref<280x100xf32, #tpu.memory_space<vmem>>, vector<1x16xf32>,
    }
    %scan3A_222 = arith.constant 280 : i32
    %add3A_223 = arith.constant 1400 : i32
    %add3A_224 = arith.addi %mul3A_2, %add3A_223 : i32
    %dma_start3A_225 = arith.constant 0 : i32
    %dma_start3A_226 = tpu.memref_slice %arg4[%add3A_224, %dma_start3A_225] : memref<161280x100xf32, #tpu.memory_space<hbm>> -> memref<280x100xf32, #tpu.memory_space<hbm>>
    %dma_start3A_227 = arith.constant 0 : i32
    %dma_start3A_228 = tpu.memref_slice %arg4[%add3A_224, %dma_start3A_227] : memref<161280x100xf32, #tpu.memory_space<hbm>> -> memref<280x100xf32, #tpu.memory_space<hbm>>
    tpu.enqueue_dma source(%arg7 : memref<280x100xf32, #tpu.memory_space<vmem>>) target(%dma_start3A_228 : memref<280x100xf32, #tpu.memory_space<hbm>>) target_semaphore(%arg19 : memref<!tpu.dma_semaphore, #tpu.memory_space<semaphore_mem>>)
    %add3A_229 = arith.constant 1120 : i32
    %add3A_230 = arith.addi %mul3A_2, %add3A_229 : i32
    %dma_wait3A_231 = arith.constant 0 : i32
    %dma_wait3A_232 = tpu.memref_slice %arg4[%add3A_230, %dma_wait3A_231] : memref<161280x100xf32, #tpu.memory_space<hbm>> -> memref<280x100xf32, #tpu.memory_space<hbm>>
    %dma_wait3A_233 = arith.constant 0 : i32
    %dma_wait3A_234 = tpu.memref_slice %arg4[%add3A_230, %dma_wait3A_233] : memref<161280x100xf32, #tpu.memory_space<hbm>> -> memref<280x100xf32, #tpu.memory_space<hbm>>
    tpu.wait_dma2 semaphore(%arg18 : memref<!tpu.dma_semaphore, #tpu.memory_space<semaphore_mem>>) src(%arg6 : memref<280x100xf32, #tpu.memory_space<vmem>>) dst(%dma_wait3A_234 : memref<280x100xf32, #tpu.memory_space<hbm>>)
    %add3A_235 = arith.constant 1960 : i32
    %add3A_236 = arith.addi %mul3A_2, %add3A_235 : i32
    %dma_start3A_237 = arith.constant 0 : i32
    %dma_start3A_238 = tpu.memref_slice %arg2[%add3A_236, %dma_start3A_237] : memref<161280x100xf32, #tpu.memory_space<hbm>> -> memref<280x100xf32, #tpu.memory_space<hbm>>
    %dma_start3A_239 = arith.constant 0 : i32
    %dma_start3A_240 = tpu.memref_slice %arg2[%add3A_236, %dma_start3A_239] : memref<161280x100xf32, #tpu.memory_space<hbm>> -> memref<280x100xf32, #tpu.memory_space<hbm>>
    tpu.enqueue_dma source(%dma_start3A_240 : memref<280x100xf32, #tpu.memory_space<hbm>>) target(%arg6 : memref<280x100xf32, #tpu.memory_space<vmem>>) target_semaphore(%arg12 : memref<!tpu.dma_semaphore, #tpu.memory_space<semaphore_mem>>)
    %add3A_241 = arith.constant 31360 : i32
    %add3A_242 = arith.addi %mul3A_5, %add3A_241 : i32
    %dma_start3A_243 = tpu.memref_slice %arg3[%add3A_242] : memref<645120xf32, #tpu.memory_space<hbm>> -> memref<4480xf32, #tpu.memory_space<hbm>>
    %dma_start3A_244 = tpu.memref_slice %arg3[%add3A_242] : memref<645120xf32, #tpu.memory_space<hbm>> -> memref<4480xf32, #tpu.memory_space<hbm>>
    tpu.enqueue_dma source(%dma_start3A_244 : memref<4480xf32, #tpu.memory_space<hbm>>) target(%arg9 : memref<4480xf32, #tpu.memory_space<vmem>>) target_semaphore(%arg15 : memref<!tpu.dma_semaphore, #tpu.memory_space<semaphore_mem>>)
    %add3A_245 = arith.constant 1680 : i32
    %add3A_246 = arith.addi %mul3A_2, %add3A_245 : i32
    %dma_wait3A_247 = arith.constant 0 : i32
    %dma_wait3A_248 = tpu.memref_slice %arg2[%add3A_246, %dma_wait3A_247] : memref<161280x100xf32, #tpu.memory_space<hbm>> -> memref<280x100xf32, #tpu.memory_space<hbm>>
    %dma_wait3A_249 = arith.constant 0 : i32
    %dma_wait3A_250 = tpu.memref_slice %arg2[%add3A_246, %dma_wait3A_249] : memref<161280x100xf32, #tpu.memory_space<hbm>> -> memref<280x100xf32, #tpu.memory_space<hbm>>
    tpu.wait_dma2 semaphore(%arg11 : memref<!tpu.dma_semaphore, #tpu.memory_space<semaphore_mem>>) src(%dma_wait3A_250 : memref<280x100xf32, #tpu.memory_space<hbm>>) dst(%arg5 : memref<280x100xf32, #tpu.memory_space<vmem>>)
    %add3A_251 = arith.constant 26880 : i32
    %add3A_252 = arith.addi %mul3A_5, %add3A_251 : i32
    %dma_wait3A_253 = tpu.memref_slice %arg3[%add3A_252] : memref<645120xf32, #tpu.memory_space<hbm>> -> memref<4480xf32, #tpu.memory_space<hbm>>
    %dma_wait3A_254 = tpu.memref_slice %arg3[%add3A_252] : memref<645120xf32, #tpu.memory_space<hbm>> -> memref<4480xf32, #tpu.memory_space<hbm>>
    tpu.wait_dma2 semaphore(%arg14 : memref<!tpu.dma_semaphore, #tpu.memory_space<semaphore_mem>>) src(%dma_wait3A_254 : memref<4480xf32, #tpu.memory_space<hbm>>) dst(%arg8 : memref<4480xf32, #tpu.memory_space<vmem>>)
    %scan3A_255 = arith.constant 0 : i32
    %scan3A_256 = arith.constant 0 : i32
    %scan3A_257 = arith.constant 280 : i32
    %scan3A_258 = arith.addi %scan3A_256, %scan3A_257 : i32
    %scan3A_259 = arith.constant 1 : i32
    scf.for %scan3A_687 = %scan3A_256 to %scan3A_258 step %scan3A_259  : i32 {
      %mul3A_688 = arith.constant 16 : i32
      %mul3A_689 = arith.muli %scan3A_687, %mul3A_688 : i32
      %get3A = arith.index_cast %mul3A_689 : i32 to index
      %get3A_690 = tpu.vector_load %arg8[%get3A] {strides = array<i32>} : memref<4480xf32, #tpu.memory_space<vmem>>, vector<16xf32>,
      %get3A_691 = vector.shape_cast %get3A_690 : vector<16xf32> to vector<16xf32>
      %get3A_692 = arith.index_cast %scan3A_687 : i32 to index
      %get3A_693 = arith.constant 0 : index
      %get3A_694 = tpu.vector_load %arg5[%get3A_692, %get3A_693] {strides = array<i32>} : memref<280x100xf32, #tpu.memory_space<vmem>>, vector<1x16xf32>,
      %get3A_695 = vector.shape_cast %get3A_694 : vector<1x16xf32> to vector<16xf32>
      %get3A_696 = arith.index_cast %scan3A_687 : i32 to index
      %get3A_697 = arith.constant 16 : index
      %get3A_698 = tpu.vector_load %arg5[%get3A_696, %get3A_697] {strides = array<i32>} : memref<280x100xf32, #tpu.memory_space<vmem>>, vector<1x16xf32>,
      %get3A_699 = vector.shape_cast %get3A_698 : vector<1x16xf32> to vector<16xf32>
      %get3A_700 = arith.index_cast %scan3A_687 : i32 to index
      %get3A_701 = arith.constant 32 : index
      %get3A_702 = tpu.vector_load %arg5[%get3A_700, %get3A_701] {strides = array<i32>} : memref<280x100xf32, #tpu.memory_space<vmem>>, vector<1x16xf32>,
      %get3A_703 = vector.shape_cast %get3A_702 : vector<1x16xf32> to vector<16xf32>
      %get3A_704 = arith.index_cast %scan3A_687 : i32 to index
      %get3A_705 = arith.constant 48 : index
      %get3A_706 = tpu.vector_load %arg5[%get3A_704, %get3A_705] {strides = array<i32>} : memref<280x100xf32, #tpu.memory_space<vmem>>, vector<1x16xf32>,
      %get3A_707 = vector.shape_cast %get3A_706 : vector<1x16xf32> to vector<16xf32>
      %get3A_708 = arith.index_cast %scan3A_687 : i32 to index
      %get3A_709 = arith.constant 64 : index
      %get3A_710 = tpu.vector_load %arg5[%get3A_708, %get3A_709] {strides = array<i32>} : memref<280x100xf32, #tpu.memory_space<vmem>>, vector<1x16xf32>,
      %get3A_711 = vector.shape_cast %get3A_710 : vector<1x16xf32> to vector<16xf32>
      %get3A_712 = arith.index_cast %scan3A_687 : i32 to index
      %get3A_713 = arith.constant 80 : index
      %get3A_714 = tpu.vector_load %arg5[%get3A_712, %get3A_713] {strides = array<i32>} : memref<280x100xf32, #tpu.memory_space<vmem>>, vector<1x16xf32>,
      %get3A_715 = vector.shape_cast %get3A_714 : vector<1x16xf32> to vector<16xf32>
      %get3A_716 = arith.index_cast %scan3A_687 : i32 to index
      %get3A_717 = arith.constant 84 : index
      %get3A_718 = tpu.vector_load %arg5[%get3A_716, %get3A_717] {strides = array<i32>} : memref<280x100xf32, #tpu.memory_space<vmem>>, vector<1x16xf32>,
      %get3A_719 = vector.shape_cast %get3A_718 : vector<1x16xf32> to vector<16xf32>
      %mul3A_720 = arith.mulf %get3A_695, %get3A_691 : vector<16xf32>
      %swap3A = arith.index_cast %scan3A_687 : i32 to index
      %swap3A_721 = arith.constant 0 : index
      %swap3A_722 = tpu.vector_load %arg5[%swap3A, %swap3A_721] {strides = array<i32>} : memref<280x100xf32, #tpu.memory_space<vmem>>, vector<1x16xf32>,
      %swap3A_723 = vector.shape_cast %swap3A_722 : vector<1x16xf32> to vector<16xf32>
      %swap3A_724 = vector.shape_cast %mul3A_720 : vector<16xf32> to vector<1x16xf32>
      tpu.vector_store %arg5[%swap3A, %swap3A_721], %swap3A_724 {strides = array<i32>} : memref<280x100xf32, #tpu.memory_space<vmem>>, vector<1x16xf32>,
      %mul3A_725 = arith.mulf %get3A_699, %get3A_691 : vector<16xf32>
      %swap3A_726 = arith.index_cast %scan3A_687 : i32 to index
      %swap3A_727 = arith.constant 16 : index
      %swap3A_728 = tpu.vector_load %arg5[%swap3A_726, %swap3A_727] {strides = array<i32>} : memref<280x100xf32, #tpu.memory_space<vmem>>, vector<1x16xf32>,
      %swap3A_729 = vector.shape_cast %swap3A_728 : vector<1x16xf32> to vector<16xf32>
      %swap3A_730 = vector.shape_cast %mul3A_725 : vector<16xf32> to vector<1x16xf32>
      tpu.vector_store %arg5[%swap3A_726, %swap3A_727], %swap3A_730 {strides = array<i32>} : memref<280x100xf32, #tpu.memory_space<vmem>>, vector<1x16xf32>,
      %mul3A_731 = arith.mulf %get3A_703, %get3A_691 : vector<16xf32>
      %swap3A_732 = arith.index_cast %scan3A_687 : i32 to index
      %swap3A_733 = arith.constant 32 : index
      %swap3A_734 = tpu.vector_load %arg5[%swap3A_732, %swap3A_733] {strides = array<i32>} : memref<280x100xf32, #tpu.memory_space<vmem>>, vector<1x16xf32>,
      %swap3A_735 = vector.shape_cast %swap3A_734 : vector<1x16xf32> to vector<16xf32>
      %swap3A_736 = vector.shape_cast %mul3A_731 : vector<16xf32> to vector<1x16xf32>
      tpu.vector_store %arg5[%swap3A_732, %swap3A_733], %swap3A_736 {strides = array<i32>} : memref<280x100xf32, #tpu.memory_space<vmem>>, vector<1x16xf32>,
      %mul3A_737 = arith.mulf %get3A_707, %get3A_691 : vector<16xf32>
      %swap3A_738 = arith.index_cast %scan3A_687 : i32 to index
      %swap3A_739 = arith.constant 48 : index
      %swap3A_740 = tpu.vector_load %arg5[%swap3A_738, %swap3A_739] {strides = array<i32>} : memref<280x100xf32, #tpu.memory_space<vmem>>, vector<1x16xf32>,
      %swap3A_741 = vector.shape_cast %swap3A_740 : vector<1x16xf32> to vector<16xf32>
      %swap3A_742 = vector.shape_cast %mul3A_737 : vector<16xf32> to vector<1x16xf32>
      tpu.vector_store %arg5[%swap3A_738, %swap3A_739], %swap3A_742 {strides = array<i32>} : memref<280x100xf32, #tpu.memory_space<vmem>>, vector<1x16xf32>,
      %mul3A_743 = arith.mulf %get3A_711, %get3A_691 : vector<16xf32>
      %swap3A_744 = arith.index_cast %scan3A_687 : i32 to index
      %swap3A_745 = arith.constant 64 : index
      %swap3A_746 = tpu.vector_load %arg5[%swap3A_744, %swap3A_745] {strides = array<i32>} : memref<280x100xf32, #tpu.memory_space<vmem>>, vector<1x16xf32>,
      %swap3A_747 = vector.shape_cast %swap3A_746 : vector<1x16xf32> to vector<16xf32>
      %swap3A_748 = vector.shape_cast %mul3A_743 : vector<16xf32> to vector<1x16xf32>
      tpu.vector_store %arg5[%swap3A_744, %swap3A_745], %swap3A_748 {strides = array<i32>} : memref<280x100xf32, #tpu.memory_space<vmem>>, vector<1x16xf32>,
      %mul3A_749 = arith.mulf %get3A_715, %get3A_691 : vector<16xf32>
      %swap3A_750 = arith.index_cast %scan3A_687 : i32 to index
      %swap3A_751 = arith.constant 80 : index
      %swap3A_752 = tpu.vector_load %arg5[%swap3A_750, %swap3A_751] {strides = array<i32>} : memref<280x100xf32, #tpu.memory_space<vmem>>, vector<1x16xf32>,
      %swap3A_753 = vector.shape_cast %swap3A_752 : vector<1x16xf32> to vector<16xf32>
      %swap3A_754 = vector.shape_cast %mul3A_749 : vector<16xf32> to vector<1x16xf32>
      tpu.vector_store %arg5[%swap3A_750, %swap3A_751], %swap3A_754 {strides = array<i32>} : memref<280x100xf32, #tpu.memory_space<vmem>>, vector<1x16xf32>,
      %mul3A_755 = arith.mulf %get3A_719, %get3A_691 : vector<16xf32>
      %swap3A_756 = arith.index_cast %scan3A_687 : i32 to index
      %swap3A_757 = arith.constant 84 : index
      %swap3A_758 = tpu.vector_load %arg5[%swap3A_756, %swap3A_757] {strides = array<i32>} : memref<280x100xf32, #tpu.memory_space<vmem>>, vector<1x16xf32>,
      %swap3A_759 = vector.shape_cast %swap3A_758 : vector<1x16xf32> to vector<16xf32>
      %swap3A_760 = vector.shape_cast %mul3A_755 : vector<16xf32> to vector<1x16xf32>
      tpu.vector_store %arg5[%swap3A_756, %swap3A_757], %swap3A_760 {strides = array<i32>} : memref<280x100xf32, #tpu.memory_space<vmem>>, vector<1x16xf32>,
    }
    %scan3A_260 = arith.constant 280 : i32
    %add3A_261 = arith.constant 1680 : i32
    %add3A_262 = arith.addi %mul3A_2, %add3A_261 : i32
    %dma_start3A_263 = arith.constant 0 : i32
    %dma_start3A_264 = tpu.memref_slice %arg4[%add3A_262, %dma_start3A_263] : memref<161280x100xf32, #tpu.memory_space<hbm>> -> memref<280x100xf32, #tpu.memory_space<hbm>>
    %dma_start3A_265 = arith.constant 0 : i32
    %dma_start3A_266 = tpu.memref_slice %arg4[%add3A_262, %dma_start3A_265] : memref<161280x100xf32, #tpu.memory_space<hbm>> -> memref<280x100xf32, #tpu.memory_space<hbm>>
    tpu.enqueue_dma source(%arg5 : memref<280x100xf32, #tpu.memory_space<vmem>>) target(%dma_start3A_266 : memref<280x100xf32, #tpu.memory_space<hbm>>) target_semaphore(%arg17 : memref<!tpu.dma_semaphore, #tpu.memory_space<semaphore_mem>>)
    %add3A_267 = arith.constant 1400 : i32
    %add3A_268 = arith.addi %mul3A_2, %add3A_267 : i32
    %dma_wait3A_269 = arith.constant 0 : i32
    %dma_wait3A_270 = tpu.memref_slice %arg4[%add3A_268, %dma_wait3A_269] : memref<161280x100xf32, #tpu.memory_space<hbm>> -> memref<280x100xf32, #tpu.memory_space<hbm>>
    %dma_wait3A_271 = arith.constant 0 : i32
    %dma_wait3A_272 = tpu.memref_slice %arg4[%add3A_268, %dma_wait3A_271] : memref<161280x100xf32, #tpu.memory_space<hbm>> -> memref<280x100xf32, #tpu.memory_space<hbm>>
    tpu.wait_dma2 semaphore(%arg19 : memref<!tpu.dma_semaphore, #tpu.memory_space<semaphore_mem>>) src(%arg7 : memref<280x100xf32, #tpu.memory_space<vmem>>) dst(%dma_wait3A_272 : memref<280x100xf32, #tpu.memory_space<hbm>>)
    %add3A_273 = arith.constant 2240 : i32
    %add3A_274 = arith.addi %mul3A_2, %add3A_273 : i32
    %dma_start3A_275 = arith.constant 0 : i32
    %dma_start3A_276 = tpu.memref_slice %arg2[%add3A_274, %dma_start3A_275] : memref<161280x100xf32, #tpu.memory_space<hbm>> -> memref<280x100xf32, #tpu.memory_space<hbm>>
    %dma_start3A_277 = arith.constant 0 : i32
    %dma_start3A_278 = tpu.memref_slice %arg2[%add3A_274, %dma_start3A_277] : memref<161280x100xf32, #tpu.memory_space<hbm>> -> memref<280x100xf32, #tpu.memory_space<hbm>>
    tpu.enqueue_dma source(%dma_start3A_278 : memref<280x100xf32, #tpu.memory_space<hbm>>) target(%arg7 : memref<280x100xf32, #tpu.memory_space<vmem>>) target_semaphore(%arg13 : memref<!tpu.dma_semaphore, #tpu.memory_space<semaphore_mem>>)
    %add3A_279 = arith.constant 35840 : i32
    %add3A_280 = arith.addi %mul3A_5, %add3A_279 : i32
    %dma_start3A_281 = tpu.memref_slice %arg3[%add3A_280] : memref<645120xf32, #tpu.memory_space<hbm>> -> memref<4480xf32, #tpu.memory_space<hbm>>
    %dma_start3A_282 = tpu.memref_slice %arg3[%add3A_280] : memref<645120xf32, #tpu.memory_space<hbm>> -> memref<4480xf32, #tpu.memory_space<hbm>>
    tpu.enqueue_dma source(%dma_start3A_282 : memref<4480xf32, #tpu.memory_space<hbm>>) target(%arg10 : memref<4480xf32, #tpu.memory_space<vmem>>) target_semaphore(%arg16 : memref<!tpu.dma_semaphore, #tpu.memory_space<semaphore_mem>>)
    %add3A_283 = arith.constant 1960 : i32
    %add3A_284 = arith.addi %mul3A_2, %add3A_283 : i32
    %dma_wait3A_285 = arith.constant 0 : i32
    %dma_wait3A_286 = tpu.memref_slice %arg2[%add3A_284, %dma_wait3A_285] : memref<161280x100xf32, #tpu.memory_space<hbm>> -> memref<280x100xf32, #tpu.memory_space<hbm>>
    %dma_wait3A_287 = arith.constant 0 : i32
    %dma_wait3A_288 = tpu.memref_slice %arg2[%add3A_284, %dma_wait3A_287] : memref<161280x100xf32, #tpu.memory_space<hbm>> -> memref<280x100xf32, #tpu.memory_space<hbm>>
    tpu.wait_dma2 semaphore(%arg12 : memref<!tpu.dma_semaphore, #tpu.memory_space<semaphore_mem>>) src(%dma_wait3A_288 : memref<280x100xf32, #tpu.memory_space<hbm>>) dst(%arg6 : memref<280x100xf32, #tpu.memory_space<vmem>>)
    %add3A_289 = arith.constant 31360 : i32
    %add3A_290 = arith.addi %mul3A_5, %add3A_289 : i32
    %dma_wait3A_291 = tpu.memref_slice %arg3[%add3A_290] : memref<645120xf32, #tpu.memory_space<hbm>> -> memref<4480xf32, #tpu.memory_space<hbm>>
    %dma_wait3A_292 = tpu.memref_slice %arg3[%add3A_290] : memref<645120xf32, #tpu.memory_space<hbm>> -> memref<4480xf32, #tpu.memory_space<hbm>>
    tpu.wait_dma2 semaphore(%arg15 : memref<!tpu.dma_semaphore, #tpu.memory_space<semaphore_mem>>) src(%dma_wait3A_292 : memref<4480xf32, #tpu.memory_space<hbm>>) dst(%arg9 : memref<4480xf32, #tpu.memory_space<vmem>>)
    %scan3A_293 = arith.constant 0 : i32
    %scan3A_294 = arith.constant 0 : i32
    %scan3A_295 = arith.constant 280 : i32
    %scan3A_296 = arith.addi %scan3A_294, %scan3A_295 : i32
    %scan3A_297 = arith.constant 1 : i32
    scf.for %scan3A_687 = %scan3A_294 to %scan3A_296 step %scan3A_297  : i32 {
      %mul3A_688 = arith.constant 16 : i32
      %mul3A_689 = arith.muli %scan3A_687, %mul3A_688 : i32
      %get3A = arith.index_cast %mul3A_689 : i32 to index
      %get3A_690 = tpu.vector_load %arg9[%get3A] {strides = array<i32>} : memref<4480xf32, #tpu.memory_space<vmem>>, vector<16xf32>,
      %get3A_691 = vector.shape_cast %get3A_690 : vector<16xf32> to vector<16xf32>
      %get3A_692 = arith.index_cast %scan3A_687 : i32 to index
      %get3A_693 = arith.constant 0 : index
      %get3A_694 = tpu.vector_load %arg6[%get3A_692, %get3A_693] {strides = array<i32>} : memref<280x100xf32, #tpu.memory_space<vmem>>, vector<1x16xf32>,
      %get3A_695 = vector.shape_cast %get3A_694 : vector<1x16xf32> to vector<16xf32>
      %get3A_696 = arith.index_cast %scan3A_687 : i32 to index
      %get3A_697 = arith.constant 16 : index
      %get3A_698 = tpu.vector_load %arg6[%get3A_696, %get3A_697] {strides = array<i32>} : memref<280x100xf32, #tpu.memory_space<vmem>>, vector<1x16xf32>,
      %get3A_699 = vector.shape_cast %get3A_698 : vector<1x16xf32> to vector<16xf32>
      %get3A_700 = arith.index_cast %scan3A_687 : i32 to index
      %get3A_701 = arith.constant 32 : index
      %get3A_702 = tpu.vector_load %arg6[%get3A_700, %get3A_701] {strides = array<i32>} : memref<280x100xf32, #tpu.memory_space<vmem>>, vector<1x16xf32>,
      %get3A_703 = vector.shape_cast %get3A_702 : vector<1x16xf32> to vector<16xf32>
      %get3A_704 = arith.index_cast %scan3A_687 : i32 to index
      %get3A_705 = arith.constant 48 : index
      %get3A_706 = tpu.vector_load %arg6[%get3A_704, %get3A_705] {strides = array<i32>} : memref<280x100xf32, #tpu.memory_space<vmem>>, vector<1x16xf32>,
      %get3A_707 = vector.shape_cast %get3A_706 : vector<1x16xf32> to vector<16xf32>
      %get3A_708 = arith.index_cast %scan3A_687 : i32 to index
      %get3A_709 = arith.constant 64 : index
      %get3A_710 = tpu.vector_load %arg6[%get3A_708, %get3A_709] {strides = array<i32>} : memref<280x100xf32, #tpu.memory_space<vmem>>, vector<1x16xf32>,
      %get3A_711 = vector.shape_cast %get3A_710 : vector<1x16xf32> to vector<16xf32>
      %get3A_712 = arith.index_cast %scan3A_687 : i32 to index
      %get3A_713 = arith.constant 80 : index
      %get3A_714 = tpu.vector_load %arg6[%get3A_712, %get3A_713] {strides = array<i32>} : memref<280x100xf32, #tpu.memory_space<vmem>>, vector<1x16xf32>,
      %get3A_715 = vector.shape_cast %get3A_714 : vector<1x16xf32> to vector<16xf32>
      %get3A_716 = arith.index_cast %scan3A_687 : i32 to index
      %get3A_717 = arith.constant 84 : index
      %get3A_718 = tpu.vector_load %arg6[%get3A_716, %get3A_717] {strides = array<i32>} : memref<280x100xf32, #tpu.memory_space<vmem>>, vector<1x16xf32>,
      %get3A_719 = vector.shape_cast %get3A_718 : vector<1x16xf32> to vector<16xf32>
      %mul3A_720 = arith.mulf %get3A_695, %get3A_691 : vector<16xf32>
      %swap3A = arith.index_cast %scan3A_687 : i32 to index
      %swap3A_721 = arith.constant 0 : index
      %swap3A_722 = tpu.vector_load %arg6[%swap3A, %swap3A_721] {strides = array<i32>} : memref<280x100xf32, #tpu.memory_space<vmem>>, vector<1x16xf32>,
      %swap3A_723 = vector.shape_cast %swap3A_722 : vector<1x16xf32> to vector<16xf32>
      %swap3A_724 = vector.shape_cast %mul3A_720 : vector<16xf32> to vector<1x16xf32>
      tpu.vector_store %arg6[%swap3A, %swap3A_721], %swap3A_724 {strides = array<i32>} : memref<280x100xf32, #tpu.memory_space<vmem>>, vector<1x16xf32>,
      %mul3A_725 = arith.mulf %get3A_699, %get3A_691 : vector<16xf32>
      %swap3A_726 = arith.index_cast %scan3A_687 : i32 to index
      %swap3A_727 = arith.constant 16 : index
      %swap3A_728 = tpu.vector_load %arg6[%swap3A_726, %swap3A_727] {strides = array<i32>} : memref<280x100xf32, #tpu.memory_space<vmem>>, vector<1x16xf32>,
      %swap3A_729 = vector.shape_cast %swap3A_728 : vector<1x16xf32> to vector<16xf32>
      %swap3A_730 = vector.shape_cast %mul3A_725 : vector<16xf32> to vector<1x16xf32>
      tpu.vector_store %arg6[%swap3A_726, %swap3A_727], %swap3A_730 {strides = array<i32>} : memref<280x100xf32, #tpu.memory_space<vmem>>, vector<1x16xf32>,
      %mul3A_731 = arith.mulf %get3A_703, %get3A_691 : vector<16xf32>
      %swap3A_732 = arith.index_cast %scan3A_687 : i32 to index
      %swap3A_733 = arith.constant 32 : index
      %swap3A_734 = tpu.vector_load %arg6[%swap3A_732, %swap3A_733] {strides = array<i32>} : memref<280x100xf32, #tpu.memory_space<vmem>>, vector<1x16xf32>,
      %swap3A_735 = vector.shape_cast %swap3A_734 : vector<1x16xf32> to vector<16xf32>
      %swap3A_736 = vector.shape_cast %mul3A_731 : vector<16xf32> to vector<1x16xf32>
      tpu.vector_store %arg6[%swap3A_732, %swap3A_733], %swap3A_736 {strides = array<i32>} : memref<280x100xf32, #tpu.memory_space<vmem>>, vector<1x16xf32>,
      %mul3A_737 = arith.mulf %get3A_707, %get3A_691 : vector<16xf32>
      %swap3A_738 = arith.index_cast %scan3A_687 : i32 to index
      %swap3A_739 = arith.constant 48 : index
      %swap3A_740 = tpu.vector_load %arg6[%swap3A_738, %swap3A_739] {strides = array<i32>} : memref<280x100xf32, #tpu.memory_space<vmem>>, vector<1x16xf32>,
      %swap3A_741 = vector.shape_cast %swap3A_740 : vector<1x16xf32> to vector<16xf32>
      %swap3A_742 = vector.shape_cast %mul3A_737 : vector<16xf32> to vector<1x16xf32>
      tpu.vector_store %arg6[%swap3A_738, %swap3A_739], %swap3A_742 {strides = array<i32>} : memref<280x100xf32, #tpu.memory_space<vmem>>, vector<1x16xf32>,
      %mul3A_743 = arith.mulf %get3A_711, %get3A_691 : vector<16xf32>
      %swap3A_744 = arith.index_cast %scan3A_687 : i32 to index
      %swap3A_745 = arith.constant 64 : index
      %swap3A_746 = tpu.vector_load %arg6[%swap3A_744, %swap3A_745] {strides = array<i32>} : memref<280x100xf32, #tpu.memory_space<vmem>>, vector<1x16xf32>,
      %swap3A_747 = vector.shape_cast %swap3A_746 : vector<1x16xf32> to vector<16xf32>
      %swap3A_748 = vector.shape_cast %mul3A_743 : vector<16xf32> to vector<1x16xf32>
      tpu.vector_store %arg6[%swap3A_744, %swap3A_745], %swap3A_748 {strides = array<i32>} : memref<280x100xf32, #tpu.memory_space<vmem>>, vector<1x16xf32>,
      %mul3A_749 = arith.mulf %get3A_715, %get3A_691 : vector<16xf32>
      %swap3A_750 = arith.index_cast %scan3A_687 : i32 to index
      %swap3A_751 = arith.constant 80 : index
      %swap3A_752 = tpu.vector_load %arg6[%swap3A_750, %swap3A_751] {strides = array<i32>} : memref<280x100xf32, #tpu.memory_space<vmem>>, vector<1x16xf32>,
      %swap3A_753 = vector.shape_cast %swap3A_752 : vector<1x16xf32> to vector<16xf32>
      %swap3A_754 = vector.shape_cast %mul3A_749 : vector<16xf32> to vector<1x16xf32>
      tpu.vector_store %arg6[%swap3A_750, %swap3A_751], %swap3A_754 {strides = array<i32>} : memref<280x100xf32, #tpu.memory_space<vmem>>, vector<1x16xf32>,
      %mul3A_755 = arith.mulf %get3A_719, %get3A_691 : vector<16xf32>
      %swap3A_756 = arith.index_cast %scan3A_687 : i32 to index
      %swap3A_757 = arith.constant 84 : index
      %swap3A_758 = tpu.vector_load %arg6[%swap3A_756, %swap3A_757] {strides = array<i32>} : memref<280x100xf32, #tpu.memory_space<vmem>>, vector<1x16xf32>,
      %swap3A_759 = vector.shape_cast %swap3A_758 : vector<1x16xf32> to vector<16xf32>
      %swap3A_760 = vector.shape_cast %mul3A_755 : vector<16xf32> to vector<1x16xf32>
      tpu.vector_store %arg6[%swap3A_756, %swap3A_757], %swap3A_760 {strides = array<i32>} : memref<280x100xf32, #tpu.memory_space<vmem>>, vector<1x16xf32>,
    }
    %scan3A_298 = arith.constant 280 : i32
    %add3A_299 = arith.constant 1960 : i32
    %add3A_300 = arith.addi %mul3A_2, %add3A_299 : i32
    %dma_start3A_301 = arith.constant 0 : i32
    %dma_start3A_302 = tpu.memref_slice %arg4[%add3A_300, %dma_start3A_301] : memref<161280x100xf32, #tpu.memory_space<hbm>> -> memref<280x100xf32, #tpu.memory_space<hbm>>
    %dma_start3A_303 = arith.constant 0 : i32
    %dma_start3A_304 = tpu.memref_slice %arg4[%add3A_300, %dma_start3A_303] : memref<161280x100xf32, #tpu.memory_space<hbm>> -> memref<280x100xf32, #tpu.memory_space<hbm>>
    tpu.enqueue_dma source(%arg6 : memref<280x100xf32, #tpu.memory_space<vmem>>) target(%dma_start3A_304 : memref<280x100xf32, #tpu.memory_space<hbm>>) target_semaphore(%arg18 : memref<!tpu.dma_semaphore, #tpu.memory_space<semaphore_mem>>)
    %add3A_305 = arith.constant 1680 : i32
    %add3A_306 = arith.addi %mul3A_2, %add3A_305 : i32
    %dma_wait3A_307 = arith.constant 0 : i32
    %dma_wait3A_308 = tpu.memref_slice %arg4[%add3A_306, %dma_wait3A_307] : memref<161280x100xf32, #tpu.memory_space<hbm>> -> memref<280x100xf32, #tpu.memory_space<hbm>>
    %dma_wait3A_309 = arith.constant 0 : i32
    %dma_wait3A_310 = tpu.memref_slice %arg4[%add3A_306, %dma_wait3A_309] : memref<161280x100xf32, #tpu.memory_space<hbm>> -> memref<280x100xf32, #tpu.memory_space<hbm>>
    tpu.wait_dma2 semaphore(%arg17 : memref<!tpu.dma_semaphore, #tpu.memory_space<semaphore_mem>>) src(%arg5 : memref<280x100xf32, #tpu.memory_space<vmem>>) dst(%dma_wait3A_310 : memref<280x100xf32, #tpu.memory_space<hbm>>)
    %add3A_311 = arith.constant 2520 : i32
    %add3A_312 = arith.addi %mul3A_2, %add3A_311 : i32
    %dma_start3A_313 = arith.constant 0 : i32
    %dma_start3A_314 = tpu.memref_slice %arg2[%add3A_312, %dma_start3A_313] : memref<161280x100xf32, #tpu.memory_space<hbm>> -> memref<280x100xf32, #tpu.memory_space<hbm>>
    %dma_start3A_315 = arith.constant 0 : i32
    %dma_start3A_316 = tpu.memref_slice %arg2[%add3A_312, %dma_start3A_315] : memref<161280x100xf32, #tpu.memory_space<hbm>> -> memref<280x100xf32, #tpu.memory_space<hbm>>
    tpu.enqueue_dma source(%dma_start3A_316 : memref<280x100xf32, #tpu.memory_space<hbm>>) target(%arg5 : memref<280x100xf32, #tpu.memory_space<vmem>>) target_semaphore(%arg11 : memref<!tpu.dma_semaphore, #tpu.memory_space<semaphore_mem>>)
    %add3A_317 = arith.constant 40320 : i32
    %add3A_318 = arith.addi %mul3A_5, %add3A_317 : i32
    %dma_start3A_319 = tpu.memref_slice %arg3[%add3A_318] : memref<645120xf32, #tpu.memory_space<hbm>> -> memref<4480xf32, #tpu.memory_space<hbm>>
    %dma_start3A_320 = tpu.memref_slice %arg3[%add3A_318] : memref<645120xf32, #tpu.memory_space<hbm>> -> memref<4480xf32, #tpu.memory_space<hbm>>
    tpu.enqueue_dma source(%dma_start3A_320 : memref<4480xf32, #tpu.memory_space<hbm>>) target(%arg8 : memref<4480xf32, #tpu.memory_space<vmem>>) target_semaphore(%arg14 : memref<!tpu.dma_semaphore, #tpu.memory_space<semaphore_mem>>)
    %add3A_321 = arith.constant 2240 : i32
    %add3A_322 = arith.addi %mul3A_2, %add3A_321 : i32
    %dma_wait3A_323 = arith.constant 0 : i32
    %dma_wait3A_324 = tpu.memref_slice %arg2[%add3A_322, %dma_wait3A_323] : memref<161280x100xf32, #tpu.memory_space<hbm>> -> memref<280x100xf32, #tpu.memory_space<hbm>>
    %dma_wait3A_325 = arith.constant 0 : i32
    %dma_wait3A_326 = tpu.memref_slice %arg2[%add3A_322, %dma_wait3A_325] : memref<161280x100xf32, #tpu.memory_space<hbm>> -> memref<280x100xf32, #tpu.memory_space<hbm>>
    tpu.wait_dma2 semaphore(%arg13 : memref<!tpu.dma_semaphore, #tpu.memory_space<semaphore_mem>>) src(%dma_wait3A_326 : memref<280x100xf32, #tpu.memory_space<hbm>>) dst(%arg7 : memref<280x100xf32, #tpu.memory_space<vmem>>)
    %add3A_327 = arith.constant 35840 : i32
    %add3A_328 = arith.addi %mul3A_5, %add3A_327 : i32
    %dma_wait3A_329 = tpu.memref_slice %arg3[%add3A_328] : memref<645120xf32, #tpu.memory_space<hbm>> -> memref<4480xf32, #tpu.memory_space<hbm>>
    %dma_wait3A_330 = tpu.memref_slice %arg3[%add3A_328] : memref<645120xf32, #tpu.memory_space<hbm>> -> memref<4480xf32, #tpu.memory_space<hbm>>
    tpu.wait_dma2 semaphore(%arg16 : memref<!tpu.dma_semaphore, #tpu.memory_space<semaphore_mem>>) src(%dma_wait3A_330 : memref<4480xf32, #tpu.memory_space<hbm>>) dst(%arg10 : memref<4480xf32, #tpu.memory_space<vmem>>)
    %scan3A_331 = arith.constant 0 : i32
    %scan3A_332 = arith.constant 0 : i32
    %scan3A_333 = arith.constant 280 : i32
    %scan3A_334 = arith.addi %scan3A_332, %scan3A_333 : i32
    %scan3A_335 = arith.constant 1 : i32
    scf.for %scan3A_687 = %scan3A_332 to %scan3A_334 step %scan3A_335  : i32 {
      %mul3A_688 = arith.constant 16 : i32
      %mul3A_689 = arith.muli %scan3A_687, %mul3A_688 : i32
      %get3A = arith.index_cast %mul3A_689 : i32 to index
      %get3A_690 = tpu.vector_load %arg10[%get3A] {strides = array<i32>} : memref<4480xf32, #tpu.memory_space<vmem>>, vector<16xf32>,
      %get3A_691 = vector.shape_cast %get3A_690 : vector<16xf32> to vector<16xf32>
      %get3A_692 = arith.index_cast %scan3A_687 : i32 to index
      %get3A_693 = arith.constant 0 : index
      %get3A_694 = tpu.vector_load %arg7[%get3A_692, %get3A_693] {strides = array<i32>} : memref<280x100xf32, #tpu.memory_space<vmem>>, vector<1x16xf32>,
      %get3A_695 = vector.shape_cast %get3A_694 : vector<1x16xf32> to vector<16xf32>
      %get3A_696 = arith.index_cast %scan3A_687 : i32 to index
      %get3A_697 = arith.constant 16 : index
      %get3A_698 = tpu.vector_load %arg7[%get3A_696, %get3A_697] {strides = array<i32>} : memref<280x100xf32, #tpu.memory_space<vmem>>, vector<1x16xf32>,
      %get3A_699 = vector.shape_cast %get3A_698 : vector<1x16xf32> to vector<16xf32>
      %get3A_700 = arith.index_cast %scan3A_687 : i32 to index
      %get3A_701 = arith.constant 32 : index
      %get3A_702 = tpu.vector_load %arg7[%get3A_700, %get3A_701] {strides = array<i32>} : memref<280x100xf32, #tpu.memory_space<vmem>>, vector<1x16xf32>,
      %get3A_703 = vector.shape_cast %get3A_702 : vector<1x16xf32> to vector<16xf32>
      %get3A_704 = arith.index_cast %scan3A_687 : i32 to index
      %get3A_705 = arith.constant 48 : index
      %get3A_706 = tpu.vector_load %arg7[%get3A_704, %get3A_705] {strides = array<i32>} : memref<280x100xf32, #tpu.memory_space<vmem>>, vector<1x16xf32>,
      %get3A_707 = vector.shape_cast %get3A_706 : vector<1x16xf32> to vector<16xf32>
      %get3A_708 = arith.index_cast %scan3A_687 : i32 to index
      %get3A_709 = arith.constant 64 : index
      %get3A_710 = tpu.vector_load %arg7[%get3A_708, %get3A_709] {strides = array<i32>} : memref<280x100xf32, #tpu.memory_space<vmem>>, vector<1x16xf32>,
      %get3A_711 = vector.shape_cast %get3A_710 : vector<1x16xf32> to vector<16xf32>
      %get3A_712 = arith.index_cast %scan3A_687 : i32 to index
      %get3A_713 = arith.constant 80 : index
      %get3A_714 = tpu.vector_load %arg7[%get3A_712, %get3A_713] {strides = array<i32>} : memref<280x100xf32, #tpu.memory_space<vmem>>, vector<1x16xf32>,
      %get3A_715 = vector.shape_cast %get3A_714 : vector<1x16xf32> to vector<16xf32>
      %get3A_716 = arith.index_cast %scan3A_687 : i32 to index
      %get3A_717 = arith.constant 84 : index
      %get3A_718 = tpu.vector_load %arg7[%get3A_716, %get3A_717] {strides = array<i32>} : memref<280x100xf32, #tpu.memory_space<vmem>>, vector<1x16xf32>,
      %get3A_719 = vector.shape_cast %get3A_718 : vector<1x16xf32> to vector<16xf32>
      %mul3A_720 = arith.mulf %get3A_695, %get3A_691 : vector<16xf32>
      %swap3A = arith.index_cast %scan3A_687 : i32 to index
      %swap3A_721 = arith.constant 0 : index
      %swap3A_722 = tpu.vector_load %arg7[%swap3A, %swap3A_721] {strides = array<i32>} : memref<280x100xf32, #tpu.memory_space<vmem>>, vector<1x16xf32>,
      %swap3A_723 = vector.shape_cast %swap3A_722 : vector<1x16xf32> to vector<16xf32>
      %swap3A_724 = vector.shape_cast %mul3A_720 : vector<16xf32> to vector<1x16xf32>
      tpu.vector_store %arg7[%swap3A, %swap3A_721], %swap3A_724 {strides = array<i32>} : memref<280x100xf32, #tpu.memory_space<vmem>>, vector<1x16xf32>,
      %mul3A_725 = arith.mulf %get3A_699, %get3A_691 : vector<16xf32>
      %swap3A_726 = arith.index_cast %scan3A_687 : i32 to index
      %swap3A_727 = arith.constant 16 : index
      %swap3A_728 = tpu.vector_load %arg7[%swap3A_726, %swap3A_727] {strides = array<i32>} : memref<280x100xf32, #tpu.memory_space<vmem>>, vector<1x16xf32>,
      %swap3A_729 = vector.shape_cast %swap3A_728 : vector<1x16xf32> to vector<16xf32>
      %swap3A_730 = vector.shape_cast %mul3A_725 : vector<16xf32> to vector<1x16xf32>
      tpu.vector_store %arg7[%swap3A_726, %swap3A_727], %swap3A_730 {strides = array<i32>} : memref<280x100xf32, #tpu.memory_space<vmem>>, vector<1x16xf32>,
      %mul3A_731 = arith.mulf %get3A_703, %get3A_691 : vector<16xf32>
      %swap3A_732 = arith.index_cast %scan3A_687 : i32 to index
      %swap3A_733 = arith.constant 32 : index
      %swap3A_734 = tpu.vector_load %arg7[%swap3A_732, %swap3A_733] {strides = array<i32>} : memref<280x100xf32, #tpu.memory_space<vmem>>, vector<1x16xf32>,
      %swap3A_735 = vector.shape_cast %swap3A_734 : vector<1x16xf32> to vector<16xf32>
      %swap3A_736 = vector.shape_cast %mul3A_731 : vector<16xf32> to vector<1x16xf32>
      tpu.vector_store %arg7[%swap3A_732, %swap3A_733], %swap3A_736 {strides = array<i32>} : memref<280x100xf32, #tpu.memory_space<vmem>>, vector<1x16xf32>,
      %mul3A_737 = arith.mulf %get3A_707, %get3A_691 : vector<16xf32>
      %swap3A_738 = arith.index_cast %scan3A_687 : i32 to index
      %swap3A_739 = arith.constant 48 : index
      %swap3A_740 = tpu.vector_load %arg7[%swap3A_738, %swap3A_739] {strides = array<i32>} : memref<280x100xf32, #tpu.memory_space<vmem>>, vector<1x16xf32>,
      %swap3A_741 = vector.shape_cast %swap3A_740 : vector<1x16xf32> to vector<16xf32>
      %swap3A_742 = vector.shape_cast %mul3A_737 : vector<16xf32> to vector<1x16xf32>
      tpu.vector_store %arg7[%swap3A_738, %swap3A_739], %swap3A_742 {strides = array<i32>} : memref<280x100xf32, #tpu.memory_space<vmem>>, vector<1x16xf32>,
      %mul3A_743 = arith.mulf %get3A_711, %get3A_691 : vector<16xf32>
      %swap3A_744 = arith.index_cast %scan3A_687 : i32 to index
      %swap3A_745 = arith.constant 64 : index
      %swap3A_746 = tpu.vector_load %arg7[%swap3A_744, %swap3A_745] {strides = array<i32>} : memref<280x100xf32, #tpu.memory_space<vmem>>, vector<1x16xf32>,
      %swap3A_747 = vector.shape_cast %swap3A_746 : vector<1x16xf32> to vector<16xf32>
      %swap3A_748 = vector.shape_cast %mul3A_743 : vector<16xf32> to vector<1x16xf32>
      tpu.vector_store %arg7[%swap3A_744, %swap3A_745], %swap3A_748 {strides = array<i32>} : memref<280x100xf32, #tpu.memory_space<vmem>>, vector<1x16xf32>,
      %mul3A_749 = arith.mulf %get3A_715, %get3A_691 : vector<16xf32>
      %swap3A_750 = arith.index_cast %scan3A_687 : i32 to index
      %swap3A_751 = arith.constant 80 : index
      %swap3A_752 = tpu.vector_load %arg7[%swap3A_750, %swap3A_751] {strides = array<i32>} : memref<280x100xf32, #tpu.memory_space<vmem>>, vector<1x16xf32>,
      %swap3A_753 = vector.shape_cast %swap3A_752 : vector<1x16xf32> to vector<16xf32>
      %swap3A_754 = vector.shape_cast %mul3A_749 : vector<16xf32> to vector<1x16xf32>
      tpu.vector_store %arg7[%swap3A_750, %swap3A_751], %swap3A_754 {strides = array<i32>} : memref<280x100xf32, #tpu.memory_space<vmem>>, vector<1x16xf32>,
      %mul3A_755 = arith.mulf %get3A_719, %get3A_691 : vector<16xf32>
      %swap3A_756 = arith.index_cast %scan3A_687 : i32 to index
      %swap3A_757 = arith.constant 84 : index
      %swap3A_758 = tpu.vector_load %arg7[%swap3A_756, %swap3A_757] {strides = array<i32>} : memref<280x100xf32, #tpu.memory_space<vmem>>, vector<1x16xf32>,
      %swap3A_759 = vector.shape_cast %swap3A_758 : vector<1x16xf32> to vector<16xf32>
      %swap3A_760 = vector.shape_cast %mul3A_755 : vector<16xf32> to vector<1x16xf32>
      tpu.vector_store %arg7[%swap3A_756, %swap3A_757], %swap3A_760 {strides = array<i32>} : memref<280x100xf32, #tpu.memory_space<vmem>>, vector<1x16xf32>,
    }
    %scan3A_336 = arith.constant 280 : i32
    %add3A_337 = arith.constant 2240 : i32
    %add3A_338 = arith.addi %mul3A_2, %add3A_337 : i32
    %dma_start3A_339 = arith.constant 0 : i32
    %dma_start3A_340 = tpu.memref_slice %arg4[%add3A_338, %dma_start3A_339] : memref<161280x100xf32, #tpu.memory_space<hbm>> -> memref<280x100xf32, #tpu.memory_space<hbm>>
    %dma_start3A_341 = arith.constant 0 : i32
    %dma_start3A_342 = tpu.memref_slice %arg4[%add3A_338, %dma_start3A_341] : memref<161280x100xf32, #tpu.memory_space<hbm>> -> memref<280x100xf32, #tpu.memory_space<hbm>>
    tpu.enqueue_dma source(%arg7 : memref<280x100xf32, #tpu.memory_space<vmem>>) target(%dma_start3A_342 : memref<280x100xf32, #tpu.memory_space<hbm>>) target_semaphore(%arg19 : memref<!tpu.dma_semaphore, #tpu.memory_space<semaphore_mem>>)
    %add3A_343 = arith.constant 1960 : i32
    %add3A_344 = arith.addi %mul3A_2, %add3A_343 : i32
    %dma_wait3A_345 = arith.constant 0 : i32
    %dma_wait3A_346 = tpu.memref_slice %arg4[%add3A_344, %dma_wait3A_345] : memref<161280x100xf32, #tpu.memory_space<hbm>> -> memref<280x100xf32, #tpu.memory_space<hbm>>
    %dma_wait3A_347 = arith.constant 0 : i32
    %dma_wait3A_348 = tpu.memref_slice %arg4[%add3A_344, %dma_wait3A_347] : memref<161280x100xf32, #tpu.memory_space<hbm>> -> memref<280x100xf32, #tpu.memory_space<hbm>>
    tpu.wait_dma2 semaphore(%arg18 : memref<!tpu.dma_semaphore, #tpu.memory_space<semaphore_mem>>) src(%arg6 : memref<280x100xf32, #tpu.memory_space<vmem>>) dst(%dma_wait3A_348 : memref<280x100xf32, #tpu.memory_space<hbm>>)
    %add3A_349 = arith.constant 2800 : i32
    %add3A_350 = arith.addi %mul3A_2, %add3A_349 : i32
    %dma_start3A_351 = arith.constant 0 : i32
    %dma_start3A_352 = tpu.memref_slice %arg2[%add3A_350, %dma_start3A_351] : memref<161280x100xf32, #tpu.memory_space<hbm>> -> memref<280x100xf32, #tpu.memory_space<hbm>>
    %dma_start3A_353 = arith.constant 0 : i32
    %dma_start3A_354 = tpu.memref_slice %arg2[%add3A_350, %dma_start3A_353] : memref<161280x100xf32, #tpu.memory_space<hbm>> -> memref<280x100xf32, #tpu.memory_space<hbm>>
    tpu.enqueue_dma source(%dma_start3A_354 : memref<280x100xf32, #tpu.memory_space<hbm>>) target(%arg6 : memref<280x100xf32, #tpu.memory_space<vmem>>) target_semaphore(%arg12 : memref<!tpu.dma_semaphore, #tpu.memory_space<semaphore_mem>>)
    %add3A_355 = arith.constant 44800 : i32
    %add3A_356 = arith.addi %mul3A_5, %add3A_355 : i32
    %dma_start3A_357 = tpu.memref_slice %arg3[%add3A_356] : memref<645120xf32, #tpu.memory_space<hbm>> -> memref<4480xf32, #tpu.memory_space<hbm>>
    %dma_start3A_358 = tpu.memref_slice %arg3[%add3A_356] : memref<645120xf32, #tpu.memory_space<hbm>> -> memref<4480xf32, #tpu.memory_space<hbm>>
    tpu.enqueue_dma source(%dma_start3A_358 : memref<4480xf32, #tpu.memory_space<hbm>>) target(%arg9 : memref<4480xf32, #tpu.memory_space<vmem>>) target_semaphore(%arg15 : memref<!tpu.dma_semaphore, #tpu.memory_space<semaphore_mem>>)
    %add3A_359 = arith.constant 2520 : i32
    %add3A_360 = arith.addi %mul3A_2, %add3A_359 : i32
    %dma_wait3A_361 = arith.constant 0 : i32
    %dma_wait3A_362 = tpu.memref_slice %arg2[%add3A_360, %dma_wait3A_361] : memref<161280x100xf32, #tpu.memory_space<hbm>> -> memref<280x100xf32, #tpu.memory_space<hbm>>
    %dma_wait3A_363 = arith.constant 0 : i32
    %dma_wait3A_364 = tpu.memref_slice %arg2[%add3A_360, %dma_wait3A_363] : memref<161280x100xf32, #tpu.memory_space<hbm>> -> memref<280x100xf32, #tpu.memory_space<hbm>>
    tpu.wait_dma2 semaphore(%arg11 : memref<!tpu.dma_semaphore, #tpu.memory_space<semaphore_mem>>) src(%dma_wait3A_364 : memref<280x100xf32, #tpu.memory_space<hbm>>) dst(%arg5 : memref<280x100xf32, #tpu.memory_space<vmem>>)
    %add3A_365 = arith.constant 40320 : i32
    %add3A_366 = arith.addi %mul3A_5, %add3A_365 : i32
    %dma_wait3A_367 = tpu.memref_slice %arg3[%add3A_366] : memref<645120xf32, #tpu.memory_space<hbm>> -> memref<4480xf32, #tpu.memory_space<hbm>>
    %dma_wait3A_368 = tpu.memref_slice %arg3[%add3A_366] : memref<645120xf32, #tpu.memory_space<hbm>> -> memref<4480xf32, #tpu.memory_space<hbm>>
    tpu.wait_dma2 semaphore(%arg14 : memref<!tpu.dma_semaphore, #tpu.memory_space<semaphore_mem>>) src(%dma_wait3A_368 : memref<4480xf32, #tpu.memory_space<hbm>>) dst(%arg8 : memref<4480xf32, #tpu.memory_space<vmem>>)
    %scan3A_369 = arith.constant 0 : i32
    %scan3A_370 = arith.constant 0 : i32
    %scan3A_371 = arith.constant 280 : i32
    %scan3A_372 = arith.addi %scan3A_370, %scan3A_371 : i32
    %scan3A_373 = arith.constant 1 : i32
    scf.for %scan3A_687 = %scan3A_370 to %scan3A_372 step %scan3A_373  : i32 {
      %mul3A_688 = arith.constant 16 : i32
      %mul3A_689 = arith.muli %scan3A_687, %mul3A_688 : i32
      %get3A = arith.index_cast %mul3A_689 : i32 to index
      %get3A_690 = tpu.vector_load %arg8[%get3A] {strides = array<i32>} : memref<4480xf32, #tpu.memory_space<vmem>>, vector<16xf32>,
      %get3A_691 = vector.shape_cast %get3A_690 : vector<16xf32> to vector<16xf32>
      %get3A_692 = arith.index_cast %scan3A_687 : i32 to index
      %get3A_693 = arith.constant 0 : index
      %get3A_694 = tpu.vector_load %arg5[%get3A_692, %get3A_693] {strides = array<i32>} : memref<280x100xf32, #tpu.memory_space<vmem>>, vector<1x16xf32>,
      %get3A_695 = vector.shape_cast %get3A_694 : vector<1x16xf32> to vector<16xf32>
      %get3A_696 = arith.index_cast %scan3A_687 : i32 to index
      %get3A_697 = arith.constant 16 : index
      %get3A_698 = tpu.vector_load %arg5[%get3A_696, %get3A_697] {strides = array<i32>} : memref<280x100xf32, #tpu.memory_space<vmem>>, vector<1x16xf32>,
      %get3A_699 = vector.shape_cast %get3A_698 : vector<1x16xf32> to vector<16xf32>
      %get3A_700 = arith.index_cast %scan3A_687 : i32 to index
      %get3A_701 = arith.constant 32 : index
      %get3A_702 = tpu.vector_load %arg5[%get3A_700, %get3A_701] {strides = array<i32>} : memref<280x100xf32, #tpu.memory_space<vmem>>, vector<1x16xf32>,
      %get3A_703 = vector.shape_cast %get3A_702 : vector<1x16xf32> to vector<16xf32>
      %get3A_704 = arith.index_cast %scan3A_687 : i32 to index
      %get3A_705 = arith.constant 48 : index
      %get3A_706 = tpu.vector_load %arg5[%get3A_704, %get3A_705] {strides = array<i32>} : memref<280x100xf32, #tpu.memory_space<vmem>>, vector<1x16xf32>,
      %get3A_707 = vector.shape_cast %get3A_706 : vector<1x16xf32> to vector<16xf32>
      %get3A_708 = arith.index_cast %scan3A_687 : i32 to index
      %get3A_709 = arith.constant 64 : index
      %get3A_710 = tpu.vector_load %arg5[%get3A_708, %get3A_709] {strides = array<i32>} : memref<280x100xf32, #tpu.memory_space<vmem>>, vector<1x16xf32>,
      %get3A_711 = vector.shape_cast %get3A_710 : vector<1x16xf32> to vector<16xf32>
      %get3A_712 = arith.index_cast %scan3A_687 : i32 to index
      %get3A_713 = arith.constant 80 : index
      %get3A_714 = tpu.vector_load %arg5[%get3A_712, %get3A_713] {strides = array<i32>} : memref<280x100xf32, #tpu.memory_space<vmem>>, vector<1x16xf32>,
      %get3A_715 = vector.shape_cast %get3A_714 : vector<1x16xf32> to vector<16xf32>
      %get3A_716 = arith.index_cast %scan3A_687 : i32 to index
      %get3A_717 = arith.constant 84 : index
      %get3A_718 = tpu.vector_load %arg5[%get3A_716, %get3A_717] {strides = array<i32>} : memref<280x100xf32, #tpu.memory_space<vmem>>, vector<1x16xf32>,
      %get3A_719 = vector.shape_cast %get3A_718 : vector<1x16xf32> to vector<16xf32>
      %mul3A_720 = arith.mulf %get3A_695, %get3A_691 : vector<16xf32>
      %swap3A = arith.index_cast %scan3A_687 : i32 to index
      %swap3A_721 = arith.constant 0 : index
      %swap3A_722 = tpu.vector_load %arg5[%swap3A, %swap3A_721] {strides = array<i32>} : memref<280x100xf32, #tpu.memory_space<vmem>>, vector<1x16xf32>,
      %swap3A_723 = vector.shape_cast %swap3A_722 : vector<1x16xf32> to vector<16xf32>
      %swap3A_724 = vector.shape_cast %mul3A_720 : vector<16xf32> to vector<1x16xf32>
      tpu.vector_store %arg5[%swap3A, %swap3A_721], %swap3A_724 {strides = array<i32>} : memref<280x100xf32, #tpu.memory_space<vmem>>, vector<1x16xf32>,
      %mul3A_725 = arith.mulf %get3A_699, %get3A_691 : vector<16xf32>
      %swap3A_726 = arith.index_cast %scan3A_687 : i32 to index
      %swap3A_727 = arith.constant 16 : index
      %swap3A_728 = tpu.vector_load %arg5[%swap3A_726, %swap3A_727] {strides = array<i32>} : memref<280x100xf32, #tpu.memory_space<vmem>>, vector<1x16xf32>,
      %swap3A_729 = vector.shape_cast %swap3A_728 : vector<1x16xf32> to vector<16xf32>
      %swap3A_730 = vector.shape_cast %mul3A_725 : vector<16xf32> to vector<1x16xf32>
      tpu.vector_store %arg5[%swap3A_726, %swap3A_727], %swap3A_730 {strides = array<i32>} : memref<280x100xf32, #tpu.memory_space<vmem>>, vector<1x16xf32>,
      %mul3A_731 = arith.mulf %get3A_703, %get3A_691 : vector<16xf32>
      %swap3A_732 = arith.index_cast %scan3A_687 : i32 to index
      %swap3A_733 = arith.constant 32 : index
      %swap3A_734 = tpu.vector_load %arg5[%swap3A_732, %swap3A_733] {strides = array<i32>} : memref<280x100xf32, #tpu.memory_space<vmem>>, vector<1x16xf32>,
      %swap3A_735 = vector.shape_cast %swap3A_734 : vector<1x16xf32> to vector<16xf32>
      %swap3A_736 = vector.shape_cast %mul3A_731 : vector<16xf32> to vector<1x16xf32>
      tpu.vector_store %arg5[%swap3A_732, %swap3A_733], %swap3A_736 {strides = array<i32>} : memref<280x100xf32, #tpu.memory_space<vmem>>, vector<1x16xf32>,
      %mul3A_737 = arith.mulf %get3A_707, %get3A_691 : vector<16xf32>
      %swap3A_738 = arith.index_cast %scan3A_687 : i32 to index
      %swap3A_739 = arith.constant 48 : index
      %swap3A_740 = tpu.vector_load %arg5[%swap3A_738, %swap3A_739] {strides = array<i32>} : memref<280x100xf32, #tpu.memory_space<vmem>>, vector<1x16xf32>,
      %swap3A_741 = vector.shape_cast %swap3A_740 : vector<1x16xf32> to vector<16xf32>
      %swap3A_742 = vector.shape_cast %mul3A_737 : vector<16xf32> to vector<1x16xf32>
      tpu.vector_store %arg5[%swap3A_738, %swap3A_739], %swap3A_742 {strides = array<i32>} : memref<280x100xf32, #tpu.memory_space<vmem>>, vector<1x16xf32>,
      %mul3A_743 = arith.mulf %get3A_711, %get3A_691 : vector<16xf32>
      %swap3A_744 = arith.index_cast %scan3A_687 : i32 to index
      %swap3A_745 = arith.constant 64 : index
      %swap3A_746 = tpu.vector_load %arg5[%swap3A_744, %swap3A_745] {strides = array<i32>} : memref<280x100xf32, #tpu.memory_space<vmem>>, vector<1x16xf32>,
      %swap3A_747 = vector.shape_cast %swap3A_746 : vector<1x16xf32> to vector<16xf32>
      %swap3A_748 = vector.shape_cast %mul3A_743 : vector<16xf32> to vector<1x16xf32>
      tpu.vector_store %arg5[%swap3A_744, %swap3A_745], %swap3A_748 {strides = array<i32>} : memref<280x100xf32, #tpu.memory_space<vmem>>, vector<1x16xf32>,
      %mul3A_749 = arith.mulf %get3A_715, %get3A_691 : vector<16xf32>
      %swap3A_750 = arith.index_cast %scan3A_687 : i32 to index
      %swap3A_751 = arith.constant 80 : index
      %swap3A_752 = tpu.vector_load %arg5[%swap3A_750, %swap3A_751] {strides = array<i32>} : memref<280x100xf32, #tpu.memory_space<vmem>>, vector<1x16xf32>,
      %swap3A_753 = vector.shape_cast %swap3A_752 : vector<1x16xf32> to vector<16xf32>
      %swap3A_754 = vector.shape_cast %mul3A_749 : vector<16xf32> to vector<1x16xf32>
      tpu.vector_store %arg5[%swap3A_750, %swap3A_751], %swap3A_754 {strides = array<i32>} : memref<280x100xf32, #tpu.memory_space<vmem>>, vector<1x16xf32>,
      %mul3A_755 = arith.mulf %get3A_719, %get3A_691 : vector<16xf32>
      %swap3A_756 = arith.index_cast %scan3A_687 : i32 to index
      %swap3A_757 = arith.constant 84 : index
      %swap3A_758 = tpu.vector_load %arg5[%swap3A_756, %swap3A_757] {strides = array<i32>} : memref<280x100xf32, #tpu.memory_space<vmem>>, vector<1x16xf32>,
      %swap3A_759 = vector.shape_cast %swap3A_758 : vector<1x16xf32> to vector<16xf32>
      %swap3A_760 = vector.shape_cast %mul3A_755 : vector<16xf32> to vector<1x16xf32>
      tpu.vector_store %arg5[%swap3A_756, %swap3A_757], %swap3A_760 {strides = array<i32>} : memref<280x100xf32, #tpu.memory_space<vmem>>, vector<1x16xf32>,
    }
    %scan3A_374 = arith.constant 280 : i32
    %add3A_375 = arith.constant 2520 : i32
    %add3A_376 = arith.addi %mul3A_2, %add3A_375 : i32
    %dma_start3A_377 = arith.constant 0 : i32
    %dma_start3A_378 = tpu.memref_slice %arg4[%add3A_376, %dma_start3A_377] : memref<161280x100xf32, #tpu.memory_space<hbm>> -> memref<280x100xf32, #tpu.memory_space<hbm>>
    %dma_start3A_379 = arith.constant 0 : i32
    %dma_start3A_380 = tpu.memref_slice %arg4[%add3A_376, %dma_start3A_379] : memref<161280x100xf32, #tpu.memory_space<hbm>> -> memref<280x100xf32, #tpu.memory_space<hbm>>
    tpu.enqueue_dma source(%arg5 : memref<280x100xf32, #tpu.memory_space<vmem>>) target(%dma_start3A_380 : memref<280x100xf32, #tpu.memory_space<hbm>>) target_semaphore(%arg17 : memref<!tpu.dma_semaphore, #tpu.memory_space<semaphore_mem>>)
    %add3A_381 = arith.constant 2240 : i32
    %add3A_382 = arith.addi %mul3A_2, %add3A_381 : i32
    %dma_wait3A_383 = arith.constant 0 : i32
    %dma_wait3A_384 = tpu.memref_slice %arg4[%add3A_382, %dma_wait3A_383] : memref<161280x100xf32, #tpu.memory_space<hbm>> -> memref<280x100xf32, #tpu.memory_space<hbm>>
    %dma_wait3A_385 = arith.constant 0 : i32
    %dma_wait3A_386 = tpu.memref_slice %arg4[%add3A_382, %dma_wait3A_385] : memref<161280x100xf32, #tpu.memory_space<hbm>> -> memref<280x100xf32, #tpu.memory_space<hbm>>
    tpu.wait_dma2 semaphore(%arg19 : memref<!tpu.dma_semaphore, #tpu.memory_space<semaphore_mem>>) src(%arg7 : memref<280x100xf32, #tpu.memory_space<vmem>>) dst(%dma_wait3A_386 : memref<280x100xf32, #tpu.memory_space<hbm>>)
    %add3A_387 = arith.constant 3080 : i32
    %add3A_388 = arith.addi %mul3A_2, %add3A_387 : i32
    %dma_start3A_389 = arith.constant 0 : i32
    %dma_start3A_390 = tpu.memref_slice %arg2[%add3A_388, %dma_start3A_389] : memref<161280x100xf32, #tpu.memory_space<hbm>> -> memref<280x100xf32, #tpu.memory_space<hbm>>
    %dma_start3A_391 = arith.constant 0 : i32
    %dma_start3A_392 = tpu.memref_slice %arg2[%add3A_388, %dma_start3A_391] : memref<161280x100xf32, #tpu.memory_space<hbm>> -> memref<280x100xf32, #tpu.memory_space<hbm>>
    tpu.enqueue_dma source(%dma_start3A_392 : memref<280x100xf32, #tpu.memory_space<hbm>>) target(%arg7 : memref<280x100xf32, #tpu.memory_space<vmem>>) target_semaphore(%arg13 : memref<!tpu.dma_semaphore, #tpu.memory_space<semaphore_mem>>)
    %add3A_393 = arith.constant 49280 : i32
    %add3A_394 = arith.addi %mul3A_5, %add3A_393 : i32
    %dma_start3A_395 = tpu.memref_slice %arg3[%add3A_394] : memref<645120xf32, #tpu.memory_space<hbm>> -> memref<4480xf32, #tpu.memory_space<hbm>>
    %dma_start3A_396 = tpu.memref_slice %arg3[%add3A_394] : memref<645120xf32, #tpu.memory_space<hbm>> -> memref<4480xf32, #tpu.memory_space<hbm>>
    tpu.enqueue_dma source(%dma_start3A_396 : memref<4480xf32, #tpu.memory_space<hbm>>) target(%arg10 : memref<4480xf32, #tpu.memory_space<vmem>>) target_semaphore(%arg16 : memref<!tpu.dma_semaphore, #tpu.memory_space<semaphore_mem>>)
    %add3A_397 = arith.constant 2800 : i32
    %add3A_398 = arith.addi %mul3A_2, %add3A_397 : i32
    %dma_wait3A_399 = arith.constant 0 : i32
    %dma_wait3A_400 = tpu.memref_slice %arg2[%add3A_398, %dma_wait3A_399] : memref<161280x100xf32, #tpu.memory_space<hbm>> -> memref<280x100xf32, #tpu.memory_space<hbm>>
    %dma_wait3A_401 = arith.constant 0 : i32
    %dma_wait3A_402 = tpu.memref_slice %arg2[%add3A_398, %dma_wait3A_401] : memref<161280x100xf32, #tpu.memory_space<hbm>> -> memref<280x100xf32, #tpu.memory_space<hbm>>
    tpu.wait_dma2 semaphore(%arg12 : memref<!tpu.dma_semaphore, #tpu.memory_space<semaphore_mem>>) src(%dma_wait3A_402 : memref<280x100xf32, #tpu.memory_space<hbm>>) dst(%arg6 : memref<280x100xf32, #tpu.memory_space<vmem>>)
    %add3A_403 = arith.constant 44800 : i32
    %add3A_404 = arith.addi %mul3A_5, %add3A_403 : i32
    %dma_wait3A_405 = tpu.memref_slice %arg3[%add3A_404] : memref<645120xf32, #tpu.memory_space<hbm>> -> memref<4480xf32, #tpu.memory_space<hbm>>
    %dma_wait3A_406 = tpu.memref_slice %arg3[%add3A_404] : memref<645120xf32, #tpu.memory_space<hbm>> -> memref<4480xf32, #tpu.memory_space<hbm>>
    tpu.wait_dma2 semaphore(%arg15 : memref<!tpu.dma_semaphore, #tpu.memory_space<semaphore_mem>>) src(%dma_wait3A_406 : memref<4480xf32, #tpu.memory_space<hbm>>) dst(%arg9 : memref<4480xf32, #tpu.memory_space<vmem>>)
    %scan3A_407 = arith.constant 0 : i32
    %scan3A_408 = arith.constant 0 : i32
    %scan3A_409 = arith.constant 280 : i32
    %scan3A_410 = arith.addi %scan3A_408, %scan3A_409 : i32
    %scan3A_411 = arith.constant 1 : i32
    scf.for %scan3A_687 = %scan3A_408 to %scan3A_410 step %scan3A_411  : i32 {
      %mul3A_688 = arith.constant 16 : i32
      %mul3A_689 = arith.muli %scan3A_687, %mul3A_688 : i32
      %get3A = arith.index_cast %mul3A_689 : i32 to index
      %get3A_690 = tpu.vector_load %arg9[%get3A] {strides = array<i32>} : memref<4480xf32, #tpu.memory_space<vmem>>, vector<16xf32>,
      %get3A_691 = vector.shape_cast %get3A_690 : vector<16xf32> to vector<16xf32>
      %get3A_692 = arith.index_cast %scan3A_687 : i32 to index
      %get3A_693 = arith.constant 0 : index
      %get3A_694 = tpu.vector_load %arg6[%get3A_692, %get3A_693] {strides = array<i32>} : memref<280x100xf32, #tpu.memory_space<vmem>>, vector<1x16xf32>,
      %get3A_695 = vector.shape_cast %get3A_694 : vector<1x16xf32> to vector<16xf32>
      %get3A_696 = arith.index_cast %scan3A_687 : i32 to index
      %get3A_697 = arith.constant 16 : index
      %get3A_698 = tpu.vector_load %arg6[%get3A_696, %get3A_697] {strides = array<i32>} : memref<280x100xf32, #tpu.memory_space<vmem>>, vector<1x16xf32>,
      %get3A_699 = vector.shape_cast %get3A_698 : vector<1x16xf32> to vector<16xf32>
      %get3A_700 = arith.index_cast %scan3A_687 : i32 to index
      %get3A_701 = arith.constant 32 : index
      %get3A_702 = tpu.vector_load %arg6[%get3A_700, %get3A_701] {strides = array<i32>} : memref<280x100xf32, #tpu.memory_space<vmem>>, vector<1x16xf32>,
      %get3A_703 = vector.shape_cast %get3A_702 : vector<1x16xf32> to vector<16xf32>
      %get3A_704 = arith.index_cast %scan3A_687 : i32 to index
      %get3A_705 = arith.constant 48 : index
      %get3A_706 = tpu.vector_load %arg6[%get3A_704, %get3A_705] {strides = array<i32>} : memref<280x100xf32, #tpu.memory_space<vmem>>, vector<1x16xf32>,
      %get3A_707 = vector.shape_cast %get3A_706 : vector<1x16xf32> to vector<16xf32>
      %get3A_708 = arith.index_cast %scan3A_687 : i32 to index
      %get3A_709 = arith.constant 64 : index
      %get3A_710 = tpu.vector_load %arg6[%get3A_708, %get3A_709] {strides = array<i32>} : memref<280x100xf32, #tpu.memory_space<vmem>>, vector<1x16xf32>,
      %get3A_711 = vector.shape_cast %get3A_710 : vector<1x16xf32> to vector<16xf32>
      %get3A_712 = arith.index_cast %scan3A_687 : i32 to index
      %get3A_713 = arith.constant 80 : index
      %get3A_714 = tpu.vector_load %arg6[%get3A_712, %get3A_713] {strides = array<i32>} : memref<280x100xf32, #tpu.memory_space<vmem>>, vector<1x16xf32>,
      %get3A_715 = vector.shape_cast %get3A_714 : vector<1x16xf32> to vector<16xf32>
      %get3A_716 = arith.index_cast %scan3A_687 : i32 to index
      %get3A_717 = arith.constant 84 : index
      %get3A_718 = tpu.vector_load %arg6[%get3A_716, %get3A_717] {strides = array<i32>} : memref<280x100xf32, #tpu.memory_space<vmem>>, vector<1x16xf32>,
      %get3A_719 = vector.shape_cast %get3A_718 : vector<1x16xf32> to vector<16xf32>
      %mul3A_720 = arith.mulf %get3A_695, %get3A_691 : vector<16xf32>
      %swap3A = arith.index_cast %scan3A_687 : i32 to index
      %swap3A_721 = arith.constant 0 : index
      %swap3A_722 = tpu.vector_load %arg6[%swap3A, %swap3A_721] {strides = array<i32>} : memref<280x100xf32, #tpu.memory_space<vmem>>, vector<1x16xf32>,
      %swap3A_723 = vector.shape_cast %swap3A_722 : vector<1x16xf32> to vector<16xf32>
      %swap3A_724 = vector.shape_cast %mul3A_720 : vector<16xf32> to vector<1x16xf32>
      tpu.vector_store %arg6[%swap3A, %swap3A_721], %swap3A_724 {strides = array<i32>} : memref<280x100xf32, #tpu.memory_space<vmem>>, vector<1x16xf32>,
      %mul3A_725 = arith.mulf %get3A_699, %get3A_691 : vector<16xf32>
      %swap3A_726 = arith.index_cast %scan3A_687 : i32 to index
      %swap3A_727 = arith.constant 16 : index
      %swap3A_728 = tpu.vector_load %arg6[%swap3A_726, %swap3A_727] {strides = array<i32>} : memref<280x100xf32, #tpu.memory_space<vmem>>, vector<1x16xf32>,
      %swap3A_729 = vector.shape_cast %swap3A_728 : vector<1x16xf32> to vector<16xf32>
      %swap3A_730 = vector.shape_cast %mul3A_725 : vector<16xf32> to vector<1x16xf32>
      tpu.vector_store %arg6[%swap3A_726, %swap3A_727], %swap3A_730 {strides = array<i32>} : memref<280x100xf32, #tpu.memory_space<vmem>>, vector<1x16xf32>,
      %mul3A_731 = arith.mulf %get3A_703, %get3A_691 : vector<16xf32>
      %swap3A_732 = arith.index_cast %scan3A_687 : i32 to index
      %swap3A_733 = arith.constant 32 : index
      %swap3A_734 = tpu.vector_load %arg6[%swap3A_732, %swap3A_733] {strides = array<i32>} : memref<280x100xf32, #tpu.memory_space<vmem>>, vector<1x16xf32>,
      %swap3A_735 = vector.shape_cast %swap3A_734 : vector<1x16xf32> to vector<16xf32>
      %swap3A_736 = vector.shape_cast %mul3A_731 : vector<16xf32> to vector<1x16xf32>
      tpu.vector_store %arg6[%swap3A_732, %swap3A_733], %swap3A_736 {strides = array<i32>} : memref<280x100xf32, #tpu.memory_space<vmem>>, vector<1x16xf32>,
      %mul3A_737 = arith.mulf %get3A_707, %get3A_691 : vector<16xf32>
      %swap3A_738 = arith.index_cast %scan3A_687 : i32 to index
      %swap3A_739 = arith.constant 48 : index
      %swap3A_740 = tpu.vector_load %arg6[%swap3A_738, %swap3A_739] {strides = array<i32>} : memref<280x100xf32, #tpu.memory_space<vmem>>, vector<1x16xf32>,
      %swap3A_741 = vector.shape_cast %swap3A_740 : vector<1x16xf32> to vector<16xf32>
      %swap3A_742 = vector.shape_cast %mul3A_737 : vector<16xf32> to vector<1x16xf32>
      tpu.vector_store %arg6[%swap3A_738, %swap3A_739], %swap3A_742 {strides = array<i32>} : memref<280x100xf32, #tpu.memory_space<vmem>>, vector<1x16xf32>,
      %mul3A_743 = arith.mulf %get3A_711, %get3A_691 : vector<16xf32>
      %swap3A_744 = arith.index_cast %scan3A_687 : i32 to index
      %swap3A_745 = arith.constant 64 : index
      %swap3A_746 = tpu.vector_load %arg6[%swap3A_744, %swap3A_745] {strides = array<i32>} : memref<280x100xf32, #tpu.memory_space<vmem>>, vector<1x16xf32>,
      %swap3A_747 = vector.shape_cast %swap3A_746 : vector<1x16xf32> to vector<16xf32>
      %swap3A_748 = vector.shape_cast %mul3A_743 : vector<16xf32> to vector<1x16xf32>
      tpu.vector_store %arg6[%swap3A_744, %swap3A_745], %swap3A_748 {strides = array<i32>} : memref<280x100xf32, #tpu.memory_space<vmem>>, vector<1x16xf32>,
      %mul3A_749 = arith.mulf %get3A_715, %get3A_691 : vector<16xf32>
      %swap3A_750 = arith.index_cast %scan3A_687 : i32 to index
      %swap3A_751 = arith.constant 80 : index
      %swap3A_752 = tpu.vector_load %arg6[%swap3A_750, %swap3A_751] {strides = array<i32>} : memref<280x100xf32, #tpu.memory_space<vmem>>, vector<1x16xf32>,
      %swap3A_753 = vector.shape_cast %swap3A_752 : vector<1x16xf32> to vector<16xf32>
      %swap3A_754 = vector.shape_cast %mul3A_749 : vector<16xf32> to vector<1x16xf32>
      tpu.vector_store %arg6[%swap3A_750, %swap3A_751], %swap3A_754 {strides = array<i32>} : memref<280x100xf32, #tpu.memory_space<vmem>>, vector<1x16xf32>,
      %mul3A_755 = arith.mulf %get3A_719, %get3A_691 : vector<16xf32>
      %swap3A_756 = arith.index_cast %scan3A_687 : i32 to index
      %swap3A_757 = arith.constant 84 : index
      %swap3A_758 = tpu.vector_load %arg6[%swap3A_756, %swap3A_757] {strides = array<i32>} : memref<280x100xf32, #tpu.memory_space<vmem>>, vector<1x16xf32>,
      %swap3A_759 = vector.shape_cast %swap3A_758 : vector<1x16xf32> to vector<16xf32>
      %swap3A_760 = vector.shape_cast %mul3A_755 : vector<16xf32> to vector<1x16xf32>
      tpu.vector_store %arg6[%swap3A_756, %swap3A_757], %swap3A_760 {strides = array<i32>} : memref<280x100xf32, #tpu.memory_space<vmem>>, vector<1x16xf32>,
    }
    %scan3A_412 = arith.constant 280 : i32
    %add3A_413 = arith.constant 2800 : i32
    %add3A_414 = arith.addi %mul3A_2, %add3A_413 : i32
    %dma_start3A_415 = arith.constant 0 : i32
    %dma_start3A_416 = tpu.memref_slice %arg4[%add3A_414, %dma_start3A_415] : memref<161280x100xf32, #tpu.memory_space<hbm>> -> memref<280x100xf32, #tpu.memory_space<hbm>>
    %dma_start3A_417 = arith.constant 0 : i32
    %dma_start3A_418 = tpu.memref_slice %arg4[%add3A_414, %dma_start3A_417] : memref<161280x100xf32, #tpu.memory_space<hbm>> -> memref<280x100xf32, #tpu.memory_space<hbm>>
    tpu.enqueue_dma source(%arg6 : memref<280x100xf32, #tpu.memory_space<vmem>>) target(%dma_start3A_418 : memref<280x100xf32, #tpu.memory_space<hbm>>) target_semaphore(%arg18 : memref<!tpu.dma_semaphore, #tpu.memory_space<semaphore_mem>>)
    %add3A_419 = arith.constant 2520 : i32
    %add3A_420 = arith.addi %mul3A_2, %add3A_419 : i32
    %dma_wait3A_421 = arith.constant 0 : i32
    %dma_wait3A_422 = tpu.memref_slice %arg4[%add3A_420, %dma_wait3A_421] : memref<161280x100xf32, #tpu.memory_space<hbm>> -> memref<280x100xf32, #tpu.memory_space<hbm>>
    %dma_wait3A_423 = arith.constant 0 : i32
    %dma_wait3A_424 = tpu.memref_slice %arg4[%add3A_420, %dma_wait3A_423] : memref<161280x100xf32, #tpu.memory_space<hbm>> -> memref<280x100xf32, #tpu.memory_space<hbm>>
    tpu.wait_dma2 semaphore(%arg17 : memref<!tpu.dma_semaphore, #tpu.memory_space<semaphore_mem>>) src(%arg5 : memref<280x100xf32, #tpu.memory_space<vmem>>) dst(%dma_wait3A_424 : memref<280x100xf32, #tpu.memory_space<hbm>>)
    %add3A_425 = arith.constant 3360 : i32
    %add3A_426 = arith.addi %mul3A_2, %add3A_425 : i32
    %dma_start3A_427 = arith.constant 0 : i32
    %dma_start3A_428 = tpu.memref_slice %arg2[%add3A_426, %dma_start3A_427] : memref<161280x100xf32, #tpu.memory_space<hbm>> -> memref<280x100xf32, #tpu.memory_space<hbm>>
    %dma_start3A_429 = arith.constant 0 : i32
    %dma_start3A_430 = tpu.memref_slice %arg2[%add3A_426, %dma_start3A_429] : memref<161280x100xf32, #tpu.memory_space<hbm>> -> memref<280x100xf32, #tpu.memory_space<hbm>>
    tpu.enqueue_dma source(%dma_start3A_430 : memref<280x100xf32, #tpu.memory_space<hbm>>) target(%arg5 : memref<280x100xf32, #tpu.memory_space<vmem>>) target_semaphore(%arg11 : memref<!tpu.dma_semaphore, #tpu.memory_space<semaphore_mem>>)
    %add3A_431 = arith.constant 53760 : i32
    %add3A_432 = arith.addi %mul3A_5, %add3A_431 : i32
    %dma_start3A_433 = tpu.memref_slice %arg3[%add3A_432] : memref<645120xf32, #tpu.memory_space<hbm>> -> memref<4480xf32, #tpu.memory_space<hbm>>
    %dma_start3A_434 = tpu.memref_slice %arg3[%add3A_432] : memref<645120xf32, #tpu.memory_space<hbm>> -> memref<4480xf32, #tpu.memory_space<hbm>>
    tpu.enqueue_dma source(%dma_start3A_434 : memref<4480xf32, #tpu.memory_space<hbm>>) target(%arg8 : memref<4480xf32, #tpu.memory_space<vmem>>) target_semaphore(%arg14 : memref<!tpu.dma_semaphore, #tpu.memory_space<semaphore_mem>>)
    %add3A_435 = arith.constant 3080 : i32
    %add3A_436 = arith.addi %mul3A_2, %add3A_435 : i32
    %dma_wait3A_437 = arith.constant 0 : i32
    %dma_wait3A_438 = tpu.memref_slice %arg2[%add3A_436, %dma_wait3A_437] : memref<161280x100xf32, #tpu.memory_space<hbm>> -> memref<280x100xf32, #tpu.memory_space<hbm>>
    %dma_wait3A_439 = arith.constant 0 : i32
    %dma_wait3A_440 = tpu.memref_slice %arg2[%add3A_436, %dma_wait3A_439] : memref<161280x100xf32, #tpu.memory_space<hbm>> -> memref<280x100xf32, #tpu.memory_space<hbm>>
    tpu.wait_dma2 semaphore(%arg13 : memref<!tpu.dma_semaphore, #tpu.memory_space<semaphore_mem>>) src(%dma_wait3A_440 : memref<280x100xf32, #tpu.memory_space<hbm>>) dst(%arg7 : memref<280x100xf32, #tpu.memory_space<vmem>>)
    %add3A_441 = arith.constant 49280 : i32
    %add3A_442 = arith.addi %mul3A_5, %add3A_441 : i32
    %dma_wait3A_443 = tpu.memref_slice %arg3[%add3A_442] : memref<645120xf32, #tpu.memory_space<hbm>> -> memref<4480xf32, #tpu.memory_space<hbm>>
    %dma_wait3A_444 = tpu.memref_slice %arg3[%add3A_442] : memref<645120xf32, #tpu.memory_space<hbm>> -> memref<4480xf32, #tpu.memory_space<hbm>>
    tpu.wait_dma2 semaphore(%arg16 : memref<!tpu.dma_semaphore, #tpu.memory_space<semaphore_mem>>) src(%dma_wait3A_444 : memref<4480xf32, #tpu.memory_space<hbm>>) dst(%arg10 : memref<4480xf32, #tpu.memory_space<vmem>>)
    %scan3A_445 = arith.constant 0 : i32
    %scan3A_446 = arith.constant 0 : i32
    %scan3A_447 = arith.constant 280 : i32
    %scan3A_448 = arith.addi %scan3A_446, %scan3A_447 : i32
    %scan3A_449 = arith.constant 1 : i32
    scf.for %scan3A_687 = %scan3A_446 to %scan3A_448 step %scan3A_449  : i32 {
      %mul3A_688 = arith.constant 16 : i32
      %mul3A_689 = arith.muli %scan3A_687, %mul3A_688 : i32
      %get3A = arith.index_cast %mul3A_689 : i32 to index
      %get3A_690 = tpu.vector_load %arg10[%get3A] {strides = array<i32>} : memref<4480xf32, #tpu.memory_space<vmem>>, vector<16xf32>,
      %get3A_691 = vector.shape_cast %get3A_690 : vector<16xf32> to vector<16xf32>
      %get3A_692 = arith.index_cast %scan3A_687 : i32 to index
      %get3A_693 = arith.constant 0 : index
      %get3A_694 = tpu.vector_load %arg7[%get3A_692, %get3A_693] {strides = array<i32>} : memref<280x100xf32, #tpu.memory_space<vmem>>, vector<1x16xf32>,
      %get3A_695 = vector.shape_cast %get3A_694 : vector<1x16xf32> to vector<16xf32>
      %get3A_696 = arith.index_cast %scan3A_687 : i32 to index
      %get3A_697 = arith.constant 16 : index
      %get3A_698 = tpu.vector_load %arg7[%get3A_696, %get3A_697] {strides = array<i32>} : memref<280x100xf32, #tpu.memory_space<vmem>>, vector<1x16xf32>,
      %get3A_699 = vector.shape_cast %get3A_698 : vector<1x16xf32> to vector<16xf32>
      %get3A_700 = arith.index_cast %scan3A_687 : i32 to index
      %get3A_701 = arith.constant 32 : index
      %get3A_702 = tpu.vector_load %arg7[%get3A_700, %get3A_701] {strides = array<i32>} : memref<280x100xf32, #tpu.memory_space<vmem>>, vector<1x16xf32>,
      %get3A_703 = vector.shape_cast %get3A_702 : vector<1x16xf32> to vector<16xf32>
      %get3A_704 = arith.index_cast %scan3A_687 : i32 to index
      %get3A_705 = arith.constant 48 : index
      %get3A_706 = tpu.vector_load %arg7[%get3A_704, %get3A_705] {strides = array<i32>} : memref<280x100xf32, #tpu.memory_space<vmem>>, vector<1x16xf32>,
      %get3A_707 = vector.shape_cast %get3A_706 : vector<1x16xf32> to vector<16xf32>
      %get3A_708 = arith.index_cast %scan3A_687 : i32 to index
      %get3A_709 = arith.constant 64 : index
      %get3A_710 = tpu.vector_load %arg7[%get3A_708, %get3A_709] {strides = array<i32>} : memref<280x100xf32, #tpu.memory_space<vmem>>, vector<1x16xf32>,
      %get3A_711 = vector.shape_cast %get3A_710 : vector<1x16xf32> to vector<16xf32>
      %get3A_712 = arith.index_cast %scan3A_687 : i32 to index
      %get3A_713 = arith.constant 80 : index
      %get3A_714 = tpu.vector_load %arg7[%get3A_712, %get3A_713] {strides = array<i32>} : memref<280x100xf32, #tpu.memory_space<vmem>>, vector<1x16xf32>,
      %get3A_715 = vector.shape_cast %get3A_714 : vector<1x16xf32> to vector<16xf32>
      %get3A_716 = arith.index_cast %scan3A_687 : i32 to index
      %get3A_717 = arith.constant 84 : index
      %get3A_718 = tpu.vector_load %arg7[%get3A_716, %get3A_717] {strides = array<i32>} : memref<280x100xf32, #tpu.memory_space<vmem>>, vector<1x16xf32>,
      %get3A_719 = vector.shape_cast %get3A_718 : vector<1x16xf32> to vector<16xf32>
      %mul3A_720 = arith.mulf %get3A_695, %get3A_691 : vector<16xf32>
      %swap3A = arith.index_cast %scan3A_687 : i32 to index
      %swap3A_721 = arith.constant 0 : index
      %swap3A_722 = tpu.vector_load %arg7[%swap3A, %swap3A_721] {strides = array<i32>} : memref<280x100xf32, #tpu.memory_space<vmem>>, vector<1x16xf32>,
      %swap3A_723 = vector.shape_cast %swap3A_722 : vector<1x16xf32> to vector<16xf32>
      %swap3A_724 = vector.shape_cast %mul3A_720 : vector<16xf32> to vector<1x16xf32>
      tpu.vector_store %arg7[%swap3A, %swap3A_721], %swap3A_724 {strides = array<i32>} : memref<280x100xf32, #tpu.memory_space<vmem>>, vector<1x16xf32>,
      %mul3A_725 = arith.mulf %get3A_699, %get3A_691 : vector<16xf32>
      %swap3A_726 = arith.index_cast %scan3A_687 : i32 to index
      %swap3A_727 = arith.constant 16 : index
      %swap3A_728 = tpu.vector_load %arg7[%swap3A_726, %swap3A_727] {strides = array<i32>} : memref<280x100xf32, #tpu.memory_space<vmem>>, vector<1x16xf32>,
      %swap3A_729 = vector.shape_cast %swap3A_728 : vector<1x16xf32> to vector<16xf32>
      %swap3A_730 = vector.shape_cast %mul3A_725 : vector<16xf32> to vector<1x16xf32>
      tpu.vector_store %arg7[%swap3A_726, %swap3A_727], %swap3A_730 {strides = array<i32>} : memref<280x100xf32, #tpu.memory_space<vmem>>, vector<1x16xf32>,
      %mul3A_731 = arith.mulf %get3A_703, %get3A_691 : vector<16xf32>
      %swap3A_732 = arith.index_cast %scan3A_687 : i32 to index
      %swap3A_733 = arith.constant 32 : index
      %swap3A_734 = tpu.vector_load %arg7[%swap3A_732, %swap3A_733] {strides = array<i32>} : memref<280x100xf32, #tpu.memory_space<vmem>>, vector<1x16xf32>,
      %swap3A_735 = vector.shape_cast %swap3A_734 : vector<1x16xf32> to vector<16xf32>
      %swap3A_736 = vector.shape_cast %mul3A_731 : vector<16xf32> to vector<1x16xf32>
      tpu.vector_store %arg7[%swap3A_732, %swap3A_733], %swap3A_736 {strides = array<i32>} : memref<280x100xf32, #tpu.memory_space<vmem>>, vector<1x16xf32>,
      %mul3A_737 = arith.mulf %get3A_707, %get3A_691 : vector<16xf32>
      %swap3A_738 = arith.index_cast %scan3A_687 : i32 to index
      %swap3A_739 = arith.constant 48 : index
      %swap3A_740 = tpu.vector_load %arg7[%swap3A_738, %swap3A_739] {strides = array<i32>} : memref<280x100xf32, #tpu.memory_space<vmem>>, vector<1x16xf32>,
      %swap3A_741 = vector.shape_cast %swap3A_740 : vector<1x16xf32> to vector<16xf32>
      %swap3A_742 = vector.shape_cast %mul3A_737 : vector<16xf32> to vector<1x16xf32>
      tpu.vector_store %arg7[%swap3A_738, %swap3A_739], %swap3A_742 {strides = array<i32>} : memref<280x100xf32, #tpu.memory_space<vmem>>, vector<1x16xf32>,
      %mul3A_743 = arith.mulf %get3A_711, %get3A_691 : vector<16xf32>
      %swap3A_744 = arith.index_cast %scan3A_687 : i32 to index
      %swap3A_745 = arith.constant 64 : index
      %swap3A_746 = tpu.vector_load %arg7[%swap3A_744, %swap3A_745] {strides = array<i32>} : memref<280x100xf32, #tpu.memory_space<vmem>>, vector<1x16xf32>,
      %swap3A_747 = vector.shape_cast %swap3A_746 : vector<1x16xf32> to vector<16xf32>
      %swap3A_748 = vector.shape_cast %mul3A_743 : vector<16xf32> to vector<1x16xf32>
      tpu.vector_store %arg7[%swap3A_744, %swap3A_745], %swap3A_748 {strides = array<i32>} : memref<280x100xf32, #tpu.memory_space<vmem>>, vector<1x16xf32>,
      %mul3A_749 = arith.mulf %get3A_715, %get3A_691 : vector<16xf32>
      %swap3A_750 = arith.index_cast %scan3A_687 : i32 to index
      %swap3A_751 = arith.constant 80 : index
      %swap3A_752 = tpu.vector_load %arg7[%swap3A_750, %swap3A_751] {strides = array<i32>} : memref<280x100xf32, #tpu.memory_space<vmem>>, vector<1x16xf32>,
      %swap3A_753 = vector.shape_cast %swap3A_752 : vector<1x16xf32> to vector<16xf32>
      %swap3A_754 = vector.shape_cast %mul3A_749 : vector<16xf32> to vector<1x16xf32>
      tpu.vector_store %arg7[%swap3A_750, %swap3A_751], %swap3A_754 {strides = array<i32>} : memref<280x100xf32, #tpu.memory_space<vmem>>, vector<1x16xf32>,
      %mul3A_755 = arith.mulf %get3A_719, %get3A_691 : vector<16xf32>
      %swap3A_756 = arith.index_cast %scan3A_687 : i32 to index
      %swap3A_757 = arith.constant 84 : index
      %swap3A_758 = tpu.vector_load %arg7[%swap3A_756, %swap3A_757] {strides = array<i32>} : memref<280x100xf32, #tpu.memory_space<vmem>>, vector<1x16xf32>,
      %swap3A_759 = vector.shape_cast %swap3A_758 : vector<1x16xf32> to vector<16xf32>
      %swap3A_760 = vector.shape_cast %mul3A_755 : vector<16xf32> to vector<1x16xf32>
      tpu.vector_store %arg7[%swap3A_756, %swap3A_757], %swap3A_760 {strides = array<i32>} : memref<280x100xf32, #tpu.memory_space<vmem>>, vector<1x16xf32>,
    }
    %scan3A_450 = arith.constant 280 : i32
    %add3A_451 = arith.constant 3080 : i32
    %add3A_452 = arith.addi %mul3A_2, %add3A_451 : i32
    %dma_start3A_453 = arith.constant 0 : i32
    %dma_start3A_454 = tpu.memref_slice %arg4[%add3A_452, %dma_start3A_453] : memref<161280x100xf32, #tpu.memory_space<hbm>> -> memref<280x100xf32, #tpu.memory_space<hbm>>
    %dma_start3A_455 = arith.constant 0 : i32
    %dma_start3A_456 = tpu.memref_slice %arg4[%add3A_452, %dma_start3A_455] : memref<161280x100xf32, #tpu.memory_space<hbm>> -> memref<280x100xf32, #tpu.memory_space<hbm>>
    tpu.enqueue_dma source(%arg7 : memref<280x100xf32, #tpu.memory_space<vmem>>) target(%dma_start3A_456 : memref<280x100xf32, #tpu.memory_space<hbm>>) target_semaphore(%arg19 : memref<!tpu.dma_semaphore, #tpu.memory_space<semaphore_mem>>)
    %add3A_457 = arith.constant 2800 : i32
    %add3A_458 = arith.addi %mul3A_2, %add3A_457 : i32
    %dma_wait3A_459 = arith.constant 0 : i32
    %dma_wait3A_460 = tpu.memref_slice %arg4[%add3A_458, %dma_wait3A_459] : memref<161280x100xf32, #tpu.memory_space<hbm>> -> memref<280x100xf32, #tpu.memory_space<hbm>>
    %dma_wait3A_461 = arith.constant 0 : i32
    %dma_wait3A_462 = tpu.memref_slice %arg4[%add3A_458, %dma_wait3A_461] : memref<161280x100xf32, #tpu.memory_space<hbm>> -> memref<280x100xf32, #tpu.memory_space<hbm>>
    tpu.wait_dma2 semaphore(%arg18 : memref<!tpu.dma_semaphore, #tpu.memory_space<semaphore_mem>>) src(%arg6 : memref<280x100xf32, #tpu.memory_space<vmem>>) dst(%dma_wait3A_462 : memref<280x100xf32, #tpu.memory_space<hbm>>)
    %add3A_463 = arith.constant 3640 : i32
    %add3A_464 = arith.addi %mul3A_2, %add3A_463 : i32
    %dma_start3A_465 = arith.constant 0 : i32
    %dma_start3A_466 = tpu.memref_slice %arg2[%add3A_464, %dma_start3A_465] : memref<161280x100xf32, #tpu.memory_space<hbm>> -> memref<280x100xf32, #tpu.memory_space<hbm>>
    %dma_start3A_467 = arith.constant 0 : i32
    %dma_start3A_468 = tpu.memref_slice %arg2[%add3A_464, %dma_start3A_467] : memref<161280x100xf32, #tpu.memory_space<hbm>> -> memref<280x100xf32, #tpu.memory_space<hbm>>
    tpu.enqueue_dma source(%dma_start3A_468 : memref<280x100xf32, #tpu.memory_space<hbm>>) target(%arg6 : memref<280x100xf32, #tpu.memory_space<vmem>>) target_semaphore(%arg12 : memref<!tpu.dma_semaphore, #tpu.memory_space<semaphore_mem>>)
    %add3A_469 = arith.constant 58240 : i32
    %add3A_470 = arith.addi %mul3A_5, %add3A_469 : i32
    %dma_start3A_471 = tpu.memref_slice %arg3[%add3A_470] : memref<645120xf32, #tpu.memory_space<hbm>> -> memref<4480xf32, #tpu.memory_space<hbm>>
    %dma_start3A_472 = tpu.memref_slice %arg3[%add3A_470] : memref<645120xf32, #tpu.memory_space<hbm>> -> memref<4480xf32, #tpu.memory_space<hbm>>
    tpu.enqueue_dma source(%dma_start3A_472 : memref<4480xf32, #tpu.memory_space<hbm>>) target(%arg9 : memref<4480xf32, #tpu.memory_space<vmem>>) target_semaphore(%arg15 : memref<!tpu.dma_semaphore, #tpu.memory_space<semaphore_mem>>)
    %add3A_473 = arith.constant 3360 : i32
    %add3A_474 = arith.addi %mul3A_2, %add3A_473 : i32
    %dma_wait3A_475 = arith.constant 0 : i32
    %dma_wait3A_476 = tpu.memref_slice %arg2[%add3A_474, %dma_wait3A_475] : memref<161280x100xf32, #tpu.memory_space<hbm>> -> memref<280x100xf32, #tpu.memory_space<hbm>>
    %dma_wait3A_477 = arith.constant 0 : i32
    %dma_wait3A_478 = tpu.memref_slice %arg2[%add3A_474, %dma_wait3A_477] : memref<161280x100xf32, #tpu.memory_space<hbm>> -> memref<280x100xf32, #tpu.memory_space<hbm>>
    tpu.wait_dma2 semaphore(%arg11 : memref<!tpu.dma_semaphore, #tpu.memory_space<semaphore_mem>>) src(%dma_wait3A_478 : memref<280x100xf32, #tpu.memory_space<hbm>>) dst(%arg5 : memref<280x100xf32, #tpu.memory_space<vmem>>)
    %add3A_479 = arith.constant 53760 : i32
    %add3A_480 = arith.addi %mul3A_5, %add3A_479 : i32
    %dma_wait3A_481 = tpu.memref_slice %arg3[%add3A_480] : memref<645120xf32, #tpu.memory_space<hbm>> -> memref<4480xf32, #tpu.memory_space<hbm>>
    %dma_wait3A_482 = tpu.memref_slice %arg3[%add3A_480] : memref<645120xf32, #tpu.memory_space<hbm>> -> memref<4480xf32, #tpu.memory_space<hbm>>
    tpu.wait_dma2 semaphore(%arg14 : memref<!tpu.dma_semaphore, #tpu.memory_space<semaphore_mem>>) src(%dma_wait3A_482 : memref<4480xf32, #tpu.memory_space<hbm>>) dst(%arg8 : memref<4480xf32, #tpu.memory_space<vmem>>)
    %scan3A_483 = arith.constant 0 : i32
    %scan3A_484 = arith.constant 0 : i32
    %scan3A_485 = arith.constant 280 : i32
    %scan3A_486 = arith.addi %scan3A_484, %scan3A_485 : i32
    %scan3A_487 = arith.constant 1 : i32
    scf.for %scan3A_687 = %scan3A_484 to %scan3A_486 step %scan3A_487  : i32 {
      %mul3A_688 = arith.constant 16 : i32
      %mul3A_689 = arith.muli %scan3A_687, %mul3A_688 : i32
      %get3A = arith.index_cast %mul3A_689 : i32 to index
      %get3A_690 = tpu.vector_load %arg8[%get3A] {strides = array<i32>} : memref<4480xf32, #tpu.memory_space<vmem>>, vector<16xf32>,
      %get3A_691 = vector.shape_cast %get3A_690 : vector<16xf32> to vector<16xf32>
      %get3A_692 = arith.index_cast %scan3A_687 : i32 to index
      %get3A_693 = arith.constant 0 : index
      %get3A_694 = tpu.vector_load %arg5[%get3A_692, %get3A_693] {strides = array<i32>} : memref<280x100xf32, #tpu.memory_space<vmem>>, vector<1x16xf32>,
      %get3A_695 = vector.shape_cast %get3A_694 : vector<1x16xf32> to vector<16xf32>
      %get3A_696 = arith.index_cast %scan3A_687 : i32 to index
      %get3A_697 = arith.constant 16 : index
      %get3A_698 = tpu.vector_load %arg5[%get3A_696, %get3A_697] {strides = array<i32>} : memref<280x100xf32, #tpu.memory_space<vmem>>, vector<1x16xf32>,
      %get3A_699 = vector.shape_cast %get3A_698 : vector<1x16xf32> to vector<16xf32>
      %get3A_700 = arith.index_cast %scan3A_687 : i32 to index
      %get3A_701 = arith.constant 32 : index
      %get3A_702 = tpu.vector_load %arg5[%get3A_700, %get3A_701] {strides = array<i32>} : memref<280x100xf32, #tpu.memory_space<vmem>>, vector<1x16xf32>,
      %get3A_703 = vector.shape_cast %get3A_702 : vector<1x16xf32> to vector<16xf32>
      %get3A_704 = arith.index_cast %scan3A_687 : i32 to index
      %get3A_705 = arith.constant 48 : index
      %get3A_706 = tpu.vector_load %arg5[%get3A_704, %get3A_705] {strides = array<i32>} : memref<280x100xf32, #tpu.memory_space<vmem>>, vector<1x16xf32>,
      %get3A_707 = vector.shape_cast %get3A_706 : vector<1x16xf32> to vector<16xf32>
      %get3A_708 = arith.index_cast %scan3A_687 : i32 to index
      %get3A_709 = arith.constant 64 : index
      %get3A_710 = tpu.vector_load %arg5[%get3A_708, %get3A_709] {strides = array<i32>} : memref<280x100xf32, #tpu.memory_space<vmem>>, vector<1x16xf32>,
      %get3A_711 = vector.shape_cast %get3A_710 : vector<1x16xf32> to vector<16xf32>
      %get3A_712 = arith.index_cast %scan3A_687 : i32 to index
      %get3A_713 = arith.constant 80 : index
      %get3A_714 = tpu.vector_load %arg5[%get3A_712, %get3A_713] {strides = array<i32>} : memref<280x100xf32, #tpu.memory_space<vmem>>, vector<1x16xf32>,
      %get3A_715 = vector.shape_cast %get3A_714 : vector<1x16xf32> to vector<16xf32>
      %get3A_716 = arith.index_cast %scan3A_687 : i32 to index
      %get3A_717 = arith.constant 84 : index
      %get3A_718 = tpu.vector_load %arg5[%get3A_716, %get3A_717] {strides = array<i32>} : memref<280x100xf32, #tpu.memory_space<vmem>>, vector<1x16xf32>,
      %get3A_719 = vector.shape_cast %get3A_718 : vector<1x16xf32> to vector<16xf32>
      %mul3A_720 = arith.mulf %get3A_695, %get3A_691 : vector<16xf32>
      %swap3A = arith.index_cast %scan3A_687 : i32 to index
      %swap3A_721 = arith.constant 0 : index
      %swap3A_722 = tpu.vector_load %arg5[%swap3A, %swap3A_721] {strides = array<i32>} : memref<280x100xf32, #tpu.memory_space<vmem>>, vector<1x16xf32>,
      %swap3A_723 = vector.shape_cast %swap3A_722 : vector<1x16xf32> to vector<16xf32>
      %swap3A_724 = vector.shape_cast %mul3A_720 : vector<16xf32> to vector<1x16xf32>
      tpu.vector_store %arg5[%swap3A, %swap3A_721], %swap3A_724 {strides = array<i32>} : memref<280x100xf32, #tpu.memory_space<vmem>>, vector<1x16xf32>,
      %mul3A_725 = arith.mulf %get3A_699, %get3A_691 : vector<16xf32>
      %swap3A_726 = arith.index_cast %scan3A_687 : i32 to index
      %swap3A_727 = arith.constant 16 : index
      %swap3A_728 = tpu.vector_load %arg5[%swap3A_726, %swap3A_727] {strides = array<i32>} : memref<280x100xf32, #tpu.memory_space<vmem>>, vector<1x16xf32>,
      %swap3A_729 = vector.shape_cast %swap3A_728 : vector<1x16xf32> to vector<16xf32>
      %swap3A_730 = vector.shape_cast %mul3A_725 : vector<16xf32> to vector<1x16xf32>
      tpu.vector_store %arg5[%swap3A_726, %swap3A_727], %swap3A_730 {strides = array<i32>} : memref<280x100xf32, #tpu.memory_space<vmem>>, vector<1x16xf32>,
      %mul3A_731 = arith.mulf %get3A_703, %get3A_691 : vector<16xf32>
      %swap3A_732 = arith.index_cast %scan3A_687 : i32 to index
      %swap3A_733 = arith.constant 32 : index
      %swap3A_734 = tpu.vector_load %arg5[%swap3A_732, %swap3A_733] {strides = array<i32>} : memref<280x100xf32, #tpu.memory_space<vmem>>, vector<1x16xf32>,
      %swap3A_735 = vector.shape_cast %swap3A_734 : vector<1x16xf32> to vector<16xf32>
      %swap3A_736 = vector.shape_cast %mul3A_731 : vector<16xf32> to vector<1x16xf32>
      tpu.vector_store %arg5[%swap3A_732, %swap3A_733], %swap3A_736 {strides = array<i32>} : memref<280x100xf32, #tpu.memory_space<vmem>>, vector<1x16xf32>,
      %mul3A_737 = arith.mulf %get3A_707, %get3A_691 : vector<16xf32>
      %swap3A_738 = arith.index_cast %scan3A_687 : i32 to index
      %swap3A_739 = arith.constant 48 : index
      %swap3A_740 = tpu.vector_load %arg5[%swap3A_738, %swap3A_739] {strides = array<i32>} : memref<280x100xf32, #tpu.memory_space<vmem>>, vector<1x16xf32>,
      %swap3A_741 = vector.shape_cast %swap3A_740 : vector<1x16xf32> to vector<16xf32>
      %swap3A_742 = vector.shape_cast %mul3A_737 : vector<16xf32> to vector<1x16xf32>
      tpu.vector_store %arg5[%swap3A_738, %swap3A_739], %swap3A_742 {strides = array<i32>} : memref<280x100xf32, #tpu.memory_space<vmem>>, vector<1x16xf32>,
      %mul3A_743 = arith.mulf %get3A_711, %get3A_691 : vector<16xf32>
      %swap3A_744 = arith.index_cast %scan3A_687 : i32 to index
      %swap3A_745 = arith.constant 64 : index
      %swap3A_746 = tpu.vector_load %arg5[%swap3A_744, %swap3A_745] {strides = array<i32>} : memref<280x100xf32, #tpu.memory_space<vmem>>, vector<1x16xf32>,
      %swap3A_747 = vector.shape_cast %swap3A_746 : vector<1x16xf32> to vector<16xf32>
      %swap3A_748 = vector.shape_cast %mul3A_743 : vector<16xf32> to vector<1x16xf32>
      tpu.vector_store %arg5[%swap3A_744, %swap3A_745], %swap3A_748 {strides = array<i32>} : memref<280x100xf32, #tpu.memory_space<vmem>>, vector<1x16xf32>,
      %mul3A_749 = arith.mulf %get3A_715, %get3A_691 : vector<16xf32>
      %swap3A_750 = arith.index_cast %scan3A_687 : i32 to index
      %swap3A_751 = arith.constant 80 : index
      %swap3A_752 = tpu.vector_load %arg5[%swap3A_750, %swap3A_751] {strides = array<i32>} : memref<280x100xf32, #tpu.memory_space<vmem>>, vector<1x16xf32>,
      %swap3A_753 = vector.shape_cast %swap3A_752 : vector<1x16xf32> to vector<16xf32>
      %swap3A_754 = vector.shape_cast %mul3A_749 : vector<16xf32> to vector<1x16xf32>
      tpu.vector_store %arg5[%swap3A_750, %swap3A_751], %swap3A_754 {strides = array<i32>} : memref<280x100xf32, #tpu.memory_space<vmem>>, vector<1x16xf32>,
      %mul3A_755 = arith.mulf %get3A_719, %get3A_691 : vector<16xf32>
      %swap3A_756 = arith.index_cast %scan3A_687 : i32 to index
      %swap3A_757 = arith.constant 84 : index
      %swap3A_758 = tpu.vector_load %arg5[%swap3A_756, %swap3A_757] {strides = array<i32>} : memref<280x100xf32, #tpu.memory_space<vmem>>, vector<1x16xf32>,
      %swap3A_759 = vector.shape_cast %swap3A_758 : vector<1x16xf32> to vector<16xf32>
      %swap3A_760 = vector.shape_cast %mul3A_755 : vector<16xf32> to vector<1x16xf32>
      tpu.vector_store %arg5[%swap3A_756, %swap3A_757], %swap3A_760 {strides = array<i32>} : memref<280x100xf32, #tpu.memory_space<vmem>>, vector<1x16xf32>,
    }
    %scan3A_488 = arith.constant 280 : i32
    %add3A_489 = arith.constant 3360 : i32
    %add3A_490 = arith.addi %mul3A_2, %add3A_489 : i32
    %dma_start3A_491 = arith.constant 0 : i32
    %dma_start3A_492 = tpu.memref_slice %arg4[%add3A_490, %dma_start3A_491] : memref<161280x100xf32, #tpu.memory_space<hbm>> -> memref<280x100xf32, #tpu.memory_space<hbm>>
    %dma_start3A_493 = arith.constant 0 : i32
    %dma_start3A_494 = tpu.memref_slice %arg4[%add3A_490, %dma_start3A_493] : memref<161280x100xf32, #tpu.memory_space<hbm>> -> memref<280x100xf32, #tpu.memory_space<hbm>>
    tpu.enqueue_dma source(%arg5 : memref<280x100xf32, #tpu.memory_space<vmem>>) target(%dma_start3A_494 : memref<280x100xf32, #tpu.memory_space<hbm>>) target_semaphore(%arg17 : memref<!tpu.dma_semaphore, #tpu.memory_space<semaphore_mem>>)
    %add3A_495 = arith.constant 3080 : i32
    %add3A_496 = arith.addi %mul3A_2, %add3A_495 : i32
    %dma_wait3A_497 = arith.constant 0 : i32
    %dma_wait3A_498 = tpu.memref_slice %arg4[%add3A_496, %dma_wait3A_497] : memref<161280x100xf32, #tpu.memory_space<hbm>> -> memref<280x100xf32, #tpu.memory_space<hbm>>
    %dma_wait3A_499 = arith.constant 0 : i32
    %dma_wait3A_500 = tpu.memref_slice %arg4[%add3A_496, %dma_wait3A_499] : memref<161280x100xf32, #tpu.memory_space<hbm>> -> memref<280x100xf32, #tpu.memory_space<hbm>>
    tpu.wait_dma2 semaphore(%arg19 : memref<!tpu.dma_semaphore, #tpu.memory_space<semaphore_mem>>) src(%arg7 : memref<280x100xf32, #tpu.memory_space<vmem>>) dst(%dma_wait3A_500 : memref<280x100xf32, #tpu.memory_space<hbm>>)
    %add3A_501 = arith.constant 3920 : i32
    %add3A_502 = arith.addi %mul3A_2, %add3A_501 : i32
    %dma_start3A_503 = arith.constant 0 : i32
    %dma_start3A_504 = tpu.memref_slice %arg2[%add3A_502, %dma_start3A_503] : memref<161280x100xf32, #tpu.memory_space<hbm>> -> memref<280x100xf32, #tpu.memory_space<hbm>>
    %dma_start3A_505 = arith.constant 0 : i32
    %dma_start3A_506 = tpu.memref_slice %arg2[%add3A_502, %dma_start3A_505] : memref<161280x100xf32, #tpu.memory_space<hbm>> -> memref<280x100xf32, #tpu.memory_space<hbm>>
    tpu.enqueue_dma source(%dma_start3A_506 : memref<280x100xf32, #tpu.memory_space<hbm>>) target(%arg7 : memref<280x100xf32, #tpu.memory_space<vmem>>) target_semaphore(%arg13 : memref<!tpu.dma_semaphore, #tpu.memory_space<semaphore_mem>>)
    %add3A_507 = arith.constant 62720 : i32
    %add3A_508 = arith.addi %mul3A_5, %add3A_507 : i32
    %dma_start3A_509 = tpu.memref_slice %arg3[%add3A_508] : memref<645120xf32, #tpu.memory_space<hbm>> -> memref<4480xf32, #tpu.memory_space<hbm>>
    %dma_start3A_510 = tpu.memref_slice %arg3[%add3A_508] : memref<645120xf32, #tpu.memory_space<hbm>> -> memref<4480xf32, #tpu.memory_space<hbm>>
    tpu.enqueue_dma source(%dma_start3A_510 : memref<4480xf32, #tpu.memory_space<hbm>>) target(%arg10 : memref<4480xf32, #tpu.memory_space<vmem>>) target_semaphore(%arg16 : memref<!tpu.dma_semaphore, #tpu.memory_space<semaphore_mem>>)
    %add3A_511 = arith.constant 3640 : i32
    %add3A_512 = arith.addi %mul3A_2, %add3A_511 : i32
    %dma_wait3A_513 = arith.constant 0 : i32
    %dma_wait3A_514 = tpu.memref_slice %arg2[%add3A_512, %dma_wait3A_513] : memref<161280x100xf32, #tpu.memory_space<hbm>> -> memref<280x100xf32, #tpu.memory_space<hbm>>
    %dma_wait3A_515 = arith.constant 0 : i32
    %dma_wait3A_516 = tpu.memref_slice %arg2[%add3A_512, %dma_wait3A_515] : memref<161280x100xf32, #tpu.memory_space<hbm>> -> memref<280x100xf32, #tpu.memory_space<hbm>>
    tpu.wait_dma2 semaphore(%arg12 : memref<!tpu.dma_semaphore, #tpu.memory_space<semaphore_mem>>) src(%dma_wait3A_516 : memref<280x100xf32, #tpu.memory_space<hbm>>) dst(%arg6 : memref<280x100xf32, #tpu.memory_space<vmem>>)
    %add3A_517 = arith.constant 58240 : i32
    %add3A_518 = arith.addi %mul3A_5, %add3A_517 : i32
    %dma_wait3A_519 = tpu.memref_slice %arg3[%add3A_518] : memref<645120xf32, #tpu.memory_space<hbm>> -> memref<4480xf32, #tpu.memory_space<hbm>>
    %dma_wait3A_520 = tpu.memref_slice %arg3[%add3A_518] : memref<645120xf32, #tpu.memory_space<hbm>> -> memref<4480xf32, #tpu.memory_space<hbm>>
    tpu.wait_dma2 semaphore(%arg15 : memref<!tpu.dma_semaphore, #tpu.memory_space<semaphore_mem>>) src(%dma_wait3A_520 : memref<4480xf32, #tpu.memory_space<hbm>>) dst(%arg9 : memref<4480xf32, #tpu.memory_space<vmem>>)
    %scan3A_521 = arith.constant 0 : i32
    %scan3A_522 = arith.constant 0 : i32
    %scan3A_523 = arith.constant 280 : i32
    %scan3A_524 = arith.addi %scan3A_522, %scan3A_523 : i32
    %scan3A_525 = arith.constant 1 : i32
    scf.for %scan3A_687 = %scan3A_522 to %scan3A_524 step %scan3A_525  : i32 {
      %mul3A_688 = arith.constant 16 : i32
      %mul3A_689 = arith.muli %scan3A_687, %mul3A_688 : i32
      %get3A = arith.index_cast %mul3A_689 : i32 to index
      %get3A_690 = tpu.vector_load %arg9[%get3A] {strides = array<i32>} : memref<4480xf32, #tpu.memory_space<vmem>>, vector<16xf32>,
      %get3A_691 = vector.shape_cast %get3A_690 : vector<16xf32> to vector<16xf32>
      %get3A_692 = arith.index_cast %scan3A_687 : i32 to index
      %get3A_693 = arith.constant 0 : index
      %get3A_694 = tpu.vector_load %arg6[%get3A_692, %get3A_693] {strides = array<i32>} : memref<280x100xf32, #tpu.memory_space<vmem>>, vector<1x16xf32>,
      %get3A_695 = vector.shape_cast %get3A_694 : vector<1x16xf32> to vector<16xf32>
      %get3A_696 = arith.index_cast %scan3A_687 : i32 to index
      %get3A_697 = arith.constant 16 : index
      %get3A_698 = tpu.vector_load %arg6[%get3A_696, %get3A_697] {strides = array<i32>} : memref<280x100xf32, #tpu.memory_space<vmem>>, vector<1x16xf32>,
      %get3A_699 = vector.shape_cast %get3A_698 : vector<1x16xf32> to vector<16xf32>
      %get3A_700 = arith.index_cast %scan3A_687 : i32 to index
      %get3A_701 = arith.constant 32 : index
      %get3A_702 = tpu.vector_load %arg6[%get3A_700, %get3A_701] {strides = array<i32>} : memref<280x100xf32, #tpu.memory_space<vmem>>, vector<1x16xf32>,
      %get3A_703 = vector.shape_cast %get3A_702 : vector<1x16xf32> to vector<16xf32>
      %get3A_704 = arith.index_cast %scan3A_687 : i32 to index
      %get3A_705 = arith.constant 48 : index
      %get3A_706 = tpu.vector_load %arg6[%get3A_704, %get3A_705] {strides = array<i32>} : memref<280x100xf32, #tpu.memory_space<vmem>>, vector<1x16xf32>,
      %get3A_707 = vector.shape_cast %get3A_706 : vector<1x16xf32> to vector<16xf32>
      %get3A_708 = arith.index_cast %scan3A_687 : i32 to index
      %get3A_709 = arith.constant 64 : index
      %get3A_710 = tpu.vector_load %arg6[%get3A_708, %get3A_709] {strides = array<i32>} : memref<280x100xf32, #tpu.memory_space<vmem>>, vector<1x16xf32>,
      %get3A_711 = vector.shape_cast %get3A_710 : vector<1x16xf32> to vector<16xf32>
      %get3A_712 = arith.index_cast %scan3A_687 : i32 to index
      %get3A_713 = arith.constant 80 : index
      %get3A_714 = tpu.vector_load %arg6[%get3A_712, %get3A_713] {strides = array<i32>} : memref<280x100xf32, #tpu.memory_space<vmem>>, vector<1x16xf32>,
      %get3A_715 = vector.shape_cast %get3A_714 : vector<1x16xf32> to vector<16xf32>
      %get3A_716 = arith.index_cast %scan3A_687 : i32 to index
      %get3A_717 = arith.constant 84 : index
      %get3A_718 = tpu.vector_load %arg6[%get3A_716, %get3A_717] {strides = array<i32>} : memref<280x100xf32, #tpu.memory_space<vmem>>, vector<1x16xf32>,
      %get3A_719 = vector.shape_cast %get3A_718 : vector<1x16xf32> to vector<16xf32>
      %mul3A_720 = arith.mulf %get3A_695, %get3A_691 : vector<16xf32>
      %swap3A = arith.index_cast %scan3A_687 : i32 to index
      %swap3A_721 = arith.constant 0 : index
      %swap3A_722 = tpu.vector_load %arg6[%swap3A, %swap3A_721] {strides = array<i32>} : memref<280x100xf32, #tpu.memory_space<vmem>>, vector<1x16xf32>,
      %swap3A_723 = vector.shape_cast %swap3A_722 : vector<1x16xf32> to vector<16xf32>
      %swap3A_724 = vector.shape_cast %mul3A_720 : vector<16xf32> to vector<1x16xf32>
      tpu.vector_store %arg6[%swap3A, %swap3A_721], %swap3A_724 {strides = array<i32>} : memref<280x100xf32, #tpu.memory_space<vmem>>, vector<1x16xf32>,
      %mul3A_725 = arith.mulf %get3A_699, %get3A_691 : vector<16xf32>
      %swap3A_726 = arith.index_cast %scan3A_687 : i32 to index
      %swap3A_727 = arith.constant 16 : index
      %swap3A_728 = tpu.vector_load %arg6[%swap3A_726, %swap3A_727] {strides = array<i32>} : memref<280x100xf32, #tpu.memory_space<vmem>>, vector<1x16xf32>,
      %swap3A_729 = vector.shape_cast %swap3A_728 : vector<1x16xf32> to vector<16xf32>
      %swap3A_730 = vector.shape_cast %mul3A_725 : vector<16xf32> to vector<1x16xf32>
      tpu.vector_store %arg6[%swap3A_726, %swap3A_727], %swap3A_730 {strides = array<i32>} : memref<280x100xf32, #tpu.memory_space<vmem>>, vector<1x16xf32>,
      %mul3A_731 = arith.mulf %get3A_703, %get3A_691 : vector<16xf32>
      %swap3A_732 = arith.index_cast %scan3A_687 : i32 to index
      %swap3A_733 = arith.constant 32 : index
      %swap3A_734 = tpu.vector_load %arg6[%swap3A_732, %swap3A_733] {strides = array<i32>} : memref<280x100xf32, #tpu.memory_space<vmem>>, vector<1x16xf32>,
      %swap3A_735 = vector.shape_cast %swap3A_734 : vector<1x16xf32> to vector<16xf32>
      %swap3A_736 = vector.shape_cast %mul3A_731 : vector<16xf32> to vector<1x16xf32>
      tpu.vector_store %arg6[%swap3A_732, %swap3A_733], %swap3A_736 {strides = array<i32>} : memref<280x100xf32, #tpu.memory_space<vmem>>, vector<1x16xf32>,
      %mul3A_737 = arith.mulf %get3A_707, %get3A_691 : vector<16xf32>
      %swap3A_738 = arith.index_cast %scan3A_687 : i32 to index
      %swap3A_739 = arith.constant 48 : index
      %swap3A_740 = tpu.vector_load %arg6[%swap3A_738, %swap3A_739] {strides = array<i32>} : memref<280x100xf32, #tpu.memory_space<vmem>>, vector<1x16xf32>,
      %swap3A_741 = vector.shape_cast %swap3A_740 : vector<1x16xf32> to vector<16xf32>
      %swap3A_742 = vector.shape_cast %mul3A_737 : vector<16xf32> to vector<1x16xf32>
      tpu.vector_store %arg6[%swap3A_738, %swap3A_739], %swap3A_742 {strides = array<i32>} : memref<280x100xf32, #tpu.memory_space<vmem>>, vector<1x16xf32>,
      %mul3A_743 = arith.mulf %get3A_711, %get3A_691 : vector<16xf32>
      %swap3A_744 = arith.index_cast %scan3A_687 : i32 to index
      %swap3A_745 = arith.constant 64 : index
      %swap3A_746 = tpu.vector_load %arg6[%swap3A_744, %swap3A_745] {strides = array<i32>} : memref<280x100xf32, #tpu.memory_space<vmem>>, vector<1x16xf32>,
      %swap3A_747 = vector.shape_cast %swap3A_746 : vector<1x16xf32> to vector<16xf32>
      %swap3A_748 = vector.shape_cast %mul3A_743 : vector<16xf32> to vector<1x16xf32>
      tpu.vector_store %arg6[%swap3A_744, %swap3A_745], %swap3A_748 {strides = array<i32>} : memref<280x100xf32, #tpu.memory_space<vmem>>, vector<1x16xf32>,
      %mul3A_749 = arith.mulf %get3A_715, %get3A_691 : vector<16xf32>
      %swap3A_750 = arith.index_cast %scan3A_687 : i32 to index
      %swap3A_751 = arith.constant 80 : index
      %swap3A_752 = tpu.vector_load %arg6[%swap3A_750, %swap3A_751] {strides = array<i32>} : memref<280x100xf32, #tpu.memory_space<vmem>>, vector<1x16xf32>,
      %swap3A_753 = vector.shape_cast %swap3A_752 : vector<1x16xf32> to vector<16xf32>
      %swap3A_754 = vector.shape_cast %mul3A_749 : vector<16xf32> to vector<1x16xf32>
      tpu.vector_store %arg6[%swap3A_750, %swap3A_751], %swap3A_754 {strides = array<i32>} : memref<280x100xf32, #tpu.memory_space<vmem>>, vector<1x16xf32>,
      %mul3A_755 = arith.mulf %get3A_719, %get3A_691 : vector<16xf32>
      %swap3A_756 = arith.index_cast %scan3A_687 : i32 to index
      %swap3A_757 = arith.constant 84 : index
      %swap3A_758 = tpu.vector_load %arg6[%swap3A_756, %swap3A_757] {strides = array<i32>} : memref<280x100xf32, #tpu.memory_space<vmem>>, vector<1x16xf32>,
      %swap3A_759 = vector.shape_cast %swap3A_758 : vector<1x16xf32> to vector<16xf32>
      %swap3A_760 = vector.shape_cast %mul3A_755 : vector<16xf32> to vector<1x16xf32>
      tpu.vector_store %arg6[%swap3A_756, %swap3A_757], %swap3A_760 {strides = array<i32>} : memref<280x100xf32, #tpu.memory_space<vmem>>, vector<1x16xf32>,
    }
    %scan3A_526 = arith.constant 280 : i32
    %add3A_527 = arith.constant 3640 : i32
    %add3A_528 = arith.addi %mul3A_2, %add3A_527 : i32
    %dma_start3A_529 = arith.constant 0 : i32
    %dma_start3A_530 = tpu.memref_slice %arg4[%add3A_528, %dma_start3A_529] : memref<161280x100xf32, #tpu.memory_space<hbm>> -> memref<280x100xf32, #tpu.memory_space<hbm>>
    %dma_start3A_531 = arith.constant 0 : i32
    %dma_start3A_532 = tpu.memref_slice %arg4[%add3A_528, %dma_start3A_531] : memref<161280x100xf32, #tpu.memory_space<hbm>> -> memref<280x100xf32, #tpu.memory_space<hbm>>
    tpu.enqueue_dma source(%arg6 : memref<280x100xf32, #tpu.memory_space<vmem>>) target(%dma_start3A_532 : memref<280x100xf32, #tpu.memory_space<hbm>>) target_semaphore(%arg18 : memref<!tpu.dma_semaphore, #tpu.memory_space<semaphore_mem>>)
    %add3A_533 = arith.constant 3360 : i32
    %add3A_534 = arith.addi %mul3A_2, %add3A_533 : i32
    %dma_wait3A_535 = arith.constant 0 : i32
    %dma_wait3A_536 = tpu.memref_slice %arg4[%add3A_534, %dma_wait3A_535] : memref<161280x100xf32, #tpu.memory_space<hbm>> -> memref<280x100xf32, #tpu.memory_space<hbm>>
    %dma_wait3A_537 = arith.constant 0 : i32
    %dma_wait3A_538 = tpu.memref_slice %arg4[%add3A_534, %dma_wait3A_537] : memref<161280x100xf32, #tpu.memory_space<hbm>> -> memref<280x100xf32, #tpu.memory_space<hbm>>
    tpu.wait_dma2 semaphore(%arg17 : memref<!tpu.dma_semaphore, #tpu.memory_space<semaphore_mem>>) src(%arg5 : memref<280x100xf32, #tpu.memory_space<vmem>>) dst(%dma_wait3A_538 : memref<280x100xf32, #tpu.memory_space<hbm>>)
    %add3A_539 = arith.constant 4200 : i32
    %add3A_540 = arith.addi %mul3A_2, %add3A_539 : i32
    %dma_start3A_541 = arith.constant 0 : i32
    %dma_start3A_542 = tpu.memref_slice %arg2[%add3A_540, %dma_start3A_541] : memref<161280x100xf32, #tpu.memory_space<hbm>> -> memref<280x100xf32, #tpu.memory_space<hbm>>
    %dma_start3A_543 = arith.constant 0 : i32
    %dma_start3A_544 = tpu.memref_slice %arg2[%add3A_540, %dma_start3A_543] : memref<161280x100xf32, #tpu.memory_space<hbm>> -> memref<280x100xf32, #tpu.memory_space<hbm>>
    tpu.enqueue_dma source(%dma_start3A_544 : memref<280x100xf32, #tpu.memory_space<hbm>>) target(%arg5 : memref<280x100xf32, #tpu.memory_space<vmem>>) target_semaphore(%arg11 : memref<!tpu.dma_semaphore, #tpu.memory_space<semaphore_mem>>)
    %add3A_545 = arith.constant 67200 : i32
    %add3A_546 = arith.addi %mul3A_5, %add3A_545 : i32
    %dma_start3A_547 = tpu.memref_slice %arg3[%add3A_546] : memref<645120xf32, #tpu.memory_space<hbm>> -> memref<4480xf32, #tpu.memory_space<hbm>>
    %dma_start3A_548 = tpu.memref_slice %arg3[%add3A_546] : memref<645120xf32, #tpu.memory_space<hbm>> -> memref<4480xf32, #tpu.memory_space<hbm>>
    tpu.enqueue_dma source(%dma_start3A_548 : memref<4480xf32, #tpu.memory_space<hbm>>) target(%arg8 : memref<4480xf32, #tpu.memory_space<vmem>>) target_semaphore(%arg14 : memref<!tpu.dma_semaphore, #tpu.memory_space<semaphore_mem>>)
    %add3A_549 = arith.constant 3920 : i32
    %add3A_550 = arith.addi %mul3A_2, %add3A_549 : i32
    %dma_wait3A_551 = arith.constant 0 : i32
    %dma_wait3A_552 = tpu.memref_slice %arg2[%add3A_550, %dma_wait3A_551] : memref<161280x100xf32, #tpu.memory_space<hbm>> -> memref<280x100xf32, #tpu.memory_space<hbm>>
    %dma_wait3A_553 = arith.constant 0 : i32
    %dma_wait3A_554 = tpu.memref_slice %arg2[%add3A_550, %dma_wait3A_553] : memref<161280x100xf32, #tpu.memory_space<hbm>> -> memref<280x100xf32, #tpu.memory_space<hbm>>
    tpu.wait_dma2 semaphore(%arg13 : memref<!tpu.dma_semaphore, #tpu.memory_space<semaphore_mem>>) src(%dma_wait3A_554 : memref<280x100xf32, #tpu.memory_space<hbm>>) dst(%arg7 : memref<280x100xf32, #tpu.memory_space<vmem>>)
    %add3A_555 = arith.constant 62720 : i32
    %add3A_556 = arith.addi %mul3A_5, %add3A_555 : i32
    %dma_wait3A_557 = tpu.memref_slice %arg3[%add3A_556] : memref<645120xf32, #tpu.memory_space<hbm>> -> memref<4480xf32, #tpu.memory_space<hbm>>
    %dma_wait3A_558 = tpu.memref_slice %arg3[%add3A_556] : memref<645120xf32, #tpu.memory_space<hbm>> -> memref<4480xf32, #tpu.memory_space<hbm>>
    tpu.wait_dma2 semaphore(%arg16 : memref<!tpu.dma_semaphore, #tpu.memory_space<semaphore_mem>>) src(%dma_wait3A_558 : memref<4480xf32, #tpu.memory_space<hbm>>) dst(%arg10 : memref<4480xf32, #tpu.memory_space<vmem>>)
    %scan3A_559 = arith.constant 0 : i32
    %scan3A_560 = arith.constant 0 : i32
    %scan3A_561 = arith.constant 280 : i32
    %scan3A_562 = arith.addi %scan3A_560, %scan3A_561 : i32
    %scan3A_563 = arith.constant 1 : i32
    scf.for %scan3A_687 = %scan3A_560 to %scan3A_562 step %scan3A_563  : i32 {
      %mul3A_688 = arith.constant 16 : i32
      %mul3A_689 = arith.muli %scan3A_687, %mul3A_688 : i32
      %get3A = arith.index_cast %mul3A_689 : i32 to index
      %get3A_690 = tpu.vector_load %arg10[%get3A] {strides = array<i32>} : memref<4480xf32, #tpu.memory_space<vmem>>, vector<16xf32>,
      %get3A_691 = vector.shape_cast %get3A_690 : vector<16xf32> to vector<16xf32>
      %get3A_692 = arith.index_cast %scan3A_687 : i32 to index
      %get3A_693 = arith.constant 0 : index
      %get3A_694 = tpu.vector_load %arg7[%get3A_692, %get3A_693] {strides = array<i32>} : memref<280x100xf32, #tpu.memory_space<vmem>>, vector<1x16xf32>,
      %get3A_695 = vector.shape_cast %get3A_694 : vector<1x16xf32> to vector<16xf32>
      %get3A_696 = arith.index_cast %scan3A_687 : i32 to index
      %get3A_697 = arith.constant 16 : index
      %get3A_698 = tpu.vector_load %arg7[%get3A_696, %get3A_697] {strides = array<i32>} : memref<280x100xf32, #tpu.memory_space<vmem>>, vector<1x16xf32>,
      %get3A_699 = vector.shape_cast %get3A_698 : vector<1x16xf32> to vector<16xf32>
      %get3A_700 = arith.index_cast %scan3A_687 : i32 to index
      %get3A_701 = arith.constant 32 : index
      %get3A_702 = tpu.vector_load %arg7[%get3A_700, %get3A_701] {strides = array<i32>} : memref<280x100xf32, #tpu.memory_space<vmem>>, vector<1x16xf32>,
      %get3A_703 = vector.shape_cast %get3A_702 : vector<1x16xf32> to vector<16xf32>
      %get3A_704 = arith.index_cast %scan3A_687 : i32 to index
      %get3A_705 = arith.constant 48 : index
      %get3A_706 = tpu.vector_load %arg7[%get3A_704, %get3A_705] {strides = array<i32>} : memref<280x100xf32, #tpu.memory_space<vmem>>, vector<1x16xf32>,
      %get3A_707 = vector.shape_cast %get3A_706 : vector<1x16xf32> to vector<16xf32>
      %get3A_708 = arith.index_cast %scan3A_687 : i32 to index
      %get3A_709 = arith.constant 64 : index
      %get3A_710 = tpu.vector_load %arg7[%get3A_708, %get3A_709] {strides = array<i32>} : memref<280x100xf32, #tpu.memory_space<vmem>>, vector<1x16xf32>,
      %get3A_711 = vector.shape_cast %get3A_710 : vector<1x16xf32> to vector<16xf32>
      %get3A_712 = arith.index_cast %scan3A_687 : i32 to index
      %get3A_713 = arith.constant 80 : index
      %get3A_714 = tpu.vector_load %arg7[%get3A_712, %get3A_713] {strides = array<i32>} : memref<280x100xf32, #tpu.memory_space<vmem>>, vector<1x16xf32>,
      %get3A_715 = vector.shape_cast %get3A_714 : vector<1x16xf32> to vector<16xf32>
      %get3A_716 = arith.index_cast %scan3A_687 : i32 to index
      %get3A_717 = arith.constant 84 : index
      %get3A_718 = tpu.vector_load %arg7[%get3A_716, %get3A_717] {strides = array<i32>} : memref<280x100xf32, #tpu.memory_space<vmem>>, vector<1x16xf32>,
      %get3A_719 = vector.shape_cast %get3A_718 : vector<1x16xf32> to vector<16xf32>
      %mul3A_720 = arith.mulf %get3A_695, %get3A_691 : vector<16xf32>
      %swap3A = arith.index_cast %scan3A_687 : i32 to index
      %swap3A_721 = arith.constant 0 : index
      %swap3A_722 = tpu.vector_load %arg7[%swap3A, %swap3A_721] {strides = array<i32>} : memref<280x100xf32, #tpu.memory_space<vmem>>, vector<1x16xf32>,
      %swap3A_723 = vector.shape_cast %swap3A_722 : vector<1x16xf32> to vector<16xf32>
      %swap3A_724 = vector.shape_cast %mul3A_720 : vector<16xf32> to vector<1x16xf32>
      tpu.vector_store %arg7[%swap3A, %swap3A_721], %swap3A_724 {strides = array<i32>} : memref<280x100xf32, #tpu.memory_space<vmem>>, vector<1x16xf32>,
      %mul3A_725 = arith.mulf %get3A_699, %get3A_691 : vector<16xf32>
      %swap3A_726 = arith.index_cast %scan3A_687 : i32 to index
      %swap3A_727 = arith.constant 16 : index
      %swap3A_728 = tpu.vector_load %arg7[%swap3A_726, %swap3A_727] {strides = array<i32>} : memref<280x100xf32, #tpu.memory_space<vmem>>, vector<1x16xf32>,
      %swap3A_729 = vector.shape_cast %swap3A_728 : vector<1x16xf32> to vector<16xf32>
      %swap3A_730 = vector.shape_cast %mul3A_725 : vector<16xf32> to vector<1x16xf32>
      tpu.vector_store %arg7[%swap3A_726, %swap3A_727], %swap3A_730 {strides = array<i32>} : memref<280x100xf32, #tpu.memory_space<vmem>>, vector<1x16xf32>,
      %mul3A_731 = arith.mulf %get3A_703, %get3A_691 : vector<16xf32>
      %swap3A_732 = arith.index_cast %scan3A_687 : i32 to index
      %swap3A_733 = arith.constant 32 : index
      %swap3A_734 = tpu.vector_load %arg7[%swap3A_732, %swap3A_733] {strides = array<i32>} : memref<280x100xf32, #tpu.memory_space<vmem>>, vector<1x16xf32>,
      %swap3A_735 = vector.shape_cast %swap3A_734 : vector<1x16xf32> to vector<16xf32>
      %swap3A_736 = vector.shape_cast %mul3A_731 : vector<16xf32> to vector<1x16xf32>
      tpu.vector_store %arg7[%swap3A_732, %swap3A_733], %swap3A_736 {strides = array<i32>} : memref<280x100xf32, #tpu.memory_space<vmem>>, vector<1x16xf32>,
      %mul3A_737 = arith.mulf %get3A_707, %get3A_691 : vector<16xf32>
      %swap3A_738 = arith.index_cast %scan3A_687 : i32 to index
      %swap3A_739 = arith.constant 48 : index
      %swap3A_740 = tpu.vector_load %arg7[%swap3A_738, %swap3A_739] {strides = array<i32>} : memref<280x100xf32, #tpu.memory_space<vmem>>, vector<1x16xf32>,
      %swap3A_741 = vector.shape_cast %swap3A_740 : vector<1x16xf32> to vector<16xf32>
      %swap3A_742 = vector.shape_cast %mul3A_737 : vector<16xf32> to vector<1x16xf32>
      tpu.vector_store %arg7[%swap3A_738, %swap3A_739], %swap3A_742 {strides = array<i32>} : memref<280x100xf32, #tpu.memory_space<vmem>>, vector<1x16xf32>,
      %mul3A_743 = arith.mulf %get3A_711, %get3A_691 : vector<16xf32>
      %swap3A_744 = arith.index_cast %scan3A_687 : i32 to index
      %swap3A_745 = arith.constant 64 : index
      %swap3A_746 = tpu.vector_load %arg7[%swap3A_744, %swap3A_745] {strides = array<i32>} : memref<280x100xf32, #tpu.memory_space<vmem>>, vector<1x16xf32>,
      %swap3A_747 = vector.shape_cast %swap3A_746 : vector<1x16xf32> to vector<16xf32>
      %swap3A_748 = vector.shape_cast %mul3A_743 : vector<16xf32> to vector<1x16xf32>
      tpu.vector_store %arg7[%swap3A_744, %swap3A_745], %swap3A_748 {strides = array<i32>} : memref<280x100xf32, #tpu.memory_space<vmem>>, vector<1x16xf32>,
      %mul3A_749 = arith.mulf %get3A_715, %get3A_691 : vector<16xf32>
      %swap3A_750 = arith.index_cast %scan3A_687 : i32 to index
      %swap3A_751 = arith.constant 80 : index
      %swap3A_752 = tpu.vector_load %arg7[%swap3A_750, %swap3A_751] {strides = array<i32>} : memref<280x100xf32, #tpu.memory_space<vmem>>, vector<1x16xf32>,
      %swap3A_753 = vector.shape_cast %swap3A_752 : vector<1x16xf32> to vector<16xf32>
      %swap3A_754 = vector.shape_cast %mul3A_749 : vector<16xf32> to vector<1x16xf32>
      tpu.vector_store %arg7[%swap3A_750, %swap3A_751], %swap3A_754 {strides = array<i32>} : memref<280x100xf32, #tpu.memory_space<vmem>>, vector<1x16xf32>,
      %mul3A_755 = arith.mulf %get3A_719, %get3A_691 : vector<16xf32>
      %swap3A_756 = arith.index_cast %scan3A_687 : i32 to index
      %swap3A_757 = arith.constant 84 : index
      %swap3A_758 = tpu.vector_load %arg7[%swap3A_756, %swap3A_757] {strides = array<i32>} : memref<280x100xf32, #tpu.memory_space<vmem>>, vector<1x16xf32>,
      %swap3A_759 = vector.shape_cast %swap3A_758 : vector<1x16xf32> to vector<16xf32>
      %swap3A_760 = vector.shape_cast %mul3A_755 : vector<16xf32> to vector<1x16xf32>
      tpu.vector_store %arg7[%swap3A_756, %swap3A_757], %swap3A_760 {strides = array<i32>} : memref<280x100xf32, #tpu.memory_space<vmem>>, vector<1x16xf32>,
    }
    %scan3A_564 = arith.constant 280 : i32
    %add3A_565 = arith.constant 3920 : i32
    %add3A_566 = arith.addi %mul3A_2, %add3A_565 : i32
    %dma_start3A_567 = arith.constant 0 : i32
    %dma_start3A_568 = tpu.memref_slice %arg4[%add3A_566, %dma_start3A_567] : memref<161280x100xf32, #tpu.memory_space<hbm>> -> memref<280x100xf32, #tpu.memory_space<hbm>>
    %dma_start3A_569 = arith.constant 0 : i32
    %dma_start3A_570 = tpu.memref_slice %arg4[%add3A_566, %dma_start3A_569] : memref<161280x100xf32, #tpu.memory_space<hbm>> -> memref<280x100xf32, #tpu.memory_space<hbm>>
    tpu.enqueue_dma source(%arg7 : memref<280x100xf32, #tpu.memory_space<vmem>>) target(%dma_start3A_570 : memref<280x100xf32, #tpu.memory_space<hbm>>) target_semaphore(%arg19 : memref<!tpu.dma_semaphore, #tpu.memory_space<semaphore_mem>>)
    %add3A_571 = arith.constant 3640 : i32
    %add3A_572 = arith.addi %mul3A_2, %add3A_571 : i32
    %dma_wait3A_573 = arith.constant 0 : i32
    %dma_wait3A_574 = tpu.memref_slice %arg4[%add3A_572, %dma_wait3A_573] : memref<161280x100xf32, #tpu.memory_space<hbm>> -> memref<280x100xf32, #tpu.memory_space<hbm>>
    %dma_wait3A_575 = arith.constant 0 : i32
    %dma_wait3A_576 = tpu.memref_slice %arg4[%add3A_572, %dma_wait3A_575] : memref<161280x100xf32, #tpu.memory_space<hbm>> -> memref<280x100xf32, #tpu.memory_space<hbm>>
    tpu.wait_dma2 semaphore(%arg18 : memref<!tpu.dma_semaphore, #tpu.memory_space<semaphore_mem>>) src(%arg6 : memref<280x100xf32, #tpu.memory_space<vmem>>) dst(%dma_wait3A_576 : memref<280x100xf32, #tpu.memory_space<hbm>>)
    %add3A_577 = arith.constant 4480 : i32
    %add3A_578 = arith.addi %mul3A_2, %add3A_577 : i32
    %dma_start3A_579 = arith.constant 0 : i32
    %dma_start3A_580 = tpu.memref_slice %arg2[%add3A_578, %dma_start3A_579] : memref<161280x100xf32, #tpu.memory_space<hbm>> -> memref<280x100xf32, #tpu.memory_space<hbm>>
    %dma_start3A_581 = arith.constant 0 : i32
    %dma_start3A_582 = tpu.memref_slice %arg2[%add3A_578, %dma_start3A_581] : memref<161280x100xf32, #tpu.memory_space<hbm>> -> memref<280x100xf32, #tpu.memory_space<hbm>>
    tpu.enqueue_dma source(%dma_start3A_582 : memref<280x100xf32, #tpu.memory_space<hbm>>) target(%arg6 : memref<280x100xf32, #tpu.memory_space<vmem>>) target_semaphore(%arg12 : memref<!tpu.dma_semaphore, #tpu.memory_space<semaphore_mem>>)
    %add3A_583 = arith.constant 71680 : i32
    %add3A_584 = arith.addi %mul3A_5, %add3A_583 : i32
    %dma_start3A_585 = tpu.memref_slice %arg3[%add3A_584] : memref<645120xf32, #tpu.memory_space<hbm>> -> memref<4480xf32, #tpu.memory_space<hbm>>
    %dma_start3A_586 = tpu.memref_slice %arg3[%add3A_584] : memref<645120xf32, #tpu.memory_space<hbm>> -> memref<4480xf32, #tpu.memory_space<hbm>>
    tpu.enqueue_dma source(%dma_start3A_586 : memref<4480xf32, #tpu.memory_space<hbm>>) target(%arg9 : memref<4480xf32, #tpu.memory_space<vmem>>) target_semaphore(%arg15 : memref<!tpu.dma_semaphore, #tpu.memory_space<semaphore_mem>>)
    %add3A_587 = arith.constant 4200 : i32
    %add3A_588 = arith.addi %mul3A_2, %add3A_587 : i32
    %dma_wait3A_589 = arith.constant 0 : i32
    %dma_wait3A_590 = tpu.memref_slice %arg2[%add3A_588, %dma_wait3A_589] : memref<161280x100xf32, #tpu.memory_space<hbm>> -> memref<280x100xf32, #tpu.memory_space<hbm>>
    %dma_wait3A_591 = arith.constant 0 : i32
    %dma_wait3A_592 = tpu.memref_slice %arg2[%add3A_588, %dma_wait3A_591] : memref<161280x100xf32, #tpu.memory_space<hbm>> -> memref<280x100xf32, #tpu.memory_space<hbm>>
    tpu.wait_dma2 semaphore(%arg11 : memref<!tpu.dma_semaphore, #tpu.memory_space<semaphore_mem>>) src(%dma_wait3A_592 : memref<280x100xf32, #tpu.memory_space<hbm>>) dst(%arg5 : memref<280x100xf32, #tpu.memory_space<vmem>>)
    %add3A_593 = arith.constant 67200 : i32
    %add3A_594 = arith.addi %mul3A_5, %add3A_593 : i32
    %dma_wait3A_595 = tpu.memref_slice %arg3[%add3A_594] : memref<645120xf32, #tpu.memory_space<hbm>> -> memref<4480xf32, #tpu.memory_space<hbm>>
    %dma_wait3A_596 = tpu.memref_slice %arg3[%add3A_594] : memref<645120xf32, #tpu.memory_space<hbm>> -> memref<4480xf32, #tpu.memory_space<hbm>>
    tpu.wait_dma2 semaphore(%arg14 : memref<!tpu.dma_semaphore, #tpu.memory_space<semaphore_mem>>) src(%dma_wait3A_596 : memref<4480xf32, #tpu.memory_space<hbm>>) dst(%arg8 : memref<4480xf32, #tpu.memory_space<vmem>>)
    %scan3A_597 = arith.constant 0 : i32
    %scan3A_598 = arith.constant 0 : i32
    %scan3A_599 = arith.constant 280 : i32
    %scan3A_600 = arith.addi %scan3A_598, %scan3A_599 : i32
    %scan3A_601 = arith.constant 1 : i32
    scf.for %scan3A_687 = %scan3A_598 to %scan3A_600 step %scan3A_601  : i32 {
      %mul3A_688 = arith.constant 16 : i32
      %mul3A_689 = arith.muli %scan3A_687, %mul3A_688 : i32
      %get3A = arith.index_cast %mul3A_689 : i32 to index
      %get3A_690 = tpu.vector_load %arg8[%get3A] {strides = array<i32>} : memref<4480xf32, #tpu.memory_space<vmem>>, vector<16xf32>,
      %get3A_691 = vector.shape_cast %get3A_690 : vector<16xf32> to vector<16xf32>
      %get3A_692 = arith.index_cast %scan3A_687 : i32 to index
      %get3A_693 = arith.constant 0 : index
      %get3A_694 = tpu.vector_load %arg5[%get3A_692, %get3A_693] {strides = array<i32>} : memref<280x100xf32, #tpu.memory_space<vmem>>, vector<1x16xf32>,
      %get3A_695 = vector.shape_cast %get3A_694 : vector<1x16xf32> to vector<16xf32>
      %get3A_696 = arith.index_cast %scan3A_687 : i32 to index
      %get3A_697 = arith.constant 16 : index
      %get3A_698 = tpu.vector_load %arg5[%get3A_696, %get3A_697] {strides = array<i32>} : memref<280x100xf32, #tpu.memory_space<vmem>>, vector<1x16xf32>,
      %get3A_699 = vector.shape_cast %get3A_698 : vector<1x16xf32> to vector<16xf32>
      %get3A_700 = arith.index_cast %scan3A_687 : i32 to index
      %get3A_701 = arith.constant 32 : index
      %get3A_702 = tpu.vector_load %arg5[%get3A_700, %get3A_701] {strides = array<i32>} : memref<280x100xf32, #tpu.memory_space<vmem>>, vector<1x16xf32>,
      %get3A_703 = vector.shape_cast %get3A_702 : vector<1x16xf32> to vector<16xf32>
      %get3A_704 = arith.index_cast %scan3A_687 : i32 to index
      %get3A_705 = arith.constant 48 : index
      %get3A_706 = tpu.vector_load %arg5[%get3A_704, %get3A_705] {strides = array<i32>} : memref<280x100xf32, #tpu.memory_space<vmem>>, vector<1x16xf32>,
      %get3A_707 = vector.shape_cast %get3A_706 : vector<1x16xf32> to vector<16xf32>
      %get3A_708 = arith.index_cast %scan3A_687 : i32 to index
      %get3A_709 = arith.constant 64 : index
      %get3A_710 = tpu.vector_load %arg5[%get3A_708, %get3A_709] {strides = array<i32>} : memref<280x100xf32, #tpu.memory_space<vmem>>, vector<1x16xf32>,
      %get3A_711 = vector.shape_cast %get3A_710 : vector<1x16xf32> to vector<16xf32>
      %get3A_712 = arith.index_cast %scan3A_687 : i32 to index
      %get3A_713 = arith.constant 80 : index
      %get3A_714 = tpu.vector_load %arg5[%get3A_712, %get3A_713] {strides = array<i32>} : memref<280x100xf32, #tpu.memory_space<vmem>>, vector<1x16xf32>,
      %get3A_715 = vector.shape_cast %get3A_714 : vector<1x16xf32> to vector<16xf32>
      %get3A_716 = arith.index_cast %scan3A_687 : i32 to index
      %get3A_717 = arith.constant 84 : index
      %get3A_718 = tpu.vector_load %arg5[%get3A_716, %get3A_717] {strides = array<i32>} : memref<280x100xf32, #tpu.memory_space<vmem>>, vector<1x16xf32>,
      %get3A_719 = vector.shape_cast %get3A_718 : vector<1x16xf32> to vector<16xf32>
      %mul3A_720 = arith.mulf %get3A_695, %get3A_691 : vector<16xf32>
      %swap3A = arith.index_cast %scan3A_687 : i32 to index
      %swap3A_721 = arith.constant 0 : index
      %swap3A_722 = tpu.vector_load %arg5[%swap3A, %swap3A_721] {strides = array<i32>} : memref<280x100xf32, #tpu.memory_space<vmem>>, vector<1x16xf32>,
      %swap3A_723 = vector.shape_cast %swap3A_722 : vector<1x16xf32> to vector<16xf32>
      %swap3A_724 = vector.shape_cast %mul3A_720 : vector<16xf32> to vector<1x16xf32>
      tpu.vector_store %arg5[%swap3A, %swap3A_721], %swap3A_724 {strides = array<i32>} : memref<280x100xf32, #tpu.memory_space<vmem>>, vector<1x16xf32>,
      %mul3A_725 = arith.mulf %get3A_699, %get3A_691 : vector<16xf32>
      %swap3A_726 = arith.index_cast %scan3A_687 : i32 to index
      %swap3A_727 = arith.constant 16 : index
      %swap3A_728 = tpu.vector_load %arg5[%swap3A_726, %swap3A_727] {strides = array<i32>} : memref<280x100xf32, #tpu.memory_space<vmem>>, vector<1x16xf32>,
      %swap3A_729 = vector.shape_cast %swap3A_728 : vector<1x16xf32> to vector<16xf32>
      %swap3A_730 = vector.shape_cast %mul3A_725 : vector<16xf32> to vector<1x16xf32>
      tpu.vector_store %arg5[%swap3A_726, %swap3A_727], %swap3A_730 {strides = array<i32>} : memref<280x100xf32, #tpu.memory_space<vmem>>, vector<1x16xf32>,
      %mul3A_731 = arith.mulf %get3A_703, %get3A_691 : vector<16xf32>
      %swap3A_732 = arith.index_cast %scan3A_687 : i32 to index
      %swap3A_733 = arith.constant 32 : index
      %swap3A_734 = tpu.vector_load %arg5[%swap3A_732, %swap3A_733] {strides = array<i32>} : memref<280x100xf32, #tpu.memory_space<vmem>>, vector<1x16xf32>,
      %swap3A_735 = vector.shape_cast %swap3A_734 : vector<1x16xf32> to vector<16xf32>
      %swap3A_736 = vector.shape_cast %mul3A_731 : vector<16xf32> to vector<1x16xf32>
      tpu.vector_store %arg5[%swap3A_732, %swap3A_733], %swap3A_736 {strides = array<i32>} : memref<280x100xf32, #tpu.memory_space<vmem>>, vector<1x16xf32>,
      %mul3A_737 = arith.mulf %get3A_707, %get3A_691 : vector<16xf32>
      %swap3A_738 = arith.index_cast %scan3A_687 : i32 to index
      %swap3A_739 = arith.constant 48 : index
      %swap3A_740 = tpu.vector_load %arg5[%swap3A_738, %swap3A_739] {strides = array<i32>} : memref<280x100xf32, #tpu.memory_space<vmem>>, vector<1x16xf32>,
      %swap3A_741 = vector.shape_cast %swap3A_740 : vector<1x16xf32> to vector<16xf32>
      %swap3A_742 = vector.shape_cast %mul3A_737 : vector<16xf32> to vector<1x16xf32>
      tpu.vector_store %arg5[%swap3A_738, %swap3A_739], %swap3A_742 {strides = array<i32>} : memref<280x100xf32, #tpu.memory_space<vmem>>, vector<1x16xf32>,
      %mul3A_743 = arith.mulf %get3A_711, %get3A_691 : vector<16xf32>
      %swap3A_744 = arith.index_cast %scan3A_687 : i32 to index
      %swap3A_745 = arith.constant 64 : index
      %swap3A_746 = tpu.vector_load %arg5[%swap3A_744, %swap3A_745] {strides = array<i32>} : memref<280x100xf32, #tpu.memory_space<vmem>>, vector<1x16xf32>,
      %swap3A_747 = vector.shape_cast %swap3A_746 : vector<1x16xf32> to vector<16xf32>
      %swap3A_748 = vector.shape_cast %mul3A_743 : vector<16xf32> to vector<1x16xf32>
      tpu.vector_store %arg5[%swap3A_744, %swap3A_745], %swap3A_748 {strides = array<i32>} : memref<280x100xf32, #tpu.memory_space<vmem>>, vector<1x16xf32>,
      %mul3A_749 = arith.mulf %get3A_715, %get3A_691 : vector<16xf32>
      %swap3A_750 = arith.index_cast %scan3A_687 : i32 to index
      %swap3A_751 = arith.constant 80 : index
      %swap3A_752 = tpu.vector_load %arg5[%swap3A_750, %swap3A_751] {strides = array<i32>} : memref<280x100xf32, #tpu.memory_space<vmem>>, vector<1x16xf32>,
      %swap3A_753 = vector.shape_cast %swap3A_752 : vector<1x16xf32> to vector<16xf32>
      %swap3A_754 = vector.shape_cast %mul3A_749 : vector<16xf32> to vector<1x16xf32>
      tpu.vector_store %arg5[%swap3A_750, %swap3A_751], %swap3A_754 {strides = array<i32>} : memref<280x100xf32, #tpu.memory_space<vmem>>, vector<1x16xf32>,
      %mul3A_755 = arith.mulf %get3A_719, %get3A_691 : vector<16xf32>
      %swap3A_756 = arith.index_cast %scan3A_687 : i32 to index
      %swap3A_757 = arith.constant 84 : index
      %swap3A_758 = tpu.vector_load %arg5[%swap3A_756, %swap3A_757] {strides = array<i32>} : memref<280x100xf32, #tpu.memory_space<vmem>>, vector<1x16xf32>,
      %swap3A_759 = vector.shape_cast %swap3A_758 : vector<1x16xf32> to vector<16xf32>
      %swap3A_760 = vector.shape_cast %mul3A_755 : vector<16xf32> to vector<1x16xf32>
      tpu.vector_store %arg5[%swap3A_756, %swap3A_757], %swap3A_760 {strides = array<i32>} : memref<280x100xf32, #tpu.memory_space<vmem>>, vector<1x16xf32>,
    }
    %scan3A_602 = arith.constant 280 : i32
    %add3A_603 = arith.constant 4200 : i32
    %add3A_604 = arith.addi %mul3A_2, %add3A_603 : i32
    %dma_start3A_605 = arith.constant 0 : i32
    %dma_start3A_606 = tpu.memref_slice %arg4[%add3A_604, %dma_start3A_605] : memref<161280x100xf32, #tpu.memory_space<hbm>> -> memref<280x100xf32, #tpu.memory_space<hbm>>
    %dma_start3A_607 = arith.constant 0 : i32
    %dma_start3A_608 = tpu.memref_slice %arg4[%add3A_604, %dma_start3A_607] : memref<161280x100xf32, #tpu.memory_space<hbm>> -> memref<280x100xf32, #tpu.memory_space<hbm>>
    tpu.enqueue_dma source(%arg5 : memref<280x100xf32, #tpu.memory_space<vmem>>) target(%dma_start3A_608 : memref<280x100xf32, #tpu.memory_space<hbm>>) target_semaphore(%arg17 : memref<!tpu.dma_semaphore, #tpu.memory_space<semaphore_mem>>)
    %add3A_609 = arith.constant 3920 : i32
    %add3A_610 = arith.addi %mul3A_2, %add3A_609 : i32
    %dma_wait3A_611 = arith.constant 0 : i32
    %dma_wait3A_612 = tpu.memref_slice %arg4[%add3A_610, %dma_wait3A_611] : memref<161280x100xf32, #tpu.memory_space<hbm>> -> memref<280x100xf32, #tpu.memory_space<hbm>>
    %dma_wait3A_613 = arith.constant 0 : i32
    %dma_wait3A_614 = tpu.memref_slice %arg4[%add3A_610, %dma_wait3A_613] : memref<161280x100xf32, #tpu.memory_space<hbm>> -> memref<280x100xf32, #tpu.memory_space<hbm>>
    tpu.wait_dma2 semaphore(%arg19 : memref<!tpu.dma_semaphore, #tpu.memory_space<semaphore_mem>>) src(%arg7 : memref<280x100xf32, #tpu.memory_space<vmem>>) dst(%dma_wait3A_614 : memref<280x100xf32, #tpu.memory_space<hbm>>)
    %add3A_615 = arith.constant 4760 : i32
    %add3A_616 = arith.addi %mul3A_2, %add3A_615 : i32
    %dma_start3A_617 = arith.constant 0 : i32
    %dma_start3A_618 = tpu.memref_slice %arg2[%add3A_616, %dma_start3A_617] : memref<161280x100xf32, #tpu.memory_space<hbm>> -> memref<280x100xf32, #tpu.memory_space<hbm>>
    %dma_start3A_619 = arith.constant 0 : i32
    %dma_start3A_620 = tpu.memref_slice %arg2[%add3A_616, %dma_start3A_619] : memref<161280x100xf32, #tpu.memory_space<hbm>> -> memref<280x100xf32, #tpu.memory_space<hbm>>
    tpu.enqueue_dma source(%dma_start3A_620 : memref<280x100xf32, #tpu.memory_space<hbm>>) target(%arg7 : memref<280x100xf32, #tpu.memory_space<vmem>>) target_semaphore(%arg13 : memref<!tpu.dma_semaphore, #tpu.memory_space<semaphore_mem>>)
    %add3A_621 = arith.constant 76160 : i32
    %add3A_622 = arith.addi %mul3A_5, %add3A_621 : i32
    %dma_start3A_623 = tpu.memref_slice %arg3[%add3A_622] : memref<645120xf32, #tpu.memory_space<hbm>> -> memref<4480xf32, #tpu.memory_space<hbm>>
    %dma_start3A_624 = tpu.memref_slice %arg3[%add3A_622] : memref<645120xf32, #tpu.memory_space<hbm>> -> memref<4480xf32, #tpu.memory_space<hbm>>
    tpu.enqueue_dma source(%dma_start3A_624 : memref<4480xf32, #tpu.memory_space<hbm>>) target(%arg10 : memref<4480xf32, #tpu.memory_space<vmem>>) target_semaphore(%arg16 : memref<!tpu.dma_semaphore, #tpu.memory_space<semaphore_mem>>)
    %add3A_625 = arith.constant 4480 : i32
    %add3A_626 = arith.addi %mul3A_2, %add3A_625 : i32
    %dma_wait3A_627 = arith.constant 0 : i32
    %dma_wait3A_628 = tpu.memref_slice %arg2[%add3A_626, %dma_wait3A_627] : memref<161280x100xf32, #tpu.memory_space<hbm>> -> memref<280x100xf32, #tpu.memory_space<hbm>>
    %dma_wait3A_629 = arith.constant 0 : i32
    %dma_wait3A_630 = tpu.memref_slice %arg2[%add3A_626, %dma_wait3A_629] : memref<161280x100xf32, #tpu.memory_space<hbm>> -> memref<280x100xf32, #tpu.memory_space<hbm>>
    tpu.wait_dma2 semaphore(%arg12 : memref<!tpu.dma_semaphore, #tpu.memory_space<semaphore_mem>>) src(%dma_wait3A_630 : memref<280x100xf32, #tpu.memory_space<hbm>>) dst(%arg6 : memref<280x100xf32, #tpu.memory_space<vmem>>)
    %add3A_631 = arith.constant 71680 : i32
    %add3A_632 = arith.addi %mul3A_5, %add3A_631 : i32
    %dma_wait3A_633 = tpu.memref_slice %arg3[%add3A_632] : memref<645120xf32, #tpu.memory_space<hbm>> -> memref<4480xf32, #tpu.memory_space<hbm>>
    %dma_wait3A_634 = tpu.memref_slice %arg3[%add3A_632] : memref<645120xf32, #tpu.memory_space<hbm>> -> memref<4480xf32, #tpu.memory_space<hbm>>
    tpu.wait_dma2 semaphore(%arg15 : memref<!tpu.dma_semaphore, #tpu.memory_space<semaphore_mem>>) src(%dma_wait3A_634 : memref<4480xf32, #tpu.memory_space<hbm>>) dst(%arg9 : memref<4480xf32, #tpu.memory_space<vmem>>)
    %scan3A_635 = arith.constant 0 : i32
    %scan3A_636 = arith.constant 0 : i32
    %scan3A_637 = arith.constant 280 : i32
    %scan3A_638 = arith.addi %scan3A_636, %scan3A_637 : i32
    %scan3A_639 = arith.constant 1 : i32
    scf.for %scan3A_687 = %scan3A_636 to %scan3A_638 step %scan3A_639  : i32 {
      %mul3A_688 = arith.constant 16 : i32
      %mul3A_689 = arith.muli %scan3A_687, %mul3A_688 : i32
      %get3A = arith.index_cast %mul3A_689 : i32 to index
      %get3A_690 = tpu.vector_load %arg9[%get3A] {strides = array<i32>} : memref<4480xf32, #tpu.memory_space<vmem>>, vector<16xf32>,
      %get3A_691 = vector.shape_cast %get3A_690 : vector<16xf32> to vector<16xf32>
      %get3A_692 = arith.index_cast %scan3A_687 : i32 to index
      %get3A_693 = arith.constant 0 : index
      %get3A_694 = tpu.vector_load %arg6[%get3A_692, %get3A_693] {strides = array<i32>} : memref<280x100xf32, #tpu.memory_space<vmem>>, vector<1x16xf32>,
      %get3A_695 = vector.shape_cast %get3A_694 : vector<1x16xf32> to vector<16xf32>
      %get3A_696 = arith.index_cast %scan3A_687 : i32 to index
      %get3A_697 = arith.constant 16 : index
      %get3A_698 = tpu.vector_load %arg6[%get3A_696, %get3A_697] {strides = array<i32>} : memref<280x100xf32, #tpu.memory_space<vmem>>, vector<1x16xf32>,
      %get3A_699 = vector.shape_cast %get3A_698 : vector<1x16xf32> to vector<16xf32>
      %get3A_700 = arith.index_cast %scan3A_687 : i32 to index
      %get3A_701 = arith.constant 32 : index
      %get3A_702 = tpu.vector_load %arg6[%get3A_700, %get3A_701] {strides = array<i32>} : memref<280x100xf32, #tpu.memory_space<vmem>>, vector<1x16xf32>,
      %get3A_703 = vector.shape_cast %get3A_702 : vector<1x16xf32> to vector<16xf32>
      %get3A_704 = arith.index_cast %scan3A_687 : i32 to index
      %get3A_705 = arith.constant 48 : index
      %get3A_706 = tpu.vector_load %arg6[%get3A_704, %get3A_705] {strides = array<i32>} : memref<280x100xf32, #tpu.memory_space<vmem>>, vector<1x16xf32>,
      %get3A_707 = vector.shape_cast %get3A_706 : vector<1x16xf32> to vector<16xf32>
      %get3A_708 = arith.index_cast %scan3A_687 : i32 to index
      %get3A_709 = arith.constant 64 : index
      %get3A_710 = tpu.vector_load %arg6[%get3A_708, %get3A_709] {strides = array<i32>} : memref<280x100xf32, #tpu.memory_space<vmem>>, vector<1x16xf32>,
      %get3A_711 = vector.shape_cast %get3A_710 : vector<1x16xf32> to vector<16xf32>
      %get3A_712 = arith.index_cast %scan3A_687 : i32 to index
      %get3A_713 = arith.constant 80 : index
      %get3A_714 = tpu.vector_load %arg6[%get3A_712, %get3A_713] {strides = array<i32>} : memref<280x100xf32, #tpu.memory_space<vmem>>, vector<1x16xf32>,
      %get3A_715 = vector.shape_cast %get3A_714 : vector<1x16xf32> to vector<16xf32>
      %get3A_716 = arith.index_cast %scan3A_687 : i32 to index
      %get3A_717 = arith.constant 84 : index
      %get3A_718 = tpu.vector_load %arg6[%get3A_716, %get3A_717] {strides = array<i32>} : memref<280x100xf32, #tpu.memory_space<vmem>>, vector<1x16xf32>,
      %get3A_719 = vector.shape_cast %get3A_718 : vector<1x16xf32> to vector<16xf32>
      %mul3A_720 = arith.mulf %get3A_695, %get3A_691 : vector<16xf32>
      %swap3A = arith.index_cast %scan3A_687 : i32 to index
      %swap3A_721 = arith.constant 0 : index
      %swap3A_722 = tpu.vector_load %arg6[%swap3A, %swap3A_721] {strides = array<i32>} : memref<280x100xf32, #tpu.memory_space<vmem>>, vector<1x16xf32>,
      %swap3A_723 = vector.shape_cast %swap3A_722 : vector<1x16xf32> to vector<16xf32>
      %swap3A_724 = vector.shape_cast %mul3A_720 : vector<16xf32> to vector<1x16xf32>
      tpu.vector_store %arg6[%swap3A, %swap3A_721], %swap3A_724 {strides = array<i32>} : memref<280x100xf32, #tpu.memory_space<vmem>>, vector<1x16xf32>,
      %mul3A_725 = arith.mulf %get3A_699, %get3A_691 : vector<16xf32>
      %swap3A_726 = arith.index_cast %scan3A_687 : i32 to index
      %swap3A_727 = arith.constant 16 : index
      %swap3A_728 = tpu.vector_load %arg6[%swap3A_726, %swap3A_727] {strides = array<i32>} : memref<280x100xf32, #tpu.memory_space<vmem>>, vector<1x16xf32>,
      %swap3A_729 = vector.shape_cast %swap3A_728 : vector<1x16xf32> to vector<16xf32>
      %swap3A_730 = vector.shape_cast %mul3A_725 : vector<16xf32> to vector<1x16xf32>
      tpu.vector_store %arg6[%swap3A_726, %swap3A_727], %swap3A_730 {strides = array<i32>} : memref<280x100xf32, #tpu.memory_space<vmem>>, vector<1x16xf32>,
      %mul3A_731 = arith.mulf %get3A_703, %get3A_691 : vector<16xf32>
      %swap3A_732 = arith.index_cast %scan3A_687 : i32 to index
      %swap3A_733 = arith.constant 32 : index
      %swap3A_734 = tpu.vector_load %arg6[%swap3A_732, %swap3A_733] {strides = array<i32>} : memref<280x100xf32, #tpu.memory_space<vmem>>, vector<1x16xf32>,
      %swap3A_735 = vector.shape_cast %swap3A_734 : vector<1x16xf32> to vector<16xf32>
      %swap3A_736 = vector.shape_cast %mul3A_731 : vector<16xf32> to vector<1x16xf32>
      tpu.vector_store %arg6[%swap3A_732, %swap3A_733], %swap3A_736 {strides = array<i32>} : memref<280x100xf32, #tpu.memory_space<vmem>>, vector<1x16xf32>,
      %mul3A_737 = arith.mulf %get3A_707, %get3A_691 : vector<16xf32>
      %swap3A_738 = arith.index_cast %scan3A_687 : i32 to index
      %swap3A_739 = arith.constant 48 : index
      %swap3A_740 = tpu.vector_load %arg6[%swap3A_738, %swap3A_739] {strides = array<i32>} : memref<280x100xf32, #tpu.memory_space<vmem>>, vector<1x16xf32>,
      %swap3A_741 = vector.shape_cast %swap3A_740 : vector<1x16xf32> to vector<16xf32>
      %swap3A_742 = vector.shape_cast %mul3A_737 : vector<16xf32> to vector<1x16xf32>
      tpu.vector_store %arg6[%swap3A_738, %swap3A_739], %swap3A_742 {strides = array<i32>} : memref<280x100xf32, #tpu.memory_space<vmem>>, vector<1x16xf32>,
      %mul3A_743 = arith.mulf %get3A_711, %get3A_691 : vector<16xf32>
      %swap3A_744 = arith.index_cast %scan3A_687 : i32 to index
      %swap3A_745 = arith.constant 64 : index
      %swap3A_746 = tpu.vector_load %arg6[%swap3A_744, %swap3A_745] {strides = array<i32>} : memref<280x100xf32, #tpu.memory_space<vmem>>, vector<1x16xf32>,
      %swap3A_747 = vector.shape_cast %swap3A_746 : vector<1x16xf32> to vector<16xf32>
      %swap3A_748 = vector.shape_cast %mul3A_743 : vector<16xf32> to vector<1x16xf32>
      tpu.vector_store %arg6[%swap3A_744, %swap3A_745], %swap3A_748 {strides = array<i32>} : memref<280x100xf32, #tpu.memory_space<vmem>>, vector<1x16xf32>,
      %mul3A_749 = arith.mulf %get3A_715, %get3A_691 : vector<16xf32>
      %swap3A_750 = arith.index_cast %scan3A_687 : i32 to index
      %swap3A_751 = arith.constant 80 : index
      %swap3A_752 = tpu.vector_load %arg6[%swap3A_750, %swap3A_751] {strides = array<i32>} : memref<280x100xf32, #tpu.memory_space<vmem>>, vector<1x16xf32>,
      %swap3A_753 = vector.shape_cast %swap3A_752 : vector<1x16xf32> to vector<16xf32>
      %swap3A_754 = vector.shape_cast %mul3A_749 : vector<16xf32> to vector<1x16xf32>
      tpu.vector_store %arg6[%swap3A_750, %swap3A_751], %swap3A_754 {strides = array<i32>} : memref<280x100xf32, #tpu.memory_space<vmem>>, vector<1x16xf32>,
      %mul3A_755 = arith.mulf %get3A_719, %get3A_691 : vector<16xf32>
      %swap3A_756 = arith.index_cast %scan3A_687 : i32 to index
      %swap3A_757 = arith.constant 84 : index
      %swap3A_758 = tpu.vector_load %arg6[%swap3A_756, %swap3A_757] {strides = array<i32>} : memref<280x100xf32, #tpu.memory_space<vmem>>, vector<1x16xf32>,
      %swap3A_759 = vector.shape_cast %swap3A_758 : vector<1x16xf32> to vector<16xf32>
      %swap3A_760 = vector.shape_cast %mul3A_755 : vector<16xf32> to vector<1x16xf32>
      tpu.vector_store %arg6[%swap3A_756, %swap3A_757], %swap3A_760 {strides = array<i32>} : memref<280x100xf32, #tpu.memory_space<vmem>>, vector<1x16xf32>,
    }
    %scan3A_640 = arith.constant 280 : i32
    %add3A_641 = arith.constant 4480 : i32
    %add3A_642 = arith.addi %mul3A_2, %add3A_641 : i32
    %dma_start3A_643 = arith.constant 0 : i32
    %dma_start3A_644 = tpu.memref_slice %arg4[%add3A_642, %dma_start3A_643] : memref<161280x100xf32, #tpu.memory_space<hbm>> -> memref<280x100xf32, #tpu.memory_space<hbm>>
    %dma_start3A_645 = arith.constant 0 : i32
    %dma_start3A_646 = tpu.memref_slice %arg4[%add3A_642, %dma_start3A_645] : memref<161280x100xf32, #tpu.memory_space<hbm>> -> memref<280x100xf32, #tpu.memory_space<hbm>>
    tpu.enqueue_dma source(%arg6 : memref<280x100xf32, #tpu.memory_space<vmem>>) target(%dma_start3A_646 : memref<280x100xf32, #tpu.memory_space<hbm>>) target_semaphore(%arg18 : memref<!tpu.dma_semaphore, #tpu.memory_space<semaphore_mem>>)
    %add3A_647 = arith.constant 4760 : i32
    %add3A_648 = arith.addi %mul3A_2, %add3A_647 : i32
    %dma_wait3A_649 = arith.constant 0 : i32
    %dma_wait3A_650 = tpu.memref_slice %arg2[%add3A_648, %dma_wait3A_649] : memref<161280x100xf32, #tpu.memory_space<hbm>> -> memref<280x100xf32, #tpu.memory_space<hbm>>
    %dma_wait3A_651 = arith.constant 0 : i32
    %dma_wait3A_652 = tpu.memref_slice %arg2[%add3A_648, %dma_wait3A_651] : memref<161280x100xf32, #tpu.memory_space<hbm>> -> memref<280x100xf32, #tpu.memory_space<hbm>>
    tpu.wait_dma2 semaphore(%arg13 : memref<!tpu.dma_semaphore, #tpu.memory_space<semaphore_mem>>) src(%dma_wait3A_652 : memref<280x100xf32, #tpu.memory_space<hbm>>) dst(%arg7 : memref<280x100xf32, #tpu.memory_space<vmem>>)
    %add3A_653 = arith.constant 76160 : i32
    %add3A_654 = arith.addi %mul3A_5, %add3A_653 : i32
    %dma_wait3A_655 = tpu.memref_slice %arg3[%add3A_654] : memref<645120xf32, #tpu.memory_space<hbm>> -> memref<4480xf32, #tpu.memory_space<hbm>>
    %dma_wait3A_656 = tpu.memref_slice %arg3[%add3A_654] : memref<645120xf32, #tpu.memory_space<hbm>> -> memref<4480xf32, #tpu.memory_space<hbm>>
    tpu.wait_dma2 semaphore(%arg16 : memref<!tpu.dma_semaphore, #tpu.memory_space<semaphore_mem>>) src(%dma_wait3A_656 : memref<4480xf32, #tpu.memory_space<hbm>>) dst(%arg10 : memref<4480xf32, #tpu.memory_space<vmem>>)
    %scan3A_657 = arith.constant 0 : i32
    %scan3A_658 = arith.constant 0 : i32
    %scan3A_659 = arith.constant 280 : i32
    %scan3A_660 = arith.addi %scan3A_658, %scan3A_659 : i32
    %scan3A_661 = arith.constant 1 : i32
    scf.for %scan3A_687 = %scan3A_658 to %scan3A_660 step %scan3A_661  : i32 {
      %mul3A_688 = arith.constant 16 : i32
      %mul3A_689 = arith.muli %scan3A_687, %mul3A_688 : i32
      %get3A = arith.index_cast %mul3A_689 : i32 to index
      %get3A_690 = tpu.vector_load %arg10[%get3A] {strides = array<i32>} : memref<4480xf32, #tpu.memory_space<vmem>>, vector<16xf32>,
      %get3A_691 = vector.shape_cast %get3A_690 : vector<16xf32> to vector<16xf32>
      %get3A_692 = arith.index_cast %scan3A_687 : i32 to index
      %get3A_693 = arith.constant 0 : index
      %get3A_694 = tpu.vector_load %arg7[%get3A_692, %get3A_693] {strides = array<i32>} : memref<280x100xf32, #tpu.memory_space<vmem>>, vector<1x16xf32>,
      %get3A_695 = vector.shape_cast %get3A_694 : vector<1x16xf32> to vector<16xf32>
      %get3A_696 = arith.index_cast %scan3A_687 : i32 to index
      %get3A_697 = arith.constant 16 : index
      %get3A_698 = tpu.vector_load %arg7[%get3A_696, %get3A_697] {strides = array<i32>} : memref<280x100xf32, #tpu.memory_space<vmem>>, vector<1x16xf32>,
      %get3A_699 = vector.shape_cast %get3A_698 : vector<1x16xf32> to vector<16xf32>
      %get3A_700 = arith.index_cast %scan3A_687 : i32 to index
      %get3A_701 = arith.constant 32 : index
      %get3A_702 = tpu.vector_load %arg7[%get3A_700, %get3A_701] {strides = array<i32>} : memref<280x100xf32, #tpu.memory_space<vmem>>, vector<1x16xf32>,
      %get3A_703 = vector.shape_cast %get3A_702 : vector<1x16xf32> to vector<16xf32>
      %get3A_704 = arith.index_cast %scan3A_687 : i32 to index
      %get3A_705 = arith.constant 48 : index
      %get3A_706 = tpu.vector_load %arg7[%get3A_704, %get3A_705] {strides = array<i32>} : memref<280x100xf32, #tpu.memory_space<vmem>>, vector<1x16xf32>,
      %get3A_707 = vector.shape_cast %get3A_706 : vector<1x16xf32> to vector<16xf32>
      %get3A_708 = arith.index_cast %scan3A_687 : i32 to index
      %get3A_709 = arith.constant 64 : index
      %get3A_710 = tpu.vector_load %arg7[%get3A_708, %get3A_709] {strides = array<i32>} : memref<280x100xf32, #tpu.memory_space<vmem>>, vector<1x16xf32>,
      %get3A_711 = vector.shape_cast %get3A_710 : vector<1x16xf32> to vector<16xf32>
      %get3A_712 = arith.index_cast %scan3A_687 : i32 to index
      %get3A_713 = arith.constant 80 : index
      %get3A_714 = tpu.vector_load %arg7[%get3A_712, %get3A_713] {strides = array<i32>} : memref<280x100xf32, #tpu.memory_space<vmem>>, vector<1x16xf32>,
      %get3A_715 = vector.shape_cast %get3A_714 : vector<1x16xf32> to vector<16xf32>
      %get3A_716 = arith.index_cast %scan3A_687 : i32 to index
      %get3A_717 = arith.constant 84 : index
      %get3A_718 = tpu.vector_load %arg7[%get3A_716, %get3A_717] {strides = array<i32>} : memref<280x100xf32, #tpu.memory_space<vmem>>, vector<1x16xf32>,
      %get3A_719 = vector.shape_cast %get3A_718 : vector<1x16xf32> to vector<16xf32>
      %mul3A_720 = arith.mulf %get3A_695, %get3A_691 : vector<16xf32>
      %swap3A = arith.index_cast %scan3A_687 : i32 to index
      %swap3A_721 = arith.constant 0 : index
      %swap3A_722 = tpu.vector_load %arg7[%swap3A, %swap3A_721] {strides = array<i32>} : memref<280x100xf32, #tpu.memory_space<vmem>>, vector<1x16xf32>,
      %swap3A_723 = vector.shape_cast %swap3A_722 : vector<1x16xf32> to vector<16xf32>
      %swap3A_724 = vector.shape_cast %mul3A_720 : vector<16xf32> to vector<1x16xf32>
      tpu.vector_store %arg7[%swap3A, %swap3A_721], %swap3A_724 {strides = array<i32>} : memref<280x100xf32, #tpu.memory_space<vmem>>, vector<1x16xf32>,
      %mul3A_725 = arith.mulf %get3A_699, %get3A_691 : vector<16xf32>
      %swap3A_726 = arith.index_cast %scan3A_687 : i32 to index
      %swap3A_727 = arith.constant 16 : index
      %swap3A_728 = tpu.vector_load %arg7[%swap3A_726, %swap3A_727] {strides = array<i32>} : memref<280x100xf32, #tpu.memory_space<vmem>>, vector<1x16xf32>,
      %swap3A_729 = vector.shape_cast %swap3A_728 : vector<1x16xf32> to vector<16xf32>
      %swap3A_730 = vector.shape_cast %mul3A_725 : vector<16xf32> to vector<1x16xf32>
      tpu.vector_store %arg7[%swap3A_726, %swap3A_727], %swap3A_730 {strides = array<i32>} : memref<280x100xf32, #tpu.memory_space<vmem>>, vector<1x16xf32>,
      %mul3A_731 = arith.mulf %get3A_703, %get3A_691 : vector<16xf32>
      %swap3A_732 = arith.index_cast %scan3A_687 : i32 to index
      %swap3A_733 = arith.constant 32 : index
      %swap3A_734 = tpu.vector_load %arg7[%swap3A_732, %swap3A_733] {strides = array<i32>} : memref<280x100xf32, #tpu.memory_space<vmem>>, vector<1x16xf32>,
      %swap3A_735 = vector.shape_cast %swap3A_734 : vector<1x16xf32> to vector<16xf32>
      %swap3A_736 = vector.shape_cast %mul3A_731 : vector<16xf32> to vector<1x16xf32>
      tpu.vector_store %arg7[%swap3A_732, %swap3A_733], %swap3A_736 {strides = array<i32>} : memref<280x100xf32, #tpu.memory_space<vmem>>, vector<1x16xf32>,
      %mul3A_737 = arith.mulf %get3A_707, %get3A_691 : vector<16xf32>
      %swap3A_738 = arith.index_cast %scan3A_687 : i32 to index
      %swap3A_739 = arith.constant 48 : index
      %swap3A_740 = tpu.vector_load %arg7[%swap3A_738, %swap3A_739] {strides = array<i32>} : memref<280x100xf32, #tpu.memory_space<vmem>>, vector<1x16xf32>,
      %swap3A_741 = vector.shape_cast %swap3A_740 : vector<1x16xf32> to vector<16xf32>
      %swap3A_742 = vector.shape_cast %mul3A_737 : vector<16xf32> to vector<1x16xf32>
      tpu.vector_store %arg7[%swap3A_738, %swap3A_739], %swap3A_742 {strides = array<i32>} : memref<280x100xf32, #tpu.memory_space<vmem>>, vector<1x16xf32>,
      %mul3A_743 = arith.mulf %get3A_711, %get3A_691 : vector<16xf32>
      %swap3A_744 = arith.index_cast %scan3A_687 : i32 to index
      %swap3A_745 = arith.constant 64 : index
      %swap3A_746 = tpu.vector_load %arg7[%swap3A_744, %swap3A_745] {strides = array<i32>} : memref<280x100xf32, #tpu.memory_space<vmem>>, vector<1x16xf32>,
      %swap3A_747 = vector.shape_cast %swap3A_746 : vector<1x16xf32> to vector<16xf32>
      %swap3A_748 = vector.shape_cast %mul3A_743 : vector<16xf32> to vector<1x16xf32>
      tpu.vector_store %arg7[%swap3A_744, %swap3A_745], %swap3A_748 {strides = array<i32>} : memref<280x100xf32, #tpu.memory_space<vmem>>, vector<1x16xf32>,
      %mul3A_749 = arith.mulf %get3A_715, %get3A_691 : vector<16xf32>
      %swap3A_750 = arith.index_cast %scan3A_687 : i32 to index
      %swap3A_751 = arith.constant 80 : index
      %swap3A_752 = tpu.vector_load %arg7[%swap3A_750, %swap3A_751] {strides = array<i32>} : memref<280x100xf32, #tpu.memory_space<vmem>>, vector<1x16xf32>,
      %swap3A_753 = vector.shape_cast %swap3A_752 : vector<1x16xf32> to vector<16xf32>
      %swap3A_754 = vector.shape_cast %mul3A_749 : vector<16xf32> to vector<1x16xf32>
      tpu.vector_store %arg7[%swap3A_750, %swap3A_751], %swap3A_754 {strides = array<i32>} : memref<280x100xf32, #tpu.memory_space<vmem>>, vector<1x16xf32>,
      %mul3A_755 = arith.mulf %get3A_719, %get3A_691 : vector<16xf32>
      %swap3A_756 = arith.index_cast %scan3A_687 : i32 to index
      %swap3A_757 = arith.constant 84 : index
      %swap3A_758 = tpu.vector_load %arg7[%swap3A_756, %swap3A_757] {strides = array<i32>} : memref<280x100xf32, #tpu.memory_space<vmem>>, vector<1x16xf32>,
      %swap3A_759 = vector.shape_cast %swap3A_758 : vector<1x16xf32> to vector<16xf32>
      %swap3A_760 = vector.shape_cast %mul3A_755 : vector<16xf32> to vector<1x16xf32>
      tpu.vector_store %arg7[%swap3A_756, %swap3A_757], %swap3A_760 {strides = array<i32>} : memref<280x100xf32, #tpu.memory_space<vmem>>, vector<1x16xf32>,
    }
    %scan3A_662 = arith.constant 280 : i32
    %add3A_663 = arith.constant 4760 : i32
    %add3A_664 = arith.addi %mul3A_2, %add3A_663 : i32
    %dma_start3A_665 = arith.constant 0 : i32
    %dma_start3A_666 = tpu.memref_slice %arg4[%add3A_664, %dma_start3A_665] : memref<161280x100xf32, #tpu.memory_space<hbm>> -> memref<280x100xf32, #tpu.memory_space<hbm>>
    %dma_start3A_667 = arith.constant 0 : i32
    %dma_start3A_668 = tpu.memref_slice %arg4[%add3A_664, %dma_start3A_667] : memref<161280x100xf32, #tpu.memory_space<hbm>> -> memref<280x100xf32, #tpu.memory_space<hbm>>
    tpu.enqueue_dma source(%arg7 : memref<280x100xf32, #tpu.memory_space<vmem>>) target(%dma_start3A_668 : memref<280x100xf32, #tpu.memory_space<hbm>>) target_semaphore(%arg19 : memref<!tpu.dma_semaphore, #tpu.memory_space<semaphore_mem>>)
    %add3A_669 = arith.constant 4200 : i32
    %add3A_670 = arith.addi %mul3A_2, %add3A_669 : i32
    %dma_wait3A_671 = arith.constant 0 : i32
    %dma_wait3A_672 = tpu.memref_slice %arg4[%add3A_670, %dma_wait3A_671] : memref<161280x100xf32, #tpu.memory_space<hbm>> -> memref<280x100xf32, #tpu.memory_space<hbm>>
    %dma_wait3A_673 = arith.constant 0 : i32
    %dma_wait3A_674 = tpu.memref_slice %arg4[%add3A_670, %dma_wait3A_673] : memref<161280x100xf32, #tpu.memory_space<hbm>> -> memref<280x100xf32, #tpu.memory_space<hbm>>
    tpu.wait_dma2 semaphore(%arg17 : memref<!tpu.dma_semaphore, #tpu.memory_space<semaphore_mem>>) src(%arg5 : memref<280x100xf32, #tpu.memory_space<vmem>>) dst(%dma_wait3A_674 : memref<280x100xf32, #tpu.memory_space<hbm>>)
    %add3A_675 = arith.constant 4480 : i32
    %add3A_676 = arith.addi %mul3A_2, %add3A_675 : i32
    %dma_wait3A_677 = arith.constant 0 : i32
    %dma_wait3A_678 = tpu.memref_slice %arg4[%add3A_676, %dma_wait3A_677] : memref<161280x100xf32, #tpu.memory_space<hbm>> -> memref<280x100xf32, #tpu.memory_space<hbm>>
    %dma_wait3A_679 = arith.constant 0 : i32
    %dma_wait3A_680 = tpu.memref_slice %arg4[%add3A_676, %dma_wait3A_679] : memref<161280x100xf32, #tpu.memory_space<hbm>> -> memref<280x100xf32, #tpu.memory_space<hbm>>
    tpu.wait_dma2 semaphore(%arg18 : memref<!tpu.dma_semaphore, #tpu.memory_space<semaphore_mem>>) src(%arg6 : memref<280x100xf32, #tpu.memory_space<vmem>>) dst(%dma_wait3A_680 : memref<280x100xf32, #tpu.memory_space<hbm>>)
    %add3A_681 = arith.constant 4760 : i32
    %add3A_682 = arith.addi %mul3A_2, %add3A_681 : i32
    %dma_wait3A_683 = arith.constant 0 : i32
    %dma_wait3A_684 = tpu.memref_slice %arg4[%add3A_682, %dma_wait3A_683] : memref<161280x100xf32, #tpu.memory_space<hbm>> -> memref<280x100xf32, #tpu.memory_space<hbm>>
    %dma_wait3A_685 = arith.constant 0 : i32
    %dma_wait3A_686 = tpu.memref_slice %arg4[%add3A_682, %dma_wait3A_685] : memref<161280x100xf32, #tpu.memory_space<hbm>> -> memref<280x100xf32, #tpu.memory_space<hbm>>
    tpu.wait_dma2 semaphore(%arg19 : memref<!tpu.dma_semaphore, #tpu.memory_space<semaphore_mem>>) src(%arg7 : memref<280x100xf32, #tpu.memory_space<vmem>>) dst(%dma_wait3A_686 : memref<280x100xf32, #tpu.memory_space<hbm>>)
    return
  }
}

</mosaic_0001>

<sc_bundles>
// kernel: kernel.3.cloned.1.call-start
scs
__scs_entry_jumppad:
0x0: {  	(pc) =	sbr.rel $0x88, $3  }
0x1: {  	(tag) =	ssettag $0x0;
	lr =	simm.s32 $0x1  }
0x2: {  	[smem:$0x3F9F] =	sst lr;
	_ =	strace $0xD0000000  }
0x3: {  	_ = 	snop  }
0x4: {  	_ = 	snop  }
0x5: {  	_ = 	snop  }
0x6: {  	_ = 	snop  }
0x7: {  	_ = 	snop  }
__scs_overlays_trampoline_lowered:
0x8: {  	[smem:$0x3FAE] =	sst s0  }
0x9: {  	[smem:$0x3FAF] =	sst s1  }
0xa: {  	[smem:$0x3FB0] =	sst s2  }
0xb: {  	[smem:$0x3FB1] =	sst s3  }
0xc: {  	[smem:$0x3FB2] =	sst s4  }
0xd: {  	[smem:$0x3FB3] =	sst s5  }
0xe: {  	[smem:$0x3FB4] =	sst s6  }
0xf: {  	[smem:$0x3FB5] =	sst s7  }
0x10: {  	[smem:$0x3FB6] =	sst s8  }
0x11: {  	[smem:$0x3FB7] =	sst s9;
	s0 =	simm.s32 @!p0 $0x0  }
0x12: {  	s1 =	sld [smem:$0x3F9D];
	s0 =	simm.s32 @p0 $0x1  }
0x13: {  	[smem:$0x3FB8] =	sst s0;
	s0 =	simm.s32 @!p1 $0x0  }
0x14: {  	s2 =	sld [smem:$0x3F9C];
	s0 =	simm.s32 @p1 $0x1  }
0x15: {  	[smem:$0x3FB9] =	sst s0;
	s0 =	simm.s32 @!p2 $0x0  }
0x16: {  	s3 =	sld [smem:$0x3FDB];
	s0 =	simm.s32 @p2 $0x1  }
0x17: {  	s4 =	simm.s32 $0x1BF5;
	[smem:$0x3FBB] =	sst s0  }
0x18: {  	s0 =	sld [smem:$0x3F9E];
	_ =	swait.ge [sflag:s4], $0x0  }
0x19: {  	s7 =	sld [smem:$0x3F9F]  }
0x1a: {  	s8 =	sadd.s32 $0xFFFFE003, lr  }
0x1b: {  	s9 =	sadd.s32 $0xFFFFFEF7, lr;
	s5 =	simm.s32 $0xFFFFFFFF;
	p2 =	slt.u32 s8, $0xFFFFF086  }
0x1c: {  	p1 =	slt.u32 s9, $0xF7A;
	s5 =	simm.s32 @!p2 $0x0  }
0x1d: {  	s5 =	simm.s32 @p1 $0x1;
	p0 =	seq.s32 s7, s2  }
0x1e: {  	s7 =	smul.u32 @!p0 $0xF7A, s2;
	p2 =	seq.s32 @!p0 s5, $0x0  }
0x1f: {  	s9 =	smul.u32 $0xF7A, s1;
	s8 =	simm.s32 @!p0 $0x1BF5;
	p2 =	por !p2, p0  }
0x20: {  	[sflag:s8] =	ssyncset.s32 @!p0 $0xFFFFF086;
	s6 =	sadd.s32 @!p0 s3, s7;
	s7 =	simm.s32 @!p0 $0x108  }
0x21: {  	s3 =	sadd.s32 s3, s9;
	s6 =	sadd.s32 @!p0 $0x88, s6;
	s7 =	simm.s32 @p2 $0x1082  }
0x22: {  	[simem:s7], [sflag:s8] =	dma.local @!p0 [hbm:s6], $0xF7A  }
0x23: {  	s9 =	sor.u32 $0xD0000000, s2;
	s6 =	simm.s32 $0x108;
	_ =	swait.ge @!p0 [sflag:s8], $0x0  }
0x24: {  	s3 =	sadd.s32 $0x88, s3;
	s6 =	simm.s32 @!p1 $0x1082;
	[sflag:s4] =	ssyncset.s32 $0xFFFFF086  }
0x25: {  	[simem:s6], [sflag:s4] =	dma.local [hbm:s3], $0xF7A  }
0x26: {  	[smem:$0x3F9F] =	sst s1;
	(tag) =	ssettag s2;
	_ =	strace s9  }
0x27: {  	s1 =	sld [smem:$0x3FAF]  }
0x28: {  	s2 =	sld [smem:$0x3FB0]  }
0x29: {  	s4 =	sld [smem:$0x3FB2]  }
0x2a: {  	p0 =	seq.s32 s5, $0x0;
	s5 =	sld [smem:$0x3FB3]  }
0x2b: {  	s6 =	sld [smem:$0x3FB4]  }
0x2c: {  	s7 =	sld [smem:$0x3FB5]  }
0x2d: {  	s3 =	simm.s32 $0x108;
	s8 =	sld [smem:$0x3FB6]  }
0x2e: {  	s3 =	simm.s32 @!p0 $0x1082;
	s9 =	sld [smem:$0x3FB7]  }
0x2f: {  	lr =	sadd.s32 s0, s3;
	s0 =	sld [smem:$0x3FAE]  }
0x30: {  	s3 =	sld [smem:$0x3FB1]  }
0x31: {  	[smem:$0x3FBA] =	sst s10  }
0x32: {  	s10 =	sld [smem:$0x3FB8];
	_ =	sdelay $0x3  }
0x33: {  	p0 =	seq.s32 s10, $0x1;
	s10 =	sld [smem:$0x3FBA];
	_ =	sdelay $0x3  }
0x34: {  	[smem:$0x3FBA] =	sst s10  }
0x35: {  	s10 =	sld [smem:$0x3FB9];
	_ =	sdelay $0x3  }
0x36: {  	p1 =	seq.s32 s10, $0x1;
	s10 =	sld [smem:$0x3FBA];
	_ =	sdelay $0x3  }
0x37: {  	[smem:$0x3FBA] =	sst s10  }
0x38: {  	s10 =	sld [smem:$0x3FBB]  }
0x39: {  	_ = 	snop;
	(pc) =	sbr.ind lr, $3  }
0x3a: {  	_ = 	snop  }
0x3b: {  	_ = 	snop  }
0x3c: {  	p2 =	seq.s32 s10, $0x1;
	s10 =	sld [smem:$0x3FBA]  }
0x3d: {  	_ =	shalt  }
0x3e: {  	_ =	shalt  }
0x3f: {  	_ =	shalt  }
0x40: {  	_ =	shalt  }
0x41: {  	_ =	shalt  }
0x42: {  	_ =	shalt  }
0x43: {  	_ =	shalt  }
0x44: {  	_ =	shalt  }
0x45: {  	_ =	shalt  }
0x46: {  	_ =	shalt  }
0x47: {  	_ =	shalt  }
0x48: {  	_ =	shalt  }
0x49: {  	_ =	shalt  }
0x4a: {  	_ =	shalt  }
0x4b: {  	_ =	shalt  }
0x4c: {  	_ =	shalt  }
0x4d: {  	_ =	shalt  }
0x4e: {  	_ =	shalt  }
0x4f: {  	_ =	shalt  }
0x50: {  	_ =	shalt  }
0x51: {  	_ =	shalt  }
0x52: {  	_ =	shalt  }
0x53: {  	_ =	shalt  }
0x54: {  	_ =	shalt  }
0x55: {  	_ =	shalt  }
0x56: {  	_ =	shalt  }
0x57: {  	_ =	shalt  }
0x58: {  	_ =	shalt  }
0x59: {  	_ =	shalt  }
0x5a: {  	_ =	shalt  }
0x5b: {  	_ =	shalt  }
0x5c: {  	_ =	shalt  }
0x5d: {  	_ =	shalt  }
0x5e: {  	_ =	shalt  }
0x5f: {  	_ =	shalt  }
0x60: {  	_ =	shalt  }
0x61: {  	_ =	shalt  }
0x62: {  	_ =	shalt  }
0x63: {  	_ =	shalt  }
0x64: {  	_ =	shalt  }
0x65: {  	_ =	shalt  }
0x66: {  	_ =	shalt  }
0x67: {  	_ =	shalt  }
0x68: {  	_ =	shalt  }
0x69: {  	_ =	shalt  }
0x6a: {  	_ =	shalt  }
0x6b: {  	_ =	shalt  }
0x6c: {  	_ =	shalt  }
0x6d: {  	_ =	shalt  }
0x6e: {  	_ =	shalt  }
0x6f: {  	_ =	shalt  }
0x70: {  	_ =	shalt  }
0x71: {  	_ =	shalt  }
0x72: {  	_ =	shalt  }
0x73: {  	_ =	shalt  }
0x74: {  	_ =	shalt  }
0x75: {  	_ =	shalt  }
0x76: {  	_ =	shalt  }
0x77: {  	_ =	shalt  }
0x78: {  	_ =	shalt  }
0x79: {  	_ =	shalt  }
0x7a: {  	_ =	shalt  }
0x7b: {  	_ =	shalt  }
0x7c: {  	_ =	shalt  }
0x7d: {  	_ =	shalt  }
0x7e: {  	_ =	shalt  }
0x7f: {  	_ =	shalt  }
0x80: {  	_ =	shalt  }
0x81: {  	_ =	shalt  }
0x82: {  	_ =	shalt  }
0x83: {  	_ =	shalt  }
0x84: {  	_ =	shalt  }
0x85: {  	_ =	shalt  }
0x86: {  	_ =	shalt  }
0x87: {  	_ =	shalt  }
.Lfunc_end0:
.L_simem_size_0:
called_computation.1_lowered:
.L_overlay_start_0:
0x88: {  	s2 =	sld [smem:$0x3FD9]  }
0x89: {  	s3 =	sld [smem:$0x3FFE];
	_ =	sdelay $0x1  }
0x8a: {  	s1 =	srdreg.scid  }
0x8b: {  	s0 =	sand.u32 $0x1, s1  }
0x8c: {  	s17 =	sshll.u32 s0, $0xA;
	s2 =	sadd.s32 s3, s2  }
0x8d: {  	s2 =	sadd.s32 s2, s17  }
0x8e: {  	[smem:$0x3FC6] =	sst s2  }
0x8f: {  	_ = 	snop  }
0x90: {  	s2 =	sld [smem:$0x3FD0];
	(tm) =	ssettm $0x1  }
0x91: {  	s18 =	sld [smem:$0x3FFB];
	_ =	sdelay $0x3  }
0x92: {  	_ =	strace s18  }
0x93: {  	s3 =	sld [smem:$0x3FFC];
	_ =	sdelay $0x3  }
0x94: {  	_ =	strace s3  }
0x95: {  	s3 =	sld [smem:$0x3FFD];
	_ =	sdelay $0x3  }
0x96: {  	_ =	strace s3  }
0x97: {  	_ =	strace $0x8FFFFFFF  }
0x98: {  	s19 =	sld [smem:$0x3FDB];
	_ =	sdelay $0x1  }
0x99: {  	s4 =	simm.s32 $_scs_section_size  }
0x9a: {  	s5 =	simm.s32 $_size__tile_overlayer_lowered;
	s6 =	simm.s32 $_tile_overlayer_lowered  }
0x9b: {  	s22 =	simm.s32 $0x1BFF;
	s21 =	sshll.u32 s6, $0x1;
	s3 =	sadd.s32 s4, s19  }
0x9c: {  	s7 =	simm.s32 $0x0;
	s20 =	sshll.u32 s5, $0x1;
	s5 =	sadd.s32 s21, s3  }
0x9d: {  	[timem:s7], [sflag:s22] =	dma.local [hbm:s5], s20  }
0x9e: {  	_ =	swait.ge [sflag:s22], s20  }
0x9f: {  	s4 =	ssub.s32 $0x0, s20;
	[sflag:s22] =	ssyncset.done $0x0  }
0xa0: {  	[sflag:s22] =	ssyncadd.s32 s4;
	_ =	sdelay $0x1  }
0xa1: {  	s23 =	simm.s32 $0x1B8B  }
0xa2: {  	_ =	swait.ge [sflag:s23], $0x1  }
0xa3: {  	[sflag:s23] =	ssyncset.done $0x0  }
0xa4: {  	s25 =	simm.s32 $0x1B8E;
	s24 =	sld [smem:$0x3FFE];
	[sflag:s23] =	ssyncadd.s32 $0xFFFFFFFF  }
0xa5: {  	s26 =	simm.s32 $execute0_lowered;
	[smem:$0x3FD2] =	sst s25  }
0xa6: {  	s5 =	sshll.u32 s26, $0x1;
	_ =	strace $0x80000046;
	[dreg:$0x1] =	wrdreg $0xFFFFFFFF  }
0xa7: {  	s28 =	simm.s32 $_size_execute0_lowered;
	s3 =	sadd.s32 s3, s5;
	[dreg:$0x0] =	wrdreg $0x0  }
0xa8: {  	s5 =	sshll.u32 s28, $0x1;
	[dreg:$0x2] =	wrdreg s3  }
0xa9: {  	[dreg:$0x3] =	wrdreg s5  }
0xaa: {  	[dreg:$0x4] =	wrdreg $0xC0  }
0xab: {  	_ =	task [dreg:s7], $0x5FFFF  }
0xac: {  	[dreg:$0x1] =	wrdreg $0xFFFFFFFF  }
0xad: {  	[dreg:$0x0] =	wrdreg $0x60  }
0xae: {  	[dreg:$0x2] =	wrdreg s24  }
0xaf: {  	[dreg:$0x3] =	wrdreg s2  }
0xb0: {  	[dreg:$0x4] =	wrdreg $0x9  }
0xb1: {  	_ =	task.clear_ibuf [dreg:s7], $0x5FFFF;
	_ =	strace $0x90000046  }
0xb2: {  	s29 =	simm.s32 $0x9;
	_ =	strace $0x80000048  }
0xb3: {  	_ =	swait.ge [sflag:s29], $0x1  }
0xb4: {  	[sflag:s29] =	ssyncadd.s32 $0xFFFFFFFF  }
0xb5: {  	_ =	strace $0x90000048  }
0xb6: {  	_ =	sfence  }
0xb7: {  	s30 =	sld [smem:$0x0];
	_ =	sdelay $0x2  }
0xb8: {  	s31 =	sshll.u32 s1, $0xD;
	s1 =	sshrl.u32 s1, $0x2  }
0xb9: {  	s3 =	sand.u32 $0x4000, s31;
	s1 =	sadd.s32 s1, s30  }
0xba: {  	s0 =	sor.u32 s3, s0;
	s1 =	sshll.u32 s1, $0x11  }
0xbb: {  	s0 =	sor.u32 s1, s0  }
0xbc: {  	s0 =	sadd.s32 $0x8F2B, s0  }
0xbd: {  	[sflag:s0] =	ssyncadd.remote.s32 $0x1  }
0xbe: {  	_ =	sfence.sel $0xFFFF  }
0xbf: {  	[dreg:$0x0] =	wrdreg $0xFFFFFFFF;
	(pc) =	sbr.abs _section_cstart, $3  }
0xc0: {  	[dreg:$0x1] =	wrdreg $0xFFFFFFFF  }
0xc1: {  	_ =	task.clear_ibuf [dreg:s7], $0x2FFFF;
	_ =	strace $0x9FFFFFFF  }
0xc2: {  	(tm) =	ssettm $0x7FFFFFFF  }
0xc3: {  	_ =	shalt  }
tec
execute0_lowered:
.L_overlay_start_1:
0x0: {  	(tag) =	ssettag $0x1  }
0x1: {  	s0 =	srdreg.scid;
	s1 =	stileid.u32  }
0x2: {  	s0 =	sand.u32 $0x1, s0;
	s1 =	sshll.u32 s1, $0x1  }
0x3: {  	s2 =	sor.u32 s0, s1  }
0x4: {  	s3 =	smul.u32 $0x13B0, s2;
	_ =	sdelay $0x1  }
0x5: {  	s5 =	rddreg [dreg:$0x0];
	s4 =	smulhi.u32 $0x68069, s3  }
0x6: {  	s6 =	rddreg [dreg:$0x1];
	s8 =	smul.u32 $0x9D800, s2  }
0x7: {  	s7 =	sadd.s32 $0x800, s5;
	s2 =	smul.u32 $0x13B00, s2;
	s4 =	sshrl.u32 s4, $0x2  }
0x8: {  	s1 =	simm.s32 $0x0;
	s0 =	ssub.s32 $0x2, s0;
	s4 =	smul.u32 $0x9D80, s4  }
0x9: {  	s5 =	sadd.s32 $0x276800, s5;
	[smem:$0x7FF] =	sst s1;
	s9 =	sshrl.u32 s0, $0x1  }
0xa: {  	s18 =	sadd.s32 s7, s2;
	s3 =	ssub.s32 s3, s4;
	s4 =	sshrl.u32 s8, $0x3  }
0xb: {  	s2 =	sadd.s32 s5, s2;
	[dreg:$0x3] =	wrdreg s18;
	s19 =	sadd.s32 $0x1180, s4  }
0xc: {  	[dreg:$0x5] =	wrdreg s2;
	s21 =	sadd.s32 $0x2300, s4;
	s20 =	sadd.s32 s7, s19  }
0xd: {  	s3 =	sshll.u32 s3, $0x1;
	s22 =	sadd.s32 s7, s21;
	[dreg:$0x4] =	wrdreg s20  }
0xe: {  	s23 =	sadd.s32 $0x3480, s4;
	s8 =	sadd.s32 s5, s19;
	[dreg:$0x6] =	wrdreg s22  }
0xf: {  	s25 =	sadd.s32 $0x4600, s4;
	s24 =	sadd.s32 s7, s23;
	[dreg:$0x7] =	wrdreg s8  }
0x10: {  	s3 =	sadd.s32 s6, s3;
	s6 =	sadd.s32 s5, s21;
	[dreg:$0x8] =	wrdreg s24  }
0x11: {  	s0 =	ssub.s32 s0, s9;
	s26 =	sadd.s32 s7, s25;
	[dreg:$0x9] =	wrdreg s6  }
0x12: {  	s9 =	sadd.s32 $0x5780, s4;
	s2 =	sadd.s32 s5, s23;
	[dreg:$0xa] =	wrdreg s26  }
0x13: {  	s11 =	sadd.s32 $0x6900, s4;
	s10 =	sadd.s32 s7, s9;
	[dreg:$0xb] =	wrdreg s2  }
0x14: {  	s13 =	sadd.s32 $0x7A80, s4;
	s12 =	sadd.s32 s7, s11;
	[dreg:$0xc] =	wrdreg s10  }
0x15: {  	s15 =	sadd.s32 $0x8C00, s4;
	s14 =	sadd.s32 s7, s13;
	[dreg:$0xe] =	wrdreg s12  }
0x16: {  	s17 =	sadd.s32 $0x9D80, s4;
	s16 =	sadd.s32 s7, s15;
	[dreg:$0x10] =	wrdreg s14  }
0x17: {  	s18 =	sadd.s32 s7, s17;
	[dreg:$0x12] =	wrdreg s16  }
0x18: {  	s8 =	sadd.s32 s5, s25;
	[dreg:$0x15] =	wrdreg s18  }
0x19: {  	s6 =	sadd.s32 s5, s9;
	[dreg:$0xd] =	wrdreg s8  }
0x1a: {  	s19 =	sadd.s32 $0xAF00, s4;
	s2 =	sadd.s32 s5, s11;
	[dreg:$0xf] =	wrdreg s6  }
0x1b: {  	s21 =	sadd.s32 s7, s19;
	[dreg:$0x11] =	wrdreg s2  }
0x1c: {  	s8 =	sadd.s32 s5, s13;
	[dreg:$0x17] =	wrdreg s21  }
0x1d: {  	s29 =	simm.s32 $0x1A400;
	s6 =	sadd.s32 s5, s15;
	[dreg:$0x13] =	wrdreg s8  }
0x1e: {  	s20 =	sadd.s32 $0xC080, s4;
	s2 =	sadd.s32 s5, s17;
	[dreg:$0x14] =	wrdreg s6  }
0x1f: {  	s30 =	simm.s32 $0x8C00;
	s22 =	sadd.s32 s7, s20;
	[dreg:$0x16] =	wrdreg s2  }
0x20: {  	s24 =	sadd.s32 $0xD200, s4;
	s23 =	sadd.s32 s5, s20;
	[dreg:$0x19] =	wrdreg s22  }
0x21: {  	s25 =	sadd.s32 $0xE380, s4;
	s26 =	sadd.s32 s7, s24;
	[dreg:$0x1a] =	wrdreg s23  }
0x22: {  	s31 =	simm.s32 $0x1B580;
	s9 =	sadd.s32 s7, s25;
	[dreg:$0x1b] =	wrdreg s26  }
0x23: {  	s11 =	sadd.s32 $0xF500, s4;
	s10 =	sadd.s32 s5, s25;
	[dreg:$0x1d] =	wrdreg s9  }
0x24: {  	s12 =	sadd.s32 $0x10680, s4;
	s13 =	sadd.s32 s7, s11;
	[dreg:$0x1e] =	wrdreg s10  }
0x25: {  	s0 =	smax.u32 s0, $0x1;
	s14 =	sadd.s32 s7, s12;
	[dreg:$0x1f] =	wrdreg s13  }
0x26: {  	s16 =	sadd.s32 $0x11800, s4;
	s15 =	sadd.s32 s5, s12;
	[smem:$0x7F0] =	sst s14  }
0x27: {  	s4 =	sadd.s32 $0x12980, s4;
	s17 =	sadd.s32 s7, s16;
	[smem:$0x7F1] =	sst s15  }
0x28: {  	s28 =	sadd.s32 $0x2530, s3;
	s18 =	sadd.s32 s7, s4;
	[smem:$0x7F2] =	sst s17  }
0x29: {  	s20 =	sadd.s32 $0x230, s3;
	s2 =	sadd.s32 s5, s19;
	[smem:$0x7F3] =	sst s18  }
0x2a: {  	s21 =	sadd.s32 $0x460, s3;
	s19 =	sadd.s32 s5, s4;
	[dreg:$0x18] =	wrdreg s2  }
0x2b: {  	s25 =	sadd.s32 $0xD20, s3;
	s2 =	sadd.s32 s5, s24;
	[smem:$0x7F5] =	sst s19  }
0x2c: {  	s7 =	simm.s32 $0x5;
	[dreg:$0x1c] =	wrdreg s2;
	s2 =	sadd.s32 s5, s11  }
0x2d: {  	s12 =	simm.s32 $0x9;
	[smem:$0x7EF] =	sst s2;
	s2 =	sadd.s32 s5, s16  }
0x2e: {  	s22 =	sadd.s32 $0x690, s3;
	s23 =	sadd.s32 $0x8C0, s3;
	[smem:$0x7F4] =	sst s2  }
0x2f: {  	s26 =	sadd.s32 $0xF50, s3;
	_ =	strace $0x80000047;
	[smem:$0x7F6] =	sst s0  }
0x30: {  	s18 =	sadd.s32 $0x1180, s3;
	s4 =	simm.s32 $0x11800;
	[smem:$0x7F7] =	sst s20  }
0x31: {  	s6 =	simm.s32 $0x2;
	s8 =	simm.s32 $0x7;
	[smem:$0x7F8] =	sst s21  }
0x32: {  	s9 =	simm.s32 $0x3;
	s10 =	simm.s32 $0x6;
	[smem:$0x7F9] =	sst s22  }
0x33: {  	s13 =	simm.s32 $0x0;
	s24 =	sadd.s32 $0xAF0, s3;
	[smem:$0x7FA] =	sst s23  }
0x34: {  	s19 =	sadd.s32 $0x13B0, s3;
	s11 =	simm.s32 $0x8;
	[smem:$0x7FB] =	sst s24  }
0x35: {  	s5 =	simm.s32 $0x1C700;
	s2 =	simm.s32 $0x4;
	[smem:$0x7FC] =	sst s25  }
0x36: {  	[smem:$0x7FD] =	sst s26;
	s20 =	sadd.s32 $0x15E0, s3;
	s21 =	sadd.s32 $0x1810, s3  }
0x37: {  	s22 =	sadd.s32 $0x1A40, s3;
	s23 =	sadd.s32 $0x1C70, s3;
	s24 =	sadd.s32 $0x1EA0, s3  }
0x38: {  	s25 =	sadd.s32 $0x20D0, s3;
	s26 =	sadd.s32 $0x2300, s3;
	s0 =	simm.s32 $0x1  }
.LBB2_1:
0x39: {  	s14 =	rddreg [dreg:$0x3]  }
0x3a: {  	[tilespmem:s1], [sflag:$0x1] =	stream.linear.gather [hbm4b:s14+s1], $0x8C00, $0x38;
	[tilespmem:$0x1D880] =	vst v63  }
0x3b: {  	s16 =	rddreg [dreg:$0x4]  }
0x3c: {  	[tilespmem:s29], [sflag:$0x4] =	stream.linear.gather [hbm4b:s3+s1], $0x1180, $0x38;
	[tilespmem:$0x1D880] =	vst v63  }
0x3d: {  	s17 =	sld [smem:$0x7F7]  }
0x3e: {  	[tilespmem:s30], [sflag:$0x2] =	stream.linear.gather [hbm4b:s16+s1], $0x8C00, $0x38;
	[tilespmem:$0x1D880] =	vst v63  }
0x3f: {  	_ = 	snop  }
0x40: {  	[tilespmem:s31], [sflag:$0x5] =	stream.linear.gather [hbm4b:s17+s1], $0x1180, $0x38;
	[tilespmem:$0x1D880] =	vst v63  }
0x41: {  	_ =	swait.ge [sflag:s0], $0x8C00  }
0x42: {  	[sflag:s0] =	ssyncset.done $0x0  }
0x43: {  	[sflag:s0] =	ssyncadd.s32 $0xFFFF7400  }
0x44: {  	_ =	swait.ge [sflag:s2], $0x1180  }
0x45: {  	[sflag:s2] =	ssyncset.done $0x0  }
0x46: {  	s14 =	simm.s32 $0x30;
	[sflag:s2] =	ssyncadd.s32 $0xFFFFEE80  }
0x47: {  	v0 =	vld [tilespmem:s14+$0xFFFFFFF0]  }
0x48: {  	v1 =	vld [tilespmem:s14+$0xFFFFFFE0]  }
0x49: {  	v3 =	vld [tilespmem:s14+$0xFFFFFFD0]  }
0x4a: {  	s15 =	simm.s32 $0x0;
	v4 =	vld [tilespmem:s14+$0x20]  }
0x4b: {  	s16 =	simm.s32 $0x40;
	v2 =	vld [tilespmem:s15+$0x1A400];
	s15 =	simm.s32 $0x30  }
.LBB2_2:
0x4c: {  	p0 =	sne.s32 s16, $0x45C0;
	v5 =	vld [tilespmem:s14+$0x24]  }
0x4d: {  	v6 =	vld [tilespmem:s14+$0x0]  }
0x4e: {  	v7 =	vld [tilespmem:s14+$0x10];
	_ =	sdelay $0x1  }
0x4f: {  	v3 =	vmul.f32 v3, v2;
	v4 =	vmul.f32 v4, v2  }
0x50: {  	v1 =	vmul.f32 v1, v2;
	v5 =	vmul.f32 v5, v2  }
0x51: {  	v8 =	vmul.f32 v0, v2;
	v6 =	vmul.f32 v6, v2;
	[tilespmem:s14+$0x20] =	vst v4  }
0x52: {  	v2 =	vmul.f32 v7, v2;
	[tilespmem:s14+$0x24] =	vst v5  }
0x53: {  	s14 =	sadd.s32 $0x80, s14;
	[tilespmem:s15+$0xFFFFFFD0] =	vst v3  }
.Ltmp0:
0x54: {  	v0 =	vld [tilespmem:s14+$0xFFFFFFF0];
	[tilespmem:s15+$0xFFFFFFE0] =	vst v1;
	(pc) =	sbr.rel @p0 .LBB2_2-.Ltmp0, $4  }
0x55: {  	v1 =	vld [tilespmem:s14+$0xFFFFFFE0];
	[tilespmem:s15+$0xFFFFFFF0] =	vst v8  }
0x56: {  	v3 =	vld [tilespmem:s14+$0xFFFFFFD0];
	[tilespmem:s15+$0x0] =	vst v6  }
0x57: {  	s17 =	sshra.s32 s16, $0x2;
	v4 =	vld [tilespmem:s14+$0x20];
	[tilespmem:s15+$0x10] =	vst v2;
	s15 =	smov.u32 s14  }
0x58: {  	s16 =	sadd.s32 $0x40, s16;
	v2 =	vld [tilespmem:s17+$0x1A400]  }
0x59: {  	_ =	sdelay $0x1  }
0x5a: {  	v5 =	vld [tilespmem:s14+$0x24];
	_ =	sdelay $0x1  }
0x5b: {  	v6 =	vld [tilespmem:s14+$0x0];
	v4 =	vmul.f32 v4, v2  }
0x5c: {  	v7 =	vld [tilespmem:s14+$0x10];
	v3 =	vmul.f32 v3, v2  }
0x5d: {  	v1 =	vmul.f32 v1, v2;
	[tilespmem:s14+$0x20] =	vst v4  }
0x5e: {  	v5 =	vmul.f32 v5, v2;
	[tilespmem:s15+$0xFFFFFFD0] =	vst v3  }
0x5f: {  	v0 =	vmul.f32 v0, v2;
	[tilespmem:s15+$0xFFFFFFE0] =	vst v1  }
0x60: {  	v3 =	vmul.f32 v6, v2;
	[tilespmem:s14+$0x24] =	vst v5  }
0x61: {  	v1 =	vmul.f32 v7, v2;
	[tilespmem:s15+$0xFFFFFFF0] =	vst v0  }
0x62: {  	s16 =	rddreg [dreg:$0x5];
	[tilespmem:s15+$0x0] =	vst v3  }
0x63: {  	s17 =	rddreg [dreg:$0x6];
	s14 =	simm.s32 $0x0;
	[tilespmem:s15+$0x10] =	vst v1  }
0x64: {  	[hbm4b:s16+s14] =	stream.linear.scatter [tilespmem:s14], [sflag:$0x7], $0x8C00, $0x38;
	[tilespmem:$0x1D880] =	vst v63  }
0x65: {  	s16 =	sld [smem:$0x7F8]  }
0x66: {  	[tilespmem:s4], [sflag:$0x3] =	stream.linear.gather [hbm4b:s17+s14], $0x8C00, $0x38;
	[tilespmem:$0x1D880] =	vst v63  }
0x67: {  	_ = 	snop  }
0x68: {  	[tilespmem:s5], [sflag:$0x6] =	stream.linear.gather [hbm4b:s16+s14], $0x1180, $0x38;
	[tilespmem:$0x1D880] =	vst v63  }
0x69: {  	_ =	swait.ge [sflag:s6], $0x8C00  }
0x6a: {  	[sflag:s6] =	ssyncset.done $0x0  }
0x6b: {  	[sflag:s6] =	ssyncadd.s32 $0xFFFF7400  }
0x6c: {  	_ =	swait.ge [sflag:s7], $0x1180  }
0x6d: {  	[sflag:s7] =	ssyncset.done $0x0  }
0x6e: {  	s14 =	simm.s32 $0x8C30;
	[sflag:s7] =	ssyncadd.s32 $0xFFFFEE80  }
0x6f: {  	v0 =	vld [tilespmem:s14+$0xFFFFFFF0]  }
0x70: {  	v1 =	vld [tilespmem:s14+$0xFFFFFFE0]  }
0x71: {  	v3 =	vld [tilespmem:s14+$0xFFFFFFD0]  }
0x72: {  	s17 =	simm.s32 $0x0;
	v4 =	vld [tilespmem:s14+$0x20]  }
0x73: {  	s15 =	simm.s32 $0x8C30;
	s16 =	simm.s32 $0x40;
	v2 =	vld [tilespmem:s17+$0x1B580]  }
.LBB2_4:
0x74: {  	p0 =	sne.s32 s16, $0x45C0;
	v5 =	vld [tilespmem:s14+$0x24]  }
0x75: {  	v6 =	vld [tilespmem:s14+$0x0]  }
0x76: {  	v7 =	vld [tilespmem:s14+$0x10];
	_ =	sdelay $0x1  }
0x77: {  	v3 =	vmul.f32 v3, v2;
	v4 =	vmul.f32 v4, v2  }
0x78: {  	v1 =	vmul.f32 v1, v2;
	v5 =	vmul.f32 v5, v2  }
0x79: {  	v8 =	vmul.f32 v0, v2;
	v6 =	vmul.f32 v6, v2;
	[tilespmem:s14+$0x20] =	vst v4  }
0x7a: {  	v2 =	vmul.f32 v7, v2;
	[tilespmem:s14+$0x24] =	vst v5  }
0x7b: {  	s14 =	sadd.s32 $0x80, s14;
	[tilespmem:s15+$0xFFFFFFD0] =	vst v3  }
.Ltmp1:
0x7c: {  	v0 =	vld [tilespmem:s14+$0xFFFFFFF0];
	[tilespmem:s15+$0xFFFFFFE0] =	vst v1;
	(pc) =	sbr.rel @p0 .LBB2_4-.Ltmp1, $4  }
0x7d: {  	v1 =	vld [tilespmem:s14+$0xFFFFFFE0];
	[tilespmem:s15+$0xFFFFFFF0] =	vst v8  }
0x7e: {  	v3 =	vld [tilespmem:s14+$0xFFFFFFD0];
	[tilespmem:s15+$0x0] =	vst v6  }
0x7f: {  	s17 =	sshra.s32 s16, $0x2;
	v4 =	vld [tilespmem:s14+$0x20];
	[tilespmem:s15+$0x10] =	vst v2;
	s15 =	smov.u32 s14  }
0x80: {  	s16 =	sadd.s32 $0x40, s16;
	v2 =	vld [tilespmem:s17+$0x1B580]  }
0x81: {  	_ =	sdelay $0x1  }
0x82: {  	v5 =	vld [tilespmem:s14+$0x24];
	_ =	sdelay $0x1  }
0x83: {  	v6 =	vld [tilespmem:s14+$0x0];
	v4 =	vmul.f32 v4, v2  }
0x84: {  	v7 =	vld [tilespmem:s14+$0x10];
	v3 =	vmul.f32 v3, v2  }
0x85: {  	v1 =	vmul.f32 v1, v2;
	[tilespmem:s14+$0x20] =	vst v4  }
0x86: {  	v5 =	vmul.f32 v5, v2;
	[tilespmem:s15+$0xFFFFFFD0] =	vst v3  }
0x87: {  	v0 =	vmul.f32 v0, v2;
	[tilespmem:s15+$0xFFFFFFE0] =	vst v1  }
0x88: {  	v3 =	vmul.f32 v6, v2;
	[tilespmem:s14+$0x24] =	vst v5  }
0x89: {  	v1 =	vmul.f32 v7, v2;
	[tilespmem:s15+$0xFFFFFFF0] =	vst v0  }
0x8a: {  	[tilespmem:s15+$0x0] =	vst v3  }
0x8b: {  	s16 =	rddreg [dreg:$0x7];
	s14 =	simm.s32 $0x0;
	[tilespmem:s15+$0x10] =	vst v1  }
0x8c: {  	[hbm4b:s16+s14] =	stream.linear.scatter [tilespmem:s30], [sflag:$0x8], $0x8C00, $0x38;
	[tilespmem:$0x1D880] =	vst v63  }
0x8d: {  	_ =	swait.ge [sflag:s8], $0x8C00  }
0x8e: {  	[sflag:s8] =	ssyncset.done $0x0;
	s17 =	rddreg [dreg:$0x8]  }
0x8f: {  	s16 =	sld [smem:$0x7F9];
	[sflag:s8] =	ssyncadd.s32 $0xFFFF7400  }
0x90: {  	[tilespmem:s14], [sflag:$0x1] =	stream.linear.gather [hbm4b:s17+s14], $0x8C00, $0x38;
	[tilespmem:$0x1D880] =	vst v63  }
0x91: {  	_ = 	snop  }
0x92: {  	[tilespmem:s29], [sflag:$0x4] =	stream.linear.gather [hbm4b:s16+s14], $0x1180, $0x38;
	[tilespmem:$0x1D880] =	vst v63  }
0x93: {  	_ =	swait.ge [sflag:s9], $0x8C00  }
0x94: {  	[sflag:s9] =	ssyncset.done $0x0  }
0x95: {  	[sflag:s9] =	ssyncadd.s32 $0xFFFF7400  }
0x96: {  	_ =	swait.ge [sflag:s10], $0x1180  }
0x97: {  	[sflag:s10] =	ssyncset.done $0x0  }
0x98: {  	s14 =	simm.s32 $0x11830;
	[sflag:s10] =	ssyncadd.s32 $0xFFFFEE80  }
0x99: {  	v0 =	vld [tilespmem:s14+$0xFFFFFFF0]  }
0x9a: {  	v1 =	vld [tilespmem:s14+$0xFFFFFFE0]  }
0x9b: {  	v3 =	vld [tilespmem:s14+$0xFFFFFFD0]  }
0x9c: {  	s17 =	simm.s32 $0x0;
	v4 =	vld [tilespmem:s14+$0x20]  }
0x9d: {  	s15 =	simm.s32 $0x11830;
	s16 =	simm.s32 $0x40;
	v2 =	vld [tilespmem:s17+$0x1C700]  }
.LBB2_6:
0x9e: {  	p0 =	sne.s32 s16, $0x45C0;
	v5 =	vld [tilespmem:s14+$0x24]  }
0x9f: {  	v6 =	vld [tilespmem:s14+$0x0]  }
0xa0: {  	v7 =	vld [tilespmem:s14+$0x10];
	_ =	sdelay $0x1  }
0xa1: {  	v3 =	vmul.f32 v3, v2;
	v4 =	vmul.f32 v4, v2  }
0xa2: {  	v1 =	vmul.f32 v1, v2;
	v5 =	vmul.f32 v5, v2  }
0xa3: {  	v8 =	vmul.f32 v0, v2;
	v6 =	vmul.f32 v6, v2;
	[tilespmem:s14+$0x20] =	vst v4  }
0xa4: {  	v2 =	vmul.f32 v7, v2;
	[tilespmem:s14+$0x24] =	vst v5  }
0xa5: {  	s14 =	sadd.s32 $0x80, s14;
	[tilespmem:s15+$0xFFFFFFD0] =	vst v3  }
.Ltmp2:
0xa6: {  	v0 =	vld [tilespmem:s14+$0xFFFFFFF0];
	[tilespmem:s15+$0xFFFFFFE0] =	vst v1;
	(pc) =	sbr.rel @p0 .LBB2_6-.Ltmp2, $4  }
0xa7: {  	v1 =	vld [tilespmem:s14+$0xFFFFFFE0];
	[tilespmem:s15+$0xFFFFFFF0] =	vst v8  }
0xa8: {  	v3 =	vld [tilespmem:s14+$0xFFFFFFD0];
	[tilespmem:s15+$0x0] =	vst v6  }
0xa9: {  	s17 =	sshra.s32 s16, $0x2;
	v4 =	vld [tilespmem:s14+$0x20];
	[tilespmem:s15+$0x10] =	vst v2;
	s15 =	smov.u32 s14  }
0xaa: {  	s16 =	sadd.s32 $0x40, s16;
	v2 =	vld [tilespmem:s17+$0x1C700]  }
0xab: {  	_ =	sdelay $0x1  }
0xac: {  	v5 =	vld [tilespmem:s14+$0x24];
	_ =	sdelay $0x1  }
0xad: {  	v6 =	vld [tilespmem:s14+$0x0];
	v4 =	vmul.f32 v4, v2  }
0xae: {  	v7 =	vld [tilespmem:s14+$0x10];
	v3 =	vmul.f32 v3, v2  }
0xaf: {  	v1 =	vmul.f32 v1, v2;
	[tilespmem:s14+$0x20] =	vst v4  }
0xb0: {  	v5 =	vmul.f32 v5, v2;
	[tilespmem:s15+$0xFFFFFFD0] =	vst v3  }
0xb1: {  	v0 =	vmul.f32 v0, v2;
	[tilespmem:s15+$0xFFFFFFE0] =	vst v1  }
0xb2: {  	v3 =	vmul.f32 v6, v2;
	[tilespmem:s14+$0x24] =	vst v5  }
0xb3: {  	v1 =	vmul.f32 v7, v2;
	[tilespmem:s15+$0xFFFFFFF0] =	vst v0  }
0xb4: {  	[tilespmem:s15+$0x0] =	vst v3  }
0xb5: {  	s16 =	rddreg [dreg:$0x9];
	s14 =	simm.s32 $0x0;
	[tilespmem:s15+$0x10] =	vst v1  }
0xb6: {  	[hbm4b:s16+s14] =	stream.linear.scatter [tilespmem:s4], [sflag:$0x9], $0x8C00, $0x38;
	[tilespmem:$0x1D880] =	vst v63  }
0xb7: {  	_ =	swait.ge [sflag:s11], $0x8C00  }
0xb8: {  	[sflag:s11] =	ssyncset.done $0x0;
	s17 =	rddreg [dreg:$0xa]  }
0xb9: {  	s16 =	sld [smem:$0x7FA];
	[sflag:s11] =	ssyncadd.s32 $0xFFFF7400  }
0xba: {  	[tilespmem:s30], [sflag:$0x2] =	stream.linear.gather [hbm4b:s17+s14], $0x8C00, $0x38;
	[tilespmem:$0x1D880] =	vst v63  }
0xbb: {  	_ = 	snop  }
0xbc: {  	[tilespmem:s31], [sflag:$0x5] =	stream.linear.gather [hbm4b:s16+s14], $0x1180, $0x38;
	[tilespmem:$0x1D880] =	vst v63  }
0xbd: {  	_ =	swait.ge [sflag:s0], $0x8C00  }
0xbe: {  	[sflag:s0] =	ssyncset.done $0x0  }
0xbf: {  	[sflag:s0] =	ssyncadd.s32 $0xFFFF7400  }
0xc0: {  	_ =	swait.ge [sflag:s2], $0x1180  }
0xc1: {  	[sflag:s2] =	ssyncset.done $0x0  }
0xc2: {  	s14 =	simm.s32 $0x30;
	[sflag:s2] =	ssyncadd.s32 $0xFFFFEE80  }
0xc3: {  	v0 =	vld [tilespmem:s14+$0xFFFFFFF0]  }
0xc4: {  	v1 =	vld [tilespmem:s14+$0xFFFFFFE0]  }
0xc5: {  	v3 =	vld [tilespmem:s14+$0xFFFFFFD0]  }
0xc6: {  	s17 =	simm.s32 $0x0;
	v4 =	vld [tilespmem:s14+$0x20]  }
0xc7: {  	s15 =	simm.s32 $0x30;
	s16 =	simm.s32 $0x40;
	v2 =	vld [tilespmem:s17+$0x1A400]  }
.LBB2_8:
0xc8: {  	p0 =	sne.s32 s16, $0x45C0;
	v5 =	vld [tilespmem:s14+$0x24]  }
0xc9: {  	v6 =	vld [tilespmem:s14+$0x0]  }
0xca: {  	v7 =	vld [tilespmem:s14+$0x10];
	_ =	sdelay $0x1  }
0xcb: {  	v3 =	vmul.f32 v3, v2;
	v4 =	vmul.f32 v4, v2  }
0xcc: {  	v1 =	vmul.f32 v1, v2;
	v5 =	vmul.f32 v5, v2  }
0xcd: {  	v8 =	vmul.f32 v0, v2;
	v6 =	vmul.f32 v6, v2;
	[tilespmem:s14+$0x20] =	vst v4  }
0xce: {  	v2 =	vmul.f32 v7, v2;
	[tilespmem:s14+$0x24] =	vst v5  }
0xcf: {  	s14 =	sadd.s32 $0x80, s14;
	[tilespmem:s15+$0xFFFFFFD0] =	vst v3  }
.Ltmp3:
0xd0: {  	v0 =	vld [tilespmem:s14+$0xFFFFFFF0];
	[tilespmem:s15+$0xFFFFFFE0] =	vst v1;
	(pc) =	sbr.rel @p0 .LBB2_8-.Ltmp3, $4  }
0xd1: {  	v1 =	vld [tilespmem:s14+$0xFFFFFFE0];
	[tilespmem:s15+$0xFFFFFFF0] =	vst v8  }
0xd2: {  	v3 =	vld [tilespmem:s14+$0xFFFFFFD0];
	[tilespmem:s15+$0x0] =	vst v6  }
0xd3: {  	s17 =	sshra.s32 s16, $0x2;
	v4 =	vld [tilespmem:s14+$0x20];
	[tilespmem:s15+$0x10] =	vst v2;
	s15 =	smov.u32 s14  }
0xd4: {  	s16 =	sadd.s32 $0x40, s16;
	v2 =	vld [tilespmem:s17+$0x1A400]  }
0xd5: {  	_ =	sdelay $0x1  }
0xd6: {  	v5 =	vld [tilespmem:s14+$0x24];
	_ =	sdelay $0x1  }
0xd7: {  	v6 =	vld [tilespmem:s14+$0x0];
	v4 =	vmul.f32 v4, v2  }
0xd8: {  	v7 =	vld [tilespmem:s14+$0x10];
	v3 =	vmul.f32 v3, v2  }
0xd9: {  	v1 =	vmul.f32 v1, v2;
	[tilespmem:s14+$0x20] =	vst v4  }
0xda: {  	v5 =	vmul.f32 v5, v2;
	[tilespmem:s15+$0xFFFFFFD0] =	vst v3  }
0xdb: {  	v0 =	vmul.f32 v0, v2;
	[tilespmem:s15+$0xFFFFFFE0] =	vst v1  }
0xdc: {  	v3 =	vmul.f32 v6, v2;
	[tilespmem:s14+$0x24] =	vst v5  }
0xdd: {  	v1 =	vmul.f32 v7, v2;
	[tilespmem:s15+$0xFFFFFFF0] =	vst v0  }
0xde: {  	[tilespmem:s15+$0x0] =	vst v3  }
0xdf: {  	s16 =	rddreg [dreg:$0xb];
	s14 =	simm.s32 $0x0;
	[tilespmem:s15+$0x10] =	vst v1  }
0xe0: {  	[hbm4b:s16+s14] =	stream.linear.scatter [tilespmem:s14], [sflag:$0x7], $0x8C00, $0x38;
	[tilespmem:$0x1D880] =	vst v63  }
0xe1: {  	_ =	swait.ge [sflag:s12], $0x8C00  }
0xe2: {  	[sflag:s12] =	ssyncset.done $0x0;
	s17 =	rddreg [dreg:$0xc]  }
0xe3: {  	s16 =	sld [smem:$0x7FB];
	[sflag:s12] =	ssyncadd.s32 $0xFFFF7400  }
0xe4: {  	[tilespmem:s4], [sflag:$0x3] =	stream.linear.gather [hbm4b:s17+s14], $0x8C00, $0x38;
	[tilespmem:$0x1D880] =	vst v63  }
0xe5: {  	_ = 	snop  }
0xe6: {  	[tilespmem:s5], [sflag:$0x6] =	stream.linear.gather [hbm4b:s16+s14], $0x1180, $0x38;
	[tilespmem:$0x1D880] =	vst v63  }
0xe7: {  	_ =	swait.ge [sflag:s6], $0x8C00  }
0xe8: {  	[sflag:s6] =	ssyncset.done $0x0  }
0xe9: {  	[sflag:s6] =	ssyncadd.s32 $0xFFFF7400  }
0xea: {  	_ =	swait.ge [sflag:s7], $0x1180  }
0xeb: {  	[sflag:s7] =	ssyncset.done $0x0  }
0xec: {  	s14 =	simm.s32 $0x8C30;
	[sflag:s7] =	ssyncadd.s32 $0xFFFFEE80  }
0xed: {  	v0 =	vld [tilespmem:s14+$0xFFFFFFF0]  }
0xee: {  	v1 =	vld [tilespmem:s14+$0xFFFFFFE0]  }
0xef: {  	v3 =	vld [tilespmem:s14+$0xFFFFFFD0]  }
0xf0: {  	s17 =	simm.s32 $0x0;
	v4 =	vld [tilespmem:s14+$0x20]  }
0xf1: {  	s15 =	simm.s32 $0x8C30;
	s16 =	simm.s32 $0x40;
	v2 =	vld [tilespmem:s17+$0x1B580]  }
.LBB2_10:
0xf2: {  	p0 =	sne.s32 s16, $0x45C0;
	v5 =	vld [tilespmem:s14+$0x24]  }
0xf3: {  	v6 =	vld [tilespmem:s14+$0x0]  }
0xf4: {  	v7 =	vld [tilespmem:s14+$0x10];
	_ =	sdelay $0x1  }
0xf5: {  	v3 =	vmul.f32 v3, v2;
	v4 =	vmul.f32 v4, v2  }
0xf6: {  	v1 =	vmul.f32 v1, v2;
	v5 =	vmul.f32 v5, v2  }
0xf7: {  	v8 =	vmul.f32 v0, v2;
	v6 =	vmul.f32 v6, v2;
	[tilespmem:s14+$0x20] =	vst v4  }
0xf8: {  	v2 =	vmul.f32 v7, v2;
	[tilespmem:s14+$0x24] =	vst v5  }
0xf9: {  	s14 =	sadd.s32 $0x80, s14;
	[tilespmem:s15+$0xFFFFFFD0] =	vst v3  }
.Ltmp4:
0xfa: {  	v0 =	vld [tilespmem:s14+$0xFFFFFFF0];
	[tilespmem:s15+$0xFFFFFFE0] =	vst v1;
	(pc) =	sbr.rel @p0 .LBB2_10-.Ltmp4, $4  }
0xfb: {  	v1 =	vld [tilespmem:s14+$0xFFFFFFE0];
	[tilespmem:s15+$0xFFFFFFF0] =	vst v8  }
0xfc: {  	v3 =	vld [tilespmem:s14+$0xFFFFFFD0];
	[tilespmem:s15+$0x0] =	vst v6  }
0xfd: {  	s17 =	sshra.s32 s16, $0x2;
	v4 =	vld [tilespmem:s14+$0x20];
	[tilespmem:s15+$0x10] =	vst v2;
	s15 =	smov.u32 s14  }
0xfe: {  	s16 =	sadd.s32 $0x40, s16;
	v2 =	vld [tilespmem:s17+$0x1B580]  }
0xff: {  	_ =	sdelay $0x1  }
0x100: {  	v5 =	vld [tilespmem:s14+$0x24];
	_ =	sdelay $0x1  }
0x101: {  	v6 =	vld [tilespmem:s14+$0x0];
	v4 =	vmul.f32 v4, v2  }
0x102: {  	v7 =	vld [tilespmem:s14+$0x10];
	v3 =	vmul.f32 v3, v2  }
0x103: {  	v1 =	vmul.f32 v1, v2;
	[tilespmem:s14+$0x20] =	vst v4  }
0x104: {  	v5 =	vmul.f32 v5, v2;
	[tilespmem:s15+$0xFFFFFFD0] =	vst v3  }
0x105: {  	v0 =	vmul.f32 v0, v2;
	[tilespmem:s15+$0xFFFFFFE0] =	vst v1  }
0x106: {  	v3 =	vmul.f32 v6, v2;
	[tilespmem:s14+$0x24] =	vst v5  }
0x107: {  	v1 =	vmul.f32 v7, v2;
	[tilespmem:s15+$0xFFFFFFF0] =	vst v0  }
0x108: {  	[tilespmem:s15+$0x0] =	vst v3  }
0x109: {  	s16 =	rddreg [dreg:$0xd];
	s14 =	simm.s32 $0x0;
	[tilespmem:s15+$0x10] =	vst v1  }
0x10a: {  	[hbm4b:s16+s14] =	stream.linear.scatter [tilespmem:s30], [sflag:$0x8], $0x8C00, $0x38;
	[tilespmem:$0x1D880] =	vst v63  }
0x10b: {  	_ =	swait.ge [sflag:s8], $0x8C00  }
0x10c: {  	[sflag:s8] =	ssyncset.done $0x0;
	s17 =	rddreg [dreg:$0xe]  }
0x10d: {  	s16 =	sld [smem:$0x7FC];
	[sflag:s8] =	ssyncadd.s32 $0xFFFF7400  }
0x10e: {  	[tilespmem:s14], [sflag:$0x1] =	stream.linear.gather [hbm4b:s17+s14], $0x8C00, $0x38;
	[tilespmem:$0x1D880] =	vst v63  }
0x10f: {  	_ = 	snop  }
0x110: {  	[tilespmem:s29], [sflag:$0x4] =	stream.linear.gather [hbm4b:s16+s14], $0x1180, $0x38;
	[tilespmem:$0x1D880] =	vst v63  }
0x111: {  	_ =	swait.ge [sflag:s9], $0x8C00  }
0x112: {  	[sflag:s9] =	ssyncset.done $0x0  }
0x113: {  	[sflag:s9] =	ssyncadd.s32 $0xFFFF7400  }
0x114: {  	_ =	swait.ge [sflag:s10], $0x1180  }
0x115: {  	[sflag:s10] =	ssyncset.done $0x0  }
0x116: {  	s14 =	simm.s32 $0x11830;
	[sflag:s10] =	ssyncadd.s32 $0xFFFFEE80  }
0x117: {  	v0 =	vld [tilespmem:s14+$0xFFFFFFF0]  }
0x118: {  	v1 =	vld [tilespmem:s14+$0xFFFFFFE0]  }
0x119: {  	v3 =	vld [tilespmem:s14+$0xFFFFFFD0]  }
0x11a: {  	s17 =	simm.s32 $0x0;
	v4 =	vld [tilespmem:s14+$0x20]  }
0x11b: {  	s15 =	simm.s32 $0x11830;
	s16 =	simm.s32 $0x40;
	v2 =	vld [tilespmem:s17+$0x1C700]  }
.LBB2_12:
0x11c: {  	p0 =	sne.s32 s16, $0x45C0;
	v5 =	vld [tilespmem:s14+$0x24]  }
0x11d: {  	v6 =	vld [tilespmem:s14+$0x0]  }
0x11e: {  	v7 =	vld [tilespmem:s14+$0x10];
	_ =	sdelay $0x1  }
0x11f: {  	v3 =	vmul.f32 v3, v2;
	v4 =	vmul.f32 v4, v2  }
0x120: {  	v1 =	vmul.f32 v1, v2;
	v5 =	vmul.f32 v5, v2  }
0x121: {  	v8 =	vmul.f32 v0, v2;
	v6 =	vmul.f32 v6, v2;
	[tilespmem:s14+$0x20] =	vst v4  }
0x122: {  	v2 =	vmul.f32 v7, v2;
	[tilespmem:s14+$0x24] =	vst v5  }
0x123: {  	s14 =	sadd.s32 $0x80, s14;
	[tilespmem:s15+$0xFFFFFFD0] =	vst v3  }
.Ltmp5:
0x124: {  	v0 =	vld [tilespmem:s14+$0xFFFFFFF0];
	[tilespmem:s15+$0xFFFFFFE0] =	vst v1;
	(pc) =	sbr.rel @p0 .LBB2_12-.Ltmp5, $4  }
0x125: {  	v1 =	vld [tilespmem:s14+$0xFFFFFFE0];
	[tilespmem:s15+$0xFFFFFFF0] =	vst v8  }
0x126: {  	v3 =	vld [tilespmem:s14+$0xFFFFFFD0];
	[tilespmem:s15+$0x0] =	vst v6  }
0x127: {  	s17 =	sshra.s32 s16, $0x2;
	v4 =	vld [tilespmem:s14+$0x20];
	[tilespmem:s15+$0x10] =	vst v2;
	s15 =	smov.u32 s14  }
0x128: {  	s16 =	sadd.s32 $0x40, s16;
	v2 =	vld [tilespmem:s17+$0x1C700]  }
0x129: {  	_ =	sdelay $0x1  }
0x12a: {  	v5 =	vld [tilespmem:s14+$0x24];
	_ =	sdelay $0x1  }
0x12b: {  	v6 =	vld [tilespmem:s14+$0x0];
	v4 =	vmul.f32 v4, v2  }
0x12c: {  	v7 =	vld [tilespmem:s14+$0x10];
	v3 =	vmul.f32 v3, v2  }
0x12d: {  	v1 =	vmul.f32 v1, v2;
	[tilespmem:s14+$0x20] =	vst v4  }
0x12e: {  	v5 =	vmul.f32 v5, v2;
	[tilespmem:s15+$0xFFFFFFD0] =	vst v3  }
0x12f: {  	v0 =	vmul.f32 v0, v2;
	[tilespmem:s15+$0xFFFFFFE0] =	vst v1  }
0x130: {  	v3 =	vmul.f32 v6, v2;
	[tilespmem:s14+$0x24] =	vst v5  }
0x131: {  	v1 =	vmul.f32 v7, v2;
	[tilespmem:s15+$0xFFFFFFF0] =	vst v0  }
0x132: {  	[tilespmem:s15+$0x0] =	vst v3  }
0x133: {  	s16 =	rddreg [dreg:$0xf];
	s14 =	simm.s32 $0x0;
	[tilespmem:s15+$0x10] =	vst v1  }
0x134: {  	[hbm4b:s16+s14] =	stream.linear.scatter [tilespmem:s4], [sflag:$0x9], $0x8C00, $0x38;
	[tilespmem:$0x1D880] =	vst v63  }
0x135: {  	_ =	swait.ge [sflag:s11], $0x8C00  }
0x136: {  	[sflag:s11] =	ssyncset.done $0x0;
	s17 =	rddreg [dreg:$0x10]  }
0x137: {  	s16 =	sld [smem:$0x7FD];
	[sflag:s11] =	ssyncadd.s32 $0xFFFF7400  }
0x138: {  	[tilespmem:s30], [sflag:$0x2] =	stream.linear.gather [hbm4b:s17+s14], $0x8C00, $0x38;
	[tilespmem:$0x1D880] =	vst v63  }
0x139: {  	_ = 	snop  }
0x13a: {  	[tilespmem:s31], [sflag:$0x5] =	stream.linear.gather [hbm4b:s16+s14], $0x1180, $0x38;
	[tilespmem:$0x1D880] =	vst v63  }
0x13b: {  	_ =	swait.ge [sflag:s0], $0x8C00  }
0x13c: {  	[sflag:s0] =	ssyncset.done $0x0  }
0x13d: {  	[sflag:s0] =	ssyncadd.s32 $0xFFFF7400  }
0x13e: {  	_ =	swait.ge [sflag:s2], $0x1180  }
0x13f: {  	[sflag:s2] =	ssyncset.done $0x0  }
0x140: {  	s14 =	simm.s32 $0x30;
	[sflag:s2] =	ssyncadd.s32 $0xFFFFEE80  }
0x141: {  	v0 =	vld [tilespmem:s14+$0xFFFFFFF0]  }
0x142: {  	v1 =	vld [tilespmem:s14+$0xFFFFFFE0]  }
0x143: {  	v3 =	vld [tilespmem:s14+$0xFFFFFFD0]  }
0x144: {  	s17 =	simm.s32 $0x0;
	v4 =	vld [tilespmem:s14+$0x20]  }
0x145: {  	s15 =	simm.s32 $0x30;
	s16 =	simm.s32 $0x40;
	v2 =	vld [tilespmem:s17+$0x1A400]  }
.LBB2_14:
0x146: {  	p0 =	sne.s32 s16, $0x45C0;
	v5 =	vld [tilespmem:s14+$0x24]  }
0x147: {  	v6 =	vld [tilespmem:s14+$0x0]  }
0x148: {  	v7 =	vld [tilespmem:s14+$0x10];
	_ =	sdelay $0x1  }
0x149: {  	v3 =	vmul.f32 v3, v2;
	v4 =	vmul.f32 v4, v2  }
0x14a: {  	v1 =	vmul.f32 v1, v2;
	v5 =	vmul.f32 v5, v2  }
0x14b: {  	v8 =	vmul.f32 v0, v2;
	v6 =	vmul.f32 v6, v2;
	[tilespmem:s14+$0x20] =	vst v4  }
0x14c: {  	v2 =	vmul.f32 v7, v2;
	[tilespmem:s14+$0x24] =	vst v5  }
0x14d: {  	s14 =	sadd.s32 $0x80, s14;
	[tilespmem:s15+$0xFFFFFFD0] =	vst v3  }
.Ltmp6:
0x14e: {  	v0 =	vld [tilespmem:s14+$0xFFFFFFF0];
	[tilespmem:s15+$0xFFFFFFE0] =	vst v1;
	(pc) =	sbr.rel @p0 .LBB2_14-.Ltmp6, $4  }
0x14f: {  	v1 =	vld [tilespmem:s14+$0xFFFFFFE0];
	[tilespmem:s15+$0xFFFFFFF0] =	vst v8  }
0x150: {  	v3 =	vld [tilespmem:s14+$0xFFFFFFD0];
	[tilespmem:s15+$0x0] =	vst v6  }
0x151: {  	s17 =	sshra.s32 s16, $0x2;
	v4 =	vld [tilespmem:s14+$0x20];
	[tilespmem:s15+$0x10] =	vst v2;
	s15 =	smov.u32 s14  }
0x152: {  	s16 =	sadd.s32 $0x40, s16;
	v2 =	vld [tilespmem:s17+$0x1A400]  }
0x153: {  	_ =	sdelay $0x1  }
0x154: {  	v5 =	vld [tilespmem:s14+$0x24];
	_ =	sdelay $0x1  }
0x155: {  	v6 =	vld [tilespmem:s14+$0x0];
	v4 =	vmul.f32 v4, v2  }
0x156: {  	v7 =	vld [tilespmem:s14+$0x10];
	v3 =	vmul.f32 v3, v2  }
0x157: {  	v1 =	vmul.f32 v1, v2;
	[tilespmem:s14+$0x20] =	vst v4  }
0x158: {  	v5 =	vmul.f32 v5, v2;
	[tilespmem:s15+$0xFFFFFFD0] =	vst v3  }
0x159: {  	v0 =	vmul.f32 v0, v2;
	[tilespmem:s15+$0xFFFFFFE0] =	vst v1  }
0x15a: {  	v3 =	vmul.f32 v6, v2;
	[tilespmem:s14+$0x24] =	vst v5  }
0x15b: {  	v1 =	vmul.f32 v7, v2;
	[tilespmem:s15+$0xFFFFFFF0] =	vst v0  }
0x15c: {  	[tilespmem:s15+$0x0] =	vst v3  }
0x15d: {  	s17 =	rddreg [dreg:$0x11];
	s14 =	simm.s32 $0x0;
	[tilespmem:s15+$0x10] =	vst v1  }
0x15e: {  	[hbm4b:s17+s14] =	stream.linear.scatter [tilespmem:s14], [sflag:$0x7], $0x8C00, $0x38;
	[tilespmem:$0x1D880] =	vst v63  }
0x15f: {  	_ =	swait.ge [sflag:s12], $0x8C00  }
0x160: {  	[sflag:s12] =	ssyncset.done $0x0  }
0x161: {  	s16 =	rddreg [dreg:$0x12];
	[sflag:s12] =	ssyncadd.s32 $0xFFFF7400  }
0x162: {  	[tilespmem:s4], [sflag:$0x3] =	stream.linear.gather [hbm4b:s16+s14], $0x8C00, $0x38;
	[tilespmem:$0x1D880] =	vst v63  }
0x163: {  	_ = 	snop  }
0x164: {  	[tilespmem:s5], [sflag:$0x6] =	stream.linear.gather [hbm4b:s18+s14], $0x1180, $0x38;
	[tilespmem:$0x1D880] =	vst v63  }
0x165: {  	_ =	swait.ge [sflag:s6], $0x8C00  }
0x166: {  	[sflag:s6] =	ssyncset.done $0x0  }
0x167: {  	[sflag:s6] =	ssyncadd.s32 $0xFFFF7400  }
0x168: {  	_ =	swait.ge [sflag:s7], $0x1180  }
0x169: {  	[sflag:s7] =	ssyncset.done $0x0  }
0x16a: {  	s14 =	simm.s32 $0x8C30;
	[sflag:s7] =	ssyncadd.s32 $0xFFFFEE80  }
0x16b: {  	v0 =	vld [tilespmem:s14+$0xFFFFFFF0]  }
0x16c: {  	v1 =	vld [tilespmem:s14+$0xFFFFFFE0]  }
0x16d: {  	v3 =	vld [tilespmem:s14+$0xFFFFFFD0]  }
0x16e: {  	s17 =	simm.s32 $0x0;
	v4 =	vld [tilespmem:s14+$0x20]  }
0x16f: {  	s15 =	simm.s32 $0x8C30;
	s16 =	simm.s32 $0x40;
	v2 =	vld [tilespmem:s17+$0x1B580]  }
.LBB2_16:
0x170: {  	p0 =	sne.s32 s16, $0x45C0;
	v5 =	vld [tilespmem:s14+$0x24]  }
0x171: {  	v6 =	vld [tilespmem:s14+$0x0]  }
0x172: {  	v7 =	vld [tilespmem:s14+$0x10];
	_ =	sdelay $0x1  }
0x173: {  	v3 =	vmul.f32 v3, v2;
	v4 =	vmul.f32 v4, v2  }
0x174: {  	v1 =	vmul.f32 v1, v2;
	v5 =	vmul.f32 v5, v2  }
0x175: {  	v8 =	vmul.f32 v0, v2;
	v6 =	vmul.f32 v6, v2;
	[tilespmem:s14+$0x20] =	vst v4  }
0x176: {  	v2 =	vmul.f32 v7, v2;
	[tilespmem:s14+$0x24] =	vst v5  }
0x177: {  	s14 =	sadd.s32 $0x80, s14;
	[tilespmem:s15+$0xFFFFFFD0] =	vst v3  }
.Ltmp7:
0x178: {  	v0 =	vld [tilespmem:s14+$0xFFFFFFF0];
	[tilespmem:s15+$0xFFFFFFE0] =	vst v1;
	(pc) =	sbr.rel @p0 .LBB2_16-.Ltmp7, $4  }
0x179: {  	v1 =	vld [tilespmem:s14+$0xFFFFFFE0];
	[tilespmem:s15+$0xFFFFFFF0] =	vst v8  }
0x17a: {  	v3 =	vld [tilespmem:s14+$0xFFFFFFD0];
	[tilespmem:s15+$0x0] =	vst v6  }
0x17b: {  	s17 =	sshra.s32 s16, $0x2;
	v4 =	vld [tilespmem:s14+$0x20];
	[tilespmem:s15+$0x10] =	vst v2;
	s15 =	smov.u32 s14  }
0x17c: {  	s16 =	sadd.s32 $0x40, s16;
	v2 =	vld [tilespmem:s17+$0x1B580]  }
0x17d: {  	_ =	sdelay $0x1  }
0x17e: {  	v5 =	vld [tilespmem:s14+$0x24];
	_ =	sdelay $0x1  }
0x17f: {  	v6 =	vld [tilespmem:s14+$0x0];
	v4 =	vmul.f32 v4, v2  }
0x180: {  	v7 =	vld [tilespmem:s14+$0x10];
	v3 =	vmul.f32 v3, v2  }
0x181: {  	v1 =	vmul.f32 v1, v2;
	[tilespmem:s14+$0x20] =	vst v4  }
0x182: {  	v5 =	vmul.f32 v5, v2;
	[tilespmem:s15+$0xFFFFFFD0] =	vst v3  }
0x183: {  	v0 =	vmul.f32 v0, v2;
	[tilespmem:s15+$0xFFFFFFE0] =	vst v1  }
0x184: {  	v3 =	vmul.f32 v6, v2;
	[tilespmem:s14+$0x24] =	vst v5  }
0x185: {  	v1 =	vmul.f32 v7, v2;
	[tilespmem:s15+$0xFFFFFFF0] =	vst v0  }
0x186: {  	[tilespmem:s15+$0x0] =	vst v3  }
0x187: {  	s17 =	rddreg [dreg:$0x13];
	s14 =	simm.s32 $0x0;
	[tilespmem:s15+$0x10] =	vst v1  }
0x188: {  	[hbm4b:s17+s14] =	stream.linear.scatter [tilespmem:s30], [sflag:$0x8], $0x8C00, $0x38;
	[tilespmem:$0x1D880] =	vst v63  }
0x189: {  	_ =	swait.ge [sflag:s8], $0x8C00  }
0x18a: {  	[sflag:s8] =	ssyncset.done $0x0  }
0x18b: {  	s16 =	rddreg [dreg:$0x15];
	[sflag:s8] =	ssyncadd.s32 $0xFFFF7400  }
0x18c: {  	[tilespmem:s14], [sflag:$0x1] =	stream.linear.gather [hbm4b:s16+s14], $0x8C00, $0x38;
	[tilespmem:$0x1D880] =	vst v63  }
0x18d: {  	_ = 	snop  }
0x18e: {  	[tilespmem:s29], [sflag:$0x4] =	stream.linear.gather [hbm4b:s19+s14], $0x1180, $0x38;
	[tilespmem:$0x1D880] =	vst v63  }
0x18f: {  	_ =	swait.ge [sflag:s9], $0x8C00  }
0x190: {  	[sflag:s9] =	ssyncset.done $0x0  }
0x191: {  	[sflag:s9] =	ssyncadd.s32 $0xFFFF7400  }
0x192: {  	_ =	swait.ge [sflag:s10], $0x1180  }
0x193: {  	[sflag:s10] =	ssyncset.done $0x0  }
0x194: {  	s14 =	simm.s32 $0x11830;
	[sflag:s10] =	ssyncadd.s32 $0xFFFFEE80  }
0x195: {  	v0 =	vld [tilespmem:s14+$0xFFFFFFF0]  }
0x196: {  	v1 =	vld [tilespmem:s14+$0xFFFFFFE0]  }
0x197: {  	v3 =	vld [tilespmem:s14+$0xFFFFFFD0]  }
0x198: {  	s17 =	simm.s32 $0x0;
	v4 =	vld [tilespmem:s14+$0x20]  }
0x199: {  	s15 =	simm.s32 $0x11830;
	s16 =	simm.s32 $0x40;
	v2 =	vld [tilespmem:s17+$0x1C700]  }
.LBB2_18:
0x19a: {  	p0 =	sne.s32 s16, $0x45C0;
	v5 =	vld [tilespmem:s14+$0x24]  }
0x19b: {  	v6 =	vld [tilespmem:s14+$0x0]  }
0x19c: {  	v7 =	vld [tilespmem:s14+$0x10];
	_ =	sdelay $0x1  }
0x19d: {  	v3 =	vmul.f32 v3, v2;
	v4 =	vmul.f32 v4, v2  }
0x19e: {  	v1 =	vmul.f32 v1, v2;
	v5 =	vmul.f32 v5, v2  }
0x19f: {  	v8 =	vmul.f32 v0, v2;
	v6 =	vmul.f32 v6, v2;
	[tilespmem:s14+$0x20] =	vst v4  }
0x1a0: {  	v2 =	vmul.f32 v7, v2;
	[tilespmem:s14+$0x24] =	vst v5  }
0x1a1: {  	s14 =	sadd.s32 $0x80, s14;
	[tilespmem:s15+$0xFFFFFFD0] =	vst v3  }
.Ltmp8:
0x1a2: {  	v0 =	vld [tilespmem:s14+$0xFFFFFFF0];
	[tilespmem:s15+$0xFFFFFFE0] =	vst v1;
	(pc) =	sbr.rel @p0 .LBB2_18-.Ltmp8, $4  }
0x1a3: {  	v1 =	vld [tilespmem:s14+$0xFFFFFFE0];
	[tilespmem:s15+$0xFFFFFFF0] =	vst v8  }
0x1a4: {  	v3 =	vld [tilespmem:s14+$0xFFFFFFD0];
	[tilespmem:s15+$0x0] =	vst v6  }
0x1a5: {  	s17 =	sshra.s32 s16, $0x2;
	v4 =	vld [tilespmem:s14+$0x20];
	[tilespmem:s15+$0x10] =	vst v2;
	s15 =	smov.u32 s14  }
0x1a6: {  	s16 =	sadd.s32 $0x40, s16;
	v2 =	vld [tilespmem:s17+$0x1C700]  }
0x1a7: {  	_ =	sdelay $0x1  }
0x1a8: {  	v5 =	vld [tilespmem:s14+$0x24];
	_ =	sdelay $0x1  }
0x1a9: {  	v6 =	vld [tilespmem:s14+$0x0];
	v4 =	vmul.f32 v4, v2  }
0x1aa: {  	v7 =	vld [tilespmem:s14+$0x10];
	v3 =	vmul.f32 v3, v2  }
0x1ab: {  	v1 =	vmul.f32 v1, v2;
	[tilespmem:s14+$0x20] =	vst v4  }
0x1ac: {  	v5 =	vmul.f32 v5, v2;
	[tilespmem:s15+$0xFFFFFFD0] =	vst v3  }
0x1ad: {  	v0 =	vmul.f32 v0, v2;
	[tilespmem:s15+$0xFFFFFFE0] =	vst v1  }
0x1ae: {  	v3 =	vmul.f32 v6, v2;
	[tilespmem:s14+$0x24] =	vst v5  }
0x1af: {  	v1 =	vmul.f32 v7, v2;
	[tilespmem:s15+$0xFFFFFFF0] =	vst v0  }
0x1b0: {  	[tilespmem:s15+$0x0] =	vst v3  }
0x1b1: {  	s17 =	rddreg [dreg:$0x14];
	s14 =	simm.s32 $0x0;
	[tilespmem:s15+$0x10] =	vst v1  }
0x1b2: {  	[hbm4b:s17+s14] =	stream.linear.scatter [tilespmem:s4], [sflag:$0x9], $0x8C00, $0x38;
	[tilespmem:$0x1D880] =	vst v63  }
0x1b3: {  	_ =	swait.ge [sflag:s11], $0x8C00  }
0x1b4: {  	[sflag:s11] =	ssyncset.done $0x0  }
0x1b5: {  	s16 =	rddreg [dreg:$0x17];
	[sflag:s11] =	ssyncadd.s32 $0xFFFF7400  }
0x1b6: {  	[tilespmem:s30], [sflag:$0x2] =	stream.linear.gather [hbm4b:s16+s14], $0x8C00, $0x38;
	[tilespmem:$0x1D880] =	vst v63  }
0x1b7: {  	_ = 	snop  }
0x1b8: {  	[tilespmem:s31], [sflag:$0x5] =	stream.linear.gather [hbm4b:s20+s14], $0x1180, $0x38;
	[tilespmem:$0x1D880] =	vst v63  }
0x1b9: {  	_ =	swait.ge [sflag:s0], $0x8C00  }
0x1ba: {  	[sflag:s0] =	ssyncset.done $0x0  }
0x1bb: {  	[sflag:s0] =	ssyncadd.s32 $0xFFFF7400  }
0x1bc: {  	_ =	swait.ge [sflag:s2], $0x1180  }
0x1bd: {  	[sflag:s2] =	ssyncset.done $0x0  }
0x1be: {  	s14 =	simm.s32 $0x30;
	[sflag:s2] =	ssyncadd.s32 $0xFFFFEE80  }
0x1bf: {  	v0 =	vld [tilespmem:s14+$0xFFFFFFF0]  }
0x1c0: {  	v1 =	vld [tilespmem:s14+$0xFFFFFFE0]  }
0x1c1: {  	v3 =	vld [tilespmem:s14+$0xFFFFFFD0]  }
0x1c2: {  	s17 =	simm.s32 $0x0;
	v4 =	vld [tilespmem:s14+$0x20]  }
0x1c3: {  	s15 =	simm.s32 $0x30;
	s16 =	simm.s32 $0x40;
	v2 =	vld [tilespmem:s17+$0x1A400]  }
.LBB2_20:
0x1c4: {  	p0 =	sne.s32 s16, $0x45C0;
	v5 =	vld [tilespmem:s14+$0x24]  }
0x1c5: {  	v6 =	vld [tilespmem:s14+$0x0]  }
0x1c6: {  	v7 =	vld [tilespmem:s14+$0x10];
	_ =	sdelay $0x1  }
0x1c7: {  	v3 =	vmul.f32 v3, v2;
	v4 =	vmul.f32 v4, v2  }
0x1c8: {  	v1 =	vmul.f32 v1, v2;
	v5 =	vmul.f32 v5, v2  }
0x1c9: {  	v8 =	vmul.f32 v0, v2;
	v6 =	vmul.f32 v6, v2;
	[tilespmem:s14+$0x20] =	vst v4  }
0x1ca: {  	v2 =	vmul.f32 v7, v2;
	[tilespmem:s14+$0x24] =	vst v5  }
0x1cb: {  	s14 =	sadd.s32 $0x80, s14;
	[tilespmem:s15+$0xFFFFFFD0] =	vst v3  }
.Ltmp9:
0x1cc: {  	v0 =	vld [tilespmem:s14+$0xFFFFFFF0];
	[tilespmem:s15+$0xFFFFFFE0] =	vst v1;
	(pc) =	sbr.rel @p0 .LBB2_20-.Ltmp9, $4  }
0x1cd: {  	v1 =	vld [tilespmem:s14+$0xFFFFFFE0];
	[tilespmem:s15+$0xFFFFFFF0] =	vst v8  }
0x1ce: {  	v3 =	vld [tilespmem:s14+$0xFFFFFFD0];
	[tilespmem:s15+$0x0] =	vst v6  }
0x1cf: {  	s17 =	sshra.s32 s16, $0x2;
	v4 =	vld [tilespmem:s14+$0x20];
	[tilespmem:s15+$0x10] =	vst v2;
	s15 =	smov.u32 s14  }
0x1d0: {  	s16 =	sadd.s32 $0x40, s16;
	v2 =	vld [tilespmem:s17+$0x1A400]  }
0x1d1: {  	_ =	sdelay $0x1  }
0x1d2: {  	v5 =	vld [tilespmem:s14+$0x24];
	_ =	sdelay $0x1  }
0x1d3: {  	v6 =	vld [tilespmem:s14+$0x0];
	v4 =	vmul.f32 v4, v2  }
0x1d4: {  	v7 =	vld [tilespmem:s14+$0x10];
	v3 =	vmul.f32 v3, v2  }
0x1d5: {  	v1 =	vmul.f32 v1, v2;
	[tilespmem:s14+$0x20] =	vst v4  }
0x1d6: {  	v5 =	vmul.f32 v5, v2;
	[tilespmem:s15+$0xFFFFFFD0] =	vst v3  }
0x1d7: {  	v0 =	vmul.f32 v0, v2;
	[tilespmem:s15+$0xFFFFFFE0] =	vst v1  }
0x1d8: {  	v3 =	vmul.f32 v6, v2;
	[tilespmem:s14+$0x24] =	vst v5  }
0x1d9: {  	v1 =	vmul.f32 v7, v2;
	[tilespmem:s15+$0xFFFFFFF0] =	vst v0  }
0x1da: {  	[tilespmem:s15+$0x0] =	vst v3  }
0x1db: {  	s17 =	rddreg [dreg:$0x16];
	s14 =	simm.s32 $0x0;
	[tilespmem:s15+$0x10] =	vst v1  }
0x1dc: {  	[hbm4b:s17+s14] =	stream.linear.scatter [tilespmem:s14], [sflag:$0x7], $0x8C00, $0x38;
	[tilespmem:$0x1D880] =	vst v63  }
0x1dd: {  	_ =	swait.ge [sflag:s12], $0x8C00  }
0x1de: {  	[sflag:s12] =	ssyncset.done $0x0  }
0x1df: {  	s16 =	rddreg [dreg:$0x19];
	[sflag:s12] =	ssyncadd.s32 $0xFFFF7400  }
0x1e0: {  	[tilespmem:s4], [sflag:$0x3] =	stream.linear.gather [hbm4b:s16+s14], $0x8C00, $0x38;
	[tilespmem:$0x1D880] =	vst v63  }
0x1e1: {  	_ = 	snop  }
0x1e2: {  	[tilespmem:s5], [sflag:$0x6] =	stream.linear.gather [hbm4b:s21+s14], $0x1180, $0x38;
	[tilespmem:$0x1D880] =	vst v63  }
0x1e3: {  	_ =	swait.ge [sflag:s6], $0x8C00  }
0x1e4: {  	[sflag:s6] =	ssyncset.done $0x0  }
0x1e5: {  	[sflag:s6] =	ssyncadd.s32 $0xFFFF7400  }
0x1e6: {  	_ =	swait.ge [sflag:s7], $0x1180  }
0x1e7: {  	[sflag:s7] =	ssyncset.done $0x0  }
0x1e8: {  	s14 =	simm.s32 $0x8C30;
	[sflag:s7] =	ssyncadd.s32 $0xFFFFEE80  }
0x1e9: {  	v0 =	vld [tilespmem:s14+$0xFFFFFFF0]  }
0x1ea: {  	v1 =	vld [tilespmem:s14+$0xFFFFFFE0]  }
0x1eb: {  	v3 =	vld [tilespmem:s14+$0xFFFFFFD0]  }
0x1ec: {  	s17 =	simm.s32 $0x0;
	v4 =	vld [tilespmem:s14+$0x20]  }
0x1ed: {  	s15 =	simm.s32 $0x8C30;
	s16 =	simm.s32 $0x40;
	v2 =	vld [tilespmem:s17+$0x1B580]  }
.LBB2_22:
0x1ee: {  	p0 =	sne.s32 s16, $0x45C0;
	v5 =	vld [tilespmem:s14+$0x24]  }
0x1ef: {  	v6 =	vld [tilespmem:s14+$0x0]  }
0x1f0: {  	v7 =	vld [tilespmem:s14+$0x10];
	_ =	sdelay $0x1  }
0x1f1: {  	v3 =	vmul.f32 v3, v2;
	v4 =	vmul.f32 v4, v2  }
0x1f2: {  	v1 =	vmul.f32 v1, v2;
	v5 =	vmul.f32 v5, v2  }
0x1f3: {  	v8 =	vmul.f32 v0, v2;
	v6 =	vmul.f32 v6, v2;
	[tilespmem:s14+$0x20] =	vst v4  }
0x1f4: {  	v2 =	vmul.f32 v7, v2;
	[tilespmem:s14+$0x24] =	vst v5  }
0x1f5: {  	s14 =	sadd.s32 $0x80, s14;
	[tilespmem:s15+$0xFFFFFFD0] =	vst v3  }
.Ltmp10:
0x1f6: {  	v0 =	vld [tilespmem:s14+$0xFFFFFFF0];
	[tilespmem:s15+$0xFFFFFFE0] =	vst v1;
	(pc) =	sbr.rel @p0 .LBB2_22-.Ltmp10, $4  }
0x1f7: {  	v1 =	vld [tilespmem:s14+$0xFFFFFFE0];
	[tilespmem:s15+$0xFFFFFFF0] =	vst v8  }
0x1f8: {  	v3 =	vld [tilespmem:s14+$0xFFFFFFD0];
	[tilespmem:s15+$0x0] =	vst v6  }
0x1f9: {  	s17 =	sshra.s32 s16, $0x2;
	v4 =	vld [tilespmem:s14+$0x20];
	[tilespmem:s15+$0x10] =	vst v2;
	s15 =	smov.u32 s14  }
0x1fa: {  	s16 =	sadd.s32 $0x40, s16;
	v2 =	vld [tilespmem:s17+$0x1B580]  }
0x1fb: {  	_ =	sdelay $0x1  }
0x1fc: {  	v5 =	vld [tilespmem:s14+$0x24];
	_ =	sdelay $0x1  }
0x1fd: {  	v6 =	vld [tilespmem:s14+$0x0];
	v4 =	vmul.f32 v4, v2  }
0x1fe: {  	v7 =	vld [tilespmem:s14+$0x10];
	v3 =	vmul.f32 v3, v2  }
0x1ff: {  	v1 =	vmul.f32 v1, v2;
	[tilespmem:s14+$0x20] =	vst v4  }
0x200: {  	v5 =	vmul.f32 v5, v2;
	[tilespmem:s15+$0xFFFFFFD0] =	vst v3  }
0x201: {  	v0 =	vmul.f32 v0, v2;
	[tilespmem:s15+$0xFFFFFFE0] =	vst v1  }
0x202: {  	v3 =	vmul.f32 v6, v2;
	[tilespmem:s14+$0x24] =	vst v5  }
0x203: {  	v1 =	vmul.f32 v7, v2;
	[tilespmem:s15+$0xFFFFFFF0] =	vst v0  }
0x204: {  	[tilespmem:s15+$0x0] =	vst v3  }
0x205: {  	s17 =	rddreg [dreg:$0x18];
	s14 =	simm.s32 $0x0;
	[tilespmem:s15+$0x10] =	vst v1  }
0x206: {  	[hbm4b:s17+s14] =	stream.linear.scatter [tilespmem:s30], [sflag:$0x8], $0x8C00, $0x38;
	[tilespmem:$0x1D880] =	vst v63  }
0x207: {  	_ =	swait.ge [sflag:s8], $0x8C00  }
0x208: {  	[sflag:s8] =	ssyncset.done $0x0  }
0x209: {  	s16 =	rddreg [dreg:$0x1b];
	[sflag:s8] =	ssyncadd.s32 $0xFFFF7400  }
0x20a: {  	[tilespmem:s14], [sflag:$0x1] =	stream.linear.gather [hbm4b:s16+s14], $0x8C00, $0x38;
	[tilespmem:$0x1D880] =	vst v63  }
0x20b: {  	_ = 	snop  }
0x20c: {  	[tilespmem:s29], [sflag:$0x4] =	stream.linear.gather [hbm4b:s22+s14], $0x1180, $0x38;
	[tilespmem:$0x1D880] =	vst v63  }
0x20d: {  	_ =	swait.ge [sflag:s9], $0x8C00  }
0x20e: {  	[sflag:s9] =	ssyncset.done $0x0  }
0x20f: {  	[sflag:s9] =	ssyncadd.s32 $0xFFFF7400  }
0x210: {  	_ =	swait.ge [sflag:s10], $0x1180  }
0x211: {  	[sflag:s10] =	ssyncset.done $0x0  }
0x212: {  	s14 =	simm.s32 $0x11830;
	[sflag:s10] =	ssyncadd.s32 $0xFFFFEE80  }
0x213: {  	v0 =	vld [tilespmem:s14+$0xFFFFFFF0]  }
0x214: {  	v1 =	vld [tilespmem:s14+$0xFFFFFFE0]  }
0x215: {  	v3 =	vld [tilespmem:s14+$0xFFFFFFD0]  }
0x216: {  	s17 =	simm.s32 $0x0;
	v4 =	vld [tilespmem:s14+$0x20]  }
0x217: {  	s15 =	simm.s32 $0x11830;
	s16 =	simm.s32 $0x40;
	v2 =	vld [tilespmem:s17+$0x1C700]  }
.LBB2_24:
0x218: {  	p0 =	sne.s32 s16, $0x45C0;
	v5 =	vld [tilespmem:s14+$0x24]  }
0x219: {  	v6 =	vld [tilespmem:s14+$0x0]  }
0x21a: {  	v7 =	vld [tilespmem:s14+$0x10];
	_ =	sdelay $0x1  }
0x21b: {  	v3 =	vmul.f32 v3, v2;
	v4 =	vmul.f32 v4, v2  }
0x21c: {  	v1 =	vmul.f32 v1, v2;
	v5 =	vmul.f32 v5, v2  }
0x21d: {  	v8 =	vmul.f32 v0, v2;
	v6 =	vmul.f32 v6, v2;
	[tilespmem:s14+$0x20] =	vst v4  }
0x21e: {  	v2 =	vmul.f32 v7, v2;
	[tilespmem:s14+$0x24] =	vst v5  }
0x21f: {  	s14 =	sadd.s32 $0x80, s14;
	[tilespmem:s15+$0xFFFFFFD0] =	vst v3  }
.Ltmp11:
0x220: {  	v0 =	vld [tilespmem:s14+$0xFFFFFFF0];
	[tilespmem:s15+$0xFFFFFFE0] =	vst v1;
	(pc) =	sbr.rel @p0 .LBB2_24-.Ltmp11, $4  }
0x221: {  	v1 =	vld [tilespmem:s14+$0xFFFFFFE0];
	[tilespmem:s15+$0xFFFFFFF0] =	vst v8  }
0x222: {  	v3 =	vld [tilespmem:s14+$0xFFFFFFD0];
	[tilespmem:s15+$0x0] =	vst v6  }
0x223: {  	s17 =	sshra.s32 s16, $0x2;
	v4 =	vld [tilespmem:s14+$0x20];
	[tilespmem:s15+$0x10] =	vst v2;
	s15 =	smov.u32 s14  }
0x224: {  	s16 =	sadd.s32 $0x40, s16;
	v2 =	vld [tilespmem:s17+$0x1C700]  }
0x225: {  	_ =	sdelay $0x1  }
0x226: {  	v5 =	vld [tilespmem:s14+$0x24];
	_ =	sdelay $0x1  }
0x227: {  	v6 =	vld [tilespmem:s14+$0x0];
	v4 =	vmul.f32 v4, v2  }
0x228: {  	v7 =	vld [tilespmem:s14+$0x10];
	v3 =	vmul.f32 v3, v2  }
0x229: {  	v1 =	vmul.f32 v1, v2;
	[tilespmem:s14+$0x20] =	vst v4  }
0x22a: {  	v5 =	vmul.f32 v5, v2;
	[tilespmem:s15+$0xFFFFFFD0] =	vst v3  }
0x22b: {  	v0 =	vmul.f32 v0, v2;
	[tilespmem:s15+$0xFFFFFFE0] =	vst v1  }
0x22c: {  	v3 =	vmul.f32 v6, v2;
	[tilespmem:s14+$0x24] =	vst v5  }
0x22d: {  	v1 =	vmul.f32 v7, v2;
	[tilespmem:s15+$0xFFFFFFF0] =	vst v0  }
0x22e: {  	[tilespmem:s15+$0x0] =	vst v3  }
0x22f: {  	s17 =	rddreg [dreg:$0x1a];
	s14 =	simm.s32 $0x0;
	[tilespmem:s15+$0x10] =	vst v1  }
0x230: {  	[hbm4b:s17+s14] =	stream.linear.scatter [tilespmem:s4], [sflag:$0x9], $0x8C00, $0x38;
	[tilespmem:$0x1D880] =	vst v63  }
0x231: {  	_ =	swait.ge [sflag:s11], $0x8C00  }
0x232: {  	[sflag:s11] =	ssyncset.done $0x0  }
0x233: {  	s16 =	rddreg [dreg:$0x1d];
	[sflag:s11] =	ssyncadd.s32 $0xFFFF7400  }
0x234: {  	[tilespmem:s30], [sflag:$0x2] =	stream.linear.gather [hbm4b:s16+s14], $0x8C00, $0x38;
	[tilespmem:$0x1D880] =	vst v63  }
0x235: {  	_ = 	snop  }
0x236: {  	[tilespmem:s31], [sflag:$0x5] =	stream.linear.gather [hbm4b:s23+s14], $0x1180, $0x38;
	[tilespmem:$0x1D880] =	vst v63  }
0x237: {  	_ =	swait.ge [sflag:s0], $0x8C00  }
0x238: {  	[sflag:s0] =	ssyncset.done $0x0  }
0x239: {  	[sflag:s0] =	ssyncadd.s32 $0xFFFF7400  }
0x23a: {  	_ =	swait.ge [sflag:s2], $0x1180  }
0x23b: {  	[sflag:s2] =	ssyncset.done $0x0  }
0x23c: {  	s14 =	simm.s32 $0x30;
	[sflag:s2] =	ssyncadd.s32 $0xFFFFEE80  }
0x23d: {  	v0 =	vld [tilespmem:s14+$0xFFFFFFF0]  }
0x23e: {  	v1 =	vld [tilespmem:s14+$0xFFFFFFE0]  }
0x23f: {  	v3 =	vld [tilespmem:s14+$0xFFFFFFD0]  }
0x240: {  	s17 =	simm.s32 $0x0;
	v4 =	vld [tilespmem:s14+$0x20]  }
0x241: {  	s15 =	simm.s32 $0x30;
	s16 =	simm.s32 $0x40;
	v2 =	vld [tilespmem:s17+$0x1A400]  }
.LBB2_26:
0x242: {  	p0 =	sne.s32 s16, $0x45C0;
	v5 =	vld [tilespmem:s14+$0x24]  }
0x243: {  	v6 =	vld [tilespmem:s14+$0x0]  }
0x244: {  	v7 =	vld [tilespmem:s14+$0x10];
	_ =	sdelay $0x1  }
0x245: {  	v3 =	vmul.f32 v3, v2;
	v4 =	vmul.f32 v4, v2  }
0x246: {  	v1 =	vmul.f32 v1, v2;
	v5 =	vmul.f32 v5, v2  }
0x247: {  	v8 =	vmul.f32 v0, v2;
	v6 =	vmul.f32 v6, v2;
	[tilespmem:s14+$0x20] =	vst v4  }
0x248: {  	v2 =	vmul.f32 v7, v2;
	[tilespmem:s14+$0x24] =	vst v5  }
0x249: {  	s14 =	sadd.s32 $0x80, s14;
	[tilespmem:s15+$0xFFFFFFD0] =	vst v3  }
.Ltmp12:
0x24a: {  	v0 =	vld [tilespmem:s14+$0xFFFFFFF0];
	[tilespmem:s15+$0xFFFFFFE0] =	vst v1;
	(pc) =	sbr.rel @p0 .LBB2_26-.Ltmp12, $4  }
0x24b: {  	v1 =	vld [tilespmem:s14+$0xFFFFFFE0];
	[tilespmem:s15+$0xFFFFFFF0] =	vst v8  }
0x24c: {  	v3 =	vld [tilespmem:s14+$0xFFFFFFD0];
	[tilespmem:s15+$0x0] =	vst v6  }
0x24d: {  	s17 =	sshra.s32 s16, $0x2;
	v4 =	vld [tilespmem:s14+$0x20];
	[tilespmem:s15+$0x10] =	vst v2;
	s15 =	smov.u32 s14  }
0x24e: {  	s16 =	sadd.s32 $0x40, s16;
	v2 =	vld [tilespmem:s17+$0x1A400]  }
0x24f: {  	_ =	sdelay $0x1  }
0x250: {  	v5 =	vld [tilespmem:s14+$0x24];
	_ =	sdelay $0x1  }
0x251: {  	v6 =	vld [tilespmem:s14+$0x0];
	v4 =	vmul.f32 v4, v2  }
0x252: {  	v7 =	vld [tilespmem:s14+$0x10];
	v3 =	vmul.f32 v3, v2  }
0x253: {  	v1 =	vmul.f32 v1, v2;
	[tilespmem:s14+$0x20] =	vst v4  }
0x254: {  	v5 =	vmul.f32 v5, v2;
	[tilespmem:s15+$0xFFFFFFD0] =	vst v3  }
0x255: {  	v0 =	vmul.f32 v0, v2;
	[tilespmem:s15+$0xFFFFFFE0] =	vst v1  }
0x256: {  	v3 =	vmul.f32 v6, v2;
	[tilespmem:s14+$0x24] =	vst v5  }
0x257: {  	v1 =	vmul.f32 v7, v2;
	[tilespmem:s15+$0xFFFFFFF0] =	vst v0  }
0x258: {  	[tilespmem:s15+$0x0] =	vst v3  }
0x259: {  	s17 =	rddreg [dreg:$0x1c];
	s14 =	simm.s32 $0x0;
	[tilespmem:s15+$0x10] =	vst v1  }
0x25a: {  	[hbm4b:s17+s14] =	stream.linear.scatter [tilespmem:s14], [sflag:$0x7], $0x8C00, $0x38;
	[tilespmem:$0x1D880] =	vst v63  }
0x25b: {  	_ =	swait.ge [sflag:s12], $0x8C00  }
0x25c: {  	[sflag:s12] =	ssyncset.done $0x0  }
0x25d: {  	s16 =	rddreg [dreg:$0x1f];
	[sflag:s12] =	ssyncadd.s32 $0xFFFF7400  }
0x25e: {  	[tilespmem:s4], [sflag:$0x3] =	stream.linear.gather [hbm4b:s16+s14], $0x8C00, $0x38;
	[tilespmem:$0x1D880] =	vst v63  }
0x25f: {  	_ = 	snop  }
0x260: {  	[tilespmem:s5], [sflag:$0x6] =	stream.linear.gather [hbm4b:s24+s14], $0x1180, $0x38;
	[tilespmem:$0x1D880] =	vst v63  }
0x261: {  	_ =	swait.ge [sflag:s6], $0x8C00  }
0x262: {  	[sflag:s6] =	ssyncset.done $0x0  }
0x263: {  	[sflag:s6] =	ssyncadd.s32 $0xFFFF7400  }
0x264: {  	_ =	swait.ge [sflag:s7], $0x1180  }
0x265: {  	[sflag:s7] =	ssyncset.done $0x0  }
0x266: {  	s14 =	simm.s32 $0x8C30;
	[sflag:s7] =	ssyncadd.s32 $0xFFFFEE80  }
0x267: {  	v0 =	vld [tilespmem:s14+$0xFFFFFFF0]  }
0x268: {  	v1 =	vld [tilespmem:s14+$0xFFFFFFE0]  }
0x269: {  	v3 =	vld [tilespmem:s14+$0xFFFFFFD0]  }
0x26a: {  	s17 =	simm.s32 $0x0;
	v4 =	vld [tilespmem:s14+$0x20]  }
0x26b: {  	s15 =	simm.s32 $0x8C30;
	s16 =	simm.s32 $0x40;
	v2 =	vld [tilespmem:s17+$0x1B580]  }
.LBB2_28:
0x26c: {  	p0 =	sne.s32 s16, $0x45C0;
	v5 =	vld [tilespmem:s14+$0x24]  }
0x26d: {  	v6 =	vld [tilespmem:s14+$0x0]  }
0x26e: {  	v7 =	vld [tilespmem:s14+$0x10];
	_ =	sdelay $0x1  }
0x26f: {  	v3 =	vmul.f32 v3, v2;
	v4 =	vmul.f32 v4, v2  }
0x270: {  	v1 =	vmul.f32 v1, v2;
	v5 =	vmul.f32 v5, v2  }
0x271: {  	v8 =	vmul.f32 v0, v2;
	v6 =	vmul.f32 v6, v2;
	[tilespmem:s14+$0x20] =	vst v4  }
0x272: {  	v2 =	vmul.f32 v7, v2;
	[tilespmem:s14+$0x24] =	vst v5  }
0x273: {  	s14 =	sadd.s32 $0x80, s14;
	[tilespmem:s15+$0xFFFFFFD0] =	vst v3  }
.Ltmp13:
0x274: {  	v0 =	vld [tilespmem:s14+$0xFFFFFFF0];
	[tilespmem:s15+$0xFFFFFFE0] =	vst v1;
	(pc) =	sbr.rel @p0 .LBB2_28-.Ltmp13, $4  }
0x275: {  	v1 =	vld [tilespmem:s14+$0xFFFFFFE0];
	[tilespmem:s15+$0xFFFFFFF0] =	vst v8  }
0x276: {  	v3 =	vld [tilespmem:s14+$0xFFFFFFD0];
	[tilespmem:s15+$0x0] =	vst v6  }
0x277: {  	s17 =	sshra.s32 s16, $0x2;
	v4 =	vld [tilespmem:s14+$0x20];
	[tilespmem:s15+$0x10] =	vst v2;
	s15 =	smov.u32 s14  }
0x278: {  	s16 =	sadd.s32 $0x40, s16;
	v2 =	vld [tilespmem:s17+$0x1B580]  }
0x279: {  	_ =	sdelay $0x1  }
0x27a: {  	v5 =	vld [tilespmem:s14+$0x24];
	_ =	sdelay $0x1  }
0x27b: {  	v6 =	vld [tilespmem:s14+$0x0];
	v4 =	vmul.f32 v4, v2  }
0x27c: {  	v7 =	vld [tilespmem:s14+$0x10];
	v3 =	vmul.f32 v3, v2  }
0x27d: {  	v1 =	vmul.f32 v1, v2;
	[tilespmem:s14+$0x20] =	vst v4  }
0x27e: {  	v5 =	vmul.f32 v5, v2;
	[tilespmem:s15+$0xFFFFFFD0] =	vst v3  }
0x27f: {  	v0 =	vmul.f32 v0, v2;
	[tilespmem:s15+$0xFFFFFFE0] =	vst v1  }
0x280: {  	v3 =	vmul.f32 v6, v2;
	[tilespmem:s14+$0x24] =	vst v5  }
0x281: {  	v1 =	vmul.f32 v7, v2;
	[tilespmem:s15+$0xFFFFFFF0] =	vst v0  }
0x282: {  	[tilespmem:s15+$0x0] =	vst v3  }
0x283: {  	s17 =	rddreg [dreg:$0x1e];
	s14 =	simm.s32 $0x0;
	[tilespmem:s15+$0x10] =	vst v1  }
0x284: {  	[hbm4b:s17+s14] =	stream.linear.scatter [tilespmem:s30], [sflag:$0x8], $0x8C00, $0x38;
	[tilespmem:$0x1D880] =	vst v63  }
0x285: {  	_ =	swait.ge [sflag:s8], $0x8C00  }
0x286: {  	s16 =	sld [smem:$0x7F0]  }
0x287: {  	[sflag:s8] =	ssyncset.done $0x0  }
0x288: {  	[sflag:s8] =	ssyncadd.s32 $0xFFFF7400  }
0x289: {  	[tilespmem:s14], [sflag:$0x1] =	stream.linear.gather [hbm4b:s16+s14], $0x8C00, $0x38;
	[tilespmem:$0x1D880] =	vst v63  }
0x28a: {  	_ = 	snop  }
0x28b: {  	[tilespmem:s29], [sflag:$0x4] =	stream.linear.gather [hbm4b:s25+s14], $0x1180, $0x38;
	[tilespmem:$0x1D880] =	vst v63  }
0x28c: {  	_ =	swait.ge [sflag:s9], $0x8C00  }
0x28d: {  	[sflag:s9] =	ssyncset.done $0x0  }
0x28e: {  	[sflag:s9] =	ssyncadd.s32 $0xFFFF7400  }
0x28f: {  	_ =	swait.ge [sflag:s10], $0x1180  }
0x290: {  	[sflag:s10] =	ssyncset.done $0x0  }
0x291: {  	s14 =	simm.s32 $0x11830;
	[sflag:s10] =	ssyncadd.s32 $0xFFFFEE80  }
0x292: {  	v0 =	vld [tilespmem:s14+$0xFFFFFFF0]  }
0x293: {  	v1 =	vld [tilespmem:s14+$0xFFFFFFE0]  }
0x294: {  	v3 =	vld [tilespmem:s14+$0xFFFFFFD0]  }
0x295: {  	s17 =	simm.s32 $0x0;
	v4 =	vld [tilespmem:s14+$0x20]  }
0x296: {  	s15 =	simm.s32 $0x11830;
	s16 =	simm.s32 $0x40;
	v2 =	vld [tilespmem:s17+$0x1C700]  }
.LBB2_30:
0x297: {  	p0 =	sne.s32 s16, $0x45C0;
	v5 =	vld [tilespmem:s14+$0x24]  }
0x298: {  	v6 =	vld [tilespmem:s14+$0x0]  }
0x299: {  	v7 =	vld [tilespmem:s14+$0x10];
	_ =	sdelay $0x1  }
0x29a: {  	v3 =	vmul.f32 v3, v2;
	v4 =	vmul.f32 v4, v2  }
0x29b: {  	v1 =	vmul.f32 v1, v2;
	v5 =	vmul.f32 v5, v2  }
0x29c: {  	v8 =	vmul.f32 v0, v2;
	v6 =	vmul.f32 v6, v2;
	[tilespmem:s14+$0x20] =	vst v4  }
0x29d: {  	v2 =	vmul.f32 v7, v2;
	[tilespmem:s14+$0x24] =	vst v5  }
0x29e: {  	s14 =	sadd.s32 $0x80, s14;
	[tilespmem:s15+$0xFFFFFFD0] =	vst v3  }
.Ltmp14:
0x29f: {  	v0 =	vld [tilespmem:s14+$0xFFFFFFF0];
	[tilespmem:s15+$0xFFFFFFE0] =	vst v1;
	(pc) =	sbr.rel @p0 .LBB2_30-.Ltmp14, $4  }
0x2a0: {  	v1 =	vld [tilespmem:s14+$0xFFFFFFE0];
	[tilespmem:s15+$0xFFFFFFF0] =	vst v8  }
0x2a1: {  	v3 =	vld [tilespmem:s14+$0xFFFFFFD0];
	[tilespmem:s15+$0x0] =	vst v6  }
0x2a2: {  	s17 =	sshra.s32 s16, $0x2;
	v4 =	vld [tilespmem:s14+$0x20];
	[tilespmem:s15+$0x10] =	vst v2;
	s15 =	smov.u32 s14  }
0x2a3: {  	s16 =	sadd.s32 $0x40, s16;
	v2 =	vld [tilespmem:s17+$0x1C700]  }
0x2a4: {  	_ =	sdelay $0x1  }
0x2a5: {  	v5 =	vld [tilespmem:s14+$0x24];
	_ =	sdelay $0x1  }
0x2a6: {  	v6 =	vld [tilespmem:s14+$0x0];
	v4 =	vmul.f32 v4, v2  }
0x2a7: {  	v7 =	vld [tilespmem:s14+$0x10];
	v3 =	vmul.f32 v3, v2  }
0x2a8: {  	v1 =	vmul.f32 v1, v2;
	[tilespmem:s14+$0x20] =	vst v4  }
0x2a9: {  	v5 =	vmul.f32 v5, v2;
	[tilespmem:s15+$0xFFFFFFD0] =	vst v3  }
0x2aa: {  	v0 =	vmul.f32 v0, v2;
	[tilespmem:s15+$0xFFFFFFE0] =	vst v1  }
0x2ab: {  	v3 =	vmul.f32 v6, v2;
	[tilespmem:s14+$0x24] =	vst v5  }
0x2ac: {  	s17 =	sld [smem:$0x7EF];
	v1 =	vmul.f32 v7, v2;
	[tilespmem:s15+$0xFFFFFFF0] =	vst v0  }
0x2ad: {  	[tilespmem:s15+$0x0] =	vst v3  }
0x2ae: {  	s14 =	simm.s32 $0x0;
	[tilespmem:s15+$0x10] =	vst v1  }
0x2af: {  	[hbm4b:s17+s14] =	stream.linear.scatter [tilespmem:s4], [sflag:$0x9], $0x8C00, $0x38;
	[tilespmem:$0x1D880] =	vst v63  }
0x2b0: {  	_ =	swait.ge [sflag:s11], $0x8C00  }
0x2b1: {  	s16 =	sld [smem:$0x7F2]  }
0x2b2: {  	[sflag:s11] =	ssyncset.done $0x0  }
0x2b3: {  	[sflag:s11] =	ssyncadd.s32 $0xFFFF7400  }
0x2b4: {  	[tilespmem:s30], [sflag:$0x2] =	stream.linear.gather [hbm4b:s16+s14], $0x8C00, $0x38;
	[tilespmem:$0x1D880] =	vst v63  }
0x2b5: {  	_ = 	snop  }
0x2b6: {  	[tilespmem:s31], [sflag:$0x5] =	stream.linear.gather [hbm4b:s26+s14], $0x1180, $0x38;
	[tilespmem:$0x1D880] =	vst v63  }
0x2b7: {  	_ =	swait.ge [sflag:s0], $0x8C00  }
0x2b8: {  	[sflag:s0] =	ssyncset.done $0x0  }
0x2b9: {  	[sflag:s0] =	ssyncadd.s32 $0xFFFF7400  }
0x2ba: {  	_ =	swait.ge [sflag:s2], $0x1180  }
0x2bb: {  	[sflag:s2] =	ssyncset.done $0x0  }
0x2bc: {  	s14 =	simm.s32 $0x30;
	[sflag:s2] =	ssyncadd.s32 $0xFFFFEE80  }
0x2bd: {  	v0 =	vld [tilespmem:s14+$0xFFFFFFF0]  }
0x2be: {  	v1 =	vld [tilespmem:s14+$0xFFFFFFE0]  }
0x2bf: {  	v3 =	vld [tilespmem:s14+$0xFFFFFFD0]  }
0x2c0: {  	s17 =	simm.s32 $0x0;
	v4 =	vld [tilespmem:s14+$0x20]  }
0x2c1: {  	s15 =	simm.s32 $0x30;
	s16 =	simm.s32 $0x40;
	v2 =	vld [tilespmem:s17+$0x1A400]  }
.LBB2_32:
0x2c2: {  	p0 =	sne.s32 s16, $0x45C0;
	v5 =	vld [tilespmem:s14+$0x24]  }
0x2c3: {  	v6 =	vld [tilespmem:s14+$0x0]  }
0x2c4: {  	v7 =	vld [tilespmem:s14+$0x10];
	_ =	sdelay $0x1  }
0x2c5: {  	v3 =	vmul.f32 v3, v2;
	v4 =	vmul.f32 v4, v2  }
0x2c6: {  	v1 =	vmul.f32 v1, v2;
	v5 =	vmul.f32 v5, v2  }
0x2c7: {  	v8 =	vmul.f32 v0, v2;
	v6 =	vmul.f32 v6, v2;
	[tilespmem:s14+$0x20] =	vst v4  }
0x2c8: {  	v2 =	vmul.f32 v7, v2;
	[tilespmem:s14+$0x24] =	vst v5  }
0x2c9: {  	s14 =	sadd.s32 $0x80, s14;
	[tilespmem:s15+$0xFFFFFFD0] =	vst v3  }
.Ltmp15:
0x2ca: {  	v0 =	vld [tilespmem:s14+$0xFFFFFFF0];
	[tilespmem:s15+$0xFFFFFFE0] =	vst v1;
	(pc) =	sbr.rel @p0 .LBB2_32-.Ltmp15, $4  }
0x2cb: {  	v1 =	vld [tilespmem:s14+$0xFFFFFFE0];
	[tilespmem:s15+$0xFFFFFFF0] =	vst v8  }
0x2cc: {  	v3 =	vld [tilespmem:s14+$0xFFFFFFD0];
	[tilespmem:s15+$0x0] =	vst v6  }
0x2cd: {  	s17 =	sshra.s32 s16, $0x2;
	v4 =	vld [tilespmem:s14+$0x20];
	[tilespmem:s15+$0x10] =	vst v2;
	s15 =	smov.u32 s14  }
0x2ce: {  	s16 =	sadd.s32 $0x40, s16;
	v2 =	vld [tilespmem:s17+$0x1A400]  }
0x2cf: {  	_ =	sdelay $0x1  }
0x2d0: {  	v5 =	vld [tilespmem:s14+$0x24];
	_ =	sdelay $0x1  }
0x2d1: {  	v6 =	vld [tilespmem:s14+$0x0];
	v4 =	vmul.f32 v4, v2  }
0x2d2: {  	v7 =	vld [tilespmem:s14+$0x10];
	v3 =	vmul.f32 v3, v2  }
0x2d3: {  	v1 =	vmul.f32 v1, v2;
	[tilespmem:s14+$0x20] =	vst v4  }
0x2d4: {  	v5 =	vmul.f32 v5, v2;
	[tilespmem:s15+$0xFFFFFFD0] =	vst v3  }
0x2d5: {  	v0 =	vmul.f32 v0, v2;
	[tilespmem:s15+$0xFFFFFFE0] =	vst v1  }
0x2d6: {  	v3 =	vmul.f32 v6, v2;
	[tilespmem:s14+$0x24] =	vst v5  }
0x2d7: {  	s17 =	sld [smem:$0x7F1];
	v1 =	vmul.f32 v7, v2;
	[tilespmem:s15+$0xFFFFFFF0] =	vst v0  }
0x2d8: {  	[tilespmem:s15+$0x0] =	vst v3  }
0x2d9: {  	s14 =	simm.s32 $0x0;
	[tilespmem:s15+$0x10] =	vst v1  }
0x2da: {  	[hbm4b:s17+s14] =	stream.linear.scatter [tilespmem:s14], [sflag:$0x7], $0x8C00, $0x38;
	[tilespmem:$0x1D880] =	vst v63  }
0x2db: {  	_ =	swait.ge [sflag:s12], $0x8C00  }
0x2dc: {  	s16 =	sld [smem:$0x7F3]  }
0x2dd: {  	[sflag:s12] =	ssyncset.done $0x0  }
0x2de: {  	[sflag:s12] =	ssyncadd.s32 $0xFFFF7400  }
0x2df: {  	[tilespmem:s4], [sflag:$0x3] =	stream.linear.gather [hbm4b:s16+s14], $0x8C00, $0x38;
	[tilespmem:$0x1D880] =	vst v63  }
0x2e0: {  	_ = 	snop  }
0x2e1: {  	[tilespmem:s5], [sflag:$0x6] =	stream.linear.gather [hbm4b:s28+s14], $0x1180, $0x38;
	[tilespmem:$0x1D880] =	vst v63  }
0x2e2: {  	_ =	swait.ge [sflag:s6], $0x8C00  }
0x2e3: {  	[sflag:s6] =	ssyncset.done $0x0  }
0x2e4: {  	[sflag:s6] =	ssyncadd.s32 $0xFFFF7400  }
0x2e5: {  	_ =	swait.ge [sflag:s7], $0x1180  }
0x2e6: {  	[sflag:s7] =	ssyncset.done $0x0  }
0x2e7: {  	s14 =	simm.s32 $0x8C30;
	[sflag:s7] =	ssyncadd.s32 $0xFFFFEE80  }
0x2e8: {  	v0 =	vld [tilespmem:s14+$0xFFFFFFF0]  }
0x2e9: {  	v1 =	vld [tilespmem:s14+$0xFFFFFFE0]  }
0x2ea: {  	v3 =	vld [tilespmem:s14+$0xFFFFFFD0]  }
0x2eb: {  	s17 =	simm.s32 $0x0;
	v4 =	vld [tilespmem:s14+$0x20]  }
0x2ec: {  	s15 =	simm.s32 $0x8C30;
	s16 =	simm.s32 $0x40;
	v2 =	vld [tilespmem:s17+$0x1B580]  }
.LBB2_34:
0x2ed: {  	p0 =	sne.s32 s16, $0x45C0;
	v5 =	vld [tilespmem:s14+$0x24]  }
0x2ee: {  	v6 =	vld [tilespmem:s14+$0x0]  }
0x2ef: {  	v7 =	vld [tilespmem:s14+$0x10];
	_ =	sdelay $0x1  }
0x2f0: {  	v3 =	vmul.f32 v3, v2;
	v4 =	vmul.f32 v4, v2  }
0x2f1: {  	v1 =	vmul.f32 v1, v2;
	v5 =	vmul.f32 v5, v2  }
0x2f2: {  	v8 =	vmul.f32 v0, v2;
	v6 =	vmul.f32 v6, v2;
	[tilespmem:s14+$0x20] =	vst v4  }
0x2f3: {  	v2 =	vmul.f32 v7, v2;
	[tilespmem:s14+$0x24] =	vst v5  }
0x2f4: {  	s14 =	sadd.s32 $0x80, s14;
	[tilespmem:s15+$0xFFFFFFD0] =	vst v3  }
.Ltmp16:
0x2f5: {  	v0 =	vld [tilespmem:s14+$0xFFFFFFF0];
	[tilespmem:s15+$0xFFFFFFE0] =	vst v1;
	(pc) =	sbr.rel @p0 .LBB2_34-.Ltmp16, $4  }
0x2f6: {  	v1 =	vld [tilespmem:s14+$0xFFFFFFE0];
	[tilespmem:s15+$0xFFFFFFF0] =	vst v8  }
0x2f7: {  	v3 =	vld [tilespmem:s14+$0xFFFFFFD0];
	[tilespmem:s15+$0x0] =	vst v6  }
0x2f8: {  	s17 =	sshra.s32 s16, $0x2;
	v4 =	vld [tilespmem:s14+$0x20];
	[tilespmem:s15+$0x10] =	vst v2;
	s15 =	smov.u32 s14  }
0x2f9: {  	s16 =	sadd.s32 $0x40, s16;
	v2 =	vld [tilespmem:s17+$0x1B580]  }
0x2fa: {  	_ =	sdelay $0x1  }
0x2fb: {  	v5 =	vld [tilespmem:s14+$0x24];
	_ =	sdelay $0x1  }
0x2fc: {  	v6 =	vld [tilespmem:s14+$0x0];
	v4 =	vmul.f32 v4, v2  }
0x2fd: {  	v7 =	vld [tilespmem:s14+$0x10];
	v3 =	vmul.f32 v3, v2  }
0x2fe: {  	v1 =	vmul.f32 v1, v2;
	[tilespmem:s14+$0x20] =	vst v4  }
0x2ff: {  	v5 =	vmul.f32 v5, v2;
	[tilespmem:s15+$0xFFFFFFD0] =	vst v3  }
0x300: {  	v0 =	vmul.f32 v0, v2;
	[tilespmem:s15+$0xFFFFFFE0] =	vst v1  }
0x301: {  	v3 =	vmul.f32 v6, v2;
	[tilespmem:s14+$0x24] =	vst v5  }
0x302: {  	s16 =	sld [smem:$0x7F4];
	v1 =	vmul.f32 v7, v2;
	[tilespmem:s15+$0xFFFFFFF0] =	vst v0  }
0x303: {  	[tilespmem:s15+$0x0] =	vst v3  }
0x304: {  	[tilespmem:s15+$0x10] =	vst v1;
	s15 =	simm.s32 $0x0  }
0x305: {  	[hbm4b:s16+s15] =	stream.linear.scatter [tilespmem:s30], [sflag:$0x8], $0x8C00, $0x38;
	[tilespmem:$0x1D880] =	vst v63  }
0x306: {  	_ =	swait.ge [sflag:s9], $0x8C00  }
0x307: {  	[sflag:s9] =	ssyncset.done $0x0  }
0x308: {  	[sflag:s9] =	ssyncadd.s32 $0xFFFF7400  }
0x309: {  	_ =	swait.ge [sflag:s10], $0x1180  }
0x30a: {  	[sflag:s10] =	ssyncset.done $0x0  }
0x30b: {  	s14 =	simm.s32 $0x11830;
	[sflag:s10] =	ssyncadd.s32 $0xFFFFEE80  }
0x30c: {  	v0 =	vld [tilespmem:s14+$0xFFFFFFF0]  }
0x30d: {  	v1 =	vld [tilespmem:s14+$0xFFFFFFE0]  }
0x30e: {  	v3 =	vld [tilespmem:s14+$0xFFFFFFD0]  }
0x30f: {  	s17 =	simm.s32 $0x0;
	v4 =	vld [tilespmem:s14+$0x20]  }
0x310: {  	s16 =	simm.s32 $0x40;
	s15 =	simm.s32 $0x11830;
	v2 =	vld [tilespmem:s17+$0x1C700]  }
.LBB2_36:
0x311: {  	p0 =	sne.s32 s16, $0x45C0;
	v5 =	vld [tilespmem:s14+$0x24]  }
0x312: {  	v6 =	vld [tilespmem:s14+$0x0]  }
0x313: {  	v7 =	vld [tilespmem:s14+$0x10];
	_ =	sdelay $0x1  }
0x314: {  	v3 =	vmul.f32 v3, v2;
	v4 =	vmul.f32 v4, v2  }
0x315: {  	v1 =	vmul.f32 v1, v2;
	v5 =	vmul.f32 v5, v2  }
0x316: {  	v8 =	vmul.f32 v0, v2;
	v6 =	vmul.f32 v6, v2;
	[tilespmem:s14+$0x20] =	vst v4  }
0x317: {  	v2 =	vmul.f32 v7, v2;
	[tilespmem:s14+$0x24] =	vst v5  }
0x318: {  	s14 =	sadd.s32 $0x80, s14;
	[tilespmem:s15+$0xFFFFFFD0] =	vst v3  }
.Ltmp17:
0x319: {  	v0 =	vld [tilespmem:s14+$0xFFFFFFF0];
	[tilespmem:s15+$0xFFFFFFE0] =	vst v1;
	(pc) =	sbr.rel @p0 .LBB2_36-.Ltmp17, $4  }
0x31a: {  	v1 =	vld [tilespmem:s14+$0xFFFFFFE0];
	[tilespmem:s15+$0xFFFFFFF0] =	vst v8  }
0x31b: {  	v3 =	vld [tilespmem:s14+$0xFFFFFFD0];
	[tilespmem:s15+$0x0] =	vst v6  }
0x31c: {  	s17 =	sshra.s32 s16, $0x2;
	v4 =	vld [tilespmem:s14+$0x20];
	[tilespmem:s15+$0x10] =	vst v2;
	s15 =	smov.u32 s14  }
0x31d: {  	s16 =	sadd.s32 $0x40, s16;
	v2 =	vld [tilespmem:s17+$0x1C700]  }
0x31e: {  	_ =	sdelay $0x1  }
0x31f: {  	v5 =	vld [tilespmem:s14+$0x24];
	_ =	sdelay $0x1  }
0x320: {  	v6 =	vld [tilespmem:s14+$0x0];
	v4 =	vmul.f32 v4, v2  }
0x321: {  	v7 =	vld [tilespmem:s14+$0x10];
	v3 =	vmul.f32 v3, v2  }
0x322: {  	v1 =	vmul.f32 v1, v2;
	[tilespmem:s14+$0x20] =	vst v4  }
0x323: {  	v5 =	vmul.f32 v5, v2;
	[tilespmem:s15+$0xFFFFFFD0] =	vst v3  }
0x324: {  	v0 =	vmul.f32 v0, v2;
	[tilespmem:s15+$0xFFFFFFE0] =	vst v1  }
0x325: {  	v62 =	vmul.f32 v6, v2;
	[tilespmem:s14+$0x24] =	vst v5  }
0x326: {  	s16 =	sld [smem:$0x7F5];
	v63 =	vmul.f32 v7, v2;
	[tilespmem:s15+$0xFFFFFFF0] =	vst v0  }
0x327: {  	[tilespmem:s15+$0x0] =	vst v62  }
0x328: {  	[tilespmem:s15+$0x10] =	vst v63  }
0x329: {  	[hbm4b:s16+s1] =	stream.linear.scatter [tilespmem:s4], [sflag:$0x9], $0x8C00, $0x38;
	[tilespmem:$0x1D880] =	vst v63  }
0x32a: {  	_ =	swait.ge [sflag:s8], $0x8C00  }
0x32b: {  	[sflag:s8] =	ssyncset.done $0x0  }
0x32c: {  	[sflag:s8] =	ssyncadd.s32 $0xFFFF7400  }
0x32d: {  	_ =	swait.ge [sflag:s11], $0x8C00  }
0x32e: {  	[sflag:s11] =	ssyncset.done $0x0  }
0x32f: {  	[sflag:s11] =	ssyncadd.s32 $0xFFFF7400  }
0x330: {  	_ =	swait.ge [sflag:s12], $0x8C00  }
0x331: {  	s17 =	sld [smem:$0x7F6];
	_ =	sdelay $0x1  }
0x332: {  	s13 =	sadd.s32 $0x1, s13  }
0x333: {  	p0 =	sne.s32 s13, s17  }
.Ltmp18:
0x334: {  	_ = 	snop;
	(pc) =	sbr.rel @p0 .LBB2_1-.Ltmp18, $3  }
0x335: {  	_ =	sdelay $0x1  }
0x336: {  	[sflag:s12] =	ssyncset.done $0x0  }
0x337: {  	[sflag:s12] =	ssyncadd.s32 $0xFFFF7400  }
0x338: {  	_ =	sfence.sel $0x180000  }
0x339: {  	[bflag:$0x0] =	sbarrier.arrive $0xFFFF  }
0x33a: {  	_ =	strace $0x90000047  }
0x33b: {  	s0 =	stileid.u32;
	[bflag:$0x2] =	sbarrier.arrive $0xFFFF  }
0x33c: {  	p0 =	sne.s32 s0, $0x0;
	s0 =	rddreg [dreg:$0x2]  }
0x33d: {  	s0 =	sadd.s32 @!p0 $0x100000, s0  }
0x33e: {  	[sflag:s0] =	ssyncadd.tile.s32 @!p0 $0x1;
	_ =	shalt  }
.Lfunc_end2:
_tile_overlayer_lowered:
.L_overlay_start_2:
0x33f: {  	(tag) =	ssettag $0x2  }
0x340: {  	s0 =	rddreg [dreg:$0x0];
	s2 =	stileid.u32  }
0x341: {  	s1 =	rddreg [dreg:$0x1];
	p0 =	sne.s32 s2, $0x0  }
0x342: {  	s3 =	rddreg [dreg:$0x2];
	[bflag:$0x3] =	sbarrier.arrive $0xFFFF;
	s2 =	simm.s32 @!p0 $0x1C0A  }
0x343: {  	[timem:s3], [sflag:s2] =	dma.local @!p0 [hbm:s0], s1  }
0x344: {  	s0 =	simm.s32 @!p0 $0xA  }
0x345: {  	_ =	swait.ge @!p0 [sflag:s0], s1  }
0x346: {  	s1 =	ssub.s32 @!p0 $0x0, s1;
	[sflag:s0] =	ssyncset.done @!p0 $0x0  }
0x347: {  	[sflag:s0] =	ssyncadd.s32 @!p0 s1  }
0x348: {  	[bflag:$0x3] =	sbarrier.arrive $0xFFFF  }
0x349: {  	_ =	shalt  }

// kernel: sparse-core-data-format-call.cloned.1.call-start
scs
called_computation_lowered:
.L_overlay_start_0:
0x0: {  	s2 =	sld [smem:$0x3FD9]  }
0x1: {  	s3 =	sld [smem:$0x3FFE];
	_ =	sdelay $0x1  }
0x2: {  	s1 =	srdreg.scid  }
0x3: {  	s0 =	sand.u32 $0x1, s1  }
0x4: {  	s18 =	sshll.u32 s0, $0xA;
	s2 =	sadd.s32 s3, s2  }
0x5: {  	s2 =	sadd.s32 s2, s18  }
0x6: {  	[smem:$0x3FC6] =	sst s2  }
0x7: {  	_ = 	snop  }
0x8: {  	s2 =	sld [smem:$0x3FD0];
	(tm) =	ssettm $0x1  }
0x9: {  	s19 =	sld [smem:$0x3FFB];
	_ =	sdelay $0x3  }
0xa: {  	_ =	strace s19  }
0xb: {  	s3 =	sld [smem:$0x3FFC];
	_ =	sdelay $0x3  }
0xc: {  	_ =	strace s3  }
0xd: {  	s3 =	sld [smem:$0x3FFD];
	_ =	sdelay $0x3  }
0xe: {  	_ =	strace s3  }
0xf: {  	_ =	strace $0x8FFFFFFF  }
0x10: {  	s20 =	sld [smem:$0x3FDB];
	_ =	sdelay $0x1  }
0x11: {  	s4 =	simm.s32 $_scs_section_size  }
0x12: {  	s5 =	simm.s32 $_size__tile_overlayer_lowered;
	s6 =	simm.s32 $_tile_overlayer_lowered  }
0x13: {  	s23 =	simm.s32 $0x1BFF;
	s22 =	sshll.u32 s6, $0x1;
	s3 =	sadd.s32 s4, s20  }
0x14: {  	s7 =	simm.s32 $0x0;
	s21 =	sshll.u32 s5, $0x1;
	s5 =	sadd.s32 s22, s3  }
0x15: {  	[timem:s7], [sflag:s23] =	dma.local [hbm:s5], s21  }
0x16: {  	_ =	swait.ge [sflag:s23], s21  }
0x17: {  	s4 =	ssub.s32 $0x0, s21;
	[sflag:s23] =	ssyncset.done $0x0  }
0x18: {  	[sflag:s23] =	ssyncadd.s32 s4;
	_ =	sdelay $0x1  }
0x19: {  	s24 =	simm.s32 $0x1B8B  }
0x1a: {  	_ =	swait.ge [sflag:s24], $0x1  }
0x1b: {  	[sflag:s24] =	ssyncset.done $0x0  }
0x1c: {  	s26 =	simm.s32 $0x1B8E;
	s25 =	sld [smem:$0x3FFE];
	[sflag:s24] =	ssyncadd.s32 $0xFFFFFFFF  }
0x1d: {  	s27 =	simm.s32 $execute0_lowered;
	[smem:$0x3FD2] =	sst s26  }
0x1e: {  	s5 =	sshll.u32 s27, $0x1;
	_ =	strace $0x80000049;
	[dreg:$0x1] =	wrdreg $0xFFFFFFFF  }
0x1f: {  	s28 =	simm.s32 $_size_execute0_lowered;
	s3 =	sadd.s32 s3, s5;
	[dreg:$0x0] =	wrdreg $0x0  }
0x20: {  	s5 =	sshll.u32 s28, $0x1;
	[dreg:$0x2] =	wrdreg s3  }
0x21: {  	[dreg:$0x3] =	wrdreg s5  }
0x22: {  	[dreg:$0x4] =	wrdreg $0xC0  }
0x23: {  	_ =	task [dreg:s7], $0x5FFFF  }
0x24: {  	[dreg:$0x1] =	wrdreg $0xFFFFFFFF  }
0x25: {  	[dreg:$0x0] =	wrdreg $0x60  }
0x26: {  	[dreg:$0x2] =	wrdreg s25  }
0x27: {  	[dreg:$0x3] =	wrdreg s2  }
0x28: {  	[dreg:$0x4] =	wrdreg $0x9  }
0x29: {  	_ =	task.clear_ibuf [dreg:s7], $0x5FFFF;
	_ =	strace $0x90000049  }
0x2a: {  	s29 =	simm.s32 $0x9;
	_ =	strace $0x8000004B  }
0x2b: {  	_ =	swait.ge [sflag:s29], $0x1  }
0x2c: {  	[sflag:s29] =	ssyncadd.s32 $0xFFFFFFFF  }
0x2d: {  	_ =	strace $0x9000004B  }
0x2e: {  	_ =	sfence  }
0x2f: {  	s30 =	sld [smem:$0x0];
	_ =	sdelay $0x2  }
0x30: {  	s31 =	sshll.u32 s1, $0xD;
	s1 =	sshrl.u32 s1, $0x2  }
0x31: {  	s3 =	sand.u32 $0x4000, s31;
	s1 =	sadd.s32 s1, s30  }
0x32: {  	s0 =	sor.u32 s3, s0;
	s1 =	sshll.u32 s1, $0x11  }
0x33: {  	s0 =	sor.u32 s1, s0  }
0x34: {  	s0 =	sadd.s32 $0x8F2B, s0  }
0x35: {  	[sflag:s0] =	ssyncadd.remote.s32 $0x1  }
0x36: {  	_ =	sfence.sel $0xFFFF  }
0x37: {  	[dreg:$0x0] =	wrdreg $0xFFFFFFFF;
	(pc) =	sbr.abs _section_cstart, $3  }
0x38: {  	[dreg:$0x1] =	wrdreg $0xFFFFFFFF  }
0x39: {  	_ =	task.clear_ibuf [dreg:s7], $0x2FFFF;
	_ =	strace $0x9FFFFFFF  }
0x3a: {  	(tm) =	ssettm $0x7FFFFFFF  }
0x3b: {  	_ =	shalt  }
tec
execute0_lowered:
.L_overlay_start_1:
0x0: {  	(tag) =	ssettag $0x1  }
0x1: {  	s8 =	rddreg [dreg:$0x0];
	s0 =	stileid.u32  }
0x2: {  	s1 =	rddreg [dreg:$0x1];
	s3 =	srdreg.scid  }
0x3: {  	s31 =	simm.s32 $0x2;
	s18 =	simm.s32 $0x0;
	s19 =	simm.s32 $0x0  }
0x4: {  	s20 =	simm.s32 $0x0;
	s11 =	simm.s32 $0x0;
	s12 =	simm.s32 $0x0  }
0x5: {  	s13 =	simm.s32 $0x0;
	s17 =	simm.s32 $0x0;
	s2 =	sand.u32 $0x1, s0  }
0x6: {  	s4 =	sshrl.u32 s0, $0x1;
	s5 =	sshll.u32 s0, $0x5;
	s6 =	sshll.u32 s3, $0x9  }
0x7: {  	s8 =	sadd.s32 $0x276800, s8;
	s3 =	sand.u32 $0x1, s4;
	s26 =	sor.u32 s5, s6  }
0x8: {  	s27 =	ssub.s32 $0x2, s2;
	s16 =	smov.u32 s2;
	s4 =	sand.u32 $0x380, s26  }
0x9: {  	s28 =	sshrl.u32 s27, $0x1;
	s5 =	sand.u32 $0x1, s27;
	s29 =	ssub.s32 $0x2, s3  }
0xa: {  	s7 =	ssub.s32 $0x9D80, s4;
	s9 =	sshrl.u32 s29, $0x1;
	s6 =	sand.u32 $0x1, s29  }
0xb: {  	s5 =	sadd.s32 s5, s28;
	s10 =	sand.u32 $0x380, s7;
	s6 =	sadd.s32 s6, s9  }
0xc: {  	s9 =	simm.s32 $0x1;
	p0 =	sne.s32 s10, $0x0;
	s30 =	smul.u32 s5, s6  }
.Ltmp0:
0xd: {  	s7 =	sshrl.u32 s7, $0xA;
	s9 =	simm.s32 @!p0 $0x0;
	(pc) =	sbr.rel .LBB1_1-.Ltmp0, $4  }
0xe: {  	s15 =	smov.u32 s3;
	s5 =	rddreg [dreg:$0x2];
	s7 =	sadd.s32 s9, s7  }
0xf: {  	_ =	strace $0x8000004A;
	s6 =	simm.s32 $0x1;
	s7 =	smul.u32 s7, s30  }
0x10: {  	s14 =	smov.u32 s4;
	s10 =	simm.s32 $0x13B00;
	[sflag:s6] =	ssyncpa.u1 $0x0  }
0x11: {  	p0 =	por $0x0, $0x0;
	[sflag:s31] =	ssyncpa.u1 $0x0;
	s9 =	sadd.s32 $0x1, s7  }
.LBB1_4:
0x12: {  	s26 =	sshrl.u32 s12, $0x1;
	s27 =	sshll.u32 s11, $0x1  }
0x13: {  	s28 =	sshll.u32 s12, $0x7;
	s25 =	sshra.s32 s25, $0x2;
	s29 =	sshra.s32 s13, $0x1F  }
0x14: {  	p1 =	sgt.s32 s13, $0x1;
	s30 =	sshra.s32 s12, $0x1F;
	s26 =	smul.u32 $0x13B00, s26  }
0x15: {  	s27 =	sand.u32 $0xFFFFFF00, s27;
	s31 =	sand.u32 $0x80, s28;
	s24 =	sadd.s32 s25, s24  }
0x16: {  	s28 =	sand.u32 $0x7F, s11;
	s30 =	sand.u32 s30, s12;
	s26 =	sadd.s32 s26, s27  }
0x17: {  	s27 =	sand.u32 s29, s13;
	s29 =	smov.u32 s12;
	s26 =	sor.u32 s31, s26  }
0x18: {  	s27 =	sxor.u32 $0xFFFFFFFF, s27;
	s25 =	sor.u32 s28, s26;
	s28 =	smov.u32 s13  }
0x19: {  	s31 =	sshra.s32 s11, $0x1F;
	s26 =	sshrl.u32 s26, $0x7;
	s28 =	simm.s32 @!p1 $0x1  }
0x1a: {  	s26 =	smulhi.u32 $0xD00D01, s26;
	p1 =	sgt.s32 s12, $0x1;
	s27 =	sadd.s32 s27, s28  }
0x1b: {  	v5 =	vld [tilespmem:s22+$0xFFFFFFD0];
	[tilespmem:s23+$0x2040 ss:$0x81] =	vst.msk $0xffff, v4;
	s29 =	simm.s32 @!p1 $0x1;
	p1 =	sgt.s32 s11, $0x9D00;
	s28 =	smov.u32 s11  }
0x1c: {  	v58 =	vld [tilespmem:s22+$0xFFFFFFE0];
	[tilespmem:s23+$0x2850 ss:$0x81] =	vst.msk $0xffff, v3;
	s28 =	simm.s32 @!p1 $0x9D00;
	p1 =	sgt.s32 s27, $0x0;
	s27 =	ssub.s32 $0x1, s27  }
0x1d: {  	v59 =	vld [tilespmem:s22+$0xFFFFFFF0];
	[tilespmem:s23+$0x3060 ss:$0x81] =	vst.msk $0xffff, v2;
	s30 =	sxor.u32 $0xFFFFFFFF, s30;
	s31 =	sand.u32 s31, s11;
	s27 =	smul.u32 $0x64, s27  }
0x1e: {  	[tilespmem:s23+$0x0 ss:$0x81] =	vst.msk $0xffff, v1;
	v60 =	vld [tilespmem:s22+$0x0];
	s23 =	sadd.s32 s30, s29;
	s30 =	smul.u32 $0x9D80, s26;
	s28 =	ssub.s32 s28, s31  }
0x1f: {  	v61 =	vld [tilespmem:s22+$0x10];
	[tilespmem:s24+$0x3870 ss:$0x81] =	vst.msk $0xffff, v0;
	s27 =	simm.s32 @p1 $0x0;
	p1 =	sgt.s32 s23, $0x0;
	s23 =	ssub.s32 $0x1, s23  }
0x20: {  	v62 =	vld [tilespmem:s22+$0x20];
	[tilespmem:s24+$0x810 ss:$0x81] =	vst.msk $0xffff, v5;
	s25 =	ssub.s32 s25, s30;
	s31 =	sadd.s32 $0xFFFF6300, s28;
	s23 =	simm.s32 @p1 $0x0  }
0x21: {  	v63 =	vld [tilespmem:s22+$0xFFFFFFC0];
	[tilespmem:s24+$0x1020 ss:$0x81] =	vst.msk $0xffff, v58;
	p1 =	sgt.s32 s31, $0x7F;
	s30 =	smul.u32 s23, s27;
	s23 =	ssub.s32 $0x9D80, s28  }
0x22: {  	[tilespmem:s24+$0x1830 ss:$0x81] =	vst.msk $0xffff, v59;
	s26 =	sand.u32 $0x1, s26;
	s31 =	smul.u32 $0xF6180, s13;
	s23 =	simm.s32 @p1 $0x0  }
0x23: {  	[tilespmem:s24+$0x2040 ss:$0x81] =	vst.msk $0xffff, v60;
	p1 =	seq.s32 s26, $0x1;
	s22 =	smul.u32 s23, s30;
	s23 =	simm.s32 $0x13B0  }
0x24: {  	[tilespmem:s24+$0x2850 ss:$0x81] =	vst.msk $0xffff, v61;
	s29 =	sand.u32 $0x7, s25;
	s28 =	sadd.s32 s1, s31;
	s23 =	simm.s32 @!p1 $0x0  }
0x25: {  	[tilespmem:s24+$0x3060 ss:$0x81] =	vst.msk $0xffff, v62;
	s25 =	sshrl.u32 s25, $0x3;
	s30 =	sshll.u32 s29, $0x12;
	s23 =	sadd.s32 s23, s28  }
0x26: {  	[tilespmem:s24+$0x0 ss:$0x81] =	vst.msk $0xffff, v63;
	s31 =	sor.u32 $0x80, s30;
	s22 =	sand.u32 $0x3FFFFFFC, s22;
	s23 =	sadd.s32 s25, s23  }
0x27: {  	[hbm4b:s23+s31] =	stream.strided.scatter [tilespmem:s21], [sflag:$0x2], s22, s10, s31, $0x20;
	[tilespmem:$0x10100] =	vst v63  }
.LBB1_5:
0x28: {  	p1 =	slt.u32 s17, $0x2  }
0x29: {  	s22 =	smov.u32 s20;
	p2 =	sgt.s32 @!p1 s20, $0x1;
	s21 =	sshra.s32 @!p1 s20, $0x1F  }
0x2a: {  	p3 =	sgt.s32 @!p1 s19, $0x1;
	p2 =	por !p2, p1;
	s20 =	sand.u32 @!p1 s21, s20  }
0x2b: {  	s21 =	sshra.s32 @!p1 s19, $0x1F;
	s22 =	simm.s32 @p2 $0x1;
	s20 =	sxor.u32 @!p1 $0xFFFFFFFF, s20  }
0x2c: {  	p3 =	por !p3, p1;
	s20 =	sadd.s32 @!p1 s20, s22;
	s22 =	smov.u32 s19  }
0x2d: {  	s19 =	sand.u32 @!p1 s21, s19;
	s21 =	smov.u32 s18;
	p2 =	sgt.s32 @!p1 s20, $0x0  }
0x2e: {  	s20 =	ssub.s32 @!p1 $0x1, s20;
	s22 =	simm.s32 @p3 $0x1;
	s19 =	sxor.u32 @!p1 $0xFFFFFFFF, s19  }
0x2f: {  	p3 =	sgt.s32 @!p1 s18, $0x9D00;
	s20 =	smul.u32 @!p1 $0x64, s20;
	p2 =	por !p2, p1  }
0x30: {  	s19 =	sadd.s32 @!p1 s19, s22;
	p3 =	por !p3, p1;
	s22 =	sshra.s32 @!p1 s18, $0x1F  }
0x31: {  	s21 =	simm.s32 @p3 $0x9D00;
	p3 =	sgt.s32 @!p1 s19, $0x0;
	s18 =	sand.u32 @!p1 s22, s18  }
0x32: {  	s19 =	ssub.s32 @!p1 $0x1, s19;
	s22 =	smov.u32 s15;
	s18 =	ssub.s32 @!p1 s21, s18  }
0x33: {  	p3 =	por !p3, p1;
	s20 =	simm.s32 @!p2 $0x0;
	s21 =	sadd.s32 @!p1 $0xFFFF6300, s18  }
0x34: {  	s19 =	simm.s32 @!p3 $0x0;
	s18 =	ssub.s32 @!p1 $0x9D80, s18;
	p2 =	sgt.s32 @!p1 s21, $0x7F  }
0x35: {  	s19 =	smul.u32 @!p1 s19, s20;
	s21 =	sadd.s32 $0x400, s14;
	p2 =	por !p2, p1  }
0x36: {  	s20 =	sadd.s32 $0x2, s15;
	s18 =	simm.s32 @!p2 $0x0;
	p2 =	sgt.s32 s21, $0x9D7F  }
0x37: {  	s23 =	smov.u32 s16;
	s22 =	smov.u32 @p2 s20  }
0x38: {  	s18 =	smul.u32 @!p1 s18, s19;
	s19 =	sadd.s32 $0x2, s16;
	p3 =	sgt.s32 s22, $0x1  }
0x39: {  	p0 =	por !p0, !p0;
	s24 =	simm.s32 @!p1 $0x2;
	s23 =	smov.u32 @p3 s19  }
0x3a: {  	s21 =	smov.u32 @p2 s4;
	s20 =	smov.u32 s13;
	p2 =	sgt.s32 s23, $0x1  }
0x3b: {  	s13 =	smov.u32 s16;
	s23 =	smov.u32 @p2 s2;
	p2 =	sne.s32 s17, s9  }
.Ltmp1:
0x3c: {  	s18 =	sand.u32 @!p1 $0x3FFFFFFC, s18;
	s22 =	smov.u32 @p3 s3;
	(pc) =	sbr.rel @!p2 .LBB1_6-.Ltmp1, $4  }
0x3d: {  	s19 =	smov.u32 s12;
	s12 =	smov.u32 s15;
	_ =	swait.ge @!p1 [sflag:s24], s18  }
0x3e: {  	s25 =	ssub.s32 @!p1 $0x0, s18;
	s18 =	smov.u32 s11;
	s11 =	smov.u32 s14  }
0x3f: {  	s14 =	smov.u32 s21;
	s15 =	smov.u32 s22;
	[sflag:s24] =	ssyncset.done @!p1 $0x0  }
0x40: {  	s17 =	sadd.s32 $0x1, s17;
	[sflag:s24] =	ssyncadd.s32 @!p1 s25;
	s16 =	smov.u32 s23  }
.LBB1_1:
0x41: {  	p1 =	sge.u32 s17, s7  }
0x42: {  	s21 =	sand.u32 @!p1 $0x1FFFFFF, s14  }
0x43: {  	s22 =	smulhi.u32 @!p1 $0xD00D01, s21;
	_ =	sdelay $0x1  }
0x44: {  	s23 =	smul.u32 @!p1 $0x13B000, s16;
	s22 =	sshrl.u32 @!p1 s22, $0x7  }
0x45: {  	s22 =	smul.u32 @!p1 $0x9D80, s22  }
0x46: {  	s31 =	sadd.s32 $0xFFFFFFFF, s17;
	s24 =	smul.u32 @!p1 $0x9D800, s15  }
0x47: {  	s23 =	sadd.s32 @!p1 s8, s23;
	s21 =	ssub.s32 @!p1 s21, s22;
	s22 =	sxor.u32 @!p1 $0xFFFFFFFF, s17  }
0x48: {  	s23 =	sadd.s32 @!p1 s24, s23;
	s22 =	sshll.u32 @!p1 s22, $0xE;
	s21 =	sshll.u32 @!p1 s21, $0x4  }
0x49: {  	s22 =	sand.u32 @!p1 $0x4000, s22;
	s21 =	sadd.s32 @!p1 s21, s23;
	s23 =	simm.s32 @!p1 $0x0  }
0x4a: {  	[tilespmem:s22], [sflag:$0x1] =	stream.linear.gather @!p1 [hbm4b:s21+s23], $0x4000, $0x38;
	[tilespmem:$0x10100] =	vst v63  }
0x4b: {  	p1 =	sge.u32 s31, s7  }
.Ltmp2:
0x4c: {  	_ = 	snop;
	(pc) =	sbr.rel @p1 .LBB1_5-.Ltmp2, $1  }
0x4d: {  	_ =	sdelay $0x3  }
0x4e: {  	s21 =	simm.s32 $0x1  }
0x4f: {  	_ =	swait.ge [sflag:s6], $0x4000;
	s21 =	simm.s32 @!p0 $0x0  }
0x50: {  	[sflag:s6] =	ssyncset.done $0x0;
	s22 =	sshll.u32 s21, $0xE  }
0x51: {  	[sflag:s6] =	ssyncadd.s32 $0xFFFFC000;
	s22 =	sor.u32 $0x40, s22  }
0x52: {  	s21 =	smul.u32 $0x10200, s21;
	v0 =	vld [tilespmem:s22+$0x30]  }
0x53: {  	v1 =	vld [tilespmem:s22+$0xFFFFFFD0]  }
0x54: {  	s21 =	sshrl.u32 s21, $0x2;
	v5 =	vld [tilespmem:s22+$0xFFFFFFE0]  }
0x55: {  	v6 =	vld [tilespmem:s22+$0xFFFFFFF0];
	s24 =	sor.u32 $0x8000, s21  }
0x56: {  	s31 =	sand.u32 $0x1, s17;
	v4 =	vld [tilespmem:s22+$0x0];
	s23 =	sadd.s32 $0x0, s24  }
0x57: {  	v3 =	vld [tilespmem:s22+$0x10];
	s21 =	smul.u32 $0x10200, s31;
	[tilespmem:s23+$0x3870 ss:$0x81] =	vst.msk $0xffff, v0  }
0x58: {  	v2 =	vld [tilespmem:s22+$0x20];
	[tilespmem:s23+$0x810 ss:$0x81] =	vst.msk $0xffff, v1  }
0x59: {  	s21 =	sshrl.u32 s21, $0x2;
	v1 =	vld [tilespmem:s22+$0xFFFFFFC0];
	[tilespmem:s23+$0x1020 ss:$0x81] =	vst.msk $0xffff, v5;
	s22 =	sadd.s32 $0x80, s22  }
0x5a: {  	s25 =	simm.s32 $0x4;
	s26 =	simm.s32 $0x8;
	s21 =	sor.u32 $0x8000, s21;
	[tilespmem:s23+$0x1830 ss:$0x81] =	vst.msk $0xffff, v6;
	v0 =	vld [tilespmem:s22+$0x30]  }
.LBB1_3:
0x5b: {  	p1 =	sne.s32 s26, $0x1FC;
	v5 =	vld [tilespmem:s22+$0xFFFFFFD0];
	[tilespmem:s23+$0x2040 ss:$0x81] =	vst.msk $0xffff, v4  }
0x5c: {  	v6 =	vld [tilespmem:s22+$0xFFFFFFE0];
	[tilespmem:s23+$0x2850 ss:$0x81] =	vst.msk $0xffff, v3  }
0x5d: {  	s27 =	sshra.s32 s25, $0x2;
	s25 =	smov.u32 s26;
	v7 =	vld [tilespmem:s22+$0xFFFFFFF0];
	[tilespmem:s23+$0x3060 ss:$0x81] =	vst.msk $0xffff, v2  }
.Ltmp3:
0x5e: {  	v4 =	vld [tilespmem:s22+$0x0];
	[tilespmem:s23+$0x0 ss:$0x81] =	vst.msk $0xffff, v1;
	s23 =	sadd.s32 s27, s24;
	(pc) =	sbr.rel @p1 .LBB1_3-.Ltmp3, $4  }
0x5f: {  	v3 =	vld [tilespmem:s22+$0x10];
	[tilespmem:s23+$0x3870 ss:$0x81] =	vst.msk $0xffff, v0  }
0x60: {  	[tilespmem:s23+$0x810 ss:$0x81] =	vst.msk $0xffff, v5;
	v2 =	vld [tilespmem:s22+$0x20]  }
0x61: {  	v1 =	vld [tilespmem:s22+$0xFFFFFFC0];
	[tilespmem:s23+$0x1020 ss:$0x81] =	vst.msk $0xffff, v6;
	s22 =	sadd.s32 $0x80, s22  }
0x62: {  	s26 =	sadd.s32 $0x4, s26;
	v0 =	vld [tilespmem:s22+$0x30];
	[tilespmem:s23+$0x1830 ss:$0x81] =	vst.msk $0xffff, v7  }
.Ltmp4:
0x63: {  	_ = 	snop;
	(pc) =	sbr.rel .LBB1_4-.Ltmp4, $1  }
0x64: {  	_ =	sdelay $0x3  }
.LBB1_6:
0x65: {  	_ =	sfence.sel $0x180000  }
0x66: {  	s1 =	simm.s32 $0x1;
	[bflag:$0x0] =	sbarrier.arrive $0xFFFF  }
0x67: {  	s31 =	simm.s32 $0x2;
	[sflag:s1] =	ssyncpa.u1 $0x1  }
0x68: {  	[sflag:s31] =	ssyncpa.u1 $0x1  }
0x69: {  	p0 =	sne.s32 s0, $0x0;
	_ =	strace $0x9000004A  }
0x6a: {  	s0 =	sadd.s32 @!p0 $0x100000, s5;
	[bflag:$0x2] =	sbarrier.arrive $0xFFFF  }
0x6b: {  	[sflag:s0] =	ssyncadd.tile.s32 @!p0 $0x1;
	_ =	shalt  }
.Lfunc_end1:
_tile_overlayer_lowered:
.L_overlay_start_2:
0x6c: {  	(tag) =	ssettag $0x2  }
0x6d: {  	s0 =	rddreg [dreg:$0x0];
	s2 =	stileid.u32  }
0x6e: {  	s1 =	rddreg [dreg:$0x1];
	p0 =	sne.s32 s2, $0x0  }
0x6f: {  	s3 =	rddreg [dreg:$0x2];
	[bflag:$0x3] =	sbarrier.arrive $0xFFFF;
	s2 =	simm.s32 @!p0 $0x1C01  }
0x70: {  	[timem:s3], [sflag:s2] =	dma.local @!p0 [hbm:s0], s1  }
0x71: {  	s0 =	simm.s32 @!p0 $0x1  }
0x72: {  	_ =	swait.ge @!p0 [sflag:s0], s1  }
0x73: {  	s1 =	ssub.s32 @!p0 $0x0, s1;
	[sflag:s0] =	ssyncset.done @!p0 $0x0  }
0x74: {  	[sflag:s0] =	ssyncadd.s32 @!p0 s1  }
0x75: {  	[bflag:$0x3] =	sbarrier.arrive $0xFFFF  }
0x76: {  	_ =	shalt  }

</sc_bundles>
